<compile_context>
chip_gen: v7x
topology: tpu7x:2x2x1
jax: 0.10.2.dev20260603
libtpu: 0.0.44.dev20260713+nightly
codegen_flags: <defaults>
</compile_context>

<pallas_src>
import functools

import jax
import jax.numpy as jnp
from jax import lax
from jax.experimental import pallas as pl
from jax.experimental.pallas import tpu as pltpu
from jax.experimental.pallas import tpu_sc as plsc

NC = 2
NS = 16
NW = NC * NS
CHUNK = 128


def _sc_gather_scatter(x, ei, w, n_pad):
    _, fd = x.shape
    ep = w.shape[0]
    n_chunks = ep // CHUNK
    q, r = divmod(n_chunks, NW)
    rows_per_tile = n_pad // NS
    zrows = 128
    mesh = plsc.VectorSubcoreMesh(core_axis_name="c", subcore_axis_name="s",
                                  num_cores=NC, num_subcores=NS)

    @functools.partial(
        pl.kernel,
        mesh=mesh,
        out_type=jax.ShapeDtypeStruct((NC, n_pad, fd), jnp.float32),
        scratch_types=[
            pltpu.VMEM((CHUNK,), jnp.int32),
            pltpu.VMEM((CHUNK,), jnp.int32),
            pltpu.VMEM((CHUNK,), jnp.float32),
            pltpu.VMEM((CHUNK, fd), jnp.float32),
            pltpu.VMEM((zrows, fd), jnp.float32),
            pltpu.VMEM((zrows,), jnp.int32),
            pltpu.VMEM_SHARED((n_pad, fd), jnp.float32),
            pltpu.SemaphoreType.DMA,
        ],
    )
    def sc(x_hbm, ei_hbm, w_hbm, out_hbm,
           sidx_v, didx_v, w_v, rows_v, zbuf_v, ridx_v, acc_sh, sem):
        cid = lax.axis_index("c")
        sid = lax.axis_index("s")
        wid = sid * NC + cid

        def zrow(i, carry):
            rr = i // (fd // 16)
            c0 = (i % (fd // 16)) * 16
            zbuf_v[rr, pl.ds(c0, 16)] = jnp.zeros((16,), jnp.float32)
            return carry

        lax.fori_loop(0, zrows * (fd // 16), zrow, 0)
        iota16 = lax.iota(jnp.int32, 16)
        for k in range(rows_per_tile // zrows):
            base_row = sid * rows_per_tile + k * zrows
            for g in range(zrows // 16):
                ridx_v[pl.ds(g * 16, 16)] = iota16 + (base_row + g * 16)
            pltpu.sync_copy(zbuf_v, acc_sh.at[ridx_v])
        plsc.subcore_barrier()

        extra = jnp.minimum(wid, r)
        start = wid * q + extra
        count = q + jnp.where(wid < r, 1, 0)

        def chunk_body(c, carry):
            base = (start + c) * CHUNK
            pltpu.sync_copy(ei_hbm.at[0, pl.ds(base, CHUNK)], sidx_v)
            pltpu.sync_copy(ei_hbm.at[1, pl.ds(base, CHUNK)], didx_v)
            pltpu.sync_copy(w_hbm.at[pl.ds(base, CHUNK)], w_v)
            pltpu.async_copy(x_hbm.at[sidx_v], rows_v, sem).wait()

            def scale(g, carry2):
                wv16 = w_v[pl.ds(g * 16, 16)]
                for k in range(16):
                    wk = jnp.full((16,), wv16[k], jnp.float32)
                    i = g * 16 + k
                    for j in range(fd // 16):
                        rows_v[i, pl.ds(j * 16, 16)] = (
                            rows_v[i, pl.ds(j * 16, 16)] * wk)
                return carry2

            lax.fori_loop(0, CHUNK // 16, scale, 0)
            pltpu.sync_copy(rows_v, acc_sh.at[didx_v], add=True)
            return carry

        lax.fori_loop(0, count, chunk_body, 0)
        plsc.subcore_barrier()

        pltpu.sync_copy(
            acc_sh.at[pl.ds(sid * rows_per_tile, rows_per_tile)],
            out_hbm.at[cid, pl.ds(sid * rows_per_tile, rows_per_tile)])

    return sc(x, ei, w)


def _epilogue(p0, p1, z, w_fc, b_gcn, w_s, b_s, w_p, b_p):
    n, fd = p0.shape
    hd = w_fc.shape[1]
    c = w_s.shape[1]
    p = w_p.shape[1]
    bm = 1000

    def body(p0_ref, p1_ref, z_ref, wf_ref, bg_ref, ws_ref, bs_ref, wp_ref,
             bp_ref, co_ref, pr_ref):
        agg = p0_ref[...] + p1_ref[...] + z_ref[...] * 0.0
        tmp = jnp.maximum(
            jnp.dot(agg, wf_ref[...], preferred_element_type=jnp.float32,
                    precision=lax.Precision.HIGHEST) + bg_ref[...], 0.0)
        co_ref[...] = jnp.dot(tmp, ws_ref[...],
                              preferred_element_type=jnp.float32,
                              precision=lax.Precision.HIGHEST) + bs_ref[...]
        pr_ref[...] = jnp.dot(tmp, wp_ref[...],
                              preferred_element_type=jnp.float32,
                              precision=lax.Precision.HIGHEST) + bp_ref[...]

    return pl.pallas_call(
        body,
        grid=(n // bm,),
        in_specs=[
            pl.BlockSpec((bm, fd), lambda i: (i, 0)),
            pl.BlockSpec((bm, fd), lambda i: (i, 0)),
            pl.BlockSpec((1, 1), lambda i: (0, 0)),
            pl.BlockSpec((fd, hd), lambda i: (0, 0)),
            pl.BlockSpec((1, hd), lambda i: (0, 0)),
            pl.BlockSpec((hd, c), lambda i: (0, 0)),
            pl.BlockSpec((1, c), lambda i: (0, 0)),
            pl.BlockSpec((hd, p), lambda i: (0, 0)),
            pl.BlockSpec((1, p), lambda i: (0, 0)),
        ],
        out_specs=[
            pl.BlockSpec((bm, c), lambda i: (i, 0)),
            pl.BlockSpec((bm, p), lambda i: (i, 0)),
        ],
        out_shape=[
            jax.ShapeDtypeStruct((n, c), jnp.float32),
            jax.ShapeDtypeStruct((n, p), jnp.float32),
        ],
    )(p0, p1, z.reshape(1, 1), w_fc, b_gcn, w_s, b_s, w_p, b_p)


def kernel(x, edge_index, edge_weight, W_fc, b_gcn, W_S, b_S, W_P, b_P):
    n, fd = x.shape
    hd = W_fc.shape[1]
    e = edge_weight.shape[0]
    ei, w = edge_index, edge_weight
    if e % CHUNK:
        pad = CHUNK - e % CHUNK
        ei = jnp.pad(ei, ((0, 0), (0, pad)))
        w = jnp.pad(w, (0, pad))
        ei, w = lax.optimization_barrier((ei, w))

    n_pad = ((n + NS * 8 - 1) // (NS * 8)) * (NS * 8)
    parts = _sc_gather_scatter(x, ei, w, n_pad)
    z = jnp.sum(parts)
    p0, p1, z = lax.optimization_barrier((parts[0, :n], parts[1, :n], z))
    common, private = _epilogue(p0, p1, z, W_fc,
                                b_gcn.reshape(1, hd), W_S, b_S.reshape(1, -1),
                                W_P, b_P.reshape(1, -1))
    common, private, _ = lax.optimization_barrier((common, private, z))
    return (common, private)

# --- scband reference (transcript-rebuilt; emitter-appended) ---
"""Pipeline reference for scband-gnnencoder-45140106281550 (READ-ONLY COPY).

The authoritative reference and input builder live on the scoring server;
editing this copy changes nothing except your own understanding.
"""

import jax, jax.numpy as jnp
import numpy as np

N, E, F, H, C, P = 10000, 320000, 128, 128, 64, 64

def setup_inputs(seed: int = 0):
    key = jax.random.key(seed)
    ks = jax.random.split(key, 8)
    x = jax.random.normal(ks[0], (N, F), dtype=jnp.float32)
    edge_index = jax.random.randint(ks[1], (2, E), 0, N, dtype=jnp.int32)
    edge_weight = jax.random.uniform(ks[2], (E,), dtype=jnp.float32)
    W_fc = jax.random.normal(ks[3], (F, H), dtype=jnp.float32) * 0.05
    b_gcn = jnp.zeros((H,), dtype=jnp.float32)
    W_S = jax.random.normal(ks[4], (H, C), dtype=jnp.float32) * 0.05
    b_S = jnp.zeros((C,), dtype=jnp.float32)
    W_P = jax.random.normal(ks[5], (H, P), dtype=jnp.float32) * 0.05
    b_P = jnp.zeros((P,), dtype=jnp.float32)
    return {"x": x, "edge_index": edge_index, "edge_weight": edge_weight,
            "W_fc": W_fc, "b_gcn": b_gcn, "W_S": W_S, "b_S": b_S,
            "W_P": W_P, "b_P": b_P}

def reference(x, edge_index, edge_weight, W_fc, b_gcn, W_S, b_S, W_P, b_P):
    # GCN layer (DGI-style): linear transform, sparse propagate (spmm via
    # gather + segment_sum over COO edges), bias, activation. Dropout=0 (eval).
    n = x.shape[0]
    h = x @ W_fc
    src = edge_index[0]
    dst = edge_index[1]
    msgs = h[src] * edge_weight[:, None]          # gather (SparseCore)
    agg = jax.ops.segment_sum(msgs, dst, num_segments=n)  # scatter-add
    tmp = jax.nn.relu(agg + b_gcn)
    common = tmp @ W_S + b_S
    private = tmp @ W_P + b_P
    return (common, private)

if __name__ == "__main__":
    import jax
    _d = setup_inputs()
    print(jax.jit(kernel)(*tuple(_d.values())))

</pallas_src>

<mosaic_0001>
#map = affine_map<(d0, d1) -> (0, 0)>
#map1 = affine_map<(d0, d1) -> (0)>
#map2 = affine_map<(d0, d1) -> (0, 0, 0)>
module attributes {stable_mosaic.version = 14 : i64} {
  func.func @sc(%arg0: i32, %arg1: i32, %arg2: memref<10000x128xf32, #tpu.memory_space<hbm>>, %arg3: memref<2x320000xi32, #tpu.memory_space<hbm>>, %arg4: memref<320000xf32, #tpu.memory_space<hbm>>, %arg5: memref<2x10112x128xf32, #tpu.memory_space<hbm>>, %arg6: memref<128xi32, #tpu.memory_space<vmem>>, %arg7: memref<128xi32, #tpu.memory_space<vmem>>, %arg8: memref<128xf32, #tpu.memory_space<vmem>>, %arg9: memref<128x128xf32, #tpu.memory_space<vmem>>, %arg10: memref<128x128xf32, #tpu.memory_space<vmem>>, %arg11: memref<128xi32, #tpu.memory_space<vmem>>, %arg12: memref<10112x128xf32, #tpu.memory_space<vmem_shared>>, %arg13: memref<!tpu.dma_semaphore, #tpu.memory_space<semaphore_mem>>) attributes {dimension_semantics = [#tpu.dimension_semantics<core_parallel>, #tpu.dimension_semantics<subcore_parallel>], iteration_bounds = array<i64: 2, 16>, scalar_prefetch = 0 : i64, scratch_operands = 8 : i64, tpu.core_type = #tpu.core_type<sc_vector_subcore>, window_params = [{transform_indices = #map}, {transform_indices = #map}, {transform_indices = #map1}, {transform_indices = #map2}]} {
    %mul3A = arith.constant 2 : i32
    %mul3A_0 = arith.muli %arg1, %mul3A : i32
    %add3A = arith.addi %mul3A_0, %arg0 : i32
    %scan3A = arith.constant 0 : i32
    %scan3A_1 = arith.constant 0 : i32
    %scan3A_2 = arith.constant 1024 : i32
    %scan3A_3 = arith.addi %scan3A_1, %scan3A_2 : i32
    %scan3A_4 = arith.constant 1 : i32
    scf.for %scan3A_299 = %scan3A_1 to %scan3A_3 step %scan3A_4  : i32 {
      %jit3A_300 = arith.constant 8 : i32
      %div3A = arith.divsi %scan3A_299, %jit3A_300 : i32
      %sign3A = arith.constant 0 : i32
      %sign3A_301 = arith.cmpi sgt, %scan3A_299, %sign3A : i32
      %sign3A_302 = arith.extui %sign3A_301 : i1 to i32
      %sign3A_303 = arith.constant 0 : i32
      %sign3A_304 = arith.cmpi slt, %scan3A_299, %sign3A_303 : i32
      %sign3A_305 = arith.extui %sign3A_304 : i1 to i32
      %sign3A_306 = arith.subi %sign3A_302, %sign3A_305 : i32
      %sign3A_307 = arith.constant 0 : i32
      %sign3A_308 = arith.cmpi sgt, %jit3A_300, %sign3A_307 : i32
      %sign3A_309 = arith.extui %sign3A_308 : i1 to i32
      %sign3A_310 = arith.constant 0 : i32
      %sign3A_311 = arith.cmpi slt, %jit3A_300, %sign3A_310 : i32
      %sign3A_312 = arith.extui %sign3A_311 : i1 to i32
      %sign3A_313 = arith.subi %sign3A_309, %sign3A_312 : i32
      %ne3A = arith.cmpi ne, %sign3A_306, %sign3A_313 : i32
      %rem3A = arith.remsi %scan3A_299, %jit3A_300 : i32
      %ne3A_314 = arith.constant 0 : i32
      %ne3A_315 = arith.cmpi ne, %rem3A, %ne3A_314 : i32
      %and3A = arith.andi %ne3A, %ne3A_315 : i1
      %sub3A = arith.constant 1 : i32
      %sub3A_316 = arith.subi %div3A, %sub3A : i32
      %select_n3A_317 = arith.select %and3A, %sub3A_316, %div3A : i32
      %jit3A_318 = arith.constant 8 : i32
      %eq3A = arith.constant 0 : i32
      %eq3A_319 = arith.cmpi eq, %jit3A_318, %eq3A : i32
      %jit3A_320 = arith.constant 1 : i32
      %select_n3A_321 = arith.select %eq3A_319, %jit3A_320, %jit3A_318 : i32
      %rem3A_322 = arith.remsi %scan3A_299, %select_n3A_321 : i32
      %ne3A_323 = arith.constant 0 : i32
      %ne3A_324 = arith.cmpi ne, %rem3A_322, %ne3A_323 : i32
      %lt3A_325 = arith.constant 0 : i32
      %lt3A_326 = arith.cmpi slt, %rem3A_322, %lt3A_325 : i32
      %lt3A_327 = arith.constant 0 : i32
      %lt3A_328 = arith.cmpi slt, %select_n3A_321, %lt3A_327 : i32
      %ne3A_329 = arith.xori %lt3A_326, %lt3A_328 : i1
      %and3A_330 = arith.andi %ne3A_329, %ne3A_324 : i1
      %add3A_331 = arith.addi %rem3A_322, %select_n3A_321 : i32
      %select_n3A_332 = arith.select %and3A_330, %add3A_331, %rem3A_322 : i32
      %mul3A_333 = arith.constant 16 : i32
      %mul3A_334 = arith.muli %select_n3A_332, %mul3A_333 : i32
      %broadcast_in_dim3A = arith.constant 0.000000e+00 : f32
      %broadcast_in_dim3A_335 = vector.broadcast %broadcast_in_dim3A : f32 to vector<16xf32>
      %swap3A_336 = arith.index_cast %select_n3A_317 : i32 to index
      %swap3A_337 = arith.index_cast %mul3A_334 : i32 to index
      %swap3A_338 = tpu.vector_load %arg10[%swap3A_336, %swap3A_337] {strides = array<i32>} : memref<128x128xf32, #tpu.memory_space<vmem>>, vector<1x16xf32>,
      %swap3A_339 = vector.shape_cast %swap3A_338 : vector<1x16xf32> to vector<16xf32>
      %swap3A_340 = vector.shape_cast %broadcast_in_dim3A_335 : vector<16xf32> to vector<1x16xf32>
      tpu.vector_store %arg10[%swap3A_336, %swap3A_337], %swap3A_340 {strides = array<i32>} : memref<128x128xf32, #tpu.memory_space<vmem>>, vector<1x16xf32>,
    }
    %scan3A_5 = arith.constant 1024 : i32
    %iota3A = tpu.iota {dimensions = array<i32: 0>} : vector<16xi32>
    %mul3A_6 = arith.constant 632 : i32
    %mul3A_7 = arith.muli %arg1, %mul3A_6 : i32
    %add3A_8 = arith.constant 0 : i32
    %add3A_9 = arith.addi %mul3A_7, %add3A_8 : i32
    %add3A_10 = arith.constant 0 : i32
    %add3A_11 = arith.addi %add3A_9, %add3A_10 : i32
    %add3A_12 = vector.broadcast %add3A_11 : i32 to vector<16xi32>
    %add3A_13 = arith.addi %iota3A, %add3A_12 : vector<16xi32>
    %swap3A = arith.constant 0 : index
    %swap3A_14 = tpu.vector_load %arg11[%swap3A] {strides = array<i32>} : memref<128xi32, #tpu.memory_space<vmem>>, vector<16xi32>,
    %swap3A_15 = vector.shape_cast %swap3A_14 : vector<16xi32> to vector<16xi32>
    %swap3A_16 = vector.shape_cast %add3A_13 : vector<16xi32> to vector<16xi32>
    tpu.vector_store %arg11[%swap3A], %swap3A_16 {strides = array<i32>} : memref<128xi32, #tpu.memory_space<vmem>>, vector<16xi32>,
    %add3A_17 = arith.constant 16 : i32
    %add3A_18 = arith.addi %add3A_9, %add3A_17 : i32
    %add3A_19 = vector.broadcast %add3A_18 : i32 to vector<16xi32>
    %add3A_20 = arith.addi %iota3A, %add3A_19 : vector<16xi32>
    %swap3A_21 = arith.constant 16 : index
    %swap3A_22 = tpu.vector_load %arg11[%swap3A_21] {strides = array<i32>} : memref<128xi32, #tpu.memory_space<vmem>>, vector<16xi32>,
    %swap3A_23 = vector.shape_cast %swap3A_22 : vector<16xi32> to vector<16xi32>
    %swap3A_24 = vector.shape_cast %add3A_20 : vector<16xi32> to vector<16xi32>
    tpu.vector_store %arg11[%swap3A_21], %swap3A_24 {strides = array<i32>} : memref<128xi32, #tpu.memory_space<vmem>>, vector<16xi32>,
    %add3A_25 = arith.constant 32 : i32
    %add3A_26 = arith.addi %add3A_9, %add3A_25 : i32
    %add3A_27 = vector.broadcast %add3A_26 : i32 to vector<16xi32>
    %add3A_28 = arith.addi %iota3A, %add3A_27 : vector<16xi32>
    %swap3A_29 = arith.constant 32 : index
    %swap3A_30 = tpu.vector_load %arg11[%swap3A_29] {strides = array<i32>} : memref<128xi32, #tpu.memory_space<vmem>>, vector<16xi32>,
    %swap3A_31 = vector.shape_cast %swap3A_30 : vector<16xi32> to vector<16xi32>
    %swap3A_32 = vector.shape_cast %add3A_28 : vector<16xi32> to vector<16xi32>
    tpu.vector_store %arg11[%swap3A_29], %swap3A_32 {strides = array<i32>} : memref<128xi32, #tpu.memory_space<vmem>>, vector<16xi32>,
    %add3A_33 = arith.constant 48 : i32
    %add3A_34 = arith.addi %add3A_9, %add3A_33 : i32
    %add3A_35 = vector.broadcast %add3A_34 : i32 to vector<16xi32>
    %add3A_36 = arith.addi %iota3A, %add3A_35 : vector<16xi32>
    %swap3A_37 = arith.constant 48 : index
    %swap3A_38 = tpu.vector_load %arg11[%swap3A_37] {strides = array<i32>} : memref<128xi32, #tpu.memory_space<vmem>>, vector<16xi32>,
    %swap3A_39 = vector.shape_cast %swap3A_38 : vector<16xi32> to vector<16xi32>
    %swap3A_40 = vector.shape_cast %add3A_36 : vector<16xi32> to vector<16xi32>
    tpu.vector_store %arg11[%swap3A_37], %swap3A_40 {strides = array<i32>} : memref<128xi32, #tpu.memory_space<vmem>>, vector<16xi32>,
    %add3A_41 = arith.constant 64 : i32
    %add3A_42 = arith.addi %add3A_9, %add3A_41 : i32
    %add3A_43 = vector.broadcast %add3A_42 : i32 to vector<16xi32>
    %add3A_44 = arith.addi %iota3A, %add3A_43 : vector<16xi32>
    %swap3A_45 = arith.constant 64 : index
    %swap3A_46 = tpu.vector_load %arg11[%swap3A_45] {strides = array<i32>} : memref<128xi32, #tpu.memory_space<vmem>>, vector<16xi32>,
    %swap3A_47 = vector.shape_cast %swap3A_46 : vector<16xi32> to vector<16xi32>
    %swap3A_48 = vector.shape_cast %add3A_44 : vector<16xi32> to vector<16xi32>
    tpu.vector_store %arg11[%swap3A_45], %swap3A_48 {strides = array<i32>} : memref<128xi32, #tpu.memory_space<vmem>>, vector<16xi32>,
    %add3A_49 = arith.constant 80 : i32
    %add3A_50 = arith.addi %add3A_9, %add3A_49 : i32
    %add3A_51 = vector.broadcast %add3A_50 : i32 to vector<16xi32>
    %add3A_52 = arith.addi %iota3A, %add3A_51 : vector<16xi32>
    %swap3A_53 = arith.constant 80 : index
    %swap3A_54 = tpu.vector_load %arg11[%swap3A_53] {strides = array<i32>} : memref<128xi32, #tpu.memory_space<vmem>>, vector<16xi32>,
    %swap3A_55 = vector.shape_cast %swap3A_54 : vector<16xi32> to vector<16xi32>
    %swap3A_56 = vector.shape_cast %add3A_52 : vector<16xi32> to vector<16xi32>
    tpu.vector_store %arg11[%swap3A_53], %swap3A_56 {strides = array<i32>} : memref<128xi32, #tpu.memory_space<vmem>>, vector<16xi32>,
    %add3A_57 = arith.constant 96 : i32
    %add3A_58 = arith.addi %add3A_9, %add3A_57 : i32
    %add3A_59 = vector.broadcast %add3A_58 : i32 to vector<16xi32>
    %add3A_60 = arith.addi %iota3A, %add3A_59 : vector<16xi32>
    %swap3A_61 = arith.constant 96 : index
    %swap3A_62 = tpu.vector_load %arg11[%swap3A_61] {strides = array<i32>} : memref<128xi32, #tpu.memory_space<vmem>>, vector<16xi32>,
    %swap3A_63 = vector.shape_cast %swap3A_62 : vector<16xi32> to vector<16xi32>
    %swap3A_64 = vector.shape_cast %add3A_60 : vector<16xi32> to vector<16xi32>
    tpu.vector_store %arg11[%swap3A_61], %swap3A_64 {strides = array<i32>} : memref<128xi32, #tpu.memory_space<vmem>>, vector<16xi32>,
    %add3A_65 = arith.constant 112 : i32
    %add3A_66 = arith.addi %add3A_9, %add3A_65 : i32
    %add3A_67 = vector.broadcast %add3A_66 : i32 to vector<16xi32>
    %add3A_68 = arith.addi %iota3A, %add3A_67 : vector<16xi32>
    %swap3A_69 = arith.constant 112 : index
    %swap3A_70 = tpu.vector_load %arg11[%swap3A_69] {strides = array<i32>} : memref<128xi32, #tpu.memory_space<vmem>>, vector<16xi32>,
    %swap3A_71 = vector.shape_cast %swap3A_70 : vector<16xi32> to vector<16xi32>
    %swap3A_72 = vector.shape_cast %add3A_68 : vector<16xi32> to vector<16xi32>
    tpu.vector_store %arg11[%swap3A_69], %swap3A_72 {strides = array<i32>} : memref<128xi32, #tpu.memory_space<vmem>>, vector<16xi32>,
    "tpu.region"() ({
      %run_scoped3A = tpu.sem_alloc : memref<!tpu.dma_semaphore, #tpu.memory_space<semaphore_mem>>
      %dma_start3A = arith.constant 0 : i32
      %dma_start3A_299 = arith.constant 0 : i32
      %dma_start3A_300 = tpu.memref_slice %arg12[%dma_start3A, %dma_start3A_299] : memref<10112x128xf32, #tpu.memory_space<vmem_shared>> -> memref<10112x128xf32, #tpu.memory_space<vmem_shared>>
      tpu.enqueue_indirect_dma source(%arg10 : memref<128x128xf32, #tpu.memory_space<vmem>>) target(%dma_start3A_300 : memref<10112x128xf32, #tpu.memory_space<vmem_shared>>) offsets(%arg11 : memref<128xi32, #tpu.memory_space<vmem>>) semaphore(%run_scoped3A : memref<!tpu.dma_semaphore, #tpu.memory_space<semaphore_mem>>)
      %dma_wait3A = arith.constant 0 : i32
      %dma_wait3A_301 = arith.constant 0 : i32
      %dma_wait3A_302 = tpu.memref_slice %arg12[%dma_wait3A, %dma_wait3A_301] : memref<10112x128xf32, #tpu.memory_space<vmem_shared>> -> memref<10112x128xf32, #tpu.memory_space<vmem_shared>>
      tpu.wait_indirect_dma semaphore(%run_scoped3A : memref<!tpu.dma_semaphore, #tpu.memory_space<semaphore_mem>>) src(%arg10 : memref<128x128xf32, #tpu.memory_space<vmem>>) dst(%dma_wait3A_302 : memref<10112x128xf32, #tpu.memory_space<vmem_shared>>)
      tpu.yield
    }) : () -> ()
    %mul3A_73 = arith.constant 632 : i32
    %mul3A_74 = arith.muli %arg1, %mul3A_73 : i32
    %add3A_75 = arith.constant 128 : i32
    %add3A_76 = arith.addi %mul3A_74, %add3A_75 : i32
    %add3A_77 = arith.constant 0 : i32
    %add3A_78 = arith.addi %add3A_76, %add3A_77 : i32
    %add3A_79 = vector.broadcast %add3A_78 : i32 to vector<16xi32>
    %add3A_80 = arith.addi %iota3A, %add3A_79 : vector<16xi32>
    %swap3A_81 = arith.constant 0 : index
    %swap3A_82 = tpu.vector_load %arg11[%swap3A_81] {strides = array<i32>} : memref<128xi32, #tpu.memory_space<vmem>>, vector<16xi32>,
    %swap3A_83 = vector.shape_cast %swap3A_82 : vector<16xi32> to vector<16xi32>
    %swap3A_84 = vector.shape_cast %add3A_80 : vector<16xi32> to vector<16xi32>
    tpu.vector_store %arg11[%swap3A_81], %swap3A_84 {strides = array<i32>} : memref<128xi32, #tpu.memory_space<vmem>>, vector<16xi32>,
    %add3A_85 = arith.constant 16 : i32
    %add3A_86 = arith.addi %add3A_76, %add3A_85 : i32
    %add3A_87 = vector.broadcast %add3A_86 : i32 to vector<16xi32>
    %add3A_88 = arith.addi %iota3A, %add3A_87 : vector<16xi32>
    %swap3A_89 = arith.constant 16 : index
    %swap3A_90 = tpu.vector_load %arg11[%swap3A_89] {strides = array<i32>} : memref<128xi32, #tpu.memory_space<vmem>>, vector<16xi32>,
    %swap3A_91 = vector.shape_cast %swap3A_90 : vector<16xi32> to vector<16xi32>
    %swap3A_92 = vector.shape_cast %add3A_88 : vector<16xi32> to vector<16xi32>
    tpu.vector_store %arg11[%swap3A_89], %swap3A_92 {strides = array<i32>} : memref<128xi32, #tpu.memory_space<vmem>>, vector<16xi32>,
    %add3A_93 = arith.constant 32 : i32
    %add3A_94 = arith.addi %add3A_76, %add3A_93 : i32
    %add3A_95 = vector.broadcast %add3A_94 : i32 to vector<16xi32>
    %add3A_96 = arith.addi %iota3A, %add3A_95 : vector<16xi32>
    %swap3A_97 = arith.constant 32 : index
    %swap3A_98 = tpu.vector_load %arg11[%swap3A_97] {strides = array<i32>} : memref<128xi32, #tpu.memory_space<vmem>>, vector<16xi32>,
    %swap3A_99 = vector.shape_cast %swap3A_98 : vector<16xi32> to vector<16xi32>
    %swap3A_100 = vector.shape_cast %add3A_96 : vector<16xi32> to vector<16xi32>
    tpu.vector_store %arg11[%swap3A_97], %swap3A_100 {strides = array<i32>} : memref<128xi32, #tpu.memory_space<vmem>>, vector<16xi32>,
    %add3A_101 = arith.constant 48 : i32
    %add3A_102 = arith.addi %add3A_76, %add3A_101 : i32
    %add3A_103 = vector.broadcast %add3A_102 : i32 to vector<16xi32>
    %add3A_104 = arith.addi %iota3A, %add3A_103 : vector<16xi32>
    %swap3A_105 = arith.constant 48 : index
    %swap3A_106 = tpu.vector_load %arg11[%swap3A_105] {strides = array<i32>} : memref<128xi32, #tpu.memory_space<vmem>>, vector<16xi32>,
    %swap3A_107 = vector.shape_cast %swap3A_106 : vector<16xi32> to vector<16xi32>
    %swap3A_108 = vector.shape_cast %add3A_104 : vector<16xi32> to vector<16xi32>
    tpu.vector_store %arg11[%swap3A_105], %swap3A_108 {strides = array<i32>} : memref<128xi32, #tpu.memory_space<vmem>>, vector<16xi32>,
    %add3A_109 = arith.constant 64 : i32
    %add3A_110 = arith.addi %add3A_76, %add3A_109 : i32
    %add3A_111 = vector.broadcast %add3A_110 : i32 to vector<16xi32>
    %add3A_112 = arith.addi %iota3A, %add3A_111 : vector<16xi32>
    %swap3A_113 = arith.constant 64 : index
    %swap3A_114 = tpu.vector_load %arg11[%swap3A_113] {strides = array<i32>} : memref<128xi32, #tpu.memory_space<vmem>>, vector<16xi32>,
    %swap3A_115 = vector.shape_cast %swap3A_114 : vector<16xi32> to vector<16xi32>
    %swap3A_116 = vector.shape_cast %add3A_112 : vector<16xi32> to vector<16xi32>
    tpu.vector_store %arg11[%swap3A_113], %swap3A_116 {strides = array<i32>} : memref<128xi32, #tpu.memory_space<vmem>>, vector<16xi32>,
    %add3A_117 = arith.constant 80 : i32
    %add3A_118 = arith.addi %add3A_76, %add3A_117 : i32
    %add3A_119 = vector.broadcast %add3A_118 : i32 to vector<16xi32>
    %add3A_120 = arith.addi %iota3A, %add3A_119 : vector<16xi32>
    %swap3A_121 = arith.constant 80 : index
    %swap3A_122 = tpu.vector_load %arg11[%swap3A_121] {strides = array<i32>} : memref<128xi32, #tpu.memory_space<vmem>>, vector<16xi32>,
    %swap3A_123 = vector.shape_cast %swap3A_122 : vector<16xi32> to vector<16xi32>
    %swap3A_124 = vector.shape_cast %add3A_120 : vector<16xi32> to vector<16xi32>
    tpu.vector_store %arg11[%swap3A_121], %swap3A_124 {strides = array<i32>} : memref<128xi32, #tpu.memory_space<vmem>>, vector<16xi32>,
    %add3A_125 = arith.constant 96 : i32
    %add3A_126 = arith.addi %add3A_76, %add3A_125 : i32
    %add3A_127 = vector.broadcast %add3A_126 : i32 to vector<16xi32>
    %add3A_128 = arith.addi %iota3A, %add3A_127 : vector<16xi32>
    %swap3A_129 = arith.constant 96 : index
    %swap3A_130 = tpu.vector_load %arg11[%swap3A_129] {strides = array<i32>} : memref<128xi32, #tpu.memory_space<vmem>>, vector<16xi32>,
    %swap3A_131 = vector.shape_cast %swap3A_130 : vector<16xi32> to vector<16xi32>
    %swap3A_132 = vector.shape_cast %add3A_128 : vector<16xi32> to vector<16xi32>
    tpu.vector_store %arg11[%swap3A_129], %swap3A_132 {strides = array<i32>} : memref<128xi32, #tpu.memory_space<vmem>>, vector<16xi32>,
    %add3A_133 = arith.constant 112 : i32
    %add3A_134 = arith.addi %add3A_76, %add3A_133 : i32
    %add3A_135 = vector.broadcast %add3A_134 : i32 to vector<16xi32>
    %add3A_136 = arith.addi %iota3A, %add3A_135 : vector<16xi32>
    %swap3A_137 = arith.constant 112 : index
    %swap3A_138 = tpu.vector_load %arg11[%swap3A_137] {strides = array<i32>} : memref<128xi32, #tpu.memory_space<vmem>>, vector<16xi32>,
    %swap3A_139 = vector.shape_cast %swap3A_138 : vector<16xi32> to vector<16xi32>
    %swap3A_140 = vector.shape_cast %add3A_136 : vector<16xi32> to vector<16xi32>
    tpu.vector_store %arg11[%swap3A_137], %swap3A_140 {strides = array<i32>} : memref<128xi32, #tpu.memory_space<vmem>>, vector<16xi32>,
    "tpu.region"() ({
      %run_scoped3A = tpu.sem_alloc : memref<!tpu.dma_semaphore, #tpu.memory_space<semaphore_mem>>
      %dma_start3A = arith.constant 0 : i32
      %dma_start3A_299 = arith.constant 0 : i32
      %dma_start3A_300 = tpu.memref_slice %arg12[%dma_start3A, %dma_start3A_299] : memref<10112x128xf32, #tpu.memory_space<vmem_shared>> -> memref<10112x128xf32, #tpu.memory_space<vmem_shared>>
      tpu.enqueue_indirect_dma source(%arg10 : memref<128x128xf32, #tpu.memory_space<vmem>>) target(%dma_start3A_300 : memref<10112x128xf32, #tpu.memory_space<vmem_shared>>) offsets(%arg11 : memref<128xi32, #tpu.memory_space<vmem>>) semaphore(%run_scoped3A : memref<!tpu.dma_semaphore, #tpu.memory_space<semaphore_mem>>)
      %dma_wait3A = arith.constant 0 : i32
      %dma_wait3A_301 = arith.constant 0 : i32
      %dma_wait3A_302 = tpu.memref_slice %arg12[%dma_wait3A, %dma_wait3A_301] : memref<10112x128xf32, #tpu.memory_space<vmem_shared>> -> memref<10112x128xf32, #tpu.memory_space<vmem_shared>>
      tpu.wait_indirect_dma semaphore(%run_scoped3A : memref<!tpu.dma_semaphore, #tpu.memory_space<semaphore_mem>>) src(%arg10 : memref<128x128xf32, #tpu.memory_space<vmem>>) dst(%dma_wait3A_302 : memref<10112x128xf32, #tpu.memory_space<vmem_shared>>)
      tpu.yield
    }) : () -> ()
    %mul3A_141 = arith.constant 632 : i32
    %mul3A_142 = arith.muli %arg1, %mul3A_141 : i32
    %add3A_143 = arith.constant 256 : i32
    %add3A_144 = arith.addi %mul3A_142, %add3A_143 : i32
    %add3A_145 = arith.constant 0 : i32
    %add3A_146 = arith.addi %add3A_144, %add3A_145 : i32
    %add3A_147 = vector.broadcast %add3A_146 : i32 to vector<16xi32>
    %add3A_148 = arith.addi %iota3A, %add3A_147 : vector<16xi32>
    %swap3A_149 = arith.constant 0 : index
    %swap3A_150 = tpu.vector_load %arg11[%swap3A_149] {strides = array<i32>} : memref<128xi32, #tpu.memory_space<vmem>>, vector<16xi32>,
    %swap3A_151 = vector.shape_cast %swap3A_150 : vector<16xi32> to vector<16xi32>
    %swap3A_152 = vector.shape_cast %add3A_148 : vector<16xi32> to vector<16xi32>
    tpu.vector_store %arg11[%swap3A_149], %swap3A_152 {strides = array<i32>} : memref<128xi32, #tpu.memory_space<vmem>>, vector<16xi32>,
    %add3A_153 = arith.constant 16 : i32
    %add3A_154 = arith.addi %add3A_144, %add3A_153 : i32
    %add3A_155 = vector.broadcast %add3A_154 : i32 to vector<16xi32>
    %add3A_156 = arith.addi %iota3A, %add3A_155 : vector<16xi32>
    %swap3A_157 = arith.constant 16 : index
    %swap3A_158 = tpu.vector_load %arg11[%swap3A_157] {strides = array<i32>} : memref<128xi32, #tpu.memory_space<vmem>>, vector<16xi32>,
    %swap3A_159 = vector.shape_cast %swap3A_158 : vector<16xi32> to vector<16xi32>
    %swap3A_160 = vector.shape_cast %add3A_156 : vector<16xi32> to vector<16xi32>
    tpu.vector_store %arg11[%swap3A_157], %swap3A_160 {strides = array<i32>} : memref<128xi32, #tpu.memory_space<vmem>>, vector<16xi32>,
    %add3A_161 = arith.constant 32 : i32
    %add3A_162 = arith.addi %add3A_144, %add3A_161 : i32
    %add3A_163 = vector.broadcast %add3A_162 : i32 to vector<16xi32>
    %add3A_164 = arith.addi %iota3A, %add3A_163 : vector<16xi32>
    %swap3A_165 = arith.constant 32 : index
    %swap3A_166 = tpu.vector_load %arg11[%swap3A_165] {strides = array<i32>} : memref<128xi32, #tpu.memory_space<vmem>>, vector<16xi32>,
    %swap3A_167 = vector.shape_cast %swap3A_166 : vector<16xi32> to vector<16xi32>
    %swap3A_168 = vector.shape_cast %add3A_164 : vector<16xi32> to vector<16xi32>
    tpu.vector_store %arg11[%swap3A_165], %swap3A_168 {strides = array<i32>} : memref<128xi32, #tpu.memory_space<vmem>>, vector<16xi32>,
    %add3A_169 = arith.constant 48 : i32
    %add3A_170 = arith.addi %add3A_144, %add3A_169 : i32
    %add3A_171 = vector.broadcast %add3A_170 : i32 to vector<16xi32>
    %add3A_172 = arith.addi %iota3A, %add3A_171 : vector<16xi32>
    %swap3A_173 = arith.constant 48 : index
    %swap3A_174 = tpu.vector_load %arg11[%swap3A_173] {strides = array<i32>} : memref<128xi32, #tpu.memory_space<vmem>>, vector<16xi32>,
    %swap3A_175 = vector.shape_cast %swap3A_174 : vector<16xi32> to vector<16xi32>
    %swap3A_176 = vector.shape_cast %add3A_172 : vector<16xi32> to vector<16xi32>
    tpu.vector_store %arg11[%swap3A_173], %swap3A_176 {strides = array<i32>} : memref<128xi32, #tpu.memory_space<vmem>>, vector<16xi32>,
    %add3A_177 = arith.constant 64 : i32
    %add3A_178 = arith.addi %add3A_144, %add3A_177 : i32
    %add3A_179 = vector.broadcast %add3A_178 : i32 to vector<16xi32>
    %add3A_180 = arith.addi %iota3A, %add3A_179 : vector<16xi32>
    %swap3A_181 = arith.constant 64 : index
    %swap3A_182 = tpu.vector_load %arg11[%swap3A_181] {strides = array<i32>} : memref<128xi32, #tpu.memory_space<vmem>>, vector<16xi32>,
    %swap3A_183 = vector.shape_cast %swap3A_182 : vector<16xi32> to vector<16xi32>
    %swap3A_184 = vector.shape_cast %add3A_180 : vector<16xi32> to vector<16xi32>
    tpu.vector_store %arg11[%swap3A_181], %swap3A_184 {strides = array<i32>} : memref<128xi32, #tpu.memory_space<vmem>>, vector<16xi32>,
    %add3A_185 = arith.constant 80 : i32
    %add3A_186 = arith.addi %add3A_144, %add3A_185 : i32
    %add3A_187 = vector.broadcast %add3A_186 : i32 to vector<16xi32>
    %add3A_188 = arith.addi %iota3A, %add3A_187 : vector<16xi32>
    %swap3A_189 = arith.constant 80 : index
    %swap3A_190 = tpu.vector_load %arg11[%swap3A_189] {strides = array<i32>} : memref<128xi32, #tpu.memory_space<vmem>>, vector<16xi32>,
    %swap3A_191 = vector.shape_cast %swap3A_190 : vector<16xi32> to vector<16xi32>
    %swap3A_192 = vector.shape_cast %add3A_188 : vector<16xi32> to vector<16xi32>
    tpu.vector_store %arg11[%swap3A_189], %swap3A_192 {strides = array<i32>} : memref<128xi32, #tpu.memory_space<vmem>>, vector<16xi32>,
    %add3A_193 = arith.constant 96 : i32
    %add3A_194 = arith.addi %add3A_144, %add3A_193 : i32
    %add3A_195 = vector.broadcast %add3A_194 : i32 to vector<16xi32>
    %add3A_196 = arith.addi %iota3A, %add3A_195 : vector<16xi32>
    %swap3A_197 = arith.constant 96 : index
    %swap3A_198 = tpu.vector_load %arg11[%swap3A_197] {strides = array<i32>} : memref<128xi32, #tpu.memory_space<vmem>>, vector<16xi32>,
    %swap3A_199 = vector.shape_cast %swap3A_198 : vector<16xi32> to vector<16xi32>
    %swap3A_200 = vector.shape_cast %add3A_196 : vector<16xi32> to vector<16xi32>
    tpu.vector_store %arg11[%swap3A_197], %swap3A_200 {strides = array<i32>} : memref<128xi32, #tpu.memory_space<vmem>>, vector<16xi32>,
    %add3A_201 = arith.constant 112 : i32
    %add3A_202 = arith.addi %add3A_144, %add3A_201 : i32
    %add3A_203 = vector.broadcast %add3A_202 : i32 to vector<16xi32>
    %add3A_204 = arith.addi %iota3A, %add3A_203 : vector<16xi32>
    %swap3A_205 = arith.constant 112 : index
    %swap3A_206 = tpu.vector_load %arg11[%swap3A_205] {strides = array<i32>} : memref<128xi32, #tpu.memory_space<vmem>>, vector<16xi32>,
    %swap3A_207 = vector.shape_cast %swap3A_206 : vector<16xi32> to vector<16xi32>
    %swap3A_208 = vector.shape_cast %add3A_204 : vector<16xi32> to vector<16xi32>
    tpu.vector_store %arg11[%swap3A_205], %swap3A_208 {strides = array<i32>} : memref<128xi32, #tpu.memory_space<vmem>>, vector<16xi32>,
    "tpu.region"() ({
      %run_scoped3A = tpu.sem_alloc : memref<!tpu.dma_semaphore, #tpu.memory_space<semaphore_mem>>
      %dma_start3A = arith.constant 0 : i32
      %dma_start3A_299 = arith.constant 0 : i32
      %dma_start3A_300 = tpu.memref_slice %arg12[%dma_start3A, %dma_start3A_299] : memref<10112x128xf32, #tpu.memory_space<vmem_shared>> -> memref<10112x128xf32, #tpu.memory_space<vmem_shared>>
      tpu.enqueue_indirect_dma source(%arg10 : memref<128x128xf32, #tpu.memory_space<vmem>>) target(%dma_start3A_300 : memref<10112x128xf32, #tpu.memory_space<vmem_shared>>) offsets(%arg11 : memref<128xi32, #tpu.memory_space<vmem>>) semaphore(%run_scoped3A : memref<!tpu.dma_semaphore, #tpu.memory_space<semaphore_mem>>)
      %dma_wait3A = arith.constant 0 : i32
      %dma_wait3A_301 = arith.constant 0 : i32
      %dma_wait3A_302 = tpu.memref_slice %arg12[%dma_wait3A, %dma_wait3A_301] : memref<10112x128xf32, #tpu.memory_space<vmem_shared>> -> memref<10112x128xf32, #tpu.memory_space<vmem_shared>>
      tpu.wait_indirect_dma semaphore(%run_scoped3A : memref<!tpu.dma_semaphore, #tpu.memory_space<semaphore_mem>>) src(%arg10 : memref<128x128xf32, #tpu.memory_space<vmem>>) dst(%dma_wait3A_302 : memref<10112x128xf32, #tpu.memory_space<vmem_shared>>)
      tpu.yield
    }) : () -> ()
    %mul3A_209 = arith.constant 632 : i32
    %mul3A_210 = arith.muli %arg1, %mul3A_209 : i32
    %add3A_211 = arith.constant 384 : i32
    %add3A_212 = arith.addi %mul3A_210, %add3A_211 : i32
    %add3A_213 = arith.constant 0 : i32
    %add3A_214 = arith.addi %add3A_212, %add3A_213 : i32
    %add3A_215 = vector.broadcast %add3A_214 : i32 to vector<16xi32>
    %add3A_216 = arith.addi %iota3A, %add3A_215 : vector<16xi32>
    %swap3A_217 = arith.constant 0 : index
    %swap3A_218 = tpu.vector_load %arg11[%swap3A_217] {strides = array<i32>} : memref<128xi32, #tpu.memory_space<vmem>>, vector<16xi32>,
    %swap3A_219 = vector.shape_cast %swap3A_218 : vector<16xi32> to vector<16xi32>
    %swap3A_220 = vector.shape_cast %add3A_216 : vector<16xi32> to vector<16xi32>
    tpu.vector_store %arg11[%swap3A_217], %swap3A_220 {strides = array<i32>} : memref<128xi32, #tpu.memory_space<vmem>>, vector<16xi32>,
    %add3A_221 = arith.constant 16 : i32
    %add3A_222 = arith.addi %add3A_212, %add3A_221 : i32
    %add3A_223 = vector.broadcast %add3A_222 : i32 to vector<16xi32>
    %add3A_224 = arith.addi %iota3A, %add3A_223 : vector<16xi32>
    %swap3A_225 = arith.constant 16 : index
    %swap3A_226 = tpu.vector_load %arg11[%swap3A_225] {strides = array<i32>} : memref<128xi32, #tpu.memory_space<vmem>>, vector<16xi32>,
    %swap3A_227 = vector.shape_cast %swap3A_226 : vector<16xi32> to vector<16xi32>
    %swap3A_228 = vector.shape_cast %add3A_224 : vector<16xi32> to vector<16xi32>
    tpu.vector_store %arg11[%swap3A_225], %swap3A_228 {strides = array<i32>} : memref<128xi32, #tpu.memory_space<vmem>>, vector<16xi32>,
    %add3A_229 = arith.constant 32 : i32
    %add3A_230 = arith.addi %add3A_212, %add3A_229 : i32
    %add3A_231 = vector.broadcast %add3A_230 : i32 to vector<16xi32>
    %add3A_232 = arith.addi %iota3A, %add3A_231 : vector<16xi32>
    %swap3A_233 = arith.constant 32 : index
    %swap3A_234 = tpu.vector_load %arg11[%swap3A_233] {strides = array<i32>} : memref<128xi32, #tpu.memory_space<vmem>>, vector<16xi32>,
    %swap3A_235 = vector.shape_cast %swap3A_234 : vector<16xi32> to vector<16xi32>
    %swap3A_236 = vector.shape_cast %add3A_232 : vector<16xi32> to vector<16xi32>
    tpu.vector_store %arg11[%swap3A_233], %swap3A_236 {strides = array<i32>} : memref<128xi32, #tpu.memory_space<vmem>>, vector<16xi32>,
    %add3A_237 = arith.constant 48 : i32
    %add3A_238 = arith.addi %add3A_212, %add3A_237 : i32
    %add3A_239 = vector.broadcast %add3A_238 : i32 to vector<16xi32>
    %add3A_240 = arith.addi %iota3A, %add3A_239 : vector<16xi32>
    %swap3A_241 = arith.constant 48 : index
    %swap3A_242 = tpu.vector_load %arg11[%swap3A_241] {strides = array<i32>} : memref<128xi32, #tpu.memory_space<vmem>>, vector<16xi32>,
    %swap3A_243 = vector.shape_cast %swap3A_242 : vector<16xi32> to vector<16xi32>
    %swap3A_244 = vector.shape_cast %add3A_240 : vector<16xi32> to vector<16xi32>
    tpu.vector_store %arg11[%swap3A_241], %swap3A_244 {strides = array<i32>} : memref<128xi32, #tpu.memory_space<vmem>>, vector<16xi32>,
    %add3A_245 = arith.constant 64 : i32
    %add3A_246 = arith.addi %add3A_212, %add3A_245 : i32
    %add3A_247 = vector.broadcast %add3A_246 : i32 to vector<16xi32>
    %add3A_248 = arith.addi %iota3A, %add3A_247 : vector<16xi32>
    %swap3A_249 = arith.constant 64 : index
    %swap3A_250 = tpu.vector_load %arg11[%swap3A_249] {strides = array<i32>} : memref<128xi32, #tpu.memory_space<vmem>>, vector<16xi32>,
    %swap3A_251 = vector.shape_cast %swap3A_250 : vector<16xi32> to vector<16xi32>
    %swap3A_252 = vector.shape_cast %add3A_248 : vector<16xi32> to vector<16xi32>
    tpu.vector_store %arg11[%swap3A_249], %swap3A_252 {strides = array<i32>} : memref<128xi32, #tpu.memory_space<vmem>>, vector<16xi32>,
    %add3A_253 = arith.constant 80 : i32
    %add3A_254 = arith.addi %add3A_212, %add3A_253 : i32
    %add3A_255 = vector.broadcast %add3A_254 : i32 to vector<16xi32>
    %add3A_256 = arith.addi %iota3A, %add3A_255 : vector<16xi32>
    %swap3A_257 = arith.constant 80 : index
    %swap3A_258 = tpu.vector_load %arg11[%swap3A_257] {strides = array<i32>} : memref<128xi32, #tpu.memory_space<vmem>>, vector<16xi32>,
    %swap3A_259 = vector.shape_cast %swap3A_258 : vector<16xi32> to vector<16xi32>
    %swap3A_260 = vector.shape_cast %add3A_256 : vector<16xi32> to vector<16xi32>
    tpu.vector_store %arg11[%swap3A_257], %swap3A_260 {strides = array<i32>} : memref<128xi32, #tpu.memory_space<vmem>>, vector<16xi32>,
    %add3A_261 = arith.constant 96 : i32
    %add3A_262 = arith.addi %add3A_212, %add3A_261 : i32
    %add3A_263 = vector.broadcast %add3A_262 : i32 to vector<16xi32>
    %add3A_264 = arith.addi %iota3A, %add3A_263 : vector<16xi32>
    %swap3A_265 = arith.constant 96 : index
    %swap3A_266 = tpu.vector_load %arg11[%swap3A_265] {strides = array<i32>} : memref<128xi32, #tpu.memory_space<vmem>>, vector<16xi32>,
    %swap3A_267 = vector.shape_cast %swap3A_266 : vector<16xi32> to vector<16xi32>
    %swap3A_268 = vector.shape_cast %add3A_264 : vector<16xi32> to vector<16xi32>
    tpu.vector_store %arg11[%swap3A_265], %swap3A_268 {strides = array<i32>} : memref<128xi32, #tpu.memory_space<vmem>>, vector<16xi32>,
    %add3A_269 = arith.constant 112 : i32
    %add3A_270 = arith.addi %add3A_212, %add3A_269 : i32
    %add3A_271 = vector.broadcast %add3A_270 : i32 to vector<16xi32>
    %add3A_272 = arith.addi %iota3A, %add3A_271 : vector<16xi32>
    %swap3A_273 = arith.constant 112 : index
    %swap3A_274 = tpu.vector_load %arg11[%swap3A_273] {strides = array<i32>} : memref<128xi32, #tpu.memory_space<vmem>>, vector<16xi32>,
    %swap3A_275 = vector.shape_cast %swap3A_274 : vector<16xi32> to vector<16xi32>
    %swap3A_276 = vector.shape_cast %add3A_272 : vector<16xi32> to vector<16xi32>
    tpu.vector_store %arg11[%swap3A_273], %swap3A_276 {strides = array<i32>} : memref<128xi32, #tpu.memory_space<vmem>>, vector<16xi32>,
    "tpu.region"() ({
      %run_scoped3A = tpu.sem_alloc : memref<!tpu.dma_semaphore, #tpu.memory_space<semaphore_mem>>
      %dma_start3A = arith.constant 0 : i32
      %dma_start3A_299 = arith.constant 0 : i32
      %dma_start3A_300 = tpu.memref_slice %arg12[%dma_start3A, %dma_start3A_299] : memref<10112x128xf32, #tpu.memory_space<vmem_shared>> -> memref<10112x128xf32, #tpu.memory_space<vmem_shared>>
      tpu.enqueue_indirect_dma source(%arg10 : memref<128x128xf32, #tpu.memory_space<vmem>>) target(%dma_start3A_300 : memref<10112x128xf32, #tpu.memory_space<vmem_shared>>) offsets(%arg11 : memref<128xi32, #tpu.memory_space<vmem>>) semaphore(%run_scoped3A : memref<!tpu.dma_semaphore, #tpu.memory_space<semaphore_mem>>)
      %dma_wait3A = arith.constant 0 : i32
      %dma_wait3A_301 = arith.constant 0 : i32
      %dma_wait3A_302 = tpu.memref_slice %arg12[%dma_wait3A, %dma_wait3A_301] : memref<10112x128xf32, #tpu.memory_space<vmem_shared>> -> memref<10112x128xf32, #tpu.memory_space<vmem_shared>>
      tpu.wait_indirect_dma semaphore(%run_scoped3A : memref<!tpu.dma_semaphore, #tpu.memory_space<semaphore_mem>>) src(%arg10 : memref<128x128xf32, #tpu.memory_space<vmem>>) dst(%dma_wait3A_302 : memref<10112x128xf32, #tpu.memory_space<vmem_shared>>)
      tpu.yield
    }) : () -> ()
    %barrier3A = arith.constant 0 : index
    tpu.barrier barrier_id(%barrier3A)
    %min3A = arith.constant 4 : i32
    %min3A_277 = arith.minsi %add3A, %min3A : i32
    %mul3A_278 = arith.constant 78 : i32
    %mul3A_279 = arith.muli %add3A, %mul3A_278 : i32
    %add3A_280 = arith.addi %mul3A_279, %min3A_277 : i32
    %lt3A = arith.constant 4 : i32
    %lt3A_281 = arith.cmpi slt, %add3A, %lt3A : i32
    %jit3A = arith.constant 1 : i32
    %jit3A_282 = arith.constant 0 : i32
    %select_n3A = arith.select %lt3A_281, %jit3A, %jit3A_282 : i32
    %add3A_283 = arith.constant 78 : i32
    %add3A_284 = arith.addi %add3A_283, %select_n3A : i32
    %while3A = arith.constant 0 : i32
    %while3A_285 = arith.constant 0 : i32
    %while3A_286 = arith.subi %add3A_284, %while3A_285 : i32
    %while3A_287 = arith.addi %while3A_285, %while3A_286 : i32
    %while3A_288 = arith.constant 1 : i32
    %while3A_289 = arith.divsi %while3A_286, %while3A_288 : i32
    %while3A_290 = arith.muli %while3A_289, %while3A_288 : i32
    %while3A_291 = arith.addi %while3A_285, %while3A_290 : i32
    %while3A_292 = arith.constant 1 : i32
    scf.for %while3A_299 = %while3A_285 to %while3A_291 step %while3A_292  : i32 {
      %add3A_300 = arith.addi %add3A_280, %while3A_299 : i32
      %mul3A_301 = arith.constant 128 : i32
      %mul3A_302 = arith.muli %add3A_300, %mul3A_301 : i32
      %run_scoped3A = arith.constant 0 : i32
      "tpu.region"() ({
        %run_scoped3A_314 = tpu.sem_alloc : memref<!tpu.dma_semaphore, #tpu.memory_space<semaphore_mem>>
        %dma_start3A_315 = tpu.memref_slice %arg3[%run_scoped3A, %mul3A_302] : memref<2x320000xi32, #tpu.memory_space<hbm>> -> memref<1x128xi32, #tpu.memory_space<hbm>>
        %dma_start3A_316 = tpu.memref_squeeze %dma_start3A_315 : memref<1x128xi32, #tpu.memory_space<hbm>> -> memref<128xi32, #tpu.memory_space<hbm>>
        %dma_start3A_317 = tpu.memref_slice %arg3[%run_scoped3A, %mul3A_302] : memref<2x320000xi32, #tpu.memory_space<hbm>> -> memref<1x128xi32, #tpu.memory_space<hbm>>
        %dma_start3A_318 = tpu.memref_squeeze %dma_start3A_317 : memref<1x128xi32, #tpu.memory_space<hbm>> -> memref<128xi32, #tpu.memory_space<hbm>>
        tpu.enqueue_dma source(%dma_start3A_318 : memref<128xi32, #tpu.memory_space<hbm>>) target(%arg6 : memref<128xi32, #tpu.memory_space<vmem>>) target_semaphore(%run_scoped3A_314 : memref<!tpu.dma_semaphore, #tpu.memory_space<semaphore_mem>>)
        %dma_wait3A_319 = tpu.memref_slice %arg3[%run_scoped3A, %mul3A_302] : memref<2x320000xi32, #tpu.memory_space<hbm>> -> memref<1x128xi32, #tpu.memory_space<hbm>>
        %dma_wait3A_320 = tpu.memref_squeeze %dma_wait3A_319 : memref<1x128xi32, #tpu.memory_space<hbm>> -> memref<128xi32, #tpu.memory_space<hbm>>
        %dma_wait3A_321 = tpu.memref_slice %arg3[%run_scoped3A, %mul3A_302] : memref<2x320000xi32, #tpu.memory_space<hbm>> -> memref<1x128xi32, #tpu.memory_space<hbm>>
        %dma_wait3A_322 = tpu.memref_squeeze %dma_wait3A_321 : memref<1x128xi32, #tpu.memory_space<hbm>> -> memref<128xi32, #tpu.memory_space<hbm>>
        tpu.wait_dma2 semaphore(%run_scoped3A_314 : memref<!tpu.dma_semaphore, #tpu.memory_space<semaphore_mem>>) src(%dma_wait3A_322 : memref<128xi32, #tpu.memory_space<hbm>>) dst(%arg6 : memref<128xi32, #tpu.memory_space<vmem>>)
        tpu.yield
      }) : () -> ()
      %run_scoped3A_303 = arith.constant 1 : i32
      "tpu.region"() ({
        %run_scoped3A_314 = tpu.sem_alloc : memref<!tpu.dma_semaphore, #tpu.memory_space<semaphore_mem>>
        %dma_start3A_315 = tpu.memref_slice %arg3[%run_scoped3A_303, %mul3A_302] : memref<2x320000xi32, #tpu.memory_space<hbm>> -> memref<1x128xi32, #tpu.memory_space<hbm>>
        %dma_start3A_316 = tpu.memref_squeeze %dma_start3A_315 : memref<1x128xi32, #tpu.memory_space<hbm>> -> memref<128xi32, #tpu.memory_space<hbm>>
        %dma_start3A_317 = tpu.memref_slice %arg3[%run_scoped3A_303, %mul3A_302] : memref<2x320000xi32, #tpu.memory_space<hbm>> -> memref<1x128xi32, #tpu.memory_space<hbm>>
        %dma_start3A_318 = tpu.memref_squeeze %dma_start3A_317 : memref<1x128xi32, #tpu.memory_space<hbm>> -> memref<128xi32, #tpu.memory_space<hbm>>
        tpu.enqueue_dma source(%dma_start3A_318 : memref<128xi32, #tpu.memory_space<hbm>>) target(%arg7 : memref<128xi32, #tpu.memory_space<vmem>>) target_semaphore(%run_scoped3A_314 : memref<!tpu.dma_semaphore, #tpu.memory_space<semaphore_mem>>)
        %dma_wait3A_319 = tpu.memref_slice %arg3[%run_scoped3A_303, %mul3A_302] : memref<2x320000xi32, #tpu.memory_space<hbm>> -> memref<1x128xi32, #tpu.memory_space<hbm>>
        %dma_wait3A_320 = tpu.memref_squeeze %dma_wait3A_319 : memref<1x128xi32, #tpu.memory_space<hbm>> -> memref<128xi32, #tpu.memory_space<hbm>>
        %dma_wait3A_321 = tpu.memref_slice %arg3[%run_scoped3A_303, %mul3A_302] : memref<2x320000xi32, #tpu.memory_space<hbm>> -> memref<1x128xi32, #tpu.memory_space<hbm>>
        %dma_wait3A_322 = tpu.memref_squeeze %dma_wait3A_321 : memref<1x128xi32, #tpu.memory_space<hbm>> -> memref<128xi32, #tpu.memory_space<hbm>>
        tpu.wait_dma2 semaphore(%run_scoped3A_314 : memref<!tpu.dma_semaphore, #tpu.memory_space<semaphore_mem>>) src(%dma_wait3A_322 : memref<128xi32, #tpu.memory_space<hbm>>) dst(%arg7 : memref<128xi32, #tpu.memory_space<vmem>>)
        tpu.yield
      }) : () -> ()
      "tpu.region"() ({
        %run_scoped3A_314 = tpu.sem_alloc : memref<!tpu.dma_semaphore, #tpu.memory_space<semaphore_mem>>
        %dma_start3A_315 = tpu.memref_slice %arg4[%mul3A_302] : memref<320000xf32, #tpu.memory_space<hbm>> -> memref<128xf32, #tpu.memory_space<hbm>>
        %dma_start3A_316 = tpu.memref_slice %arg4[%mul3A_302] : memref<320000xf32, #tpu.memory_space<hbm>> -> memref<128xf32, #tpu.memory_space<hbm>>
        tpu.enqueue_dma source(%dma_start3A_316 : memref<128xf32, #tpu.memory_space<hbm>>) target(%arg8 : memref<128xf32, #tpu.memory_space<vmem>>) target_semaphore(%run_scoped3A_314 : memref<!tpu.dma_semaphore, #tpu.memory_space<semaphore_mem>>)
        %dma_wait3A_317 = tpu.memref_slice %arg4[%mul3A_302] : memref<320000xf32, #tpu.memory_space<hbm>> -> memref<128xf32, #tpu.memory_space<hbm>>
        %dma_wait3A_318 = tpu.memref_slice %arg4[%mul3A_302] : memref<320000xf32, #tpu.memory_space<hbm>> -> memref<128xf32, #tpu.memory_space<hbm>>
        tpu.wait_dma2 semaphore(%run_scoped3A_314 : memref<!tpu.dma_semaphore, #tpu.memory_space<semaphore_mem>>) src(%dma_wait3A_318 : memref<128xf32, #tpu.memory_space<hbm>>) dst(%arg8 : memref<128xf32, #tpu.memory_space<vmem>>)
        tpu.yield
      }) : () -> ()
      %dma_start3A = arith.constant 0 : i32
      %dma_start3A_304 = arith.constant 0 : i32
      %dma_start3A_305 = tpu.memref_slice %arg2[%dma_start3A, %dma_start3A_304] : memref<10000x128xf32, #tpu.memory_space<hbm>> -> memref<10000x128xf32, #tpu.memory_space<hbm>>
      tpu.enqueue_indirect_dma source(%dma_start3A_305 : memref<10000x128xf32, #tpu.memory_space<hbm>>) target(%arg9 : memref<128x128xf32, #tpu.memory_space<vmem>>) offsets(%arg6 : memref<128xi32, #tpu.memory_space<vmem>>) semaphore(%arg13 : memref<!tpu.dma_semaphore, #tpu.memory_space<semaphore_mem>>)
      %dma_wait3A = arith.constant 0 : i32
      %dma_wait3A_306 = arith.constant 0 : i32
      %dma_wait3A_307 = tpu.memref_slice %arg2[%dma_wait3A, %dma_wait3A_306] : memref<10000x128xf32, #tpu.memory_space<hbm>> -> memref<10000x128xf32, #tpu.memory_space<hbm>>
      tpu.wait_indirect_dma semaphore(%arg13 : memref<!tpu.dma_semaphore, #tpu.memory_space<semaphore_mem>>) src(%dma_wait3A_307 : memref<10000x128xf32, #tpu.memory_space<hbm>>) dst(%arg9 : memref<128x128xf32, #tpu.memory_space<vmem>>)
      %scan3A_308 = arith.constant 0 : i32
      %scan3A_309 = arith.constant 0 : i32
      %scan3A_310 = arith.constant 8 : i32
      %scan3A_311 = arith.addi %scan3A_309, %scan3A_310 : i32
      %scan3A_312 = arith.constant 1 : i32
      scf.for %scan3A_314 = %scan3A_309 to %scan3A_311 step %scan3A_312  : i32 {
        %mul3A_315 = arith.constant 16 : i32
        %mul3A_316 = arith.muli %scan3A_314, %mul3A_315 : i32
        %get3A = arith.index_cast %mul3A_316 : i32 to index
        %get3A_317 = tpu.vector_load %arg8[%get3A] {strides = array<i32>} : memref<128xf32, #tpu.memory_space<vmem>>, vector<16xf32>,
        %get3A_318 = vector.shape_cast %get3A_317 : vector<16xf32> to vector<16xf32>
        %slice3A = vector.extract_strided_slice %get3A_318 {offsets = [0], sizes = [1], strides = [1]} : vector<16xf32> to vector<1xf32>
        %squeeze3A = vector.extract %slice3A[0] : f32 from vector<1xf32>
        %broadcast_in_dim3A = vector.broadcast %squeeze3A : f32 to vector<16xf32>
        %mul3A_319 = arith.constant 16 : i32
        %mul3A_320 = arith.muli %scan3A_314, %mul3A_319 : i32
        %add3A_321 = arith.constant 0 : i32
        %add3A_322 = arith.addi %mul3A_320, %add3A_321 : i32
        %get3A_323 = arith.index_cast %add3A_322 : i32 to index
        %get3A_324 = arith.constant 0 : index
        %get3A_325 = tpu.vector_load %arg9[%get3A_323, %get3A_324] {strides = array<i32>} : memref<128x128xf32, #tpu.memory_space<vmem>>, vector<1x16xf32>,
        %get3A_326 = vector.shape_cast %get3A_325 : vector<1x16xf32> to vector<16xf32>
        %mul3A_327 = arith.mulf %get3A_326, %broadcast_in_dim3A : vector<16xf32>
        %swap3A_328 = arith.index_cast %add3A_322 : i32 to index
        %swap3A_329 = arith.constant 0 : index
        %swap3A_330 = tpu.vector_load %arg9[%swap3A_328, %swap3A_329] {strides = array<i32>} : memref<128x128xf32, #tpu.memory_space<vmem>>, vector<1x16xf32>,
        %swap3A_331 = vector.shape_cast %swap3A_330 : vector<1x16xf32> to vector<16xf32>
        %swap3A_332 = vector.shape_cast %mul3A_327 : vector<16xf32> to vector<1x16xf32>
        tpu.vector_store %arg9[%swap3A_328, %swap3A_329], %swap3A_332 {strides = array<i32>} : memref<128x128xf32, #tpu.memory_space<vmem>>, vector<1x16xf32>,
        %get3A_333 = arith.index_cast %add3A_322 : i32 to index
        %get3A_334 = arith.constant 16 : index
        %get3A_335 = tpu.vector_load %arg9[%get3A_333, %get3A_334] {strides = array<i32>} : memref<128x128xf32, #tpu.memory_space<vmem>>, vector<1x16xf32>,
        %get3A_336 = vector.shape_cast %get3A_335 : vector<1x16xf32> to vector<16xf32>
        %mul3A_337 = arith.mulf %get3A_336, %broadcast_in_dim3A : vector<16xf32>
        %swap3A_338 = arith.index_cast %add3A_322 : i32 to index
        %swap3A_339 = arith.constant 16 : index
        %swap3A_340 = tpu.vector_load %arg9[%swap3A_338, %swap3A_339] {strides = array<i32>} : memref<128x128xf32, #tpu.memory_space<vmem>>, vector<1x16xf32>,
        %swap3A_341 = vector.shape_cast %swap3A_340 : vector<1x16xf32> to vector<16xf32>
        %swap3A_342 = vector.shape_cast %mul3A_337 : vector<16xf32> to vector<1x16xf32>
        tpu.vector_store %arg9[%swap3A_338, %swap3A_339], %swap3A_342 {strides = array<i32>} : memref<128x128xf32, #tpu.memory_space<vmem>>, vector<1x16xf32>,
        %get3A_343 = arith.index_cast %add3A_322 : i32 to index
        %get3A_344 = arith.constant 32 : index
        %get3A_345 = tpu.vector_load %arg9[%get3A_343, %get3A_344] {strides = array<i32>} : memref<128x128xf32, #tpu.memory_space<vmem>>, vector<1x16xf32>,
        %get3A_346 = vector.shape_cast %get3A_345 : vector<1x16xf32> to vector<16xf32>
        %mul3A_347 = arith.mulf %get3A_346, %broadcast_in_dim3A : vector<16xf32>
        %swap3A_348 = arith.index_cast %add3A_322 : i32 to index
        %swap3A_349 = arith.constant 32 : index
        %swap3A_350 = tpu.vector_load %arg9[%swap3A_348, %swap3A_349] {strides = array<i32>} : memref<128x128xf32, #tpu.memory_space<vmem>>, vector<1x16xf32>,
        %swap3A_351 = vector.shape_cast %swap3A_350 : vector<1x16xf32> to vector<16xf32>
        %swap3A_352 = vector.shape_cast %mul3A_347 : vector<16xf32> to vector<1x16xf32>
        tpu.vector_store %arg9[%swap3A_348, %swap3A_349], %swap3A_352 {strides = array<i32>} : memref<128x128xf32, #tpu.memory_space<vmem>>, vector<1x16xf32>,
        %get3A_353 = arith.index_cast %add3A_322 : i32 to index
        %get3A_354 = arith.constant 48 : index
        %get3A_355 = tpu.vector_load %arg9[%get3A_353, %get3A_354] {strides = array<i32>} : memref<128x128xf32, #tpu.memory_space<vmem>>, vector<1x16xf32>,
        %get3A_356 = vector.shape_cast %get3A_355 : vector<1x16xf32> to vector<16xf32>
        %mul3A_357 = arith.mulf %get3A_356, %broadcast_in_dim3A : vector<16xf32>
        %swap3A_358 = arith.index_cast %add3A_322 : i32 to index
        %swap3A_359 = arith.constant 48 : index
        %swap3A_360 = tpu.vector_load %arg9[%swap3A_358, %swap3A_359] {strides = array<i32>} : memref<128x128xf32, #tpu.memory_space<vmem>>, vector<1x16xf32>,
        %swap3A_361 = vector.shape_cast %swap3A_360 : vector<1x16xf32> to vector<16xf32>
        %swap3A_362 = vector.shape_cast %mul3A_357 : vector<16xf32> to vector<1x16xf32>
        tpu.vector_store %arg9[%swap3A_358, %swap3A_359], %swap3A_362 {strides = array<i32>} : memref<128x128xf32, #tpu.memory_space<vmem>>, vector<1x16xf32>,
        %get3A_363 = arith.index_cast %add3A_322 : i32 to index
        %get3A_364 = arith.constant 64 : index
        %get3A_365 = tpu.vector_load %arg9[%get3A_363, %get3A_364] {strides = array<i32>} : memref<128x128xf32, #tpu.memory_space<vmem>>, vector<1x16xf32>,
        %get3A_366 = vector.shape_cast %get3A_365 : vector<1x16xf32> to vector<16xf32>
        %mul3A_367 = arith.mulf %get3A_366, %broadcast_in_dim3A : vector<16xf32>
        %swap3A_368 = arith.index_cast %add3A_322 : i32 to index
        %swap3A_369 = arith.constant 64 : index
        %swap3A_370 = tpu.vector_load %arg9[%swap3A_368, %swap3A_369] {strides = array<i32>} : memref<128x128xf32, #tpu.memory_space<vmem>>, vector<1x16xf32>,
        %swap3A_371 = vector.shape_cast %swap3A_370 : vector<1x16xf32> to vector<16xf32>
        %swap3A_372 = vector.shape_cast %mul3A_367 : vector<16xf32> to vector<1x16xf32>
        tpu.vector_store %arg9[%swap3A_368, %swap3A_369], %swap3A_372 {strides = array<i32>} : memref<128x128xf32, #tpu.memory_space<vmem>>, vector<1x16xf32>,
        %get3A_373 = arith.index_cast %add3A_322 : i32 to index
        %get3A_374 = arith.constant 80 : index
        %get3A_375 = tpu.vector_load %arg9[%get3A_373, %get3A_374] {strides = array<i32>} : memref<128x128xf32, #tpu.memory_space<vmem>>, vector<1x16xf32>,
        %get3A_376 = vector.shape_cast %get3A_375 : vector<1x16xf32> to vector<16xf32>
        %mul3A_377 = arith.mulf %get3A_376, %broadcast_in_dim3A : vector<16xf32>
        %swap3A_378 = arith.index_cast %add3A_322 : i32 to index
        %swap3A_379 = arith.constant 80 : index
        %swap3A_380 = tpu.vector_load %arg9[%swap3A_378, %swap3A_379] {strides = array<i32>} : memref<128x128xf32, #tpu.memory_space<vmem>>, vector<1x16xf32>,
        %swap3A_381 = vector.shape_cast %swap3A_380 : vector<1x16xf32> to vector<16xf32>
        %swap3A_382 = vector.shape_cast %mul3A_377 : vector<16xf32> to vector<1x16xf32>
        tpu.vector_store %arg9[%swap3A_378, %swap3A_379], %swap3A_382 {strides = array<i32>} : memref<128x128xf32, #tpu.memory_space<vmem>>, vector<1x16xf32>,
        %get3A_383 = arith.index_cast %add3A_322 : i32 to index
        %get3A_384 = arith.constant 96 : index
        %get3A_385 = tpu.vector_load %arg9[%get3A_383, %get3A_384] {strides = array<i32>} : memref<128x128xf32, #tpu.memory_space<vmem>>, vector<1x16xf32>,
        %get3A_386 = vector.shape_cast %get3A_385 : vector<1x16xf32> to vector<16xf32>
        %mul3A_387 = arith.mulf %get3A_386, %broadcast_in_dim3A : vector<16xf32>
        %swap3A_388 = arith.index_cast %add3A_322 : i32 to index
        %swap3A_389 = arith.constant 96 : index
        %swap3A_390 = tpu.vector_load %arg9[%swap3A_388, %swap3A_389] {strides = array<i32>} : memref<128x128xf32, #tpu.memory_space<vmem>>, vector<1x16xf32>,
        %swap3A_391 = vector.shape_cast %swap3A_390 : vector<1x16xf32> to vector<16xf32>
        %swap3A_392 = vector.shape_cast %mul3A_387 : vector<16xf32> to vector<1x16xf32>
        tpu.vector_store %arg9[%swap3A_388, %swap3A_389], %swap3A_392 {strides = array<i32>} : memref<128x128xf32, #tpu.memory_space<vmem>>, vector<1x16xf32>,
        %get3A_393 = arith.index_cast %add3A_322 : i32 to index
        %get3A_394 = arith.constant 112 : index
        %get3A_395 = tpu.vector_load %arg9[%get3A_393, %get3A_394] {strides = array<i32>} : memref<128x128xf32, #tpu.memory_space<vmem>>, vector<1x16xf32>,
        %get3A_396 = vector.shape_cast %get3A_395 : vector<1x16xf32> to vector<16xf32>
        %mul3A_397 = arith.mulf %get3A_396, %broadcast_in_dim3A : vector<16xf32>
        %swap3A_398 = arith.index_cast %add3A_322 : i32 to index
        %swap3A_399 = arith.constant 112 : index
        %swap3A_400 = tpu.vector_load %arg9[%swap3A_398, %swap3A_399] {strides = array<i32>} : memref<128x128xf32, #tpu.memory_space<vmem>>, vector<1x16xf32>,
        %swap3A_401 = vector.shape_cast %swap3A_400 : vector<1x16xf32> to vector<16xf32>
        %swap3A_402 = vector.shape_cast %mul3A_397 : vector<16xf32> to vector<1x16xf32>
        tpu.vector_store %arg9[%swap3A_398, %swap3A_399], %swap3A_402 {strides = array<i32>} : memref<128x128xf32, #tpu.memory_space<vmem>>, vector<1x16xf32>,
        %slice3A_403 = vector.extract_strided_slice %get3A_318 {offsets = [1], sizes = [1], strides = [1]} : vector<16xf32> to vector<1xf32>
        %squeeze3A_404 = vector.extract %slice3A_403[0] : f32 from vector<1xf32>
        %broadcast_in_dim3A_405 = vector.broadcast %squeeze3A_404 : f32 to vector<16xf32>
        %mul3A_406 = arith.constant 16 : i32
        %mul3A_407 = arith.muli %scan3A_314, %mul3A_406 : i32
        %add3A_408 = arith.constant 1 : i32
        %add3A_409 = arith.addi %mul3A_407, %add3A_408 : i32
        %get3A_410 = arith.index_cast %add3A_409 : i32 to index
        %get3A_411 = arith.constant 0 : index
        %get3A_412 = tpu.vector_load %arg9[%get3A_410, %get3A_411] {strides = array<i32>} : memref<128x128xf32, #tpu.memory_space<vmem>>, vector<1x16xf32>,
        %get3A_413 = vector.shape_cast %get3A_412 : vector<1x16xf32> to vector<16xf32>
        %mul3A_414 = arith.mulf %get3A_413, %broadcast_in_dim3A_405 : vector<16xf32>
        %swap3A_415 = arith.index_cast %add3A_409 : i32 to index
        %swap3A_416 = arith.constant 0 : index
        %swap3A_417 = tpu.vector_load %arg9[%swap3A_415, %swap3A_416] {strides = array<i32>} : memref<128x128xf32, #tpu.memory_space<vmem>>, vector<1x16xf32>,
        %swap3A_418 = vector.shape_cast %swap3A_417 : vector<1x16xf32> to vector<16xf32>
        %swap3A_419 = vector.shape_cast %mul3A_414 : vector<16xf32> to vector<1x16xf32>
        tpu.vector_store %arg9[%swap3A_415, %swap3A_416], %swap3A_419 {strides = array<i32>} : memref<128x128xf32, #tpu.memory_space<vmem>>, vector<1x16xf32>,
        %get3A_420 = arith.index_cast %add3A_409 : i32 to index
        %get3A_421 = arith.constant 16 : index
        %get3A_422 = tpu.vector_load %arg9[%get3A_420, %get3A_421] {strides = array<i32>} : memref<128x128xf32, #tpu.memory_space<vmem>>, vector<1x16xf32>,
        %get3A_423 = vector.shape_cast %get3A_422 : vector<1x16xf32> to vector<16xf32>
        %mul3A_424 = arith.mulf %get3A_423, %broadcast_in_dim3A_405 : vector<16xf32>
        %swap3A_425 = arith.index_cast %add3A_409 : i32 to index
        %swap3A_426 = arith.constant 16 : index
        %swap3A_427 = tpu.vector_load %arg9[%swap3A_425, %swap3A_426] {strides = array<i32>} : memref<128x128xf32, #tpu.memory_space<vmem>>, vector<1x16xf32>,
        %swap3A_428 = vector.shape_cast %swap3A_427 : vector<1x16xf32> to vector<16xf32>
        %swap3A_429 = vector.shape_cast %mul3A_424 : vector<16xf32> to vector<1x16xf32>
        tpu.vector_store %arg9[%swap3A_425, %swap3A_426], %swap3A_429 {strides = array<i32>} : memref<128x128xf32, #tpu.memory_space<vmem>>, vector<1x16xf32>,
        %get3A_430 = arith.index_cast %add3A_409 : i32 to index
        %get3A_431 = arith.constant 32 : index
        %get3A_432 = tpu.vector_load %arg9[%get3A_430, %get3A_431] {strides = array<i32>} : memref<128x128xf32, #tpu.memory_space<vmem>>, vector<1x16xf32>,
        %get3A_433 = vector.shape_cast %get3A_432 : vector<1x16xf32> to vector<16xf32>
        %mul3A_434 = arith.mulf %get3A_433, %broadcast_in_dim3A_405 : vector<16xf32>
        %swap3A_435 = arith.index_cast %add3A_409 : i32 to index
        %swap3A_436 = arith.constant 32 : index
        %swap3A_437 = tpu.vector_load %arg9[%swap3A_435, %swap3A_436] {strides = array<i32>} : memref<128x128xf32, #tpu.memory_space<vmem>>, vector<1x16xf32>,
        %swap3A_438 = vector.shape_cast %swap3A_437 : vector<1x16xf32> to vector<16xf32>
        %swap3A_439 = vector.shape_cast %mul3A_434 : vector<16xf32> to vector<1x16xf32>
        tpu.vector_store %arg9[%swap3A_435, %swap3A_436], %swap3A_439 {strides = array<i32>} : memref<128x128xf32, #tpu.memory_space<vmem>>, vector<1x16xf32>,
        %get3A_440 = arith.index_cast %add3A_409 : i32 to index
        %get3A_441 = arith.constant 48 : index
        %get3A_442 = tpu.vector_load %arg9[%get3A_440, %get3A_441] {strides = array<i32>} : memref<128x128xf32, #tpu.memory_space<vmem>>, vector<1x16xf32>,
        %get3A_443 = vector.shape_cast %get3A_442 : vector<1x16xf32> to vector<16xf32>
        %mul3A_444 = arith.mulf %get3A_443, %broadcast_in_dim3A_405 : vector<16xf32>
        %swap3A_445 = arith.index_cast %add3A_409 : i32 to index
        %swap3A_446 = arith.constant 48 : index
        %swap3A_447 = tpu.vector_load %arg9[%swap3A_445, %swap3A_446] {strides = array<i32>} : memref<128x128xf32, #tpu.memory_space<vmem>>, vector<1x16xf32>,
        %swap3A_448 = vector.shape_cast %swap3A_447 : vector<1x16xf32> to vector<16xf32>
        %swap3A_449 = vector.shape_cast %mul3A_444 : vector<16xf32> to vector<1x16xf32>
        tpu.vector_store %arg9[%swap3A_445, %swap3A_446], %swap3A_449 {strides = array<i32>} : memref<128x128xf32, #tpu.memory_space<vmem>>, vector<1x16xf32>,
        %get3A_450 = arith.index_cast %add3A_409 : i32 to index
        %get3A_451 = arith.constant 64 : index
        %get3A_452 = tpu.vector_load %arg9[%get3A_450, %get3A_451] {strides = array<i32>} : memref<128x128xf32, #tpu.memory_space<vmem>>, vector<1x16xf32>,
        %get3A_453 = vector.shape_cast %get3A_452 : vector<1x16xf32> to vector<16xf32>
        %mul3A_454 = arith.mulf %get3A_453, %broadcast_in_dim3A_405 : vector<16xf32>
        %swap3A_455 = arith.index_cast %add3A_409 : i32 to index
        %swap3A_456 = arith.constant 64 : index
        %swap3A_457 = tpu.vector_load %arg9[%swap3A_455, %swap3A_456] {strides = array<i32>} : memref<128x128xf32, #tpu.memory_space<vmem>>, vector<1x16xf32>,
        %swap3A_458 = vector.shape_cast %swap3A_457 : vector<1x16xf32> to vector<16xf32>
        %swap3A_459 = vector.shape_cast %mul3A_454 : vector<16xf32> to vector<1x16xf32>
        tpu.vector_store %arg9[%swap3A_455, %swap3A_456], %swap3A_459 {strides = array<i32>} : memref<128x128xf32, #tpu.memory_space<vmem>>, vector<1x16xf32>,
        %get3A_460 = arith.index_cast %add3A_409 : i32 to index
        %get3A_461 = arith.constant 80 : index
        %get3A_462 = tpu.vector_load %arg9[%get3A_460, %get3A_461] {strides = array<i32>} : memref<128x128xf32, #tpu.memory_space<vmem>>, vector<1x16xf32>,
        %get3A_463 = vector.shape_cast %get3A_462 : vector<1x16xf32> to vector<16xf32>
        %mul3A_464 = arith.mulf %get3A_463, %broadcast_in_dim3A_405 : vector<16xf32>
        %swap3A_465 = arith.index_cast %add3A_409 : i32 to index
        %swap3A_466 = arith.constant 80 : index
        %swap3A_467 = tpu.vector_load %arg9[%swap3A_465, %swap3A_466] {strides = array<i32>} : memref<128x128xf32, #tpu.memory_space<vmem>>, vector<1x16xf32>,
        %swap3A_468 = vector.shape_cast %swap3A_467 : vector<1x16xf32> to vector<16xf32>
        %swap3A_469 = vector.shape_cast %mul3A_464 : vector<16xf32> to vector<1x16xf32>
        tpu.vector_store %arg9[%swap3A_465, %swap3A_466], %swap3A_469 {strides = array<i32>} : memref<128x128xf32, #tpu.memory_space<vmem>>, vector<1x16xf32>,
        %get3A_470 = arith.index_cast %add3A_409 : i32 to index
        %get3A_471 = arith.constant 96 : index
        %get3A_472 = tpu.vector_load %arg9[%get3A_470, %get3A_471] {strides = array<i32>} : memref<128x128xf32, #tpu.memory_space<vmem>>, vector<1x16xf32>,
        %get3A_473 = vector.shape_cast %get3A_472 : vector<1x16xf32> to vector<16xf32>
        %mul3A_474 = arith.mulf %get3A_473, %broadcast_in_dim3A_405 : vector<16xf32>
        %swap3A_475 = arith.index_cast %add3A_409 : i32 to index
        %swap3A_476 = arith.constant 96 : index
        %swap3A_477 = tpu.vector_load %arg9[%swap3A_475, %swap3A_476] {strides = array<i32>} : memref<128x128xf32, #tpu.memory_space<vmem>>, vector<1x16xf32>,
        %swap3A_478 = vector.shape_cast %swap3A_477 : vector<1x16xf32> to vector<16xf32>
        %swap3A_479 = vector.shape_cast %mul3A_474 : vector<16xf32> to vector<1x16xf32>
        tpu.vector_store %arg9[%swap3A_475, %swap3A_476], %swap3A_479 {strides = array<i32>} : memref<128x128xf32, #tpu.memory_space<vmem>>, vector<1x16xf32>,
        %get3A_480 = arith.index_cast %add3A_409 : i32 to index
        %get3A_481 = arith.constant 112 : index
        %get3A_482 = tpu.vector_load %arg9[%get3A_480, %get3A_481] {strides = array<i32>} : memref<128x128xf32, #tpu.memory_space<vmem>>, vector<1x16xf32>,
        %get3A_483 = vector.shape_cast %get3A_482 : vector<1x16xf32> to vector<16xf32>
        %mul3A_484 = arith.mulf %get3A_483, %broadcast_in_dim3A_405 : vector<16xf32>
        %swap3A_485 = arith.index_cast %add3A_409 : i32 to index
        %swap3A_486 = arith.constant 112 : index
        %swap3A_487 = tpu.vector_load %arg9[%swap3A_485, %swap3A_486] {strides = array<i32>} : memref<128x128xf32, #tpu.memory_space<vmem>>, vector<1x16xf32>,
        %swap3A_488 = vector.shape_cast %swap3A_487 : vector<1x16xf32> to vector<16xf32>
        %swap3A_489 = vector.shape_cast %mul3A_484 : vector<16xf32> to vector<1x16xf32>
        tpu.vector_store %arg9[%swap3A_485, %swap3A_486], %swap3A_489 {strides = array<i32>} : memref<128x128xf32, #tpu.memory_space<vmem>>, vector<1x16xf32>,
        %slice3A_490 = vector.extract_strided_slice %get3A_318 {offsets = [2], sizes = [1], strides = [1]} : vector<16xf32> to vector<1xf32>
        %squeeze3A_491 = vector.extract %slice3A_490[0] : f32 from vector<1xf32>
        %broadcast_in_dim3A_492 = vector.broadcast %squeeze3A_491 : f32 to vector<16xf32>
        %mul3A_493 = arith.constant 16 : i32
        %mul3A_494 = arith.muli %scan3A_314, %mul3A_493 : i32
        %add3A_495 = arith.constant 2 : i32
        %add3A_496 = arith.addi %mul3A_494, %add3A_495 : i32
        %get3A_497 = arith.index_cast %add3A_496 : i32 to index
        %get3A_498 = arith.constant 0 : index
        %get3A_499 = tpu.vector_load %arg9[%get3A_497, %get3A_498] {strides = array<i32>} : memref<128x128xf32, #tpu.memory_space<vmem>>, vector<1x16xf32>,
        %get3A_500 = vector.shape_cast %get3A_499 : vector<1x16xf32> to vector<16xf32>
        %mul3A_501 = arith.mulf %get3A_500, %broadcast_in_dim3A_492 : vector<16xf32>
        %swap3A_502 = arith.index_cast %add3A_496 : i32 to index
        %swap3A_503 = arith.constant 0 : index
        %swap3A_504 = tpu.vector_load %arg9[%swap3A_502, %swap3A_503] {strides = array<i32>} : memref<128x128xf32, #tpu.memory_space<vmem>>, vector<1x16xf32>,
        %swap3A_505 = vector.shape_cast %swap3A_504 : vector<1x16xf32> to vector<16xf32>
        %swap3A_506 = vector.shape_cast %mul3A_501 : vector<16xf32> to vector<1x16xf32>
        tpu.vector_store %arg9[%swap3A_502, %swap3A_503], %swap3A_506 {strides = array<i32>} : memref<128x128xf32, #tpu.memory_space<vmem>>, vector<1x16xf32>,
        %get3A_507 = arith.index_cast %add3A_496 : i32 to index
        %get3A_508 = arith.constant 16 : index
        %get3A_509 = tpu.vector_load %arg9[%get3A_507, %get3A_508] {strides = array<i32>} : memref<128x128xf32, #tpu.memory_space<vmem>>, vector<1x16xf32>,
        %get3A_510 = vector.shape_cast %get3A_509 : vector<1x16xf32> to vector<16xf32>
        %mul3A_511 = arith.mulf %get3A_510, %broadcast_in_dim3A_492 : vector<16xf32>
        %swap3A_512 = arith.index_cast %add3A_496 : i32 to index
        %swap3A_513 = arith.constant 16 : index
        %swap3A_514 = tpu.vector_load %arg9[%swap3A_512, %swap3A_513] {strides = array<i32>} : memref<128x128xf32, #tpu.memory_space<vmem>>, vector<1x16xf32>,
        %swap3A_515 = vector.shape_cast %swap3A_514 : vector<1x16xf32> to vector<16xf32>
        %swap3A_516 = vector.shape_cast %mul3A_511 : vector<16xf32> to vector<1x16xf32>
        tpu.vector_store %arg9[%swap3A_512, %swap3A_513], %swap3A_516 {strides = array<i32>} : memref<128x128xf32, #tpu.memory_space<vmem>>, vector<1x16xf32>,
        %get3A_517 = arith.index_cast %add3A_496 : i32 to index
        %get3A_518 = arith.constant 32 : index
        %get3A_519 = tpu.vector_load %arg9[%get3A_517, %get3A_518] {strides = array<i32>} : memref<128x128xf32, #tpu.memory_space<vmem>>, vector<1x16xf32>,
        %get3A_520 = vector.shape_cast %get3A_519 : vector<1x16xf32> to vector<16xf32>
        %mul3A_521 = arith.mulf %get3A_520, %broadcast_in_dim3A_492 : vector<16xf32>
        %swap3A_522 = arith.index_cast %add3A_496 : i32 to index
        %swap3A_523 = arith.constant 32 : index
        %swap3A_524 = tpu.vector_load %arg9[%swap3A_522, %swap3A_523] {strides = array<i32>} : memref<128x128xf32, #tpu.memory_space<vmem>>, vector<1x16xf32>,
        %swap3A_525 = vector.shape_cast %swap3A_524 : vector<1x16xf32> to vector<16xf32>
        %swap3A_526 = vector.shape_cast %mul3A_521 : vector<16xf32> to vector<1x16xf32>
        tpu.vector_store %arg9[%swap3A_522, %swap3A_523], %swap3A_526 {strides = array<i32>} : memref<128x128xf32, #tpu.memory_space<vmem>>, vector<1x16xf32>,
        %get3A_527 = arith.index_cast %add3A_496 : i32 to index
        %get3A_528 = arith.constant 48 : index
        %get3A_529 = tpu.vector_load %arg9[%get3A_527, %get3A_528] {strides = array<i32>} : memref<128x128xf32, #tpu.memory_space<vmem>>, vector<1x16xf32>,
        %get3A_530 = vector.shape_cast %get3A_529 : vector<1x16xf32> to vector<16xf32>
        %mul3A_531 = arith.mulf %get3A_530, %broadcast_in_dim3A_492 : vector<16xf32>
        %swap3A_532 = arith.index_cast %add3A_496 : i32 to index
        %swap3A_533 = arith.constant 48 : index
        %swap3A_534 = tpu.vector_load %arg9[%swap3A_532, %swap3A_533] {strides = array<i32>} : memref<128x128xf32, #tpu.memory_space<vmem>>, vector<1x16xf32>,
        %swap3A_535 = vector.shape_cast %swap3A_534 : vector<1x16xf32> to vector<16xf32>
        %swap3A_536 = vector.shape_cast %mul3A_531 : vector<16xf32> to vector<1x16xf32>
        tpu.vector_store %arg9[%swap3A_532, %swap3A_533], %swap3A_536 {strides = array<i32>} : memref<128x128xf32, #tpu.memory_space<vmem>>, vector<1x16xf32>,
        %get3A_537 = arith.index_cast %add3A_496 : i32 to index
        %get3A_538 = arith.constant 64 : index
        %get3A_539 = tpu.vector_load %arg9[%get3A_537, %get3A_538] {strides = array<i32>} : memref<128x128xf32, #tpu.memory_space<vmem>>, vector<1x16xf32>,
        %get3A_540 = vector.shape_cast %get3A_539 : vector<1x16xf32> to vector<16xf32>
        %mul3A_541 = arith.mulf %get3A_540, %broadcast_in_dim3A_492 : vector<16xf32>
        %swap3A_542 = arith.index_cast %add3A_496 : i32 to index
        %swap3A_543 = arith.constant 64 : index
        %swap3A_544 = tpu.vector_load %arg9[%swap3A_542, %swap3A_543] {strides = array<i32>} : memref<128x128xf32, #tpu.memory_space<vmem>>, vector<1x16xf32>,
        %swap3A_545 = vector.shape_cast %swap3A_544 : vector<1x16xf32> to vector<16xf32>
        %swap3A_546 = vector.shape_cast %mul3A_541 : vector<16xf32> to vector<1x16xf32>
        tpu.vector_store %arg9[%swap3A_542, %swap3A_543], %swap3A_546 {strides = array<i32>} : memref<128x128xf32, #tpu.memory_space<vmem>>, vector<1x16xf32>,
        %get3A_547 = arith.index_cast %add3A_496 : i32 to index
        %get3A_548 = arith.constant 80 : index
        %get3A_549 = tpu.vector_load %arg9[%get3A_547, %get3A_548] {strides = array<i32>} : memref<128x128xf32, #tpu.memory_space<vmem>>, vector<1x16xf32>,
        %get3A_550 = vector.shape_cast %get3A_549 : vector<1x16xf32> to vector<16xf32>
        %mul3A_551 = arith.mulf %get3A_550, %broadcast_in_dim3A_492 : vector<16xf32>
        %swap3A_552 = arith.index_cast %add3A_496 : i32 to index
        %swap3A_553 = arith.constant 80 : index
        %swap3A_554 = tpu.vector_load %arg9[%swap3A_552, %swap3A_553] {strides = array<i32>} : memref<128x128xf32, #tpu.memory_space<vmem>>, vector<1x16xf32>,
        %swap3A_555 = vector.shape_cast %swap3A_554 : vector<1x16xf32> to vector<16xf32>
        %swap3A_556 = vector.shape_cast %mul3A_551 : vector<16xf32> to vector<1x16xf32>
        tpu.vector_store %arg9[%swap3A_552, %swap3A_553], %swap3A_556 {strides = array<i32>} : memref<128x128xf32, #tpu.memory_space<vmem>>, vector<1x16xf32>,
        %get3A_557 = arith.index_cast %add3A_496 : i32 to index
        %get3A_558 = arith.constant 96 : index
        %get3A_559 = tpu.vector_load %arg9[%get3A_557, %get3A_558] {strides = array<i32>} : memref<128x128xf32, #tpu.memory_space<vmem>>, vector<1x16xf32>,
        %get3A_560 = vector.shape_cast %get3A_559 : vector<1x16xf32> to vector<16xf32>
        %mul3A_561 = arith.mulf %get3A_560, %broadcast_in_dim3A_492 : vector<16xf32>
        %swap3A_562 = arith.index_cast %add3A_496 : i32 to index
        %swap3A_563 = arith.constant 96 : index
        %swap3A_564 = tpu.vector_load %arg9[%swap3A_562, %swap3A_563] {strides = array<i32>} : memref<128x128xf32, #tpu.memory_space<vmem>>, vector<1x16xf32>,
        %swap3A_565 = vector.shape_cast %swap3A_564 : vector<1x16xf32> to vector<16xf32>
        %swap3A_566 = vector.shape_cast %mul3A_561 : vector<16xf32> to vector<1x16xf32>
        tpu.vector_store %arg9[%swap3A_562, %swap3A_563], %swap3A_566 {strides = array<i32>} : memref<128x128xf32, #tpu.memory_space<vmem>>, vector<1x16xf32>,
        %get3A_567 = arith.index_cast %add3A_496 : i32 to index
        %get3A_568 = arith.constant 112 : index
        %get3A_569 = tpu.vector_load %arg9[%get3A_567, %get3A_568] {strides = array<i32>} : memref<128x128xf32, #tpu.memory_space<vmem>>, vector<1x16xf32>,
        %get3A_570 = vector.shape_cast %get3A_569 : vector<1x16xf32> to vector<16xf32>
        %mul3A_571 = arith.mulf %get3A_570, %broadcast_in_dim3A_492 : vector<16xf32>
        %swap3A_572 = arith.index_cast %add3A_496 : i32 to index
        %swap3A_573 = arith.constant 112 : index
        %swap3A_574 = tpu.vector_load %arg9[%swap3A_572, %swap3A_573] {strides = array<i32>} : memref<128x128xf32, #tpu.memory_space<vmem>>, vector<1x16xf32>,
        %swap3A_575 = vector.shape_cast %swap3A_574 : vector<1x16xf32> to vector<16xf32>
        %swap3A_576 = vector.shape_cast %mul3A_571 : vector<16xf32> to vector<1x16xf32>
        tpu.vector_store %arg9[%swap3A_572, %swap3A_573], %swap3A_576 {strides = array<i32>} : memref<128x128xf32, #tpu.memory_space<vmem>>, vector<1x16xf32>,
        %slice3A_577 = vector.extract_strided_slice %get3A_318 {offsets = [3], sizes = [1], strides = [1]} : vector<16xf32> to vector<1xf32>
        %squeeze3A_578 = vector.extract %slice3A_577[0] : f32 from vector<1xf32>
        %broadcast_in_dim3A_579 = vector.broadcast %squeeze3A_578 : f32 to vector<16xf32>
        %mul3A_580 = arith.constant 16 : i32
        %mul3A_581 = arith.muli %scan3A_314, %mul3A_580 : i32
        %add3A_582 = arith.constant 3 : i32
        %add3A_583 = arith.addi %mul3A_581, %add3A_582 : i32
        %get3A_584 = arith.index_cast %add3A_583 : i32 to index
        %get3A_585 = arith.constant 0 : index
        %get3A_586 = tpu.vector_load %arg9[%get3A_584, %get3A_585] {strides = array<i32>} : memref<128x128xf32, #tpu.memory_space<vmem>>, vector<1x16xf32>,
        %get3A_587 = vector.shape_cast %get3A_586 : vector<1x16xf32> to vector<16xf32>
        %mul3A_588 = arith.mulf %get3A_587, %broadcast_in_dim3A_579 : vector<16xf32>
        %swap3A_589 = arith.index_cast %add3A_583 : i32 to index
        %swap3A_590 = arith.constant 0 : index
        %swap3A_591 = tpu.vector_load %arg9[%swap3A_589, %swap3A_590] {strides = array<i32>} : memref<128x128xf32, #tpu.memory_space<vmem>>, vector<1x16xf32>,
        %swap3A_592 = vector.shape_cast %swap3A_591 : vector<1x16xf32> to vector<16xf32>
        %swap3A_593 = vector.shape_cast %mul3A_588 : vector<16xf32> to vector<1x16xf32>
        tpu.vector_store %arg9[%swap3A_589, %swap3A_590], %swap3A_593 {strides = array<i32>} : memref<128x128xf32, #tpu.memory_space<vmem>>, vector<1x16xf32>,
        %get3A_594 = arith.index_cast %add3A_583 : i32 to index
        %get3A_595 = arith.constant 16 : index
        %get3A_596 = tpu.vector_load %arg9[%get3A_594, %get3A_595] {strides = array<i32>} : memref<128x128xf32, #tpu.memory_space<vmem>>, vector<1x16xf32>,
        %get3A_597 = vector.shape_cast %get3A_596 : vector<1x16xf32> to vector<16xf32>
        %mul3A_598 = arith.mulf %get3A_597, %broadcast_in_dim3A_579 : vector<16xf32>
        %swap3A_599 = arith.index_cast %add3A_583 : i32 to index
        %swap3A_600 = arith.constant 16 : index
        %swap3A_601 = tpu.vector_load %arg9[%swap3A_599, %swap3A_600] {strides = array<i32>} : memref<128x128xf32, #tpu.memory_space<vmem>>, vector<1x16xf32>,
        %swap3A_602 = vector.shape_cast %swap3A_601 : vector<1x16xf32> to vector<16xf32>
        %swap3A_603 = vector.shape_cast %mul3A_598 : vector<16xf32> to vector<1x16xf32>
        tpu.vector_store %arg9[%swap3A_599, %swap3A_600], %swap3A_603 {strides = array<i32>} : memref<128x128xf32, #tpu.memory_space<vmem>>, vector<1x16xf32>,
        %get3A_604 = arith.index_cast %add3A_583 : i32 to index
        %get3A_605 = arith.constant 32 : index
        %get3A_606 = tpu.vector_load %arg9[%get3A_604, %get3A_605] {strides = array<i32>} : memref<128x128xf32, #tpu.memory_space<vmem>>, vector<1x16xf32>,
        %get3A_607 = vector.shape_cast %get3A_606 : vector<1x16xf32> to vector<16xf32>
        %mul3A_608 = arith.mulf %get3A_607, %broadcast_in_dim3A_579 : vector<16xf32>
        %swap3A_609 = arith.index_cast %add3A_583 : i32 to index
        %swap3A_610 = arith.constant 32 : index
        %swap3A_611 = tpu.vector_load %arg9[%swap3A_609, %swap3A_610] {strides = array<i32>} : memref<128x128xf32, #tpu.memory_space<vmem>>, vector<1x16xf32>,
        %swap3A_612 = vector.shape_cast %swap3A_611 : vector<1x16xf32> to vector<16xf32>
        %swap3A_613 = vector.shape_cast %mul3A_608 : vector<16xf32> to vector<1x16xf32>
        tpu.vector_store %arg9[%swap3A_609, %swap3A_610], %swap3A_613 {strides = array<i32>} : memref<128x128xf32, #tpu.memory_space<vmem>>, vector<1x16xf32>,
        %get3A_614 = arith.index_cast %add3A_583 : i32 to index
        %get3A_615 = arith.constant 48 : index
        %get3A_616 = tpu.vector_load %arg9[%get3A_614, %get3A_615] {strides = array<i32>} : memref<128x128xf32, #tpu.memory_space<vmem>>, vector<1x16xf32>,
        %get3A_617 = vector.shape_cast %get3A_616 : vector<1x16xf32> to vector<16xf32>
        %mul3A_618 = arith.mulf %get3A_617, %broadcast_in_dim3A_579 : vector<16xf32>
        %swap3A_619 = arith.index_cast %add3A_583 : i32 to index
        %swap3A_620 = arith.constant 48 : index
        %swap3A_621 = tpu.vector_load %arg9[%swap3A_619, %swap3A_620] {strides = array<i32>} : memref<128x128xf32, #tpu.memory_space<vmem>>, vector<1x16xf32>,
        %swap3A_622 = vector.shape_cast %swap3A_621 : vector<1x16xf32> to vector<16xf32>
        %swap3A_623 = vector.shape_cast %mul3A_618 : vector<16xf32> to vector<1x16xf32>
        tpu.vector_store %arg9[%swap3A_619, %swap3A_620], %swap3A_623 {strides = array<i32>} : memref<128x128xf32, #tpu.memory_space<vmem>>, vector<1x16xf32>,
        %get3A_624 = arith.index_cast %add3A_583 : i32 to index
        %get3A_625 = arith.constant 64 : index
        %get3A_626 = tpu.vector_load %arg9[%get3A_624, %get3A_625] {strides = array<i32>} : memref<128x128xf32, #tpu.memory_space<vmem>>, vector<1x16xf32>,
        %get3A_627 = vector.shape_cast %get3A_626 : vector<1x16xf32> to vector<16xf32>
        %mul3A_628 = arith.mulf %get3A_627, %broadcast_in_dim3A_579 : vector<16xf32>
        %swap3A_629 = arith.index_cast %add3A_583 : i32 to index
        %swap3A_630 = arith.constant 64 : index
        %swap3A_631 = tpu.vector_load %arg9[%swap3A_629, %swap3A_630] {strides = array<i32>} : memref<128x128xf32, #tpu.memory_space<vmem>>, vector<1x16xf32>,
        %swap3A_632 = vector.shape_cast %swap3A_631 : vector<1x16xf32> to vector<16xf32>
        %swap3A_633 = vector.shape_cast %mul3A_628 : vector<16xf32> to vector<1x16xf32>
        tpu.vector_store %arg9[%swap3A_629, %swap3A_630], %swap3A_633 {strides = array<i32>} : memref<128x128xf32, #tpu.memory_space<vmem>>, vector<1x16xf32>,
        %get3A_634 = arith.index_cast %add3A_583 : i32 to index
        %get3A_635 = arith.constant 80 : index
        %get3A_636 = tpu.vector_load %arg9[%get3A_634, %get3A_635] {strides = array<i32>} : memref<128x128xf32, #tpu.memory_space<vmem>>, vector<1x16xf32>,
        %get3A_637 = vector.shape_cast %get3A_636 : vector<1x16xf32> to vector<16xf32>
        %mul3A_638 = arith.mulf %get3A_637, %broadcast_in_dim3A_579 : vector<16xf32>
        %swap3A_639 = arith.index_cast %add3A_583 : i32 to index
        %swap3A_640 = arith.constant 80 : index
        %swap3A_641 = tpu.vector_load %arg9[%swap3A_639, %swap3A_640] {strides = array<i32>} : memref<128x128xf32, #tpu.memory_space<vmem>>, vector<1x16xf32>,
        %swap3A_642 = vector.shape_cast %swap3A_641 : vector<1x16xf32> to vector<16xf32>
        %swap3A_643 = vector.shape_cast %mul3A_638 : vector<16xf32> to vector<1x16xf32>
        tpu.vector_store %arg9[%swap3A_639, %swap3A_640], %swap3A_643 {strides = array<i32>} : memref<128x128xf32, #tpu.memory_space<vmem>>, vector<1x16xf32>,
        %get3A_644 = arith.index_cast %add3A_583 : i32 to index
        %get3A_645 = arith.constant 96 : index
        %get3A_646 = tpu.vector_load %arg9[%get3A_644, %get3A_645] {strides = array<i32>} : memref<128x128xf32, #tpu.memory_space<vmem>>, vector<1x16xf32>,
        %get3A_647 = vector.shape_cast %get3A_646 : vector<1x16xf32> to vector<16xf32>
        %mul3A_648 = arith.mulf %get3A_647, %broadcast_in_dim3A_579 : vector<16xf32>
        %swap3A_649 = arith.index_cast %add3A_583 : i32 to index
        %swap3A_650 = arith.constant 96 : index
        %swap3A_651 = tpu.vector_load %arg9[%swap3A_649, %swap3A_650] {strides = array<i32>} : memref<128x128xf32, #tpu.memory_space<vmem>>, vector<1x16xf32>,
        %swap3A_652 = vector.shape_cast %swap3A_651 : vector<1x16xf32> to vector<16xf32>
        %swap3A_653 = vector.shape_cast %mul3A_648 : vector<16xf32> to vector<1x16xf32>
        tpu.vector_store %arg9[%swap3A_649, %swap3A_650], %swap3A_653 {strides = array<i32>} : memref<128x128xf32, #tpu.memory_space<vmem>>, vector<1x16xf32>,
        %get3A_654 = arith.index_cast %add3A_583 : i32 to index
        %get3A_655 = arith.constant 112 : index
        %get3A_656 = tpu.vector_load %arg9[%get3A_654, %get3A_655] {strides = array<i32>} : memref<128x128xf32, #tpu.memory_space<vmem>>, vector<1x16xf32>,
        %get3A_657 = vector.shape_cast %get3A_656 : vector<1x16xf32> to vector<16xf32>
        %mul3A_658 = arith.mulf %get3A_657, %broadcast_in_dim3A_579 : vector<16xf32>
        %swap3A_659 = arith.index_cast %add3A_583 : i32 to index
        %swap3A_660 = arith.constant 112 : index
        %swap3A_661 = tpu.vector_load %arg9[%swap3A_659, %swap3A_660] {strides = array<i32>} : memref<128x128xf32, #tpu.memory_space<vmem>>, vector<1x16xf32>,
        %swap3A_662 = vector.shape_cast %swap3A_661 : vector<1x16xf32> to vector<16xf32>
        %swap3A_663 = vector.shape_cast %mul3A_658 : vector<16xf32> to vector<1x16xf32>
        tpu.vector_store %arg9[%swap3A_659, %swap3A_660], %swap3A_663 {strides = array<i32>} : memref<128x128xf32, #tpu.memory_space<vmem>>, vector<1x16xf32>,
        %slice3A_664 = vector.extract_strided_slice %get3A_318 {offsets = [4], sizes = [1], strides = [1]} : vector<16xf32> to vector<1xf32>
        %squeeze3A_665 = vector.extract %slice3A_664[0] : f32 from vector<1xf32>
        %broadcast_in_dim3A_666 = vector.broadcast %squeeze3A_665 : f32 to vector<16xf32>
        %mul3A_667 = arith.constant 16 : i32
        %mul3A_668 = arith.muli %scan3A_314, %mul3A_667 : i32
        %add3A_669 = arith.constant 4 : i32
        %add3A_670 = arith.addi %mul3A_668, %add3A_669 : i32
        %get3A_671 = arith.index_cast %add3A_670 : i32 to index
        %get3A_672 = arith.constant 0 : index
        %get3A_673 = tpu.vector_load %arg9[%get3A_671, %get3A_672] {strides = array<i32>} : memref<128x128xf32, #tpu.memory_space<vmem>>, vector<1x16xf32>,
        %get3A_674 = vector.shape_cast %get3A_673 : vector<1x16xf32> to vector<16xf32>
        %mul3A_675 = arith.mulf %get3A_674, %broadcast_in_dim3A_666 : vector<16xf32>
        %swap3A_676 = arith.index_cast %add3A_670 : i32 to index
        %swap3A_677 = arith.constant 0 : index
        %swap3A_678 = tpu.vector_load %arg9[%swap3A_676, %swap3A_677] {strides = array<i32>} : memref<128x128xf32, #tpu.memory_space<vmem>>, vector<1x16xf32>,
        %swap3A_679 = vector.shape_cast %swap3A_678 : vector<1x16xf32> to vector<16xf32>
        %swap3A_680 = vector.shape_cast %mul3A_675 : vector<16xf32> to vector<1x16xf32>
        tpu.vector_store %arg9[%swap3A_676, %swap3A_677], %swap3A_680 {strides = array<i32>} : memref<128x128xf32, #tpu.memory_space<vmem>>, vector<1x16xf32>,
        %get3A_681 = arith.index_cast %add3A_670 : i32 to index
        %get3A_682 = arith.constant 16 : index
        %get3A_683 = tpu.vector_load %arg9[%get3A_681, %get3A_682] {strides = array<i32>} : memref<128x128xf32, #tpu.memory_space<vmem>>, vector<1x16xf32>,
        %get3A_684 = vector.shape_cast %get3A_683 : vector<1x16xf32> to vector<16xf32>
        %mul3A_685 = arith.mulf %get3A_684, %broadcast_in_dim3A_666 : vector<16xf32>
        %swap3A_686 = arith.index_cast %add3A_670 : i32 to index
        %swap3A_687 = arith.constant 16 : index
        %swap3A_688 = tpu.vector_load %arg9[%swap3A_686, %swap3A_687] {strides = array<i32>} : memref<128x128xf32, #tpu.memory_space<vmem>>, vector<1x16xf32>,
        %swap3A_689 = vector.shape_cast %swap3A_688 : vector<1x16xf32> to vector<16xf32>
        %swap3A_690 = vector.shape_cast %mul3A_685 : vector<16xf32> to vector<1x16xf32>
        tpu.vector_store %arg9[%swap3A_686, %swap3A_687], %swap3A_690 {strides = array<i32>} : memref<128x128xf32, #tpu.memory_space<vmem>>, vector<1x16xf32>,
        %get3A_691 = arith.index_cast %add3A_670 : i32 to index
        %get3A_692 = arith.constant 32 : index
        %get3A_693 = tpu.vector_load %arg9[%get3A_691, %get3A_692] {strides = array<i32>} : memref<128x128xf32, #tpu.memory_space<vmem>>, vector<1x16xf32>,
        %get3A_694 = vector.shape_cast %get3A_693 : vector<1x16xf32> to vector<16xf32>
        %mul3A_695 = arith.mulf %get3A_694, %broadcast_in_dim3A_666 : vector<16xf32>
        %swap3A_696 = arith.index_cast %add3A_670 : i32 to index
        %swap3A_697 = arith.constant 32 : index
        %swap3A_698 = tpu.vector_load %arg9[%swap3A_696, %swap3A_697] {strides = array<i32>} : memref<128x128xf32, #tpu.memory_space<vmem>>, vector<1x16xf32>,
        %swap3A_699 = vector.shape_cast %swap3A_698 : vector<1x16xf32> to vector<16xf32>
        %swap3A_700 = vector.shape_cast %mul3A_695 : vector<16xf32> to vector<1x16xf32>
        tpu.vector_store %arg9[%swap3A_696, %swap3A_697], %swap3A_700 {strides = array<i32>} : memref<128x128xf32, #tpu.memory_space<vmem>>, vector<1x16xf32>,
        %get3A_701 = arith.index_cast %add3A_670 : i32 to index
        %get3A_702 = arith.constant 48 : index
        %get3A_703 = tpu.vector_load %arg9[%get3A_701, %get3A_702] {strides = array<i32>} : memref<128x128xf32, #tpu.memory_space<vmem>>, vector<1x16xf32>,
        %get3A_704 = vector.shape_cast %get3A_703 : vector<1x16xf32> to vector<16xf32>
        %mul3A_705 = arith.mulf %get3A_704, %broadcast_in_dim3A_666 : vector<16xf32>
        %swap3A_706 = arith.index_cast %add3A_670 : i32 to index
        %swap3A_707 = arith.constant 48 : index
        %swap3A_708 = tpu.vector_load %arg9[%swap3A_706, %swap3A_707] {strides = array<i32>} : memref<128x128xf32, #tpu.memory_space<vmem>>, vector<1x16xf32>,
        %swap3A_709 = vector.shape_cast %swap3A_708 : vector<1x16xf32> to vector<16xf32>
        %swap3A_710 = vector.shape_cast %mul3A_705 : vector<16xf32> to vector<1x16xf32>
        tpu.vector_store %arg9[%swap3A_706, %swap3A_707], %swap3A_710 {strides = array<i32>} : memref<128x128xf32, #tpu.memory_space<vmem>>, vector<1x16xf32>,
        %get3A_711 = arith.index_cast %add3A_670 : i32 to index
        %get3A_712 = arith.constant 64 : index
        %get3A_713 = tpu.vector_load %arg9[%get3A_711, %get3A_712] {strides = array<i32>} : memref<128x128xf32, #tpu.memory_space<vmem>>, vector<1x16xf32>,
        %get3A_714 = vector.shape_cast %get3A_713 : vector<1x16xf32> to vector<16xf32>
        %mul3A_715 = arith.mulf %get3A_714, %broadcast_in_dim3A_666 : vector<16xf32>
        %swap3A_716 = arith.index_cast %add3A_670 : i32 to index
        %swap3A_717 = arith.constant 64 : index
        %swap3A_718 = tpu.vector_load %arg9[%swap3A_716, %swap3A_717] {strides = array<i32>} : memref<128x128xf32, #tpu.memory_space<vmem>>, vector<1x16xf32>,
        %swap3A_719 = vector.shape_cast %swap3A_718 : vector<1x16xf32> to vector<16xf32>
        %swap3A_720 = vector.shape_cast %mul3A_715 : vector<16xf32> to vector<1x16xf32>
        tpu.vector_store %arg9[%swap3A_716, %swap3A_717], %swap3A_720 {strides = array<i32>} : memref<128x128xf32, #tpu.memory_space<vmem>>, vector<1x16xf32>,
        %get3A_721 = arith.index_cast %add3A_670 : i32 to index
        %get3A_722 = arith.constant 80 : index
        %get3A_723 = tpu.vector_load %arg9[%get3A_721, %get3A_722] {strides = array<i32>} : memref<128x128xf32, #tpu.memory_space<vmem>>, vector<1x16xf32>,
        %get3A_724 = vector.shape_cast %get3A_723 : vector<1x16xf32> to vector<16xf32>
        %mul3A_725 = arith.mulf %get3A_724, %broadcast_in_dim3A_666 : vector<16xf32>
        %swap3A_726 = arith.index_cast %add3A_670 : i32 to index
        %swap3A_727 = arith.constant 80 : index
        %swap3A_728 = tpu.vector_load %arg9[%swap3A_726, %swap3A_727] {strides = array<i32>} : memref<128x128xf32, #tpu.memory_space<vmem>>, vector<1x16xf32>,
        %swap3A_729 = vector.shape_cast %swap3A_728 : vector<1x16xf32> to vector<16xf32>
        %swap3A_730 = vector.shape_cast %mul3A_725 : vector<16xf32> to vector<1x16xf32>
        tpu.vector_store %arg9[%swap3A_726, %swap3A_727], %swap3A_730 {strides = array<i32>} : memref<128x128xf32, #tpu.memory_space<vmem>>, vector<1x16xf32>,
        %get3A_731 = arith.index_cast %add3A_670 : i32 to index
        %get3A_732 = arith.constant 96 : index
        %get3A_733 = tpu.vector_load %arg9[%get3A_731, %get3A_732] {strides = array<i32>} : memref<128x128xf32, #tpu.memory_space<vmem>>, vector<1x16xf32>,
        %get3A_734 = vector.shape_cast %get3A_733 : vector<1x16xf32> to vector<16xf32>
        %mul3A_735 = arith.mulf %get3A_734, %broadcast_in_dim3A_666 : vector<16xf32>
        %swap3A_736 = arith.index_cast %add3A_670 : i32 to index
        %swap3A_737 = arith.constant 96 : index
        %swap3A_738 = tpu.vector_load %arg9[%swap3A_736, %swap3A_737] {strides = array<i32>} : memref<128x128xf32, #tpu.memory_space<vmem>>, vector<1x16xf32>,
        %swap3A_739 = vector.shape_cast %swap3A_738 : vector<1x16xf32> to vector<16xf32>
        %swap3A_740 = vector.shape_cast %mul3A_735 : vector<16xf32> to vector<1x16xf32>
        tpu.vector_store %arg9[%swap3A_736, %swap3A_737], %swap3A_740 {strides = array<i32>} : memref<128x128xf32, #tpu.memory_space<vmem>>, vector<1x16xf32>,
        %get3A_741 = arith.index_cast %add3A_670 : i32 to index
        %get3A_742 = arith.constant 112 : index
        %get3A_743 = tpu.vector_load %arg9[%get3A_741, %get3A_742] {strides = array<i32>} : memref<128x128xf32, #tpu.memory_space<vmem>>, vector<1x16xf32>,
        %get3A_744 = vector.shape_cast %get3A_743 : vector<1x16xf32> to vector<16xf32>
        %mul3A_745 = arith.mulf %get3A_744, %broadcast_in_dim3A_666 : vector<16xf32>
        %swap3A_746 = arith.index_cast %add3A_670 : i32 to index
        %swap3A_747 = arith.constant 112 : index
        %swap3A_748 = tpu.vector_load %arg9[%swap3A_746, %swap3A_747] {strides = array<i32>} : memref<128x128xf32, #tpu.memory_space<vmem>>, vector<1x16xf32>,
        %swap3A_749 = vector.shape_cast %swap3A_748 : vector<1x16xf32> to vector<16xf32>
        %swap3A_750 = vector.shape_cast %mul3A_745 : vector<16xf32> to vector<1x16xf32>
        tpu.vector_store %arg9[%swap3A_746, %swap3A_747], %swap3A_750 {strides = array<i32>} : memref<128x128xf32, #tpu.memory_space<vmem>>, vector<1x16xf32>,
        %slice3A_751 = vector.extract_strided_slice %get3A_318 {offsets = [5], sizes = [1], strides = [1]} : vector<16xf32> to vector<1xf32>
        %squeeze3A_752 = vector.extract %slice3A_751[0] : f32 from vector<1xf32>
        %broadcast_in_dim3A_753 = vector.broadcast %squeeze3A_752 : f32 to vector<16xf32>
        %mul3A_754 = arith.constant 16 : i32
        %mul3A_755 = arith.muli %scan3A_314, %mul3A_754 : i32
        %add3A_756 = arith.constant 5 : i32
        %add3A_757 = arith.addi %mul3A_755, %add3A_756 : i32
        %get3A_758 = arith.index_cast %add3A_757 : i32 to index
        %get3A_759 = arith.constant 0 : index
        %get3A_760 = tpu.vector_load %arg9[%get3A_758, %get3A_759] {strides = array<i32>} : memref<128x128xf32, #tpu.memory_space<vmem>>, vector<1x16xf32>,
        %get3A_761 = vector.shape_cast %get3A_760 : vector<1x16xf32> to vector<16xf32>
        %mul3A_762 = arith.mulf %get3A_761, %broadcast_in_dim3A_753 : vector<16xf32>
        %swap3A_763 = arith.index_cast %add3A_757 : i32 to index
        %swap3A_764 = arith.constant 0 : index
        %swap3A_765 = tpu.vector_load %arg9[%swap3A_763, %swap3A_764] {strides = array<i32>} : memref<128x128xf32, #tpu.memory_space<vmem>>, vector<1x16xf32>,
        %swap3A_766 = vector.shape_cast %swap3A_765 : vector<1x16xf32> to vector<16xf32>
        %swap3A_767 = vector.shape_cast %mul3A_762 : vector<16xf32> to vector<1x16xf32>
        tpu.vector_store %arg9[%swap3A_763, %swap3A_764], %swap3A_767 {strides = array<i32>} : memref<128x128xf32, #tpu.memory_space<vmem>>, vector<1x16xf32>,
        %get3A_768 = arith.index_cast %add3A_757 : i32 to index
        %get3A_769 = arith.constant 16 : index
        %get3A_770 = tpu.vector_load %arg9[%get3A_768, %get3A_769] {strides = array<i32>} : memref<128x128xf32, #tpu.memory_space<vmem>>, vector<1x16xf32>,
        %get3A_771 = vector.shape_cast %get3A_770 : vector<1x16xf32> to vector<16xf32>
        %mul3A_772 = arith.mulf %get3A_771, %broadcast_in_dim3A_753 : vector<16xf32>
        %swap3A_773 = arith.index_cast %add3A_757 : i32 to index
        %swap3A_774 = arith.constant 16 : index
        %swap3A_775 = tpu.vector_load %arg9[%swap3A_773, %swap3A_774] {strides = array<i32>} : memref<128x128xf32, #tpu.memory_space<vmem>>, vector<1x16xf32>,
        %swap3A_776 = vector.shape_cast %swap3A_775 : vector<1x16xf32> to vector<16xf32>
        %swap3A_777 = vector.shape_cast %mul3A_772 : vector<16xf32> to vector<1x16xf32>
        tpu.vector_store %arg9[%swap3A_773, %swap3A_774], %swap3A_777 {strides = array<i32>} : memref<128x128xf32, #tpu.memory_space<vmem>>, vector<1x16xf32>,
        %get3A_778 = arith.index_cast %add3A_757 : i32 to index
        %get3A_779 = arith.constant 32 : index
        %get3A_780 = tpu.vector_load %arg9[%get3A_778, %get3A_779] {strides = array<i32>} : memref<128x128xf32, #tpu.memory_space<vmem>>, vector<1x16xf32>,
        %get3A_781 = vector.shape_cast %get3A_780 : vector<1x16xf32> to vector<16xf32>
        %mul3A_782 = arith.mulf %get3A_781, %broadcast_in_dim3A_753 : vector<16xf32>
        %swap3A_783 = arith.index_cast %add3A_757 : i32 to index
        %swap3A_784 = arith.constant 32 : index
        %swap3A_785 = tpu.vector_load %arg9[%swap3A_783, %swap3A_784] {strides = array<i32>} : memref<128x128xf32, #tpu.memory_space<vmem>>, vector<1x16xf32>,
        %swap3A_786 = vector.shape_cast %swap3A_785 : vector<1x16xf32> to vector<16xf32>
        %swap3A_787 = vector.shape_cast %mul3A_782 : vector<16xf32> to vector<1x16xf32>
        tpu.vector_store %arg9[%swap3A_783, %swap3A_784], %swap3A_787 {strides = array<i32>} : memref<128x128xf32, #tpu.memory_space<vmem>>, vector<1x16xf32>,
        %get3A_788 = arith.index_cast %add3A_757 : i32 to index
        %get3A_789 = arith.constant 48 : index
        %get3A_790 = tpu.vector_load %arg9[%get3A_788, %get3A_789] {strides = array<i32>} : memref<128x128xf32, #tpu.memory_space<vmem>>, vector<1x16xf32>,
        %get3A_791 = vector.shape_cast %get3A_790 : vector<1x16xf32> to vector<16xf32>
        %mul3A_792 = arith.mulf %get3A_791, %broadcast_in_dim3A_753 : vector<16xf32>
        %swap3A_793 = arith.index_cast %add3A_757 : i32 to index
        %swap3A_794 = arith.constant 48 : index
        %swap3A_795 = tpu.vector_load %arg9[%swap3A_793, %swap3A_794] {strides = array<i32>} : memref<128x128xf32, #tpu.memory_space<vmem>>, vector<1x16xf32>,
        %swap3A_796 = vector.shape_cast %swap3A_795 : vector<1x16xf32> to vector<16xf32>
        %swap3A_797 = vector.shape_cast %mul3A_792 : vector<16xf32> to vector<1x16xf32>
        tpu.vector_store %arg9[%swap3A_793, %swap3A_794], %swap3A_797 {strides = array<i32>} : memref<128x128xf32, #tpu.memory_space<vmem>>, vector<1x16xf32>,
        %get3A_798 = arith.index_cast %add3A_757 : i32 to index
        %get3A_799 = arith.constant 64 : index
        %get3A_800 = tpu.vector_load %arg9[%get3A_798, %get3A_799] {strides = array<i32>} : memref<128x128xf32, #tpu.memory_space<vmem>>, vector<1x16xf32>,
        %get3A_801 = vector.shape_cast %get3A_800 : vector<1x16xf32> to vector<16xf32>
        %mul3A_802 = arith.mulf %get3A_801, %broadcast_in_dim3A_753 : vector<16xf32>
        %swap3A_803 = arith.index_cast %add3A_757 : i32 to index
        %swap3A_804 = arith.constant 64 : index
        %swap3A_805 = tpu.vector_load %arg9[%swap3A_803, %swap3A_804] {strides = array<i32>} : memref<128x128xf32, #tpu.memory_space<vmem>>, vector<1x16xf32>,
        %swap3A_806 = vector.shape_cast %swap3A_805 : vector<1x16xf32> to vector<16xf32>
        %swap3A_807 = vector.shape_cast %mul3A_802 : vector<16xf32> to vector<1x16xf32>
        tpu.vector_store %arg9[%swap3A_803, %swap3A_804], %swap3A_807 {strides = array<i32>} : memref<128x128xf32, #tpu.memory_space<vmem>>, vector<1x16xf32>,
        %get3A_808 = arith.index_cast %add3A_757 : i32 to index
        %get3A_809 = arith.constant 80 : index
        %get3A_810 = tpu.vector_load %arg9[%get3A_808, %get3A_809] {strides = array<i32>} : memref<128x128xf32, #tpu.memory_space<vmem>>, vector<1x16xf32>,
        %get3A_811 = vector.shape_cast %get3A_810 : vector<1x16xf32> to vector<16xf32>
        %mul3A_812 = arith.mulf %get3A_811, %broadcast_in_dim3A_753 : vector<16xf32>
        %swap3A_813 = arith.index_cast %add3A_757 : i32 to index
        %swap3A_814 = arith.constant 80 : index
        %swap3A_815 = tpu.vector_load %arg9[%swap3A_813, %swap3A_814] {strides = array<i32>} : memref<128x128xf32, #tpu.memory_space<vmem>>, vector<1x16xf32>,
        %swap3A_816 = vector.shape_cast %swap3A_815 : vector<1x16xf32> to vector<16xf32>
        %swap3A_817 = vector.shape_cast %mul3A_812 : vector<16xf32> to vector<1x16xf32>
        tpu.vector_store %arg9[%swap3A_813, %swap3A_814], %swap3A_817 {strides = array<i32>} : memref<128x128xf32, #tpu.memory_space<vmem>>, vector<1x16xf32>,
        %get3A_818 = arith.index_cast %add3A_757 : i32 to index
        %get3A_819 = arith.constant 96 : index
        %get3A_820 = tpu.vector_load %arg9[%get3A_818, %get3A_819] {strides = array<i32>} : memref<128x128xf32, #tpu.memory_space<vmem>>, vector<1x16xf32>,
        %get3A_821 = vector.shape_cast %get3A_820 : vector<1x16xf32> to vector<16xf32>
        %mul3A_822 = arith.mulf %get3A_821, %broadcast_in_dim3A_753 : vector<16xf32>
        %swap3A_823 = arith.index_cast %add3A_757 : i32 to index
        %swap3A_824 = arith.constant 96 : index
        %swap3A_825 = tpu.vector_load %arg9[%swap3A_823, %swap3A_824] {strides = array<i32>} : memref<128x128xf32, #tpu.memory_space<vmem>>, vector<1x16xf32>,
        %swap3A_826 = vector.shape_cast %swap3A_825 : vector<1x16xf32> to vector<16xf32>
        %swap3A_827 = vector.shape_cast %mul3A_822 : vector<16xf32> to vector<1x16xf32>
        tpu.vector_store %arg9[%swap3A_823, %swap3A_824], %swap3A_827 {strides = array<i32>} : memref<128x128xf32, #tpu.memory_space<vmem>>, vector<1x16xf32>,
        %get3A_828 = arith.index_cast %add3A_757 : i32 to index
        %get3A_829 = arith.constant 112 : index
        %get3A_830 = tpu.vector_load %arg9[%get3A_828, %get3A_829] {strides = array<i32>} : memref<128x128xf32, #tpu.memory_space<vmem>>, vector<1x16xf32>,
        %get3A_831 = vector.shape_cast %get3A_830 : vector<1x16xf32> to vector<16xf32>
        %mul3A_832 = arith.mulf %get3A_831, %broadcast_in_dim3A_753 : vector<16xf32>
        %swap3A_833 = arith.index_cast %add3A_757 : i32 to index
        %swap3A_834 = arith.constant 112 : index
        %swap3A_835 = tpu.vector_load %arg9[%swap3A_833, %swap3A_834] {strides = array<i32>} : memref<128x128xf32, #tpu.memory_space<vmem>>, vector<1x16xf32>,
        %swap3A_836 = vector.shape_cast %swap3A_835 : vector<1x16xf32> to vector<16xf32>
        %swap3A_837 = vector.shape_cast %mul3A_832 : vector<16xf32> to vector<1x16xf32>
        tpu.vector_store %arg9[%swap3A_833, %swap3A_834], %swap3A_837 {strides = array<i32>} : memref<128x128xf32, #tpu.memory_space<vmem>>, vector<1x16xf32>,
        %slice3A_838 = vector.extract_strided_slice %get3A_318 {offsets = [6], sizes = [1], strides = [1]} : vector<16xf32> to vector<1xf32>
        %squeeze3A_839 = vector.extract %slice3A_838[0] : f32 from vector<1xf32>
        %broadcast_in_dim3A_840 = vector.broadcast %squeeze3A_839 : f32 to vector<16xf32>
        %mul3A_841 = arith.constant 16 : i32
        %mul3A_842 = arith.muli %scan3A_314, %mul3A_841 : i32
        %add3A_843 = arith.constant 6 : i32
        %add3A_844 = arith.addi %mul3A_842, %add3A_843 : i32
        %get3A_845 = arith.index_cast %add3A_844 : i32 to index
        %get3A_846 = arith.constant 0 : index
        %get3A_847 = tpu.vector_load %arg9[%get3A_845, %get3A_846] {strides = array<i32>} : memref<128x128xf32, #tpu.memory_space<vmem>>, vector<1x16xf32>,
        %get3A_848 = vector.shape_cast %get3A_847 : vector<1x16xf32> to vector<16xf32>
        %mul3A_849 = arith.mulf %get3A_848, %broadcast_in_dim3A_840 : vector<16xf32>
        %swap3A_850 = arith.index_cast %add3A_844 : i32 to index
        %swap3A_851 = arith.constant 0 : index
        %swap3A_852 = tpu.vector_load %arg9[%swap3A_850, %swap3A_851] {strides = array<i32>} : memref<128x128xf32, #tpu.memory_space<vmem>>, vector<1x16xf32>,
        %swap3A_853 = vector.shape_cast %swap3A_852 : vector<1x16xf32> to vector<16xf32>
        %swap3A_854 = vector.shape_cast %mul3A_849 : vector<16xf32> to vector<1x16xf32>
        tpu.vector_store %arg9[%swap3A_850, %swap3A_851], %swap3A_854 {strides = array<i32>} : memref<128x128xf32, #tpu.memory_space<vmem>>, vector<1x16xf32>,
        %get3A_855 = arith.index_cast %add3A_844 : i32 to index
        %get3A_856 = arith.constant 16 : index
        %get3A_857 = tpu.vector_load %arg9[%get3A_855, %get3A_856] {strides = array<i32>} : memref<128x128xf32, #tpu.memory_space<vmem>>, vector<1x16xf32>,
        %get3A_858 = vector.shape_cast %get3A_857 : vector<1x16xf32> to vector<16xf32>
        %mul3A_859 = arith.mulf %get3A_858, %broadcast_in_dim3A_840 : vector<16xf32>
        %swap3A_860 = arith.index_cast %add3A_844 : i32 to index
        %swap3A_861 = arith.constant 16 : index
        %swap3A_862 = tpu.vector_load %arg9[%swap3A_860, %swap3A_861] {strides = array<i32>} : memref<128x128xf32, #tpu.memory_space<vmem>>, vector<1x16xf32>,
        %swap3A_863 = vector.shape_cast %swap3A_862 : vector<1x16xf32> to vector<16xf32>
        %swap3A_864 = vector.shape_cast %mul3A_859 : vector<16xf32> to vector<1x16xf32>
        tpu.vector_store %arg9[%swap3A_860, %swap3A_861], %swap3A_864 {strides = array<i32>} : memref<128x128xf32, #tpu.memory_space<vmem>>, vector<1x16xf32>,
        %get3A_865 = arith.index_cast %add3A_844 : i32 to index
        %get3A_866 = arith.constant 32 : index
        %get3A_867 = tpu.vector_load %arg9[%get3A_865, %get3A_866] {strides = array<i32>} : memref<128x128xf32, #tpu.memory_space<vmem>>, vector<1x16xf32>,
        %get3A_868 = vector.shape_cast %get3A_867 : vector<1x16xf32> to vector<16xf32>
        %mul3A_869 = arith.mulf %get3A_868, %broadcast_in_dim3A_840 : vector<16xf32>
        %swap3A_870 = arith.index_cast %add3A_844 : i32 to index
        %swap3A_871 = arith.constant 32 : index
        %swap3A_872 = tpu.vector_load %arg9[%swap3A_870, %swap3A_871] {strides = array<i32>} : memref<128x128xf32, #tpu.memory_space<vmem>>, vector<1x16xf32>,
        %swap3A_873 = vector.shape_cast %swap3A_872 : vector<1x16xf32> to vector<16xf32>
        %swap3A_874 = vector.shape_cast %mul3A_869 : vector<16xf32> to vector<1x16xf32>
        tpu.vector_store %arg9[%swap3A_870, %swap3A_871], %swap3A_874 {strides = array<i32>} : memref<128x128xf32, #tpu.memory_space<vmem>>, vector<1x16xf32>,
        %get3A_875 = arith.index_cast %add3A_844 : i32 to index
        %get3A_876 = arith.constant 48 : index
        %get3A_877 = tpu.vector_load %arg9[%get3A_875, %get3A_876] {strides = array<i32>} : memref<128x128xf32, #tpu.memory_space<vmem>>, vector<1x16xf32>,
        %get3A_878 = vector.shape_cast %get3A_877 : vector<1x16xf32> to vector<16xf32>
        %mul3A_879 = arith.mulf %get3A_878, %broadcast_in_dim3A_840 : vector<16xf32>
        %swap3A_880 = arith.index_cast %add3A_844 : i32 to index
        %swap3A_881 = arith.constant 48 : index
        %swap3A_882 = tpu.vector_load %arg9[%swap3A_880, %swap3A_881] {strides = array<i32>} : memref<128x128xf32, #tpu.memory_space<vmem>>, vector<1x16xf32>,
        %swap3A_883 = vector.shape_cast %swap3A_882 : vector<1x16xf32> to vector<16xf32>
        %swap3A_884 = vector.shape_cast %mul3A_879 : vector<16xf32> to vector<1x16xf32>
        tpu.vector_store %arg9[%swap3A_880, %swap3A_881], %swap3A_884 {strides = array<i32>} : memref<128x128xf32, #tpu.memory_space<vmem>>, vector<1x16xf32>,
        %get3A_885 = arith.index_cast %add3A_844 : i32 to index
        %get3A_886 = arith.constant 64 : index
        %get3A_887 = tpu.vector_load %arg9[%get3A_885, %get3A_886] {strides = array<i32>} : memref<128x128xf32, #tpu.memory_space<vmem>>, vector<1x16xf32>,
        %get3A_888 = vector.shape_cast %get3A_887 : vector<1x16xf32> to vector<16xf32>
        %mul3A_889 = arith.mulf %get3A_888, %broadcast_in_dim3A_840 : vector<16xf32>
        %swap3A_890 = arith.index_cast %add3A_844 : i32 to index
        %swap3A_891 = arith.constant 64 : index
        %swap3A_892 = tpu.vector_load %arg9[%swap3A_890, %swap3A_891] {strides = array<i32>} : memref<128x128xf32, #tpu.memory_space<vmem>>, vector<1x16xf32>,
        %swap3A_893 = vector.shape_cast %swap3A_892 : vector<1x16xf32> to vector<16xf32>
        %swap3A_894 = vector.shape_cast %mul3A_889 : vector<16xf32> to vector<1x16xf32>
        tpu.vector_store %arg9[%swap3A_890, %swap3A_891], %swap3A_894 {strides = array<i32>} : memref<128x128xf32, #tpu.memory_space<vmem>>, vector<1x16xf32>,
        %get3A_895 = arith.index_cast %add3A_844 : i32 to index
        %get3A_896 = arith.constant 80 : index
        %get3A_897 = tpu.vector_load %arg9[%get3A_895, %get3A_896] {strides = array<i32>} : memref<128x128xf32, #tpu.memory_space<vmem>>, vector<1x16xf32>,
        %get3A_898 = vector.shape_cast %get3A_897 : vector<1x16xf32> to vector<16xf32>
        %mul3A_899 = arith.mulf %get3A_898, %broadcast_in_dim3A_840 : vector<16xf32>
        %swap3A_900 = arith.index_cast %add3A_844 : i32 to index
        %swap3A_901 = arith.constant 80 : index
        %swap3A_902 = tpu.vector_load %arg9[%swap3A_900, %swap3A_901] {strides = array<i32>} : memref<128x128xf32, #tpu.memory_space<vmem>>, vector<1x16xf32>,
        %swap3A_903 = vector.shape_cast %swap3A_902 : vector<1x16xf32> to vector<16xf32>
        %swap3A_904 = vector.shape_cast %mul3A_899 : vector<16xf32> to vector<1x16xf32>
        tpu.vector_store %arg9[%swap3A_900, %swap3A_901], %swap3A_904 {strides = array<i32>} : memref<128x128xf32, #tpu.memory_space<vmem>>, vector<1x16xf32>,
        %get3A_905 = arith.index_cast %add3A_844 : i32 to index
        %get3A_906 = arith.constant 96 : index
        %get3A_907 = tpu.vector_load %arg9[%get3A_905, %get3A_906] {strides = array<i32>} : memref<128x128xf32, #tpu.memory_space<vmem>>, vector<1x16xf32>,
        %get3A_908 = vector.shape_cast %get3A_907 : vector<1x16xf32> to vector<16xf32>
        %mul3A_909 = arith.mulf %get3A_908, %broadcast_in_dim3A_840 : vector<16xf32>
        %swap3A_910 = arith.index_cast %add3A_844 : i32 to index
        %swap3A_911 = arith.constant 96 : index
        %swap3A_912 = tpu.vector_load %arg9[%swap3A_910, %swap3A_911] {strides = array<i32>} : memref<128x128xf32, #tpu.memory_space<vmem>>, vector<1x16xf32>,
        %swap3A_913 = vector.shape_cast %swap3A_912 : vector<1x16xf32> to vector<16xf32>
        %swap3A_914 = vector.shape_cast %mul3A_909 : vector<16xf32> to vector<1x16xf32>
        tpu.vector_store %arg9[%swap3A_910, %swap3A_911], %swap3A_914 {strides = array<i32>} : memref<128x128xf32, #tpu.memory_space<vmem>>, vector<1x16xf32>,
        %get3A_915 = arith.index_cast %add3A_844 : i32 to index
        %get3A_916 = arith.constant 112 : index
        %get3A_917 = tpu.vector_load %arg9[%get3A_915, %get3A_916] {strides = array<i32>} : memref<128x128xf32, #tpu.memory_space<vmem>>, vector<1x16xf32>,
        %get3A_918 = vector.shape_cast %get3A_917 : vector<1x16xf32> to vector<16xf32>
        %mul3A_919 = arith.mulf %get3A_918, %broadcast_in_dim3A_840 : vector<16xf32>
        %swap3A_920 = arith.index_cast %add3A_844 : i32 to index
        %swap3A_921 = arith.constant 112 : index
        %swap3A_922 = tpu.vector_load %arg9[%swap3A_920, %swap3A_921] {strides = array<i32>} : memref<128x128xf32, #tpu.memory_space<vmem>>, vector<1x16xf32>,
        %swap3A_923 = vector.shape_cast %swap3A_922 : vector<1x16xf32> to vector<16xf32>
        %swap3A_924 = vector.shape_cast %mul3A_919 : vector<16xf32> to vector<1x16xf32>
        tpu.vector_store %arg9[%swap3A_920, %swap3A_921], %swap3A_924 {strides = array<i32>} : memref<128x128xf32, #tpu.memory_space<vmem>>, vector<1x16xf32>,
        %slice3A_925 = vector.extract_strided_slice %get3A_318 {offsets = [7], sizes = [1], strides = [1]} : vector<16xf32> to vector<1xf32>
        %squeeze3A_926 = vector.extract %slice3A_925[0] : f32 from vector<1xf32>
        %broadcast_in_dim3A_927 = vector.broadcast %squeeze3A_926 : f32 to vector<16xf32>
        %mul3A_928 = arith.constant 16 : i32
        %mul3A_929 = arith.muli %scan3A_314, %mul3A_928 : i32
        %add3A_930 = arith.constant 7 : i32
        %add3A_931 = arith.addi %mul3A_929, %add3A_930 : i32
        %get3A_932 = arith.index_cast %add3A_931 : i32 to index
        %get3A_933 = arith.constant 0 : index
        %get3A_934 = tpu.vector_load %arg9[%get3A_932, %get3A_933] {strides = array<i32>} : memref<128x128xf32, #tpu.memory_space<vmem>>, vector<1x16xf32>,
        %get3A_935 = vector.shape_cast %get3A_934 : vector<1x16xf32> to vector<16xf32>
        %mul3A_936 = arith.mulf %get3A_935, %broadcast_in_dim3A_927 : vector<16xf32>
        %swap3A_937 = arith.index_cast %add3A_931 : i32 to index
        %swap3A_938 = arith.constant 0 : index
        %swap3A_939 = tpu.vector_load %arg9[%swap3A_937, %swap3A_938] {strides = array<i32>} : memref<128x128xf32, #tpu.memory_space<vmem>>, vector<1x16xf32>,
        %swap3A_940 = vector.shape_cast %swap3A_939 : vector<1x16xf32> to vector<16xf32>
        %swap3A_941 = vector.shape_cast %mul3A_936 : vector<16xf32> to vector<1x16xf32>
        tpu.vector_store %arg9[%swap3A_937, %swap3A_938], %swap3A_941 {strides = array<i32>} : memref<128x128xf32, #tpu.memory_space<vmem>>, vector<1x16xf32>,
        %get3A_942 = arith.index_cast %add3A_931 : i32 to index
        %get3A_943 = arith.constant 16 : index
        %get3A_944 = tpu.vector_load %arg9[%get3A_942, %get3A_943] {strides = array<i32>} : memref<128x128xf32, #tpu.memory_space<vmem>>, vector<1x16xf32>,
        %get3A_945 = vector.shape_cast %get3A_944 : vector<1x16xf32> to vector<16xf32>
        %mul3A_946 = arith.mulf %get3A_945, %broadcast_in_dim3A_927 : vector<16xf32>
        %swap3A_947 = arith.index_cast %add3A_931 : i32 to index
        %swap3A_948 = arith.constant 16 : index
        %swap3A_949 = tpu.vector_load %arg9[%swap3A_947, %swap3A_948] {strides = array<i32>} : memref<128x128xf32, #tpu.memory_space<vmem>>, vector<1x16xf32>,
        %swap3A_950 = vector.shape_cast %swap3A_949 : vector<1x16xf32> to vector<16xf32>
        %swap3A_951 = vector.shape_cast %mul3A_946 : vector<16xf32> to vector<1x16xf32>
        tpu.vector_store %arg9[%swap3A_947, %swap3A_948], %swap3A_951 {strides = array<i32>} : memref<128x128xf32, #tpu.memory_space<vmem>>, vector<1x16xf32>,
        %get3A_952 = arith.index_cast %add3A_931 : i32 to index
        %get3A_953 = arith.constant 32 : index
        %get3A_954 = tpu.vector_load %arg9[%get3A_952, %get3A_953] {strides = array<i32>} : memref<128x128xf32, #tpu.memory_space<vmem>>, vector<1x16xf32>,
        %get3A_955 = vector.shape_cast %get3A_954 : vector<1x16xf32> to vector<16xf32>
        %mul3A_956 = arith.mulf %get3A_955, %broadcast_in_dim3A_927 : vector<16xf32>
        %swap3A_957 = arith.index_cast %add3A_931 : i32 to index
        %swap3A_958 = arith.constant 32 : index
        %swap3A_959 = tpu.vector_load %arg9[%swap3A_957, %swap3A_958] {strides = array<i32>} : memref<128x128xf32, #tpu.memory_space<vmem>>, vector<1x16xf32>,
        %swap3A_960 = vector.shape_cast %swap3A_959 : vector<1x16xf32> to vector<16xf32>
        %swap3A_961 = vector.shape_cast %mul3A_956 : vector<16xf32> to vector<1x16xf32>
        tpu.vector_store %arg9[%swap3A_957, %swap3A_958], %swap3A_961 {strides = array<i32>} : memref<128x128xf32, #tpu.memory_space<vmem>>, vector<1x16xf32>,
        %get3A_962 = arith.index_cast %add3A_931 : i32 to index
        %get3A_963 = arith.constant 48 : index
        %get3A_964 = tpu.vector_load %arg9[%get3A_962, %get3A_963] {strides = array<i32>} : memref<128x128xf32, #tpu.memory_space<vmem>>, vector<1x16xf32>,
        %get3A_965 = vector.shape_cast %get3A_964 : vector<1x16xf32> to vector<16xf32>
        %mul3A_966 = arith.mulf %get3A_965, %broadcast_in_dim3A_927 : vector<16xf32>
        %swap3A_967 = arith.index_cast %add3A_931 : i32 to index
        %swap3A_968 = arith.constant 48 : index
        %swap3A_969 = tpu.vector_load %arg9[%swap3A_967, %swap3A_968] {strides = array<i32>} : memref<128x128xf32, #tpu.memory_space<vmem>>, vector<1x16xf32>,
        %swap3A_970 = vector.shape_cast %swap3A_969 : vector<1x16xf32> to vector<16xf32>
        %swap3A_971 = vector.shape_cast %mul3A_966 : vector<16xf32> to vector<1x16xf32>
        tpu.vector_store %arg9[%swap3A_967, %swap3A_968], %swap3A_971 {strides = array<i32>} : memref<128x128xf32, #tpu.memory_space<vmem>>, vector<1x16xf32>,
        %get3A_972 = arith.index_cast %add3A_931 : i32 to index
        %get3A_973 = arith.constant 64 : index
        %get3A_974 = tpu.vector_load %arg9[%get3A_972, %get3A_973] {strides = array<i32>} : memref<128x128xf32, #tpu.memory_space<vmem>>, vector<1x16xf32>,
        %get3A_975 = vector.shape_cast %get3A_974 : vector<1x16xf32> to vector<16xf32>
        %mul3A_976 = arith.mulf %get3A_975, %broadcast_in_dim3A_927 : vector<16xf32>
        %swap3A_977 = arith.index_cast %add3A_931 : i32 to index
        %swap3A_978 = arith.constant 64 : index
        %swap3A_979 = tpu.vector_load %arg9[%swap3A_977, %swap3A_978] {strides = array<i32>} : memref<128x128xf32, #tpu.memory_space<vmem>>, vector<1x16xf32>,
        %swap3A_980 = vector.shape_cast %swap3A_979 : vector<1x16xf32> to vector<16xf32>
        %swap3A_981 = vector.shape_cast %mul3A_976 : vector<16xf32> to vector<1x16xf32>
        tpu.vector_store %arg9[%swap3A_977, %swap3A_978], %swap3A_981 {strides = array<i32>} : memref<128x128xf32, #tpu.memory_space<vmem>>, vector<1x16xf32>,
        %get3A_982 = arith.index_cast %add3A_931 : i32 to index
        %get3A_983 = arith.constant 80 : index
        %get3A_984 = tpu.vector_load %arg9[%get3A_982, %get3A_983] {strides = array<i32>} : memref<128x128xf32, #tpu.memory_space<vmem>>, vector<1x16xf32>,
        %get3A_985 = vector.shape_cast %get3A_984 : vector<1x16xf32> to vector<16xf32>
        %mul3A_986 = arith.mulf %get3A_985, %broadcast_in_dim3A_927 : vector<16xf32>
        %swap3A_987 = arith.index_cast %add3A_931 : i32 to index
        %swap3A_988 = arith.constant 80 : index
        %swap3A_989 = tpu.vector_load %arg9[%swap3A_987, %swap3A_988] {strides = array<i32>} : memref<128x128xf32, #tpu.memory_space<vmem>>, vector<1x16xf32>,
        %swap3A_990 = vector.shape_cast %swap3A_989 : vector<1x16xf32> to vector<16xf32>
        %swap3A_991 = vector.shape_cast %mul3A_986 : vector<16xf32> to vector<1x16xf32>
        tpu.vector_store %arg9[%swap3A_987, %swap3A_988], %swap3A_991 {strides = array<i32>} : memref<128x128xf32, #tpu.memory_space<vmem>>, vector<1x16xf32>,
        %get3A_992 = arith.index_cast %add3A_931 : i32 to index
        %get3A_993 = arith.constant 96 : index
        %get3A_994 = tpu.vector_load %arg9[%get3A_992, %get3A_993] {strides = array<i32>} : memref<128x128xf32, #tpu.memory_space<vmem>>, vector<1x16xf32>,
        %get3A_995 = vector.shape_cast %get3A_994 : vector<1x16xf32> to vector<16xf32>
        %mul3A_996 = arith.mulf %get3A_995, %broadcast_in_dim3A_927 : vector<16xf32>
        %swap3A_997 = arith.index_cast %add3A_931 : i32 to index
        %swap3A_998 = arith.constant 96 : index
        %swap3A_999 = tpu.vector_load %arg9[%swap3A_997, %swap3A_998] {strides = array<i32>} : memref<128x128xf32, #tpu.memory_space<vmem>>, vector<1x16xf32>,
        %swap3A_1000 = vector.shape_cast %swap3A_999 : vector<1x16xf32> to vector<16xf32>
        %swap3A_1001 = vector.shape_cast %mul3A_996 : vector<16xf32> to vector<1x16xf32>
        tpu.vector_store %arg9[%swap3A_997, %swap3A_998], %swap3A_1001 {strides = array<i32>} : memref<128x128xf32, #tpu.memory_space<vmem>>, vector<1x16xf32>,
        %get3A_1002 = arith.index_cast %add3A_931 : i32 to index
        %get3A_1003 = arith.constant 112 : index
        %get3A_1004 = tpu.vector_load %arg9[%get3A_1002, %get3A_1003] {strides = array<i32>} : memref<128x128xf32, #tpu.memory_space<vmem>>, vector<1x16xf32>,
        %get3A_1005 = vector.shape_cast %get3A_1004 : vector<1x16xf32> to vector<16xf32>
        %mul3A_1006 = arith.mulf %get3A_1005, %broadcast_in_dim3A_927 : vector<16xf32>
        %swap3A_1007 = arith.index_cast %add3A_931 : i32 to index
        %swap3A_1008 = arith.constant 112 : index
        %swap3A_1009 = tpu.vector_load %arg9[%swap3A_1007, %swap3A_1008] {strides = array<i32>} : memref<128x128xf32, #tpu.memory_space<vmem>>, vector<1x16xf32>,
        %swap3A_1010 = vector.shape_cast %swap3A_1009 : vector<1x16xf32> to vector<16xf32>
        %swap3A_1011 = vector.shape_cast %mul3A_1006 : vector<16xf32> to vector<1x16xf32>
        tpu.vector_store %arg9[%swap3A_1007, %swap3A_1008], %swap3A_1011 {strides = array<i32>} : memref<128x128xf32, #tpu.memory_space<vmem>>, vector<1x16xf32>,
        %slice3A_1012 = vector.extract_strided_slice %get3A_318 {offsets = [8], sizes = [1], strides = [1]} : vector<16xf32> to vector<1xf32>
        %squeeze3A_1013 = vector.extract %slice3A_1012[0] : f32 from vector<1xf32>
        %broadcast_in_dim3A_1014 = vector.broadcast %squeeze3A_1013 : f32 to vector<16xf32>
        %mul3A_1015 = arith.constant 16 : i32
        %mul3A_1016 = arith.muli %scan3A_314, %mul3A_1015 : i32
        %add3A_1017 = arith.constant 8 : i32
        %add3A_1018 = arith.addi %mul3A_1016, %add3A_1017 : i32
        %get3A_1019 = arith.index_cast %add3A_1018 : i32 to index
        %get3A_1020 = arith.constant 0 : index
        %get3A_1021 = tpu.vector_load %arg9[%get3A_1019, %get3A_1020] {strides = array<i32>} : memref<128x128xf32, #tpu.memory_space<vmem>>, vector<1x16xf32>,
        %get3A_1022 = vector.shape_cast %get3A_1021 : vector<1x16xf32> to vector<16xf32>
        %mul3A_1023 = arith.mulf %get3A_1022, %broadcast_in_dim3A_1014 : vector<16xf32>
        %swap3A_1024 = arith.index_cast %add3A_1018 : i32 to index
        %swap3A_1025 = arith.constant 0 : index
        %swap3A_1026 = tpu.vector_load %arg9[%swap3A_1024, %swap3A_1025] {strides = array<i32>} : memref<128x128xf32, #tpu.memory_space<vmem>>, vector<1x16xf32>,
        %swap3A_1027 = vector.shape_cast %swap3A_1026 : vector<1x16xf32> to vector<16xf32>
        %swap3A_1028 = vector.shape_cast %mul3A_1023 : vector<16xf32> to vector<1x16xf32>
        tpu.vector_store %arg9[%swap3A_1024, %swap3A_1025], %swap3A_1028 {strides = array<i32>} : memref<128x128xf32, #tpu.memory_space<vmem>>, vector<1x16xf32>,
        %get3A_1029 = arith.index_cast %add3A_1018 : i32 to index
        %get3A_1030 = arith.constant 16 : index
        %get3A_1031 = tpu.vector_load %arg9[%get3A_1029, %get3A_1030] {strides = array<i32>} : memref<128x128xf32, #tpu.memory_space<vmem>>, vector<1x16xf32>,
        %get3A_1032 = vector.shape_cast %get3A_1031 : vector<1x16xf32> to vector<16xf32>
        %mul3A_1033 = arith.mulf %get3A_1032, %broadcast_in_dim3A_1014 : vector<16xf32>
        %swap3A_1034 = arith.index_cast %add3A_1018 : i32 to index
        %swap3A_1035 = arith.constant 16 : index
        %swap3A_1036 = tpu.vector_load %arg9[%swap3A_1034, %swap3A_1035] {strides = array<i32>} : memref<128x128xf32, #tpu.memory_space<vmem>>, vector<1x16xf32>,
        %swap3A_1037 = vector.shape_cast %swap3A_1036 : vector<1x16xf32> to vector<16xf32>
        %swap3A_1038 = vector.shape_cast %mul3A_1033 : vector<16xf32> to vector<1x16xf32>
        tpu.vector_store %arg9[%swap3A_1034, %swap3A_1035], %swap3A_1038 {strides = array<i32>} : memref<128x128xf32, #tpu.memory_space<vmem>>, vector<1x16xf32>,
        %get3A_1039 = arith.index_cast %add3A_1018 : i32 to index
        %get3A_1040 = arith.constant 32 : index
        %get3A_1041 = tpu.vector_load %arg9[%get3A_1039, %get3A_1040] {strides = array<i32>} : memref<128x128xf32, #tpu.memory_space<vmem>>, vector<1x16xf32>,
        %get3A_1042 = vector.shape_cast %get3A_1041 : vector<1x16xf32> to vector<16xf32>
        %mul3A_1043 = arith.mulf %get3A_1042, %broadcast_in_dim3A_1014 : vector<16xf32>
        %swap3A_1044 = arith.index_cast %add3A_1018 : i32 to index
        %swap3A_1045 = arith.constant 32 : index
        %swap3A_1046 = tpu.vector_load %arg9[%swap3A_1044, %swap3A_1045] {strides = array<i32>} : memref<128x128xf32, #tpu.memory_space<vmem>>, vector<1x16xf32>,
        %swap3A_1047 = vector.shape_cast %swap3A_1046 : vector<1x16xf32> to vector<16xf32>
        %swap3A_1048 = vector.shape_cast %mul3A_1043 : vector<16xf32> to vector<1x16xf32>
        tpu.vector_store %arg9[%swap3A_1044, %swap3A_1045], %swap3A_1048 {strides = array<i32>} : memref<128x128xf32, #tpu.memory_space<vmem>>, vector<1x16xf32>,
        %get3A_1049 = arith.index_cast %add3A_1018 : i32 to index
        %get3A_1050 = arith.constant 48 : index
        %get3A_1051 = tpu.vector_load %arg9[%get3A_1049, %get3A_1050] {strides = array<i32>} : memref<128x128xf32, #tpu.memory_space<vmem>>, vector<1x16xf32>,
        %get3A_1052 = vector.shape_cast %get3A_1051 : vector<1x16xf32> to vector<16xf32>
        %mul3A_1053 = arith.mulf %get3A_1052, %broadcast_in_dim3A_1014 : vector<16xf32>
        %swap3A_1054 = arith.index_cast %add3A_1018 : i32 to index
        %swap3A_1055 = arith.constant 48 : index
        %swap3A_1056 = tpu.vector_load %arg9[%swap3A_1054, %swap3A_1055] {strides = array<i32>} : memref<128x128xf32, #tpu.memory_space<vmem>>, vector<1x16xf32>,
        %swap3A_1057 = vector.shape_cast %swap3A_1056 : vector<1x16xf32> to vector<16xf32>
        %swap3A_1058 = vector.shape_cast %mul3A_1053 : vector<16xf32> to vector<1x16xf32>
        tpu.vector_store %arg9[%swap3A_1054, %swap3A_1055], %swap3A_1058 {strides = array<i32>} : memref<128x128xf32, #tpu.memory_space<vmem>>, vector<1x16xf32>,
        %get3A_1059 = arith.index_cast %add3A_1018 : i32 to index
        %get3A_1060 = arith.constant 64 : index
        %get3A_1061 = tpu.vector_load %arg9[%get3A_1059, %get3A_1060] {strides = array<i32>} : memref<128x128xf32, #tpu.memory_space<vmem>>, vector<1x16xf32>,
        %get3A_1062 = vector.shape_cast %get3A_1061 : vector<1x16xf32> to vector<16xf32>
        %mul3A_1063 = arith.mulf %get3A_1062, %broadcast_in_dim3A_1014 : vector<16xf32>
        %swap3A_1064 = arith.index_cast %add3A_1018 : i32 to index
        %swap3A_1065 = arith.constant 64 : index
        %swap3A_1066 = tpu.vector_load %arg9[%swap3A_1064, %swap3A_1065] {strides = array<i32>} : memref<128x128xf32, #tpu.memory_space<vmem>>, vector<1x16xf32>,
        %swap3A_1067 = vector.shape_cast %swap3A_1066 : vector<1x16xf32> to vector<16xf32>
        %swap3A_1068 = vector.shape_cast %mul3A_1063 : vector<16xf32> to vector<1x16xf32>
        tpu.vector_store %arg9[%swap3A_1064, %swap3A_1065], %swap3A_1068 {strides = array<i32>} : memref<128x128xf32, #tpu.memory_space<vmem>>, vector<1x16xf32>,
        %get3A_1069 = arith.index_cast %add3A_1018 : i32 to index
        %get3A_1070 = arith.constant 80 : index
        %get3A_1071 = tpu.vector_load %arg9[%get3A_1069, %get3A_1070] {strides = array<i32>} : memref<128x128xf32, #tpu.memory_space<vmem>>, vector<1x16xf32>,
        %get3A_1072 = vector.shape_cast %get3A_1071 : vector<1x16xf32> to vector<16xf32>
        %mul3A_1073 = arith.mulf %get3A_1072, %broadcast_in_dim3A_1014 : vector<16xf32>
        %swap3A_1074 = arith.index_cast %add3A_1018 : i32 to index
        %swap3A_1075 = arith.constant 80 : index
        %swap3A_1076 = tpu.vector_load %arg9[%swap3A_1074, %swap3A_1075] {strides = array<i32>} : memref<128x128xf32, #tpu.memory_space<vmem>>, vector<1x16xf32>,
        %swap3A_1077 = vector.shape_cast %swap3A_1076 : vector<1x16xf32> to vector<16xf32>
        %swap3A_1078 = vector.shape_cast %mul3A_1073 : vector<16xf32> to vector<1x16xf32>
        tpu.vector_store %arg9[%swap3A_1074, %swap3A_1075], %swap3A_1078 {strides = array<i32>} : memref<128x128xf32, #tpu.memory_space<vmem>>, vector<1x16xf32>,
        %get3A_1079 = arith.index_cast %add3A_1018 : i32 to index
        %get3A_1080 = arith.constant 96 : index
        %get3A_1081 = tpu.vector_load %arg9[%get3A_1079, %get3A_1080] {strides = array<i32>} : memref<128x128xf32, #tpu.memory_space<vmem>>, vector<1x16xf32>,
        %get3A_1082 = vector.shape_cast %get3A_1081 : vector<1x16xf32> to vector<16xf32>
        %mul3A_1083 = arith.mulf %get3A_1082, %broadcast_in_dim3A_1014 : vector<16xf32>
        %swap3A_1084 = arith.index_cast %add3A_1018 : i32 to index
        %swap3A_1085 = arith.constant 96 : index
        %swap3A_1086 = tpu.vector_load %arg9[%swap3A_1084, %swap3A_1085] {strides = array<i32>} : memref<128x128xf32, #tpu.memory_space<vmem>>, vector<1x16xf32>,
        %swap3A_1087 = vector.shape_cast %swap3A_1086 : vector<1x16xf32> to vector<16xf32>
        %swap3A_1088 = vector.shape_cast %mul3A_1083 : vector<16xf32> to vector<1x16xf32>
        tpu.vector_store %arg9[%swap3A_1084, %swap3A_1085], %swap3A_1088 {strides = array<i32>} : memref<128x128xf32, #tpu.memory_space<vmem>>, vector<1x16xf32>,
        %get3A_1089 = arith.index_cast %add3A_1018 : i32 to index
        %get3A_1090 = arith.constant 112 : index
        %get3A_1091 = tpu.vector_load %arg9[%get3A_1089, %get3A_1090] {strides = array<i32>} : memref<128x128xf32, #tpu.memory_space<vmem>>, vector<1x16xf32>,
        %get3A_1092 = vector.shape_cast %get3A_1091 : vector<1x16xf32> to vector<16xf32>
        %mul3A_1093 = arith.mulf %get3A_1092, %broadcast_in_dim3A_1014 : vector<16xf32>
        %swap3A_1094 = arith.index_cast %add3A_1018 : i32 to index
        %swap3A_1095 = arith.constant 112 : index
        %swap3A_1096 = tpu.vector_load %arg9[%swap3A_1094, %swap3A_1095] {strides = array<i32>} : memref<128x128xf32, #tpu.memory_space<vmem>>, vector<1x16xf32>,
        %swap3A_1097 = vector.shape_cast %swap3A_1096 : vector<1x16xf32> to vector<16xf32>
        %swap3A_1098 = vector.shape_cast %mul3A_1093 : vector<16xf32> to vector<1x16xf32>
        tpu.vector_store %arg9[%swap3A_1094, %swap3A_1095], %swap3A_1098 {strides = array<i32>} : memref<128x128xf32, #tpu.memory_space<vmem>>, vector<1x16xf32>,
        %slice3A_1099 = vector.extract_strided_slice %get3A_318 {offsets = [9], sizes = [1], strides = [1]} : vector<16xf32> to vector<1xf32>
        %squeeze3A_1100 = vector.extract %slice3A_1099[0] : f32 from vector<1xf32>
        %broadcast_in_dim3A_1101 = vector.broadcast %squeeze3A_1100 : f32 to vector<16xf32>
        %mul3A_1102 = arith.constant 16 : i32
        %mul3A_1103 = arith.muli %scan3A_314, %mul3A_1102 : i32
        %add3A_1104 = arith.constant 9 : i32
        %add3A_1105 = arith.addi %mul3A_1103, %add3A_1104 : i32
        %get3A_1106 = arith.index_cast %add3A_1105 : i32 to index
        %get3A_1107 = arith.constant 0 : index
        %get3A_1108 = tpu.vector_load %arg9[%get3A_1106, %get3A_1107] {strides = array<i32>} : memref<128x128xf32, #tpu.memory_space<vmem>>, vector<1x16xf32>,
        %get3A_1109 = vector.shape_cast %get3A_1108 : vector<1x16xf32> to vector<16xf32>
        %mul3A_1110 = arith.mulf %get3A_1109, %broadcast_in_dim3A_1101 : vector<16xf32>
        %swap3A_1111 = arith.index_cast %add3A_1105 : i32 to index
        %swap3A_1112 = arith.constant 0 : index
        %swap3A_1113 = tpu.vector_load %arg9[%swap3A_1111, %swap3A_1112] {strides = array<i32>} : memref<128x128xf32, #tpu.memory_space<vmem>>, vector<1x16xf32>,
        %swap3A_1114 = vector.shape_cast %swap3A_1113 : vector<1x16xf32> to vector<16xf32>
        %swap3A_1115 = vector.shape_cast %mul3A_1110 : vector<16xf32> to vector<1x16xf32>
        tpu.vector_store %arg9[%swap3A_1111, %swap3A_1112], %swap3A_1115 {strides = array<i32>} : memref<128x128xf32, #tpu.memory_space<vmem>>, vector<1x16xf32>,
        %get3A_1116 = arith.index_cast %add3A_1105 : i32 to index
        %get3A_1117 = arith.constant 16 : index
        %get3A_1118 = tpu.vector_load %arg9[%get3A_1116, %get3A_1117] {strides = array<i32>} : memref<128x128xf32, #tpu.memory_space<vmem>>, vector<1x16xf32>,
        %get3A_1119 = vector.shape_cast %get3A_1118 : vector<1x16xf32> to vector<16xf32>
        %mul3A_1120 = arith.mulf %get3A_1119, %broadcast_in_dim3A_1101 : vector<16xf32>
        %swap3A_1121 = arith.index_cast %add3A_1105 : i32 to index
        %swap3A_1122 = arith.constant 16 : index
        %swap3A_1123 = tpu.vector_load %arg9[%swap3A_1121, %swap3A_1122] {strides = array<i32>} : memref<128x128xf32, #tpu.memory_space<vmem>>, vector<1x16xf32>,
        %swap3A_1124 = vector.shape_cast %swap3A_1123 : vector<1x16xf32> to vector<16xf32>
        %swap3A_1125 = vector.shape_cast %mul3A_1120 : vector<16xf32> to vector<1x16xf32>
        tpu.vector_store %arg9[%swap3A_1121, %swap3A_1122], %swap3A_1125 {strides = array<i32>} : memref<128x128xf32, #tpu.memory_space<vmem>>, vector<1x16xf32>,
        %get3A_1126 = arith.index_cast %add3A_1105 : i32 to index
        %get3A_1127 = arith.constant 32 : index
        %get3A_1128 = tpu.vector_load %arg9[%get3A_1126, %get3A_1127] {strides = array<i32>} : memref<128x128xf32, #tpu.memory_space<vmem>>, vector<1x16xf32>,
        %get3A_1129 = vector.shape_cast %get3A_1128 : vector<1x16xf32> to vector<16xf32>
        %mul3A_1130 = arith.mulf %get3A_1129, %broadcast_in_dim3A_1101 : vector<16xf32>
        %swap3A_1131 = arith.index_cast %add3A_1105 : i32 to index
        %swap3A_1132 = arith.constant 32 : index
        %swap3A_1133 = tpu.vector_load %arg9[%swap3A_1131, %swap3A_1132] {strides = array<i32>} : memref<128x128xf32, #tpu.memory_space<vmem>>, vector<1x16xf32>,
        %swap3A_1134 = vector.shape_cast %swap3A_1133 : vector<1x16xf32> to vector<16xf32>
        %swap3A_1135 = vector.shape_cast %mul3A_1130 : vector<16xf32> to vector<1x16xf32>
        tpu.vector_store %arg9[%swap3A_1131, %swap3A_1132], %swap3A_1135 {strides = array<i32>} : memref<128x128xf32, #tpu.memory_space<vmem>>, vector<1x16xf32>,
        %get3A_1136 = arith.index_cast %add3A_1105 : i32 to index
        %get3A_1137 = arith.constant 48 : index
        %get3A_1138 = tpu.vector_load %arg9[%get3A_1136, %get3A_1137] {strides = array<i32>} : memref<128x128xf32, #tpu.memory_space<vmem>>, vector<1x16xf32>,
        %get3A_1139 = vector.shape_cast %get3A_1138 : vector<1x16xf32> to vector<16xf32>
        %mul3A_1140 = arith.mulf %get3A_1139, %broadcast_in_dim3A_1101 : vector<16xf32>
        %swap3A_1141 = arith.index_cast %add3A_1105 : i32 to index
        %swap3A_1142 = arith.constant 48 : index
        %swap3A_1143 = tpu.vector_load %arg9[%swap3A_1141, %swap3A_1142] {strides = array<i32>} : memref<128x128xf32, #tpu.memory_space<vmem>>, vector<1x16xf32>,
        %swap3A_1144 = vector.shape_cast %swap3A_1143 : vector<1x16xf32> to vector<16xf32>
        %swap3A_1145 = vector.shape_cast %mul3A_1140 : vector<16xf32> to vector<1x16xf32>
        tpu.vector_store %arg9[%swap3A_1141, %swap3A_1142], %swap3A_1145 {strides = array<i32>} : memref<128x128xf32, #tpu.memory_space<vmem>>, vector<1x16xf32>,
        %get3A_1146 = arith.index_cast %add3A_1105 : i32 to index
        %get3A_1147 = arith.constant 64 : index
        %get3A_1148 = tpu.vector_load %arg9[%get3A_1146, %get3A_1147] {strides = array<i32>} : memref<128x128xf32, #tpu.memory_space<vmem>>, vector<1x16xf32>,
        %get3A_1149 = vector.shape_cast %get3A_1148 : vector<1x16xf32> to vector<16xf32>
        %mul3A_1150 = arith.mulf %get3A_1149, %broadcast_in_dim3A_1101 : vector<16xf32>
        %swap3A_1151 = arith.index_cast %add3A_1105 : i32 to index
        %swap3A_1152 = arith.constant 64 : index
        %swap3A_1153 = tpu.vector_load %arg9[%swap3A_1151, %swap3A_1152] {strides = array<i32>} : memref<128x128xf32, #tpu.memory_space<vmem>>, vector<1x16xf32>,
        %swap3A_1154 = vector.shape_cast %swap3A_1153 : vector<1x16xf32> to vector<16xf32>
        %swap3A_1155 = vector.shape_cast %mul3A_1150 : vector<16xf32> to vector<1x16xf32>
        tpu.vector_store %arg9[%swap3A_1151, %swap3A_1152], %swap3A_1155 {strides = array<i32>} : memref<128x128xf32, #tpu.memory_space<vmem>>, vector<1x16xf32>,
        %get3A_1156 = arith.index_cast %add3A_1105 : i32 to index
        %get3A_1157 = arith.constant 80 : index
        %get3A_1158 = tpu.vector_load %arg9[%get3A_1156, %get3A_1157] {strides = array<i32>} : memref<128x128xf32, #tpu.memory_space<vmem>>, vector<1x16xf32>,
        %get3A_1159 = vector.shape_cast %get3A_1158 : vector<1x16xf32> to vector<16xf32>
        %mul3A_1160 = arith.mulf %get3A_1159, %broadcast_in_dim3A_1101 : vector<16xf32>
        %swap3A_1161 = arith.index_cast %add3A_1105 : i32 to index
        %swap3A_1162 = arith.constant 80 : index
        %swap3A_1163 = tpu.vector_load %arg9[%swap3A_1161, %swap3A_1162] {strides = array<i32>} : memref<128x128xf32, #tpu.memory_space<vmem>>, vector<1x16xf32>,
        %swap3A_1164 = vector.shape_cast %swap3A_1163 : vector<1x16xf32> to vector<16xf32>
        %swap3A_1165 = vector.shape_cast %mul3A_1160 : vector<16xf32> to vector<1x16xf32>
        tpu.vector_store %arg9[%swap3A_1161, %swap3A_1162], %swap3A_1165 {strides = array<i32>} : memref<128x128xf32, #tpu.memory_space<vmem>>, vector<1x16xf32>,
        %get3A_1166 = arith.index_cast %add3A_1105 : i32 to index
        %get3A_1167 = arith.constant 96 : index
        %get3A_1168 = tpu.vector_load %arg9[%get3A_1166, %get3A_1167] {strides = array<i32>} : memref<128x128xf32, #tpu.memory_space<vmem>>, vector<1x16xf32>,
        %get3A_1169 = vector.shape_cast %get3A_1168 : vector<1x16xf32> to vector<16xf32>
        %mul3A_1170 = arith.mulf %get3A_1169, %broadcast_in_dim3A_1101 : vector<16xf32>
        %swap3A_1171 = arith.index_cast %add3A_1105 : i32 to index
        %swap3A_1172 = arith.constant 96 : index
        %swap3A_1173 = tpu.vector_load %arg9[%swap3A_1171, %swap3A_1172] {strides = array<i32>} : memref<128x128xf32, #tpu.memory_space<vmem>>, vector<1x16xf32>,
        %swap3A_1174 = vector.shape_cast %swap3A_1173 : vector<1x16xf32> to vector<16xf32>
        %swap3A_1175 = vector.shape_cast %mul3A_1170 : vector<16xf32> to vector<1x16xf32>
        tpu.vector_store %arg9[%swap3A_1171, %swap3A_1172], %swap3A_1175 {strides = array<i32>} : memref<128x128xf32, #tpu.memory_space<vmem>>, vector<1x16xf32>,
        %get3A_1176 = arith.index_cast %add3A_1105 : i32 to index
        %get3A_1177 = arith.constant 112 : index
        %get3A_1178 = tpu.vector_load %arg9[%get3A_1176, %get3A_1177] {strides = array<i32>} : memref<128x128xf32, #tpu.memory_space<vmem>>, vector<1x16xf32>,
        %get3A_1179 = vector.shape_cast %get3A_1178 : vector<1x16xf32> to vector<16xf32>
        %mul3A_1180 = arith.mulf %get3A_1179, %broadcast_in_dim3A_1101 : vector<16xf32>
        %swap3A_1181 = arith.index_cast %add3A_1105 : i32 to index
        %swap3A_1182 = arith.constant 112 : index
        %swap3A_1183 = tpu.vector_load %arg9[%swap3A_1181, %swap3A_1182] {strides = array<i32>} : memref<128x128xf32, #tpu.memory_space<vmem>>, vector<1x16xf32>,
        %swap3A_1184 = vector.shape_cast %swap3A_1183 : vector<1x16xf32> to vector<16xf32>
        %swap3A_1185 = vector.shape_cast %mul3A_1180 : vector<16xf32> to vector<1x16xf32>
        tpu.vector_store %arg9[%swap3A_1181, %swap3A_1182], %swap3A_1185 {strides = array<i32>} : memref<128x128xf32, #tpu.memory_space<vmem>>, vector<1x16xf32>,
        %slice3A_1186 = vector.extract_strided_slice %get3A_318 {offsets = [10], sizes = [1], strides = [1]} : vector<16xf32> to vector<1xf32>
        %squeeze3A_1187 = vector.extract %slice3A_1186[0] : f32 from vector<1xf32>
        %broadcast_in_dim3A_1188 = vector.broadcast %squeeze3A_1187 : f32 to vector<16xf32>
        %mul3A_1189 = arith.constant 16 : i32
        %mul3A_1190 = arith.muli %scan3A_314, %mul3A_1189 : i32
        %add3A_1191 = arith.constant 10 : i32
        %add3A_1192 = arith.addi %mul3A_1190, %add3A_1191 : i32
        %get3A_1193 = arith.index_cast %add3A_1192 : i32 to index
        %get3A_1194 = arith.constant 0 : index
        %get3A_1195 = tpu.vector_load %arg9[%get3A_1193, %get3A_1194] {strides = array<i32>} : memref<128x128xf32, #tpu.memory_space<vmem>>, vector<1x16xf32>,
        %get3A_1196 = vector.shape_cast %get3A_1195 : vector<1x16xf32> to vector<16xf32>
        %mul3A_1197 = arith.mulf %get3A_1196, %broadcast_in_dim3A_1188 : vector<16xf32>
        %swap3A_1198 = arith.index_cast %add3A_1192 : i32 to index
        %swap3A_1199 = arith.constant 0 : index
        %swap3A_1200 = tpu.vector_load %arg9[%swap3A_1198, %swap3A_1199] {strides = array<i32>} : memref<128x128xf32, #tpu.memory_space<vmem>>, vector<1x16xf32>,
        %swap3A_1201 = vector.shape_cast %swap3A_1200 : vector<1x16xf32> to vector<16xf32>
        %swap3A_1202 = vector.shape_cast %mul3A_1197 : vector<16xf32> to vector<1x16xf32>
        tpu.vector_store %arg9[%swap3A_1198, %swap3A_1199], %swap3A_1202 {strides = array<i32>} : memref<128x128xf32, #tpu.memory_space<vmem>>, vector<1x16xf32>,
        %get3A_1203 = arith.index_cast %add3A_1192 : i32 to index
        %get3A_1204 = arith.constant 16 : index
        %get3A_1205 = tpu.vector_load %arg9[%get3A_1203, %get3A_1204] {strides = array<i32>} : memref<128x128xf32, #tpu.memory_space<vmem>>, vector<1x16xf32>,
        %get3A_1206 = vector.shape_cast %get3A_1205 : vector<1x16xf32> to vector<16xf32>
        %mul3A_1207 = arith.mulf %get3A_1206, %broadcast_in_dim3A_1188 : vector<16xf32>
        %swap3A_1208 = arith.index_cast %add3A_1192 : i32 to index
        %swap3A_1209 = arith.constant 16 : index
        %swap3A_1210 = tpu.vector_load %arg9[%swap3A_1208, %swap3A_1209] {strides = array<i32>} : memref<128x128xf32, #tpu.memory_space<vmem>>, vector<1x16xf32>,
        %swap3A_1211 = vector.shape_cast %swap3A_1210 : vector<1x16xf32> to vector<16xf32>
        %swap3A_1212 = vector.shape_cast %mul3A_1207 : vector<16xf32> to vector<1x16xf32>
        tpu.vector_store %arg9[%swap3A_1208, %swap3A_1209], %swap3A_1212 {strides = array<i32>} : memref<128x128xf32, #tpu.memory_space<vmem>>, vector<1x16xf32>,
        %get3A_1213 = arith.index_cast %add3A_1192 : i32 to index
        %get3A_1214 = arith.constant 32 : index
        %get3A_1215 = tpu.vector_load %arg9[%get3A_1213, %get3A_1214] {strides = array<i32>} : memref<128x128xf32, #tpu.memory_space<vmem>>, vector<1x16xf32>,
        %get3A_1216 = vector.shape_cast %get3A_1215 : vector<1x16xf32> to vector<16xf32>
        %mul3A_1217 = arith.mulf %get3A_1216, %broadcast_in_dim3A_1188 : vector<16xf32>
        %swap3A_1218 = arith.index_cast %add3A_1192 : i32 to index
        %swap3A_1219 = arith.constant 32 : index
        %swap3A_1220 = tpu.vector_load %arg9[%swap3A_1218, %swap3A_1219] {strides = array<i32>} : memref<128x128xf32, #tpu.memory_space<vmem>>, vector<1x16xf32>,
        %swap3A_1221 = vector.shape_cast %swap3A_1220 : vector<1x16xf32> to vector<16xf32>
        %swap3A_1222 = vector.shape_cast %mul3A_1217 : vector<16xf32> to vector<1x16xf32>
        tpu.vector_store %arg9[%swap3A_1218, %swap3A_1219], %swap3A_1222 {strides = array<i32>} : memref<128x128xf32, #tpu.memory_space<vmem>>, vector<1x16xf32>,
        %get3A_1223 = arith.index_cast %add3A_1192 : i32 to index
        %get3A_1224 = arith.constant 48 : index
        %get3A_1225 = tpu.vector_load %arg9[%get3A_1223, %get3A_1224] {strides = array<i32>} : memref<128x128xf32, #tpu.memory_space<vmem>>, vector<1x16xf32>,
        %get3A_1226 = vector.shape_cast %get3A_1225 : vector<1x16xf32> to vector<16xf32>
        %mul3A_1227 = arith.mulf %get3A_1226, %broadcast_in_dim3A_1188 : vector<16xf32>
        %swap3A_1228 = arith.index_cast %add3A_1192 : i32 to index
        %swap3A_1229 = arith.constant 48 : index
        %swap3A_1230 = tpu.vector_load %arg9[%swap3A_1228, %swap3A_1229] {strides = array<i32>} : memref<128x128xf32, #tpu.memory_space<vmem>>, vector<1x16xf32>,
        %swap3A_1231 = vector.shape_cast %swap3A_1230 : vector<1x16xf32> to vector<16xf32>
        %swap3A_1232 = vector.shape_cast %mul3A_1227 : vector<16xf32> to vector<1x16xf32>
        tpu.vector_store %arg9[%swap3A_1228, %swap3A_1229], %swap3A_1232 {strides = array<i32>} : memref<128x128xf32, #tpu.memory_space<vmem>>, vector<1x16xf32>,
        %get3A_1233 = arith.index_cast %add3A_1192 : i32 to index
        %get3A_1234 = arith.constant 64 : index
        %get3A_1235 = tpu.vector_load %arg9[%get3A_1233, %get3A_1234] {strides = array<i32>} : memref<128x128xf32, #tpu.memory_space<vmem>>, vector<1x16xf32>,
        %get3A_1236 = vector.shape_cast %get3A_1235 : vector<1x16xf32> to vector<16xf32>
        %mul3A_1237 = arith.mulf %get3A_1236, %broadcast_in_dim3A_1188 : vector<16xf32>
        %swap3A_1238 = arith.index_cast %add3A_1192 : i32 to index
        %swap3A_1239 = arith.constant 64 : index
        %swap3A_1240 = tpu.vector_load %arg9[%swap3A_1238, %swap3A_1239] {strides = array<i32>} : memref<128x128xf32, #tpu.memory_space<vmem>>, vector<1x16xf32>,
        %swap3A_1241 = vector.shape_cast %swap3A_1240 : vector<1x16xf32> to vector<16xf32>
        %swap3A_1242 = vector.shape_cast %mul3A_1237 : vector<16xf32> to vector<1x16xf32>
        tpu.vector_store %arg9[%swap3A_1238, %swap3A_1239], %swap3A_1242 {strides = array<i32>} : memref<128x128xf32, #tpu.memory_space<vmem>>, vector<1x16xf32>,
        %get3A_1243 = arith.index_cast %add3A_1192 : i32 to index
        %get3A_1244 = arith.constant 80 : index
        %get3A_1245 = tpu.vector_load %arg9[%get3A_1243, %get3A_1244] {strides = array<i32>} : memref<128x128xf32, #tpu.memory_space<vmem>>, vector<1x16xf32>,
        %get3A_1246 = vector.shape_cast %get3A_1245 : vector<1x16xf32> to vector<16xf32>
        %mul3A_1247 = arith.mulf %get3A_1246, %broadcast_in_dim3A_1188 : vector<16xf32>
        %swap3A_1248 = arith.index_cast %add3A_1192 : i32 to index
        %swap3A_1249 = arith.constant 80 : index
        %swap3A_1250 = tpu.vector_load %arg9[%swap3A_1248, %swap3A_1249] {strides = array<i32>} : memref<128x128xf32, #tpu.memory_space<vmem>>, vector<1x16xf32>,
        %swap3A_1251 = vector.shape_cast %swap3A_1250 : vector<1x16xf32> to vector<16xf32>
        %swap3A_1252 = vector.shape_cast %mul3A_1247 : vector<16xf32> to vector<1x16xf32>
        tpu.vector_store %arg9[%swap3A_1248, %swap3A_1249], %swap3A_1252 {strides = array<i32>} : memref<128x128xf32, #tpu.memory_space<vmem>>, vector<1x16xf32>,
        %get3A_1253 = arith.index_cast %add3A_1192 : i32 to index
        %get3A_1254 = arith.constant 96 : index
        %get3A_1255 = tpu.vector_load %arg9[%get3A_1253, %get3A_1254] {strides = array<i32>} : memref<128x128xf32, #tpu.memory_space<vmem>>, vector<1x16xf32>,
        %get3A_1256 = vector.shape_cast %get3A_1255 : vector<1x16xf32> to vector<16xf32>
        %mul3A_1257 = arith.mulf %get3A_1256, %broadcast_in_dim3A_1188 : vector<16xf32>
        %swap3A_1258 = arith.index_cast %add3A_1192 : i32 to index
        %swap3A_1259 = arith.constant 96 : index
        %swap3A_1260 = tpu.vector_load %arg9[%swap3A_1258, %swap3A_1259] {strides = array<i32>} : memref<128x128xf32, #tpu.memory_space<vmem>>, vector<1x16xf32>,
        %swap3A_1261 = vector.shape_cast %swap3A_1260 : vector<1x16xf32> to vector<16xf32>
        %swap3A_1262 = vector.shape_cast %mul3A_1257 : vector<16xf32> to vector<1x16xf32>
        tpu.vector_store %arg9[%swap3A_1258, %swap3A_1259], %swap3A_1262 {strides = array<i32>} : memref<128x128xf32, #tpu.memory_space<vmem>>, vector<1x16xf32>,
        %get3A_1263 = arith.index_cast %add3A_1192 : i32 to index
        %get3A_1264 = arith.constant 112 : index
        %get3A_1265 = tpu.vector_load %arg9[%get3A_1263, %get3A_1264] {strides = array<i32>} : memref<128x128xf32, #tpu.memory_space<vmem>>, vector<1x16xf32>,
        %get3A_1266 = vector.shape_cast %get3A_1265 : vector<1x16xf32> to vector<16xf32>
        %mul3A_1267 = arith.mulf %get3A_1266, %broadcast_in_dim3A_1188 : vector<16xf32>
        %swap3A_1268 = arith.index_cast %add3A_1192 : i32 to index
        %swap3A_1269 = arith.constant 112 : index
        %swap3A_1270 = tpu.vector_load %arg9[%swap3A_1268, %swap3A_1269] {strides = array<i32>} : memref<128x128xf32, #tpu.memory_space<vmem>>, vector<1x16xf32>,
        %swap3A_1271 = vector.shape_cast %swap3A_1270 : vector<1x16xf32> to vector<16xf32>
        %swap3A_1272 = vector.shape_cast %mul3A_1267 : vector<16xf32> to vector<1x16xf32>
        tpu.vector_store %arg9[%swap3A_1268, %swap3A_1269], %swap3A_1272 {strides = array<i32>} : memref<128x128xf32, #tpu.memory_space<vmem>>, vector<1x16xf32>,
        %slice3A_1273 = vector.extract_strided_slice %get3A_318 {offsets = [11], sizes = [1], strides = [1]} : vector<16xf32> to vector<1xf32>
        %squeeze3A_1274 = vector.extract %slice3A_1273[0] : f32 from vector<1xf32>
        %broadcast_in_dim3A_1275 = vector.broadcast %squeeze3A_1274 : f32 to vector<16xf32>
        %mul3A_1276 = arith.constant 16 : i32
        %mul3A_1277 = arith.muli %scan3A_314, %mul3A_1276 : i32
        %add3A_1278 = arith.constant 11 : i32
        %add3A_1279 = arith.addi %mul3A_1277, %add3A_1278 : i32
        %get3A_1280 = arith.index_cast %add3A_1279 : i32 to index
        %get3A_1281 = arith.constant 0 : index
        %get3A_1282 = tpu.vector_load %arg9[%get3A_1280, %get3A_1281] {strides = array<i32>} : memref<128x128xf32, #tpu.memory_space<vmem>>, vector<1x16xf32>,
        %get3A_1283 = vector.shape_cast %get3A_1282 : vector<1x16xf32> to vector<16xf32>
        %mul3A_1284 = arith.mulf %get3A_1283, %broadcast_in_dim3A_1275 : vector<16xf32>
        %swap3A_1285 = arith.index_cast %add3A_1279 : i32 to index
        %swap3A_1286 = arith.constant 0 : index
        %swap3A_1287 = tpu.vector_load %arg9[%swap3A_1285, %swap3A_1286] {strides = array<i32>} : memref<128x128xf32, #tpu.memory_space<vmem>>, vector<1x16xf32>,
        %swap3A_1288 = vector.shape_cast %swap3A_1287 : vector<1x16xf32> to vector<16xf32>
        %swap3A_1289 = vector.shape_cast %mul3A_1284 : vector<16xf32> to vector<1x16xf32>
        tpu.vector_store %arg9[%swap3A_1285, %swap3A_1286], %swap3A_1289 {strides = array<i32>} : memref<128x128xf32, #tpu.memory_space<vmem>>, vector<1x16xf32>,
        %get3A_1290 = arith.index_cast %add3A_1279 : i32 to index
        %get3A_1291 = arith.constant 16 : index
        %get3A_1292 = tpu.vector_load %arg9[%get3A_1290, %get3A_1291] {strides = array<i32>} : memref<128x128xf32, #tpu.memory_space<vmem>>, vector<1x16xf32>,
        %get3A_1293 = vector.shape_cast %get3A_1292 : vector<1x16xf32> to vector<16xf32>
        %mul3A_1294 = arith.mulf %get3A_1293, %broadcast_in_dim3A_1275 : vector<16xf32>
        %swap3A_1295 = arith.index_cast %add3A_1279 : i32 to index
        %swap3A_1296 = arith.constant 16 : index
        %swap3A_1297 = tpu.vector_load %arg9[%swap3A_1295, %swap3A_1296] {strides = array<i32>} : memref<128x128xf32, #tpu.memory_space<vmem>>, vector<1x16xf32>,
        %swap3A_1298 = vector.shape_cast %swap3A_1297 : vector<1x16xf32> to vector<16xf32>
        %swap3A_1299 = vector.shape_cast %mul3A_1294 : vector<16xf32> to vector<1x16xf32>
        tpu.vector_store %arg9[%swap3A_1295, %swap3A_1296], %swap3A_1299 {strides = array<i32>} : memref<128x128xf32, #tpu.memory_space<vmem>>, vector<1x16xf32>,
        %get3A_1300 = arith.index_cast %add3A_1279 : i32 to index
        %get3A_1301 = arith.constant 32 : index
        %get3A_1302 = tpu.vector_load %arg9[%get3A_1300, %get3A_1301] {strides = array<i32>} : memref<128x128xf32, #tpu.memory_space<vmem>>, vector<1x16xf32>,
        %get3A_1303 = vector.shape_cast %get3A_1302 : vector<1x16xf32> to vector<16xf32>
        %mul3A_1304 = arith.mulf %get3A_1303, %broadcast_in_dim3A_1275 : vector<16xf32>
        %swap3A_1305 = arith.index_cast %add3A_1279 : i32 to index
        %swap3A_1306 = arith.constant 32 : index
        %swap3A_1307 = tpu.vector_load %arg9[%swap3A_1305, %swap3A_1306] {strides = array<i32>} : memref<128x128xf32, #tpu.memory_space<vmem>>, vector<1x16xf32>,
        %swap3A_1308 = vector.shape_cast %swap3A_1307 : vector<1x16xf32> to vector<16xf32>
        %swap3A_1309 = vector.shape_cast %mul3A_1304 : vector<16xf32> to vector<1x16xf32>
        tpu.vector_store %arg9[%swap3A_1305, %swap3A_1306], %swap3A_1309 {strides = array<i32>} : memref<128x128xf32, #tpu.memory_space<vmem>>, vector<1x16xf32>,
        %get3A_1310 = arith.index_cast %add3A_1279 : i32 to index
        %get3A_1311 = arith.constant 48 : index
        %get3A_1312 = tpu.vector_load %arg9[%get3A_1310, %get3A_1311] {strides = array<i32>} : memref<128x128xf32, #tpu.memory_space<vmem>>, vector<1x16xf32>,
        %get3A_1313 = vector.shape_cast %get3A_1312 : vector<1x16xf32> to vector<16xf32>
        %mul3A_1314 = arith.mulf %get3A_1313, %broadcast_in_dim3A_1275 : vector<16xf32>
        %swap3A_1315 = arith.index_cast %add3A_1279 : i32 to index
        %swap3A_1316 = arith.constant 48 : index
        %swap3A_1317 = tpu.vector_load %arg9[%swap3A_1315, %swap3A_1316] {strides = array<i32>} : memref<128x128xf32, #tpu.memory_space<vmem>>, vector<1x16xf32>,
        %swap3A_1318 = vector.shape_cast %swap3A_1317 : vector<1x16xf32> to vector<16xf32>
        %swap3A_1319 = vector.shape_cast %mul3A_1314 : vector<16xf32> to vector<1x16xf32>
        tpu.vector_store %arg9[%swap3A_1315, %swap3A_1316], %swap3A_1319 {strides = array<i32>} : memref<128x128xf32, #tpu.memory_space<vmem>>, vector<1x16xf32>,
        %get3A_1320 = arith.index_cast %add3A_1279 : i32 to index
        %get3A_1321 = arith.constant 64 : index
        %get3A_1322 = tpu.vector_load %arg9[%get3A_1320, %get3A_1321] {strides = array<i32>} : memref<128x128xf32, #tpu.memory_space<vmem>>, vector<1x16xf32>,
        %get3A_1323 = vector.shape_cast %get3A_1322 : vector<1x16xf32> to vector<16xf32>
        %mul3A_1324 = arith.mulf %get3A_1323, %broadcast_in_dim3A_1275 : vector<16xf32>
        %swap3A_1325 = arith.index_cast %add3A_1279 : i32 to index
        %swap3A_1326 = arith.constant 64 : index
        %swap3A_1327 = tpu.vector_load %arg9[%swap3A_1325, %swap3A_1326] {strides = array<i32>} : memref<128x128xf32, #tpu.memory_space<vmem>>, vector<1x16xf32>,
        %swap3A_1328 = vector.shape_cast %swap3A_1327 : vector<1x16xf32> to vector<16xf32>
        %swap3A_1329 = vector.shape_cast %mul3A_1324 : vector<16xf32> to vector<1x16xf32>
        tpu.vector_store %arg9[%swap3A_1325, %swap3A_1326], %swap3A_1329 {strides = array<i32>} : memref<128x128xf32, #tpu.memory_space<vmem>>, vector<1x16xf32>,
        %get3A_1330 = arith.index_cast %add3A_1279 : i32 to index
        %get3A_1331 = arith.constant 80 : index
        %get3A_1332 = tpu.vector_load %arg9[%get3A_1330, %get3A_1331] {strides = array<i32>} : memref<128x128xf32, #tpu.memory_space<vmem>>, vector<1x16xf32>,
        %get3A_1333 = vector.shape_cast %get3A_1332 : vector<1x16xf32> to vector<16xf32>
        %mul3A_1334 = arith.mulf %get3A_1333, %broadcast_in_dim3A_1275 : vector<16xf32>
        %swap3A_1335 = arith.index_cast %add3A_1279 : i32 to index
        %swap3A_1336 = arith.constant 80 : index
        %swap3A_1337 = tpu.vector_load %arg9[%swap3A_1335, %swap3A_1336] {strides = array<i32>} : memref<128x128xf32, #tpu.memory_space<vmem>>, vector<1x16xf32>,
        %swap3A_1338 = vector.shape_cast %swap3A_1337 : vector<1x16xf32> to vector<16xf32>
        %swap3A_1339 = vector.shape_cast %mul3A_1334 : vector<16xf32> to vector<1x16xf32>
        tpu.vector_store %arg9[%swap3A_1335, %swap3A_1336], %swap3A_1339 {strides = array<i32>} : memref<128x128xf32, #tpu.memory_space<vmem>>, vector<1x16xf32>,
        %get3A_1340 = arith.index_cast %add3A_1279 : i32 to index
        %get3A_1341 = arith.constant 96 : index
        %get3A_1342 = tpu.vector_load %arg9[%get3A_1340, %get3A_1341] {strides = array<i32>} : memref<128x128xf32, #tpu.memory_space<vmem>>, vector<1x16xf32>,
        %get3A_1343 = vector.shape_cast %get3A_1342 : vector<1x16xf32> to vector<16xf32>
        %mul3A_1344 = arith.mulf %get3A_1343, %broadcast_in_dim3A_1275 : vector<16xf32>
        %swap3A_1345 = arith.index_cast %add3A_1279 : i32 to index
        %swap3A_1346 = arith.constant 96 : index
        %swap3A_1347 = tpu.vector_load %arg9[%swap3A_1345, %swap3A_1346] {strides = array<i32>} : memref<128x128xf32, #tpu.memory_space<vmem>>, vector<1x16xf32>,
        %swap3A_1348 = vector.shape_cast %swap3A_1347 : vector<1x16xf32> to vector<16xf32>
        %swap3A_1349 = vector.shape_cast %mul3A_1344 : vector<16xf32> to vector<1x16xf32>
        tpu.vector_store %arg9[%swap3A_1345, %swap3A_1346], %swap3A_1349 {strides = array<i32>} : memref<128x128xf32, #tpu.memory_space<vmem>>, vector<1x16xf32>,
        %get3A_1350 = arith.index_cast %add3A_1279 : i32 to index
        %get3A_1351 = arith.constant 112 : index
        %get3A_1352 = tpu.vector_load %arg9[%get3A_1350, %get3A_1351] {strides = array<i32>} : memref<128x128xf32, #tpu.memory_space<vmem>>, vector<1x16xf32>,
        %get3A_1353 = vector.shape_cast %get3A_1352 : vector<1x16xf32> to vector<16xf32>
        %mul3A_1354 = arith.mulf %get3A_1353, %broadcast_in_dim3A_1275 : vector<16xf32>
        %swap3A_1355 = arith.index_cast %add3A_1279 : i32 to index
        %swap3A_1356 = arith.constant 112 : index
        %swap3A_1357 = tpu.vector_load %arg9[%swap3A_1355, %swap3A_1356] {strides = array<i32>} : memref<128x128xf32, #tpu.memory_space<vmem>>, vector<1x16xf32>,
        %swap3A_1358 = vector.shape_cast %swap3A_1357 : vector<1x16xf32> to vector<16xf32>
        %swap3A_1359 = vector.shape_cast %mul3A_1354 : vector<16xf32> to vector<1x16xf32>
        tpu.vector_store %arg9[%swap3A_1355, %swap3A_1356], %swap3A_1359 {strides = array<i32>} : memref<128x128xf32, #tpu.memory_space<vmem>>, vector<1x16xf32>,
        %slice3A_1360 = vector.extract_strided_slice %get3A_318 {offsets = [12], sizes = [1], strides = [1]} : vector<16xf32> to vector<1xf32>
        %squeeze3A_1361 = vector.extract %slice3A_1360[0] : f32 from vector<1xf32>
        %broadcast_in_dim3A_1362 = vector.broadcast %squeeze3A_1361 : f32 to vector<16xf32>
        %mul3A_1363 = arith.constant 16 : i32
        %mul3A_1364 = arith.muli %scan3A_314, %mul3A_1363 : i32
        %add3A_1365 = arith.constant 12 : i32
        %add3A_1366 = arith.addi %mul3A_1364, %add3A_1365 : i32
        %get3A_1367 = arith.index_cast %add3A_1366 : i32 to index
        %get3A_1368 = arith.constant 0 : index
        %get3A_1369 = tpu.vector_load %arg9[%get3A_1367, %get3A_1368] {strides = array<i32>} : memref<128x128xf32, #tpu.memory_space<vmem>>, vector<1x16xf32>,
        %get3A_1370 = vector.shape_cast %get3A_1369 : vector<1x16xf32> to vector<16xf32>
        %mul3A_1371 = arith.mulf %get3A_1370, %broadcast_in_dim3A_1362 : vector<16xf32>
        %swap3A_1372 = arith.index_cast %add3A_1366 : i32 to index
        %swap3A_1373 = arith.constant 0 : index
        %swap3A_1374 = tpu.vector_load %arg9[%swap3A_1372, %swap3A_1373] {strides = array<i32>} : memref<128x128xf32, #tpu.memory_space<vmem>>, vector<1x16xf32>,
        %swap3A_1375 = vector.shape_cast %swap3A_1374 : vector<1x16xf32> to vector<16xf32>
        %swap3A_1376 = vector.shape_cast %mul3A_1371 : vector<16xf32> to vector<1x16xf32>
        tpu.vector_store %arg9[%swap3A_1372, %swap3A_1373], %swap3A_1376 {strides = array<i32>} : memref<128x128xf32, #tpu.memory_space<vmem>>, vector<1x16xf32>,
        %get3A_1377 = arith.index_cast %add3A_1366 : i32 to index
        %get3A_1378 = arith.constant 16 : index
        %get3A_1379 = tpu.vector_load %arg9[%get3A_1377, %get3A_1378] {strides = array<i32>} : memref<128x128xf32, #tpu.memory_space<vmem>>, vector<1x16xf32>,
        %get3A_1380 = vector.shape_cast %get3A_1379 : vector<1x16xf32> to vector<16xf32>
        %mul3A_1381 = arith.mulf %get3A_1380, %broadcast_in_dim3A_1362 : vector<16xf32>
        %swap3A_1382 = arith.index_cast %add3A_1366 : i32 to index
        %swap3A_1383 = arith.constant 16 : index
        %swap3A_1384 = tpu.vector_load %arg9[%swap3A_1382, %swap3A_1383] {strides = array<i32>} : memref<128x128xf32, #tpu.memory_space<vmem>>, vector<1x16xf32>,
        %swap3A_1385 = vector.shape_cast %swap3A_1384 : vector<1x16xf32> to vector<16xf32>
        %swap3A_1386 = vector.shape_cast %mul3A_1381 : vector<16xf32> to vector<1x16xf32>
        tpu.vector_store %arg9[%swap3A_1382, %swap3A_1383], %swap3A_1386 {strides = array<i32>} : memref<128x128xf32, #tpu.memory_space<vmem>>, vector<1x16xf32>,
        %get3A_1387 = arith.index_cast %add3A_1366 : i32 to index
        %get3A_1388 = arith.constant 32 : index
        %get3A_1389 = tpu.vector_load %arg9[%get3A_1387, %get3A_1388] {strides = array<i32>} : memref<128x128xf32, #tpu.memory_space<vmem>>, vector<1x16xf32>,
        %get3A_1390 = vector.shape_cast %get3A_1389 : vector<1x16xf32> to vector<16xf32>
        %mul3A_1391 = arith.mulf %get3A_1390, %broadcast_in_dim3A_1362 : vector<16xf32>
        %swap3A_1392 = arith.index_cast %add3A_1366 : i32 to index
        %swap3A_1393 = arith.constant 32 : index
        %swap3A_1394 = tpu.vector_load %arg9[%swap3A_1392, %swap3A_1393] {strides = array<i32>} : memref<128x128xf32, #tpu.memory_space<vmem>>, vector<1x16xf32>,
        %swap3A_1395 = vector.shape_cast %swap3A_1394 : vector<1x16xf32> to vector<16xf32>
        %swap3A_1396 = vector.shape_cast %mul3A_1391 : vector<16xf32> to vector<1x16xf32>
        tpu.vector_store %arg9[%swap3A_1392, %swap3A_1393], %swap3A_1396 {strides = array<i32>} : memref<128x128xf32, #tpu.memory_space<vmem>>, vector<1x16xf32>,
        %get3A_1397 = arith.index_cast %add3A_1366 : i32 to index
        %get3A_1398 = arith.constant 48 : index
        %get3A_1399 = tpu.vector_load %arg9[%get3A_1397, %get3A_1398] {strides = array<i32>} : memref<128x128xf32, #tpu.memory_space<vmem>>, vector<1x16xf32>,
        %get3A_1400 = vector.shape_cast %get3A_1399 : vector<1x16xf32> to vector<16xf32>
        %mul3A_1401 = arith.mulf %get3A_1400, %broadcast_in_dim3A_1362 : vector<16xf32>
        %swap3A_1402 = arith.index_cast %add3A_1366 : i32 to index
        %swap3A_1403 = arith.constant 48 : index
        %swap3A_1404 = tpu.vector_load %arg9[%swap3A_1402, %swap3A_1403] {strides = array<i32>} : memref<128x128xf32, #tpu.memory_space<vmem>>, vector<1x16xf32>,
        %swap3A_1405 = vector.shape_cast %swap3A_1404 : vector<1x16xf32> to vector<16xf32>
        %swap3A_1406 = vector.shape_cast %mul3A_1401 : vector<16xf32> to vector<1x16xf32>
        tpu.vector_store %arg9[%swap3A_1402, %swap3A_1403], %swap3A_1406 {strides = array<i32>} : memref<128x128xf32, #tpu.memory_space<vmem>>, vector<1x16xf32>,
        %get3A_1407 = arith.index_cast %add3A_1366 : i32 to index
        %get3A_1408 = arith.constant 64 : index
        %get3A_1409 = tpu.vector_load %arg9[%get3A_1407, %get3A_1408] {strides = array<i32>} : memref<128x128xf32, #tpu.memory_space<vmem>>, vector<1x16xf32>,
        %get3A_1410 = vector.shape_cast %get3A_1409 : vector<1x16xf32> to vector<16xf32>
        %mul3A_1411 = arith.mulf %get3A_1410, %broadcast_in_dim3A_1362 : vector<16xf32>
        %swap3A_1412 = arith.index_cast %add3A_1366 : i32 to index
        %swap3A_1413 = arith.constant 64 : index
        %swap3A_1414 = tpu.vector_load %arg9[%swap3A_1412, %swap3A_1413] {strides = array<i32>} : memref<128x128xf32, #tpu.memory_space<vmem>>, vector<1x16xf32>,
        %swap3A_1415 = vector.shape_cast %swap3A_1414 : vector<1x16xf32> to vector<16xf32>
        %swap3A_1416 = vector.shape_cast %mul3A_1411 : vector<16xf32> to vector<1x16xf32>
        tpu.vector_store %arg9[%swap3A_1412, %swap3A_1413], %swap3A_1416 {strides = array<i32>} : memref<128x128xf32, #tpu.memory_space<vmem>>, vector<1x16xf32>,
        %get3A_1417 = arith.index_cast %add3A_1366 : i32 to index
        %get3A_1418 = arith.constant 80 : index
        %get3A_1419 = tpu.vector_load %arg9[%get3A_1417, %get3A_1418] {strides = array<i32>} : memref<128x128xf32, #tpu.memory_space<vmem>>, vector<1x16xf32>,
        %get3A_1420 = vector.shape_cast %get3A_1419 : vector<1x16xf32> to vector<16xf32>
        %mul3A_1421 = arith.mulf %get3A_1420, %broadcast_in_dim3A_1362 : vector<16xf32>
        %swap3A_1422 = arith.index_cast %add3A_1366 : i32 to index
        %swap3A_1423 = arith.constant 80 : index
        %swap3A_1424 = tpu.vector_load %arg9[%swap3A_1422, %swap3A_1423] {strides = array<i32>} : memref<128x128xf32, #tpu.memory_space<vmem>>, vector<1x16xf32>,
        %swap3A_1425 = vector.shape_cast %swap3A_1424 : vector<1x16xf32> to vector<16xf32>
        %swap3A_1426 = vector.shape_cast %mul3A_1421 : vector<16xf32> to vector<1x16xf32>
        tpu.vector_store %arg9[%swap3A_1422, %swap3A_1423], %swap3A_1426 {strides = array<i32>} : memref<128x128xf32, #tpu.memory_space<vmem>>, vector<1x16xf32>,
        %get3A_1427 = arith.index_cast %add3A_1366 : i32 to index
        %get3A_1428 = arith.constant 96 : index
        %get3A_1429 = tpu.vector_load %arg9[%get3A_1427, %get3A_1428] {strides = array<i32>} : memref<128x128xf32, #tpu.memory_space<vmem>>, vector<1x16xf32>,
        %get3A_1430 = vector.shape_cast %get3A_1429 : vector<1x16xf32> to vector<16xf32>
        %mul3A_1431 = arith.mulf %get3A_1430, %broadcast_in_dim3A_1362 : vector<16xf32>
        %swap3A_1432 = arith.index_cast %add3A_1366 : i32 to index
        %swap3A_1433 = arith.constant 96 : index
        %swap3A_1434 = tpu.vector_load %arg9[%swap3A_1432, %swap3A_1433] {strides = array<i32>} : memref<128x128xf32, #tpu.memory_space<vmem>>, vector<1x16xf32>,
        %swap3A_1435 = vector.shape_cast %swap3A_1434 : vector<1x16xf32> to vector<16xf32>
        %swap3A_1436 = vector.shape_cast %mul3A_1431 : vector<16xf32> to vector<1x16xf32>
        tpu.vector_store %arg9[%swap3A_1432, %swap3A_1433], %swap3A_1436 {strides = array<i32>} : memref<128x128xf32, #tpu.memory_space<vmem>>, vector<1x16xf32>,
        %get3A_1437 = arith.index_cast %add3A_1366 : i32 to index
        %get3A_1438 = arith.constant 112 : index
        %get3A_1439 = tpu.vector_load %arg9[%get3A_1437, %get3A_1438] {strides = array<i32>} : memref<128x128xf32, #tpu.memory_space<vmem>>, vector<1x16xf32>,
        %get3A_1440 = vector.shape_cast %get3A_1439 : vector<1x16xf32> to vector<16xf32>
        %mul3A_1441 = arith.mulf %get3A_1440, %broadcast_in_dim3A_1362 : vector<16xf32>
        %swap3A_1442 = arith.index_cast %add3A_1366 : i32 to index
        %swap3A_1443 = arith.constant 112 : index
        %swap3A_1444 = tpu.vector_load %arg9[%swap3A_1442, %swap3A_1443] {strides = array<i32>} : memref<128x128xf32, #tpu.memory_space<vmem>>, vector<1x16xf32>,
        %swap3A_1445 = vector.shape_cast %swap3A_1444 : vector<1x16xf32> to vector<16xf32>
        %swap3A_1446 = vector.shape_cast %mul3A_1441 : vector<16xf32> to vector<1x16xf32>
        tpu.vector_store %arg9[%swap3A_1442, %swap3A_1443], %swap3A_1446 {strides = array<i32>} : memref<128x128xf32, #tpu.memory_space<vmem>>, vector<1x16xf32>,
        %slice3A_1447 = vector.extract_strided_slice %get3A_318 {offsets = [13], sizes = [1], strides = [1]} : vector<16xf32> to vector<1xf32>
        %squeeze3A_1448 = vector.extract %slice3A_1447[0] : f32 from vector<1xf32>
        %broadcast_in_dim3A_1449 = vector.broadcast %squeeze3A_1448 : f32 to vector<16xf32>
        %mul3A_1450 = arith.constant 16 : i32
        %mul3A_1451 = arith.muli %scan3A_314, %mul3A_1450 : i32
        %add3A_1452 = arith.constant 13 : i32
        %add3A_1453 = arith.addi %mul3A_1451, %add3A_1452 : i32
        %get3A_1454 = arith.index_cast %add3A_1453 : i32 to index
        %get3A_1455 = arith.constant 0 : index
        %get3A_1456 = tpu.vector_load %arg9[%get3A_1454, %get3A_1455] {strides = array<i32>} : memref<128x128xf32, #tpu.memory_space<vmem>>, vector<1x16xf32>,
        %get3A_1457 = vector.shape_cast %get3A_1456 : vector<1x16xf32> to vector<16xf32>
        %mul3A_1458 = arith.mulf %get3A_1457, %broadcast_in_dim3A_1449 : vector<16xf32>
        %swap3A_1459 = arith.index_cast %add3A_1453 : i32 to index
        %swap3A_1460 = arith.constant 0 : index
        %swap3A_1461 = tpu.vector_load %arg9[%swap3A_1459, %swap3A_1460] {strides = array<i32>} : memref<128x128xf32, #tpu.memory_space<vmem>>, vector<1x16xf32>,
        %swap3A_1462 = vector.shape_cast %swap3A_1461 : vector<1x16xf32> to vector<16xf32>
        %swap3A_1463 = vector.shape_cast %mul3A_1458 : vector<16xf32> to vector<1x16xf32>
        tpu.vector_store %arg9[%swap3A_1459, %swap3A_1460], %swap3A_1463 {strides = array<i32>} : memref<128x128xf32, #tpu.memory_space<vmem>>, vector<1x16xf32>,
        %get3A_1464 = arith.index_cast %add3A_1453 : i32 to index
        %get3A_1465 = arith.constant 16 : index
        %get3A_1466 = tpu.vector_load %arg9[%get3A_1464, %get3A_1465] {strides = array<i32>} : memref<128x128xf32, #tpu.memory_space<vmem>>, vector<1x16xf32>,
        %get3A_1467 = vector.shape_cast %get3A_1466 : vector<1x16xf32> to vector<16xf32>
        %mul3A_1468 = arith.mulf %get3A_1467, %broadcast_in_dim3A_1449 : vector<16xf32>
        %swap3A_1469 = arith.index_cast %add3A_1453 : i32 to index
        %swap3A_1470 = arith.constant 16 : index
        %swap3A_1471 = tpu.vector_load %arg9[%swap3A_1469, %swap3A_1470] {strides = array<i32>} : memref<128x128xf32, #tpu.memory_space<vmem>>, vector<1x16xf32>,
        %swap3A_1472 = vector.shape_cast %swap3A_1471 : vector<1x16xf32> to vector<16xf32>
        %swap3A_1473 = vector.shape_cast %mul3A_1468 : vector<16xf32> to vector<1x16xf32>
        tpu.vector_store %arg9[%swap3A_1469, %swap3A_1470], %swap3A_1473 {strides = array<i32>} : memref<128x128xf32, #tpu.memory_space<vmem>>, vector<1x16xf32>,
        %get3A_1474 = arith.index_cast %add3A_1453 : i32 to index
        %get3A_1475 = arith.constant 32 : index
        %get3A_1476 = tpu.vector_load %arg9[%get3A_1474, %get3A_1475] {strides = array<i32>} : memref<128x128xf32, #tpu.memory_space<vmem>>, vector<1x16xf32>,
        %get3A_1477 = vector.shape_cast %get3A_1476 : vector<1x16xf32> to vector<16xf32>
        %mul3A_1478 = arith.mulf %get3A_1477, %broadcast_in_dim3A_1449 : vector<16xf32>
        %swap3A_1479 = arith.index_cast %add3A_1453 : i32 to index
        %swap3A_1480 = arith.constant 32 : index
        %swap3A_1481 = tpu.vector_load %arg9[%swap3A_1479, %swap3A_1480] {strides = array<i32>} : memref<128x128xf32, #tpu.memory_space<vmem>>, vector<1x16xf32>,
        %swap3A_1482 = vector.shape_cast %swap3A_1481 : vector<1x16xf32> to vector<16xf32>
        %swap3A_1483 = vector.shape_cast %mul3A_1478 : vector<16xf32> to vector<1x16xf32>
        tpu.vector_store %arg9[%swap3A_1479, %swap3A_1480], %swap3A_1483 {strides = array<i32>} : memref<128x128xf32, #tpu.memory_space<vmem>>, vector<1x16xf32>,
        %get3A_1484 = arith.index_cast %add3A_1453 : i32 to index
        %get3A_1485 = arith.constant 48 : index
        %get3A_1486 = tpu.vector_load %arg9[%get3A_1484, %get3A_1485] {strides = array<i32>} : memref<128x128xf32, #tpu.memory_space<vmem>>, vector<1x16xf32>,
        %get3A_1487 = vector.shape_cast %get3A_1486 : vector<1x16xf32> to vector<16xf32>
        %mul3A_1488 = arith.mulf %get3A_1487, %broadcast_in_dim3A_1449 : vector<16xf32>
        %swap3A_1489 = arith.index_cast %add3A_1453 : i32 to index
        %swap3A_1490 = arith.constant 48 : index
        %swap3A_1491 = tpu.vector_load %arg9[%swap3A_1489, %swap3A_1490] {strides = array<i32>} : memref<128x128xf32, #tpu.memory_space<vmem>>, vector<1x16xf32>,
        %swap3A_1492 = vector.shape_cast %swap3A_1491 : vector<1x16xf32> to vector<16xf32>
        %swap3A_1493 = vector.shape_cast %mul3A_1488 : vector<16xf32> to vector<1x16xf32>
        tpu.vector_store %arg9[%swap3A_1489, %swap3A_1490], %swap3A_1493 {strides = array<i32>} : memref<128x128xf32, #tpu.memory_space<vmem>>, vector<1x16xf32>,
        %get3A_1494 = arith.index_cast %add3A_1453 : i32 to index
        %get3A_1495 = arith.constant 64 : index
        %get3A_1496 = tpu.vector_load %arg9[%get3A_1494, %get3A_1495] {strides = array<i32>} : memref<128x128xf32, #tpu.memory_space<vmem>>, vector<1x16xf32>,
        %get3A_1497 = vector.shape_cast %get3A_1496 : vector<1x16xf32> to vector<16xf32>
        %mul3A_1498 = arith.mulf %get3A_1497, %broadcast_in_dim3A_1449 : vector<16xf32>
        %swap3A_1499 = arith.index_cast %add3A_1453 : i32 to index
        %swap3A_1500 = arith.constant 64 : index
        %swap3A_1501 = tpu.vector_load %arg9[%swap3A_1499, %swap3A_1500] {strides = array<i32>} : memref<128x128xf32, #tpu.memory_space<vmem>>, vector<1x16xf32>,
        %swap3A_1502 = vector.shape_cast %swap3A_1501 : vector<1x16xf32> to vector<16xf32>
        %swap3A_1503 = vector.shape_cast %mul3A_1498 : vector<16xf32> to vector<1x16xf32>
        tpu.vector_store %arg9[%swap3A_1499, %swap3A_1500], %swap3A_1503 {strides = array<i32>} : memref<128x128xf32, #tpu.memory_space<vmem>>, vector<1x16xf32>,
        %get3A_1504 = arith.index_cast %add3A_1453 : i32 to index
        %get3A_1505 = arith.constant 80 : index
        %get3A_1506 = tpu.vector_load %arg9[%get3A_1504, %get3A_1505] {strides = array<i32>} : memref<128x128xf32, #tpu.memory_space<vmem>>, vector<1x16xf32>,
        %get3A_1507 = vector.shape_cast %get3A_1506 : vector<1x16xf32> to vector<16xf32>
        %mul3A_1508 = arith.mulf %get3A_1507, %broadcast_in_dim3A_1449 : vector<16xf32>
        %swap3A_1509 = arith.index_cast %add3A_1453 : i32 to index
        %swap3A_1510 = arith.constant 80 : index
        %swap3A_1511 = tpu.vector_load %arg9[%swap3A_1509, %swap3A_1510] {strides = array<i32>} : memref<128x128xf32, #tpu.memory_space<vmem>>, vector<1x16xf32>,
        %swap3A_1512 = vector.shape_cast %swap3A_1511 : vector<1x16xf32> to vector<16xf32>
        %swap3A_1513 = vector.shape_cast %mul3A_1508 : vector<16xf32> to vector<1x16xf32>
        tpu.vector_store %arg9[%swap3A_1509, %swap3A_1510], %swap3A_1513 {strides = array<i32>} : memref<128x128xf32, #tpu.memory_space<vmem>>, vector<1x16xf32>,
        %get3A_1514 = arith.index_cast %add3A_1453 : i32 to index
        %get3A_1515 = arith.constant 96 : index
        %get3A_1516 = tpu.vector_load %arg9[%get3A_1514, %get3A_1515] {strides = array<i32>} : memref<128x128xf32, #tpu.memory_space<vmem>>, vector<1x16xf32>,
        %get3A_1517 = vector.shape_cast %get3A_1516 : vector<1x16xf32> to vector<16xf32>
        %mul3A_1518 = arith.mulf %get3A_1517, %broadcast_in_dim3A_1449 : vector<16xf32>
        %swap3A_1519 = arith.index_cast %add3A_1453 : i32 to index
        %swap3A_1520 = arith.constant 96 : index
        %swap3A_1521 = tpu.vector_load %arg9[%swap3A_1519, %swap3A_1520] {strides = array<i32>} : memref<128x128xf32, #tpu.memory_space<vmem>>, vector<1x16xf32>,
        %swap3A_1522 = vector.shape_cast %swap3A_1521 : vector<1x16xf32> to vector<16xf32>
        %swap3A_1523 = vector.shape_cast %mul3A_1518 : vector<16xf32> to vector<1x16xf32>
        tpu.vector_store %arg9[%swap3A_1519, %swap3A_1520], %swap3A_1523 {strides = array<i32>} : memref<128x128xf32, #tpu.memory_space<vmem>>, vector<1x16xf32>,
        %get3A_1524 = arith.index_cast %add3A_1453 : i32 to index
        %get3A_1525 = arith.constant 112 : index
        %get3A_1526 = tpu.vector_load %arg9[%get3A_1524, %get3A_1525] {strides = array<i32>} : memref<128x128xf32, #tpu.memory_space<vmem>>, vector<1x16xf32>,
        %get3A_1527 = vector.shape_cast %get3A_1526 : vector<1x16xf32> to vector<16xf32>
        %mul3A_1528 = arith.mulf %get3A_1527, %broadcast_in_dim3A_1449 : vector<16xf32>
        %swap3A_1529 = arith.index_cast %add3A_1453 : i32 to index
        %swap3A_1530 = arith.constant 112 : index
        %swap3A_1531 = tpu.vector_load %arg9[%swap3A_1529, %swap3A_1530] {strides = array<i32>} : memref<128x128xf32, #tpu.memory_space<vmem>>, vector<1x16xf32>,
        %swap3A_1532 = vector.shape_cast %swap3A_1531 : vector<1x16xf32> to vector<16xf32>
        %swap3A_1533 = vector.shape_cast %mul3A_1528 : vector<16xf32> to vector<1x16xf32>
        tpu.vector_store %arg9[%swap3A_1529, %swap3A_1530], %swap3A_1533 {strides = array<i32>} : memref<128x128xf32, #tpu.memory_space<vmem>>, vector<1x16xf32>,
        %slice3A_1534 = vector.extract_strided_slice %get3A_318 {offsets = [14], sizes = [1], strides = [1]} : vector<16xf32> to vector<1xf32>
        %squeeze3A_1535 = vector.extract %slice3A_1534[0] : f32 from vector<1xf32>
        %broadcast_in_dim3A_1536 = vector.broadcast %squeeze3A_1535 : f32 to vector<16xf32>
        %mul3A_1537 = arith.constant 16 : i32
        %mul3A_1538 = arith.muli %scan3A_314, %mul3A_1537 : i32
        %add3A_1539 = arith.constant 14 : i32
        %add3A_1540 = arith.addi %mul3A_1538, %add3A_1539 : i32
        %get3A_1541 = arith.index_cast %add3A_1540 : i32 to index
        %get3A_1542 = arith.constant 0 : index
        %get3A_1543 = tpu.vector_load %arg9[%get3A_1541, %get3A_1542] {strides = array<i32>} : memref<128x128xf32, #tpu.memory_space<vmem>>, vector<1x16xf32>,
        %get3A_1544 = vector.shape_cast %get3A_1543 : vector<1x16xf32> to vector<16xf32>
        %mul3A_1545 = arith.mulf %get3A_1544, %broadcast_in_dim3A_1536 : vector<16xf32>
        %swap3A_1546 = arith.index_cast %add3A_1540 : i32 to index
        %swap3A_1547 = arith.constant 0 : index
        %swap3A_1548 = tpu.vector_load %arg9[%swap3A_1546, %swap3A_1547] {strides = array<i32>} : memref<128x128xf32, #tpu.memory_space<vmem>>, vector<1x16xf32>,
        %swap3A_1549 = vector.shape_cast %swap3A_1548 : vector<1x16xf32> to vector<16xf32>
        %swap3A_1550 = vector.shape_cast %mul3A_1545 : vector<16xf32> to vector<1x16xf32>
        tpu.vector_store %arg9[%swap3A_1546, %swap3A_1547], %swap3A_1550 {strides = array<i32>} : memref<128x128xf32, #tpu.memory_space<vmem>>, vector<1x16xf32>,
        %get3A_1551 = arith.index_cast %add3A_1540 : i32 to index
        %get3A_1552 = arith.constant 16 : index
        %get3A_1553 = tpu.vector_load %arg9[%get3A_1551, %get3A_1552] {strides = array<i32>} : memref<128x128xf32, #tpu.memory_space<vmem>>, vector<1x16xf32>,
        %get3A_1554 = vector.shape_cast %get3A_1553 : vector<1x16xf32> to vector<16xf32>
        %mul3A_1555 = arith.mulf %get3A_1554, %broadcast_in_dim3A_1536 : vector<16xf32>
        %swap3A_1556 = arith.index_cast %add3A_1540 : i32 to index
        %swap3A_1557 = arith.constant 16 : index
        %swap3A_1558 = tpu.vector_load %arg9[%swap3A_1556, %swap3A_1557] {strides = array<i32>} : memref<128x128xf32, #tpu.memory_space<vmem>>, vector<1x16xf32>,
        %swap3A_1559 = vector.shape_cast %swap3A_1558 : vector<1x16xf32> to vector<16xf32>
        %swap3A_1560 = vector.shape_cast %mul3A_1555 : vector<16xf32> to vector<1x16xf32>
        tpu.vector_store %arg9[%swap3A_1556, %swap3A_1557], %swap3A_1560 {strides = array<i32>} : memref<128x128xf32, #tpu.memory_space<vmem>>, vector<1x16xf32>,
        %get3A_1561 = arith.index_cast %add3A_1540 : i32 to index
        %get3A_1562 = arith.constant 32 : index
        %get3A_1563 = tpu.vector_load %arg9[%get3A_1561, %get3A_1562] {strides = array<i32>} : memref<128x128xf32, #tpu.memory_space<vmem>>, vector<1x16xf32>,
        %get3A_1564 = vector.shape_cast %get3A_1563 : vector<1x16xf32> to vector<16xf32>
        %mul3A_1565 = arith.mulf %get3A_1564, %broadcast_in_dim3A_1536 : vector<16xf32>
        %swap3A_1566 = arith.index_cast %add3A_1540 : i32 to index
        %swap3A_1567 = arith.constant 32 : index
        %swap3A_1568 = tpu.vector_load %arg9[%swap3A_1566, %swap3A_1567] {strides = array<i32>} : memref<128x128xf32, #tpu.memory_space<vmem>>, vector<1x16xf32>,
        %swap3A_1569 = vector.shape_cast %swap3A_1568 : vector<1x16xf32> to vector<16xf32>
        %swap3A_1570 = vector.shape_cast %mul3A_1565 : vector<16xf32> to vector<1x16xf32>
        tpu.vector_store %arg9[%swap3A_1566, %swap3A_1567], %swap3A_1570 {strides = array<i32>} : memref<128x128xf32, #tpu.memory_space<vmem>>, vector<1x16xf32>,
        %get3A_1571 = arith.index_cast %add3A_1540 : i32 to index
        %get3A_1572 = arith.constant 48 : index
        %get3A_1573 = tpu.vector_load %arg9[%get3A_1571, %get3A_1572] {strides = array<i32>} : memref<128x128xf32, #tpu.memory_space<vmem>>, vector<1x16xf32>,
        %get3A_1574 = vector.shape_cast %get3A_1573 : vector<1x16xf32> to vector<16xf32>
        %mul3A_1575 = arith.mulf %get3A_1574, %broadcast_in_dim3A_1536 : vector<16xf32>
        %swap3A_1576 = arith.index_cast %add3A_1540 : i32 to index
        %swap3A_1577 = arith.constant 48 : index
        %swap3A_1578 = tpu.vector_load %arg9[%swap3A_1576, %swap3A_1577] {strides = array<i32>} : memref<128x128xf32, #tpu.memory_space<vmem>>, vector<1x16xf32>,
        %swap3A_1579 = vector.shape_cast %swap3A_1578 : vector<1x16xf32> to vector<16xf32>
        %swap3A_1580 = vector.shape_cast %mul3A_1575 : vector<16xf32> to vector<1x16xf32>
        tpu.vector_store %arg9[%swap3A_1576, %swap3A_1577], %swap3A_1580 {strides = array<i32>} : memref<128x128xf32, #tpu.memory_space<vmem>>, vector<1x16xf32>,
        %get3A_1581 = arith.index_cast %add3A_1540 : i32 to index
        %get3A_1582 = arith.constant 64 : index
        %get3A_1583 = tpu.vector_load %arg9[%get3A_1581, %get3A_1582] {strides = array<i32>} : memref<128x128xf32, #tpu.memory_space<vmem>>, vector<1x16xf32>,
        %get3A_1584 = vector.shape_cast %get3A_1583 : vector<1x16xf32> to vector<16xf32>
        %mul3A_1585 = arith.mulf %get3A_1584, %broadcast_in_dim3A_1536 : vector<16xf32>
        %swap3A_1586 = arith.index_cast %add3A_1540 : i32 to index
        %swap3A_1587 = arith.constant 64 : index
        %swap3A_1588 = tpu.vector_load %arg9[%swap3A_1586, %swap3A_1587] {strides = array<i32>} : memref<128x128xf32, #tpu.memory_space<vmem>>, vector<1x16xf32>,
        %swap3A_1589 = vector.shape_cast %swap3A_1588 : vector<1x16xf32> to vector<16xf32>
        %swap3A_1590 = vector.shape_cast %mul3A_1585 : vector<16xf32> to vector<1x16xf32>
        tpu.vector_store %arg9[%swap3A_1586, %swap3A_1587], %swap3A_1590 {strides = array<i32>} : memref<128x128xf32, #tpu.memory_space<vmem>>, vector<1x16xf32>,
        %get3A_1591 = arith.index_cast %add3A_1540 : i32 to index
        %get3A_1592 = arith.constant 80 : index
        %get3A_1593 = tpu.vector_load %arg9[%get3A_1591, %get3A_1592] {strides = array<i32>} : memref<128x128xf32, #tpu.memory_space<vmem>>, vector<1x16xf32>,
        %get3A_1594 = vector.shape_cast %get3A_1593 : vector<1x16xf32> to vector<16xf32>
        %mul3A_1595 = arith.mulf %get3A_1594, %broadcast_in_dim3A_1536 : vector<16xf32>
        %swap3A_1596 = arith.index_cast %add3A_1540 : i32 to index
        %swap3A_1597 = arith.constant 80 : index
        %swap3A_1598 = tpu.vector_load %arg9[%swap3A_1596, %swap3A_1597] {strides = array<i32>} : memref<128x128xf32, #tpu.memory_space<vmem>>, vector<1x16xf32>,
        %swap3A_1599 = vector.shape_cast %swap3A_1598 : vector<1x16xf32> to vector<16xf32>
        %swap3A_1600 = vector.shape_cast %mul3A_1595 : vector<16xf32> to vector<1x16xf32>
        tpu.vector_store %arg9[%swap3A_1596, %swap3A_1597], %swap3A_1600 {strides = array<i32>} : memref<128x128xf32, #tpu.memory_space<vmem>>, vector<1x16xf32>,
        %get3A_1601 = arith.index_cast %add3A_1540 : i32 to index
        %get3A_1602 = arith.constant 96 : index
        %get3A_1603 = tpu.vector_load %arg9[%get3A_1601, %get3A_1602] {strides = array<i32>} : memref<128x128xf32, #tpu.memory_space<vmem>>, vector<1x16xf32>,
        %get3A_1604 = vector.shape_cast %get3A_1603 : vector<1x16xf32> to vector<16xf32>
        %mul3A_1605 = arith.mulf %get3A_1604, %broadcast_in_dim3A_1536 : vector<16xf32>
        %swap3A_1606 = arith.index_cast %add3A_1540 : i32 to index
        %swap3A_1607 = arith.constant 96 : index
        %swap3A_1608 = tpu.vector_load %arg9[%swap3A_1606, %swap3A_1607] {strides = array<i32>} : memref<128x128xf32, #tpu.memory_space<vmem>>, vector<1x16xf32>,
        %swap3A_1609 = vector.shape_cast %swap3A_1608 : vector<1x16xf32> to vector<16xf32>
        %swap3A_1610 = vector.shape_cast %mul3A_1605 : vector<16xf32> to vector<1x16xf32>
        tpu.vector_store %arg9[%swap3A_1606, %swap3A_1607], %swap3A_1610 {strides = array<i32>} : memref<128x128xf32, #tpu.memory_space<vmem>>, vector<1x16xf32>,
        %get3A_1611 = arith.index_cast %add3A_1540 : i32 to index
        %get3A_1612 = arith.constant 112 : index
        %get3A_1613 = tpu.vector_load %arg9[%get3A_1611, %get3A_1612] {strides = array<i32>} : memref<128x128xf32, #tpu.memory_space<vmem>>, vector<1x16xf32>,
        %get3A_1614 = vector.shape_cast %get3A_1613 : vector<1x16xf32> to vector<16xf32>
        %mul3A_1615 = arith.mulf %get3A_1614, %broadcast_in_dim3A_1536 : vector<16xf32>
        %swap3A_1616 = arith.index_cast %add3A_1540 : i32 to index
        %swap3A_1617 = arith.constant 112 : index
        %swap3A_1618 = tpu.vector_load %arg9[%swap3A_1616, %swap3A_1617] {strides = array<i32>} : memref<128x128xf32, #tpu.memory_space<vmem>>, vector<1x16xf32>,
        %swap3A_1619 = vector.shape_cast %swap3A_1618 : vector<1x16xf32> to vector<16xf32>
        %swap3A_1620 = vector.shape_cast %mul3A_1615 : vector<16xf32> to vector<1x16xf32>
        tpu.vector_store %arg9[%swap3A_1616, %swap3A_1617], %swap3A_1620 {strides = array<i32>} : memref<128x128xf32, #tpu.memory_space<vmem>>, vector<1x16xf32>,
        %slice3A_1621 = vector.extract_strided_slice %get3A_318 {offsets = [15], sizes = [1], strides = [1]} : vector<16xf32> to vector<1xf32>
        %squeeze3A_1622 = vector.extract %slice3A_1621[0] : f32 from vector<1xf32>
        %broadcast_in_dim3A_1623 = vector.broadcast %squeeze3A_1622 : f32 to vector<16xf32>
        %mul3A_1624 = arith.constant 16 : i32
        %mul3A_1625 = arith.muli %scan3A_314, %mul3A_1624 : i32
        %add3A_1626 = arith.constant 15 : i32
        %add3A_1627 = arith.addi %mul3A_1625, %add3A_1626 : i32
        %get3A_1628 = arith.index_cast %add3A_1627 : i32 to index
        %get3A_1629 = arith.constant 0 : index
        %get3A_1630 = tpu.vector_load %arg9[%get3A_1628, %get3A_1629] {strides = array<i32>} : memref<128x128xf32, #tpu.memory_space<vmem>>, vector<1x16xf32>,
        %get3A_1631 = vector.shape_cast %get3A_1630 : vector<1x16xf32> to vector<16xf32>
        %mul3A_1632 = arith.mulf %get3A_1631, %broadcast_in_dim3A_1623 : vector<16xf32>
        %swap3A_1633 = arith.index_cast %add3A_1627 : i32 to index
        %swap3A_1634 = arith.constant 0 : index
        %swap3A_1635 = tpu.vector_load %arg9[%swap3A_1633, %swap3A_1634] {strides = array<i32>} : memref<128x128xf32, #tpu.memory_space<vmem>>, vector<1x16xf32>,
        %swap3A_1636 = vector.shape_cast %swap3A_1635 : vector<1x16xf32> to vector<16xf32>
        %swap3A_1637 = vector.shape_cast %mul3A_1632 : vector<16xf32> to vector<1x16xf32>
        tpu.vector_store %arg9[%swap3A_1633, %swap3A_1634], %swap3A_1637 {strides = array<i32>} : memref<128x128xf32, #tpu.memory_space<vmem>>, vector<1x16xf32>,
        %get3A_1638 = arith.index_cast %add3A_1627 : i32 to index
        %get3A_1639 = arith.constant 16 : index
        %get3A_1640 = tpu.vector_load %arg9[%get3A_1638, %get3A_1639] {strides = array<i32>} : memref<128x128xf32, #tpu.memory_space<vmem>>, vector<1x16xf32>,
        %get3A_1641 = vector.shape_cast %get3A_1640 : vector<1x16xf32> to vector<16xf32>
        %mul3A_1642 = arith.mulf %get3A_1641, %broadcast_in_dim3A_1623 : vector<16xf32>
        %swap3A_1643 = arith.index_cast %add3A_1627 : i32 to index
        %swap3A_1644 = arith.constant 16 : index
        %swap3A_1645 = tpu.vector_load %arg9[%swap3A_1643, %swap3A_1644] {strides = array<i32>} : memref<128x128xf32, #tpu.memory_space<vmem>>, vector<1x16xf32>,
        %swap3A_1646 = vector.shape_cast %swap3A_1645 : vector<1x16xf32> to vector<16xf32>
        %swap3A_1647 = vector.shape_cast %mul3A_1642 : vector<16xf32> to vector<1x16xf32>
        tpu.vector_store %arg9[%swap3A_1643, %swap3A_1644], %swap3A_1647 {strides = array<i32>} : memref<128x128xf32, #tpu.memory_space<vmem>>, vector<1x16xf32>,
        %get3A_1648 = arith.index_cast %add3A_1627 : i32 to index
        %get3A_1649 = arith.constant 32 : index
        %get3A_1650 = tpu.vector_load %arg9[%get3A_1648, %get3A_1649] {strides = array<i32>} : memref<128x128xf32, #tpu.memory_space<vmem>>, vector<1x16xf32>,
        %get3A_1651 = vector.shape_cast %get3A_1650 : vector<1x16xf32> to vector<16xf32>
        %mul3A_1652 = arith.mulf %get3A_1651, %broadcast_in_dim3A_1623 : vector<16xf32>
        %swap3A_1653 = arith.index_cast %add3A_1627 : i32 to index
        %swap3A_1654 = arith.constant 32 : index
        %swap3A_1655 = tpu.vector_load %arg9[%swap3A_1653, %swap3A_1654] {strides = array<i32>} : memref<128x128xf32, #tpu.memory_space<vmem>>, vector<1x16xf32>,
        %swap3A_1656 = vector.shape_cast %swap3A_1655 : vector<1x16xf32> to vector<16xf32>
        %swap3A_1657 = vector.shape_cast %mul3A_1652 : vector<16xf32> to vector<1x16xf32>
        tpu.vector_store %arg9[%swap3A_1653, %swap3A_1654], %swap3A_1657 {strides = array<i32>} : memref<128x128xf32, #tpu.memory_space<vmem>>, vector<1x16xf32>,
        %get3A_1658 = arith.index_cast %add3A_1627 : i32 to index
        %get3A_1659 = arith.constant 48 : index
        %get3A_1660 = tpu.vector_load %arg9[%get3A_1658, %get3A_1659] {strides = array<i32>} : memref<128x128xf32, #tpu.memory_space<vmem>>, vector<1x16xf32>,
        %get3A_1661 = vector.shape_cast %get3A_1660 : vector<1x16xf32> to vector<16xf32>
        %mul3A_1662 = arith.mulf %get3A_1661, %broadcast_in_dim3A_1623 : vector<16xf32>
        %swap3A_1663 = arith.index_cast %add3A_1627 : i32 to index
        %swap3A_1664 = arith.constant 48 : index
        %swap3A_1665 = tpu.vector_load %arg9[%swap3A_1663, %swap3A_1664] {strides = array<i32>} : memref<128x128xf32, #tpu.memory_space<vmem>>, vector<1x16xf32>,
        %swap3A_1666 = vector.shape_cast %swap3A_1665 : vector<1x16xf32> to vector<16xf32>
        %swap3A_1667 = vector.shape_cast %mul3A_1662 : vector<16xf32> to vector<1x16xf32>
        tpu.vector_store %arg9[%swap3A_1663, %swap3A_1664], %swap3A_1667 {strides = array<i32>} : memref<128x128xf32, #tpu.memory_space<vmem>>, vector<1x16xf32>,
        %get3A_1668 = arith.index_cast %add3A_1627 : i32 to index
        %get3A_1669 = arith.constant 64 : index
        %get3A_1670 = tpu.vector_load %arg9[%get3A_1668, %get3A_1669] {strides = array<i32>} : memref<128x128xf32, #tpu.memory_space<vmem>>, vector<1x16xf32>,
        %get3A_1671 = vector.shape_cast %get3A_1670 : vector<1x16xf32> to vector<16xf32>
        %mul3A_1672 = arith.mulf %get3A_1671, %broadcast_in_dim3A_1623 : vector<16xf32>
        %swap3A_1673 = arith.index_cast %add3A_1627 : i32 to index
        %swap3A_1674 = arith.constant 64 : index
        %swap3A_1675 = tpu.vector_load %arg9[%swap3A_1673, %swap3A_1674] {strides = array<i32>} : memref<128x128xf32, #tpu.memory_space<vmem>>, vector<1x16xf32>,
        %swap3A_1676 = vector.shape_cast %swap3A_1675 : vector<1x16xf32> to vector<16xf32>
        %swap3A_1677 = vector.shape_cast %mul3A_1672 : vector<16xf32> to vector<1x16xf32>
        tpu.vector_store %arg9[%swap3A_1673, %swap3A_1674], %swap3A_1677 {strides = array<i32>} : memref<128x128xf32, #tpu.memory_space<vmem>>, vector<1x16xf32>,
        %get3A_1678 = arith.index_cast %add3A_1627 : i32 to index
        %get3A_1679 = arith.constant 80 : index
        %get3A_1680 = tpu.vector_load %arg9[%get3A_1678, %get3A_1679] {strides = array<i32>} : memref<128x128xf32, #tpu.memory_space<vmem>>, vector<1x16xf32>,
        %get3A_1681 = vector.shape_cast %get3A_1680 : vector<1x16xf32> to vector<16xf32>
        %mul3A_1682 = arith.mulf %get3A_1681, %broadcast_in_dim3A_1623 : vector<16xf32>
        %swap3A_1683 = arith.index_cast %add3A_1627 : i32 to index
        %swap3A_1684 = arith.constant 80 : index
        %swap3A_1685 = tpu.vector_load %arg9[%swap3A_1683, %swap3A_1684] {strides = array<i32>} : memref<128x128xf32, #tpu.memory_space<vmem>>, vector<1x16xf32>,
        %swap3A_1686 = vector.shape_cast %swap3A_1685 : vector<1x16xf32> to vector<16xf32>
        %swap3A_1687 = vector.shape_cast %mul3A_1682 : vector<16xf32> to vector<1x16xf32>
        tpu.vector_store %arg9[%swap3A_1683, %swap3A_1684], %swap3A_1687 {strides = array<i32>} : memref<128x128xf32, #tpu.memory_space<vmem>>, vector<1x16xf32>,
        %get3A_1688 = arith.index_cast %add3A_1627 : i32 to index
        %get3A_1689 = arith.constant 96 : index
        %get3A_1690 = tpu.vector_load %arg9[%get3A_1688, %get3A_1689] {strides = array<i32>} : memref<128x128xf32, #tpu.memory_space<vmem>>, vector<1x16xf32>,
        %get3A_1691 = vector.shape_cast %get3A_1690 : vector<1x16xf32> to vector<16xf32>
        %mul3A_1692 = arith.mulf %get3A_1691, %broadcast_in_dim3A_1623 : vector<16xf32>
        %swap3A_1693 = arith.index_cast %add3A_1627 : i32 to index
        %swap3A_1694 = arith.constant 96 : index
        %swap3A_1695 = tpu.vector_load %arg9[%swap3A_1693, %swap3A_1694] {strides = array<i32>} : memref<128x128xf32, #tpu.memory_space<vmem>>, vector<1x16xf32>,
        %swap3A_1696 = vector.shape_cast %swap3A_1695 : vector<1x16xf32> to vector<16xf32>
        %swap3A_1697 = vector.shape_cast %mul3A_1692 : vector<16xf32> to vector<1x16xf32>
        tpu.vector_store %arg9[%swap3A_1693, %swap3A_1694], %swap3A_1697 {strides = array<i32>} : memref<128x128xf32, #tpu.memory_space<vmem>>, vector<1x16xf32>,
        %get3A_1698 = arith.index_cast %add3A_1627 : i32 to index
        %get3A_1699 = arith.constant 112 : index
        %get3A_1700 = tpu.vector_load %arg9[%get3A_1698, %get3A_1699] {strides = array<i32>} : memref<128x128xf32, #tpu.memory_space<vmem>>, vector<1x16xf32>,
        %get3A_1701 = vector.shape_cast %get3A_1700 : vector<1x16xf32> to vector<16xf32>
        %mul3A_1702 = arith.mulf %get3A_1701, %broadcast_in_dim3A_1623 : vector<16xf32>
        %swap3A_1703 = arith.index_cast %add3A_1627 : i32 to index
        %swap3A_1704 = arith.constant 112 : index
        %swap3A_1705 = tpu.vector_load %arg9[%swap3A_1703, %swap3A_1704] {strides = array<i32>} : memref<128x128xf32, #tpu.memory_space<vmem>>, vector<1x16xf32>,
        %swap3A_1706 = vector.shape_cast %swap3A_1705 : vector<1x16xf32> to vector<16xf32>
        %swap3A_1707 = vector.shape_cast %mul3A_1702 : vector<16xf32> to vector<1x16xf32>
        tpu.vector_store %arg9[%swap3A_1703, %swap3A_1704], %swap3A_1707 {strides = array<i32>} : memref<128x128xf32, #tpu.memory_space<vmem>>, vector<1x16xf32>,
      }
      %scan3A_313 = arith.constant 8 : i32
      "tpu.region"() ({
        %run_scoped3A_314 = tpu.sem_alloc : memref<!tpu.dma_semaphore, #tpu.memory_space<semaphore_mem>>
        %dma_start3A_315 = arith.constant 0 : i32
        %dma_start3A_316 = arith.constant 0 : i32
        %dma_start3A_317 = tpu.memref_slice %arg12[%dma_start3A_315, %dma_start3A_316] : memref<10112x128xf32, #tpu.memory_space<vmem_shared>> -> memref<10112x128xf32, #tpu.memory_space<vmem_shared>>
        tpu.enqueue_indirect_dma source(%arg9 : memref<128x128xf32, #tpu.memory_space<vmem>>) target(%dma_start3A_317 : memref<10112x128xf32, #tpu.memory_space<vmem_shared>>) offsets(%arg7 : memref<128xi32, #tpu.memory_space<vmem>>) semaphore(%run_scoped3A_314 : memref<!tpu.dma_semaphore, #tpu.memory_space<semaphore_mem>>) {add = true}
        %dma_wait3A_318 = arith.constant 0 : i32
        %dma_wait3A_319 = arith.constant 0 : i32
        %dma_wait3A_320 = tpu.memref_slice %arg12[%dma_wait3A_318, %dma_wait3A_319] : memref<10112x128xf32, #tpu.memory_space<vmem_shared>> -> memref<10112x128xf32, #tpu.memory_space<vmem_shared>>
        tpu.wait_indirect_dma semaphore(%run_scoped3A_314 : memref<!tpu.dma_semaphore, #tpu.memory_space<semaphore_mem>>) src(%arg9 : memref<128x128xf32, #tpu.memory_space<vmem>>) dst(%dma_wait3A_320 : memref<10112x128xf32, #tpu.memory_space<vmem_shared>>)
        tpu.yield
      }) : () -> ()
    }
    %while3A_293 = arith.constant 1 : i32
    scf.for %while3A_299 = %while3A_291 to %while3A_287 step %while3A_293  : i32 {
      %add3A_300 = arith.addi %add3A_280, %while3A_299 : i32
      %mul3A_301 = arith.constant 128 : i32
      %mul3A_302 = arith.muli %add3A_300, %mul3A_301 : i32
      %run_scoped3A = arith.constant 0 : i32
      "tpu.region"() ({
        %run_scoped3A_314 = tpu.sem_alloc : memref<!tpu.dma_semaphore, #tpu.memory_space<semaphore_mem>>
        %dma_start3A_315 = tpu.memref_slice %arg3[%run_scoped3A, %mul3A_302] : memref<2x320000xi32, #tpu.memory_space<hbm>> -> memref<1x128xi32, #tpu.memory_space<hbm>>
        %dma_start3A_316 = tpu.memref_squeeze %dma_start3A_315 : memref<1x128xi32, #tpu.memory_space<hbm>> -> memref<128xi32, #tpu.memory_space<hbm>>
        %dma_start3A_317 = tpu.memref_slice %arg3[%run_scoped3A, %mul3A_302] : memref<2x320000xi32, #tpu.memory_space<hbm>> -> memref<1x128xi32, #tpu.memory_space<hbm>>
        %dma_start3A_318 = tpu.memref_squeeze %dma_start3A_317 : memref<1x128xi32, #tpu.memory_space<hbm>> -> memref<128xi32, #tpu.memory_space<hbm>>
        tpu.enqueue_dma source(%dma_start3A_318 : memref<128xi32, #tpu.memory_space<hbm>>) target(%arg6 : memref<128xi32, #tpu.memory_space<vmem>>) target_semaphore(%run_scoped3A_314 : memref<!tpu.dma_semaphore, #tpu.memory_space<semaphore_mem>>)
        %dma_wait3A_319 = tpu.memref_slice %arg3[%run_scoped3A, %mul3A_302] : memref<2x320000xi32, #tpu.memory_space<hbm>> -> memref<1x128xi32, #tpu.memory_space<hbm>>
        %dma_wait3A_320 = tpu.memref_squeeze %dma_wait3A_319 : memref<1x128xi32, #tpu.memory_space<hbm>> -> memref<128xi32, #tpu.memory_space<hbm>>
        %dma_wait3A_321 = tpu.memref_slice %arg3[%run_scoped3A, %mul3A_302] : memref<2x320000xi32, #tpu.memory_space<hbm>> -> memref<1x128xi32, #tpu.memory_space<hbm>>
        %dma_wait3A_322 = tpu.memref_squeeze %dma_wait3A_321 : memref<1x128xi32, #tpu.memory_space<hbm>> -> memref<128xi32, #tpu.memory_space<hbm>>
        tpu.wait_dma2 semaphore(%run_scoped3A_314 : memref<!tpu.dma_semaphore, #tpu.memory_space<semaphore_mem>>) src(%dma_wait3A_322 : memref<128xi32, #tpu.memory_space<hbm>>) dst(%arg6 : memref<128xi32, #tpu.memory_space<vmem>>)
        tpu.yield
      }) : () -> ()
      %run_scoped3A_303 = arith.constant 1 : i32
      "tpu.region"() ({
        %run_scoped3A_314 = tpu.sem_alloc : memref<!tpu.dma_semaphore, #tpu.memory_space<semaphore_mem>>
        %dma_start3A_315 = tpu.memref_slice %arg3[%run_scoped3A_303, %mul3A_302] : memref<2x320000xi32, #tpu.memory_space<hbm>> -> memref<1x128xi32, #tpu.memory_space<hbm>>
        %dma_start3A_316 = tpu.memref_squeeze %dma_start3A_315 : memref<1x128xi32, #tpu.memory_space<hbm>> -> memref<128xi32, #tpu.memory_space<hbm>>
        %dma_start3A_317 = tpu.memref_slice %arg3[%run_scoped3A_303, %mul3A_302] : memref<2x320000xi32, #tpu.memory_space<hbm>> -> memref<1x128xi32, #tpu.memory_space<hbm>>
        %dma_start3A_318 = tpu.memref_squeeze %dma_start3A_317 : memref<1x128xi32, #tpu.memory_space<hbm>> -> memref<128xi32, #tpu.memory_space<hbm>>
        tpu.enqueue_dma source(%dma_start3A_318 : memref<128xi32, #tpu.memory_space<hbm>>) target(%arg7 : memref<128xi32, #tpu.memory_space<vmem>>) target_semaphore(%run_scoped3A_314 : memref<!tpu.dma_semaphore, #tpu.memory_space<semaphore_mem>>)
        %dma_wait3A_319 = tpu.memref_slice %arg3[%run_scoped3A_303, %mul3A_302] : memref<2x320000xi32, #tpu.memory_space<hbm>> -> memref<1x128xi32, #tpu.memory_space<hbm>>
        %dma_wait3A_320 = tpu.memref_squeeze %dma_wait3A_319 : memref<1x128xi32, #tpu.memory_space<hbm>> -> memref<128xi32, #tpu.memory_space<hbm>>
        %dma_wait3A_321 = tpu.memref_slice %arg3[%run_scoped3A_303, %mul3A_302] : memref<2x320000xi32, #tpu.memory_space<hbm>> -> memref<1x128xi32, #tpu.memory_space<hbm>>
        %dma_wait3A_322 = tpu.memref_squeeze %dma_wait3A_321 : memref<1x128xi32, #tpu.memory_space<hbm>> -> memref<128xi32, #tpu.memory_space<hbm>>
        tpu.wait_dma2 semaphore(%run_scoped3A_314 : memref<!tpu.dma_semaphore, #tpu.memory_space<semaphore_mem>>) src(%dma_wait3A_322 : memref<128xi32, #tpu.memory_space<hbm>>) dst(%arg7 : memref<128xi32, #tpu.memory_space<vmem>>)
        tpu.yield
      }) : () -> ()
      "tpu.region"() ({
        %run_scoped3A_314 = tpu.sem_alloc : memref<!tpu.dma_semaphore, #tpu.memory_space<semaphore_mem>>
        %dma_start3A_315 = tpu.memref_slice %arg4[%mul3A_302] : memref<320000xf32, #tpu.memory_space<hbm>> -> memref<128xf32, #tpu.memory_space<hbm>>
        %dma_start3A_316 = tpu.memref_slice %arg4[%mul3A_302] : memref<320000xf32, #tpu.memory_space<hbm>> -> memref<128xf32, #tpu.memory_space<hbm>>
        tpu.enqueue_dma source(%dma_start3A_316 : memref<128xf32, #tpu.memory_space<hbm>>) target(%arg8 : memref<128xf32, #tpu.memory_space<vmem>>) target_semaphore(%run_scoped3A_314 : memref<!tpu.dma_semaphore, #tpu.memory_space<semaphore_mem>>)
        %dma_wait3A_317 = tpu.memref_slice %arg4[%mul3A_302] : memref<320000xf32, #tpu.memory_space<hbm>> -> memref<128xf32, #tpu.memory_space<hbm>>
        %dma_wait3A_318 = tpu.memref_slice %arg4[%mul3A_302] : memref<320000xf32, #tpu.memory_space<hbm>> -> memref<128xf32, #tpu.memory_space<hbm>>
        tpu.wait_dma2 semaphore(%run_scoped3A_314 : memref<!tpu.dma_semaphore, #tpu.memory_space<semaphore_mem>>) src(%dma_wait3A_318 : memref<128xf32, #tpu.memory_space<hbm>>) dst(%arg8 : memref<128xf32, #tpu.memory_space<vmem>>)
        tpu.yield
      }) : () -> ()
      %dma_start3A = arith.constant 0 : i32
      %dma_start3A_304 = arith.constant 0 : i32
      %dma_start3A_305 = tpu.memref_slice %arg2[%dma_start3A, %dma_start3A_304] : memref<10000x128xf32, #tpu.memory_space<hbm>> -> memref<10000x128xf32, #tpu.memory_space<hbm>>
      tpu.enqueue_indirect_dma source(%dma_start3A_305 : memref<10000x128xf32, #tpu.memory_space<hbm>>) target(%arg9 : memref<128x128xf32, #tpu.memory_space<vmem>>) offsets(%arg6 : memref<128xi32, #tpu.memory_space<vmem>>) semaphore(%arg13 : memref<!tpu.dma_semaphore, #tpu.memory_space<semaphore_mem>>)
      %dma_wait3A = arith.constant 0 : i32
      %dma_wait3A_306 = arith.constant 0 : i32
      %dma_wait3A_307 = tpu.memref_slice %arg2[%dma_wait3A, %dma_wait3A_306] : memref<10000x128xf32, #tpu.memory_space<hbm>> -> memref<10000x128xf32, #tpu.memory_space<hbm>>
      tpu.wait_indirect_dma semaphore(%arg13 : memref<!tpu.dma_semaphore, #tpu.memory_space<semaphore_mem>>) src(%dma_wait3A_307 : memref<10000x128xf32, #tpu.memory_space<hbm>>) dst(%arg9 : memref<128x128xf32, #tpu.memory_space<vmem>>)
      %scan3A_308 = arith.constant 0 : i32
      %scan3A_309 = arith.constant 0 : i32
      %scan3A_310 = arith.constant 8 : i32
      %scan3A_311 = arith.addi %scan3A_309, %scan3A_310 : i32
      %scan3A_312 = arith.constant 1 : i32
      scf.for %scan3A_314 = %scan3A_309 to %scan3A_311 step %scan3A_312  : i32 {
        %mul3A_315 = arith.constant 16 : i32
        %mul3A_316 = arith.muli %scan3A_314, %mul3A_315 : i32
        %get3A = arith.index_cast %mul3A_316 : i32 to index
        %get3A_317 = tpu.vector_load %arg8[%get3A] {strides = array<i32>} : memref<128xf32, #tpu.memory_space<vmem>>, vector<16xf32>,
        %get3A_318 = vector.shape_cast %get3A_317 : vector<16xf32> to vector<16xf32>
        %slice3A = vector.extract_strided_slice %get3A_318 {offsets = [0], sizes = [1], strides = [1]} : vector<16xf32> to vector<1xf32>
        %squeeze3A = vector.extract %slice3A[0] : f32 from vector<1xf32>
        %broadcast_in_dim3A = vector.broadcast %squeeze3A : f32 to vector<16xf32>
        %mul3A_319 = arith.constant 16 : i32
        %mul3A_320 = arith.muli %scan3A_314, %mul3A_319 : i32
        %add3A_321 = arith.constant 0 : i32
        %add3A_322 = arith.addi %mul3A_320, %add3A_321 : i32
        %get3A_323 = arith.index_cast %add3A_322 : i32 to index
        %get3A_324 = arith.constant 0 : index
        %get3A_325 = tpu.vector_load %arg9[%get3A_323, %get3A_324] {strides = array<i32>} : memref<128x128xf32, #tpu.memory_space<vmem>>, vector<1x16xf32>,
        %get3A_326 = vector.shape_cast %get3A_325 : vector<1x16xf32> to vector<16xf32>
        %mul3A_327 = arith.mulf %get3A_326, %broadcast_in_dim3A : vector<16xf32>
        %swap3A_328 = arith.index_cast %add3A_322 : i32 to index
        %swap3A_329 = arith.constant 0 : index
        %swap3A_330 = tpu.vector_load %arg9[%swap3A_328, %swap3A_329] {strides = array<i32>} : memref<128x128xf32, #tpu.memory_space<vmem>>, vector<1x16xf32>,
        %swap3A_331 = vector.shape_cast %swap3A_330 : vector<1x16xf32> to vector<16xf32>
        %swap3A_332 = vector.shape_cast %mul3A_327 : vector<16xf32> to vector<1x16xf32>
        tpu.vector_store %arg9[%swap3A_328, %swap3A_329], %swap3A_332 {strides = array<i32>} : memref<128x128xf32, #tpu.memory_space<vmem>>, vector<1x16xf32>,
        %get3A_333 = arith.index_cast %add3A_322 : i32 to index
        %get3A_334 = arith.constant 16 : index
        %get3A_335 = tpu.vector_load %arg9[%get3A_333, %get3A_334] {strides = array<i32>} : memref<128x128xf32, #tpu.memory_space<vmem>>, vector<1x16xf32>,
        %get3A_336 = vector.shape_cast %get3A_335 : vector<1x16xf32> to vector<16xf32>
        %mul3A_337 = arith.mulf %get3A_336, %broadcast_in_dim3A : vector<16xf32>
        %swap3A_338 = arith.index_cast %add3A_322 : i32 to index
        %swap3A_339 = arith.constant 16 : index
        %swap3A_340 = tpu.vector_load %arg9[%swap3A_338, %swap3A_339] {strides = array<i32>} : memref<128x128xf32, #tpu.memory_space<vmem>>, vector<1x16xf32>,
        %swap3A_341 = vector.shape_cast %swap3A_340 : vector<1x16xf32> to vector<16xf32>
        %swap3A_342 = vector.shape_cast %mul3A_337 : vector<16xf32> to vector<1x16xf32>
        tpu.vector_store %arg9[%swap3A_338, %swap3A_339], %swap3A_342 {strides = array<i32>} : memref<128x128xf32, #tpu.memory_space<vmem>>, vector<1x16xf32>,
        %get3A_343 = arith.index_cast %add3A_322 : i32 to index
        %get3A_344 = arith.constant 32 : index
        %get3A_345 = tpu.vector_load %arg9[%get3A_343, %get3A_344] {strides = array<i32>} : memref<128x128xf32, #tpu.memory_space<vmem>>, vector<1x16xf32>,
        %get3A_346 = vector.shape_cast %get3A_345 : vector<1x16xf32> to vector<16xf32>
        %mul3A_347 = arith.mulf %get3A_346, %broadcast_in_dim3A : vector<16xf32>
        %swap3A_348 = arith.index_cast %add3A_322 : i32 to index
        %swap3A_349 = arith.constant 32 : index
        %swap3A_350 = tpu.vector_load %arg9[%swap3A_348, %swap3A_349] {strides = array<i32>} : memref<128x128xf32, #tpu.memory_space<vmem>>, vector<1x16xf32>,
        %swap3A_351 = vector.shape_cast %swap3A_350 : vector<1x16xf32> to vector<16xf32>
        %swap3A_352 = vector.shape_cast %mul3A_347 : vector<16xf32> to vector<1x16xf32>
        tpu.vector_store %arg9[%swap3A_348, %swap3A_349], %swap3A_352 {strides = array<i32>} : memref<128x128xf32, #tpu.memory_space<vmem>>, vector<1x16xf32>,
        %get3A_353 = arith.index_cast %add3A_322 : i32 to index
        %get3A_354 = arith.constant 48 : index
        %get3A_355 = tpu.vector_load %arg9[%get3A_353, %get3A_354] {strides = array<i32>} : memref<128x128xf32, #tpu.memory_space<vmem>>, vector<1x16xf32>,
        %get3A_356 = vector.shape_cast %get3A_355 : vector<1x16xf32> to vector<16xf32>
        %mul3A_357 = arith.mulf %get3A_356, %broadcast_in_dim3A : vector<16xf32>
        %swap3A_358 = arith.index_cast %add3A_322 : i32 to index
        %swap3A_359 = arith.constant 48 : index
        %swap3A_360 = tpu.vector_load %arg9[%swap3A_358, %swap3A_359] {strides = array<i32>} : memref<128x128xf32, #tpu.memory_space<vmem>>, vector<1x16xf32>,
        %swap3A_361 = vector.shape_cast %swap3A_360 : vector<1x16xf32> to vector<16xf32>
        %swap3A_362 = vector.shape_cast %mul3A_357 : vector<16xf32> to vector<1x16xf32>
        tpu.vector_store %arg9[%swap3A_358, %swap3A_359], %swap3A_362 {strides = array<i32>} : memref<128x128xf32, #tpu.memory_space<vmem>>, vector<1x16xf32>,
        %get3A_363 = arith.index_cast %add3A_322 : i32 to index
        %get3A_364 = arith.constant 64 : index
        %get3A_365 = tpu.vector_load %arg9[%get3A_363, %get3A_364] {strides = array<i32>} : memref<128x128xf32, #tpu.memory_space<vmem>>, vector<1x16xf32>,
        %get3A_366 = vector.shape_cast %get3A_365 : vector<1x16xf32> to vector<16xf32>
        %mul3A_367 = arith.mulf %get3A_366, %broadcast_in_dim3A : vector<16xf32>
        %swap3A_368 = arith.index_cast %add3A_322 : i32 to index
        %swap3A_369 = arith.constant 64 : index
        %swap3A_370 = tpu.vector_load %arg9[%swap3A_368, %swap3A_369] {strides = array<i32>} : memref<128x128xf32, #tpu.memory_space<vmem>>, vector<1x16xf32>,
        %swap3A_371 = vector.shape_cast %swap3A_370 : vector<1x16xf32> to vector<16xf32>
        %swap3A_372 = vector.shape_cast %mul3A_367 : vector<16xf32> to vector<1x16xf32>
        tpu.vector_store %arg9[%swap3A_368, %swap3A_369], %swap3A_372 {strides = array<i32>} : memref<128x128xf32, #tpu.memory_space<vmem>>, vector<1x16xf32>,
        %get3A_373 = arith.index_cast %add3A_322 : i32 to index
        %get3A_374 = arith.constant 80 : index
        %get3A_375 = tpu.vector_load %arg9[%get3A_373, %get3A_374] {strides = array<i32>} : memref<128x128xf32, #tpu.memory_space<vmem>>, vector<1x16xf32>,
        %get3A_376 = vector.shape_cast %get3A_375 : vector<1x16xf32> to vector<16xf32>
        %mul3A_377 = arith.mulf %get3A_376, %broadcast_in_dim3A : vector<16xf32>
        %swap3A_378 = arith.index_cast %add3A_322 : i32 to index
        %swap3A_379 = arith.constant 80 : index
        %swap3A_380 = tpu.vector_load %arg9[%swap3A_378, %swap3A_379] {strides = array<i32>} : memref<128x128xf32, #tpu.memory_space<vmem>>, vector<1x16xf32>,
        %swap3A_381 = vector.shape_cast %swap3A_380 : vector<1x16xf32> to vector<16xf32>
        %swap3A_382 = vector.shape_cast %mul3A_377 : vector<16xf32> to vector<1x16xf32>
        tpu.vector_store %arg9[%swap3A_378, %swap3A_379], %swap3A_382 {strides = array<i32>} : memref<128x128xf32, #tpu.memory_space<vmem>>, vector<1x16xf32>,
        %get3A_383 = arith.index_cast %add3A_322 : i32 to index
        %get3A_384 = arith.constant 96 : index
        %get3A_385 = tpu.vector_load %arg9[%get3A_383, %get3A_384] {strides = array<i32>} : memref<128x128xf32, #tpu.memory_space<vmem>>, vector<1x16xf32>,
        %get3A_386 = vector.shape_cast %get3A_385 : vector<1x16xf32> to vector<16xf32>
        %mul3A_387 = arith.mulf %get3A_386, %broadcast_in_dim3A : vector<16xf32>
        %swap3A_388 = arith.index_cast %add3A_322 : i32 to index
        %swap3A_389 = arith.constant 96 : index
        %swap3A_390 = tpu.vector_load %arg9[%swap3A_388, %swap3A_389] {strides = array<i32>} : memref<128x128xf32, #tpu.memory_space<vmem>>, vector<1x16xf32>,
        %swap3A_391 = vector.shape_cast %swap3A_390 : vector<1x16xf32> to vector<16xf32>
        %swap3A_392 = vector.shape_cast %mul3A_387 : vector<16xf32> to vector<1x16xf32>
        tpu.vector_store %arg9[%swap3A_388, %swap3A_389], %swap3A_392 {strides = array<i32>} : memref<128x128xf32, #tpu.memory_space<vmem>>, vector<1x16xf32>,
        %get3A_393 = arith.index_cast %add3A_322 : i32 to index
        %get3A_394 = arith.constant 112 : index
        %get3A_395 = tpu.vector_load %arg9[%get3A_393, %get3A_394] {strides = array<i32>} : memref<128x128xf32, #tpu.memory_space<vmem>>, vector<1x16xf32>,
        %get3A_396 = vector.shape_cast %get3A_395 : vector<1x16xf32> to vector<16xf32>
        %mul3A_397 = arith.mulf %get3A_396, %broadcast_in_dim3A : vector<16xf32>
        %swap3A_398 = arith.index_cast %add3A_322 : i32 to index
        %swap3A_399 = arith.constant 112 : index
        %swap3A_400 = tpu.vector_load %arg9[%swap3A_398, %swap3A_399] {strides = array<i32>} : memref<128x128xf32, #tpu.memory_space<vmem>>, vector<1x16xf32>,
        %swap3A_401 = vector.shape_cast %swap3A_400 : vector<1x16xf32> to vector<16xf32>
        %swap3A_402 = vector.shape_cast %mul3A_397 : vector<16xf32> to vector<1x16xf32>
        tpu.vector_store %arg9[%swap3A_398, %swap3A_399], %swap3A_402 {strides = array<i32>} : memref<128x128xf32, #tpu.memory_space<vmem>>, vector<1x16xf32>,
        %slice3A_403 = vector.extract_strided_slice %get3A_318 {offsets = [1], sizes = [1], strides = [1]} : vector<16xf32> to vector<1xf32>
        %squeeze3A_404 = vector.extract %slice3A_403[0] : f32 from vector<1xf32>
        %broadcast_in_dim3A_405 = vector.broadcast %squeeze3A_404 : f32 to vector<16xf32>
        %mul3A_406 = arith.constant 16 : i32
        %mul3A_407 = arith.muli %scan3A_314, %mul3A_406 : i32
        %add3A_408 = arith.constant 1 : i32
        %add3A_409 = arith.addi %mul3A_407, %add3A_408 : i32
        %get3A_410 = arith.index_cast %add3A_409 : i32 to index
        %get3A_411 = arith.constant 0 : index
        %get3A_412 = tpu.vector_load %arg9[%get3A_410, %get3A_411] {strides = array<i32>} : memref<128x128xf32, #tpu.memory_space<vmem>>, vector<1x16xf32>,
        %get3A_413 = vector.shape_cast %get3A_412 : vector<1x16xf32> to vector<16xf32>
        %mul3A_414 = arith.mulf %get3A_413, %broadcast_in_dim3A_405 : vector<16xf32>
        %swap3A_415 = arith.index_cast %add3A_409 : i32 to index
        %swap3A_416 = arith.constant 0 : index
        %swap3A_417 = tpu.vector_load %arg9[%swap3A_415, %swap3A_416] {strides = array<i32>} : memref<128x128xf32, #tpu.memory_space<vmem>>, vector<1x16xf32>,
        %swap3A_418 = vector.shape_cast %swap3A_417 : vector<1x16xf32> to vector<16xf32>
        %swap3A_419 = vector.shape_cast %mul3A_414 : vector<16xf32> to vector<1x16xf32>
        tpu.vector_store %arg9[%swap3A_415, %swap3A_416], %swap3A_419 {strides = array<i32>} : memref<128x128xf32, #tpu.memory_space<vmem>>, vector<1x16xf32>,
        %get3A_420 = arith.index_cast %add3A_409 : i32 to index
        %get3A_421 = arith.constant 16 : index
        %get3A_422 = tpu.vector_load %arg9[%get3A_420, %get3A_421] {strides = array<i32>} : memref<128x128xf32, #tpu.memory_space<vmem>>, vector<1x16xf32>,
        %get3A_423 = vector.shape_cast %get3A_422 : vector<1x16xf32> to vector<16xf32>
        %mul3A_424 = arith.mulf %get3A_423, %broadcast_in_dim3A_405 : vector<16xf32>
        %swap3A_425 = arith.index_cast %add3A_409 : i32 to index
        %swap3A_426 = arith.constant 16 : index
        %swap3A_427 = tpu.vector_load %arg9[%swap3A_425, %swap3A_426] {strides = array<i32>} : memref<128x128xf32, #tpu.memory_space<vmem>>, vector<1x16xf32>,
        %swap3A_428 = vector.shape_cast %swap3A_427 : vector<1x16xf32> to vector<16xf32>
        %swap3A_429 = vector.shape_cast %mul3A_424 : vector<16xf32> to vector<1x16xf32>
        tpu.vector_store %arg9[%swap3A_425, %swap3A_426], %swap3A_429 {strides = array<i32>} : memref<128x128xf32, #tpu.memory_space<vmem>>, vector<1x16xf32>,
        %get3A_430 = arith.index_cast %add3A_409 : i32 to index
        %get3A_431 = arith.constant 32 : index
        %get3A_432 = tpu.vector_load %arg9[%get3A_430, %get3A_431] {strides = array<i32>} : memref<128x128xf32, #tpu.memory_space<vmem>>, vector<1x16xf32>,
        %get3A_433 = vector.shape_cast %get3A_432 : vector<1x16xf32> to vector<16xf32>
        %mul3A_434 = arith.mulf %get3A_433, %broadcast_in_dim3A_405 : vector<16xf32>
        %swap3A_435 = arith.index_cast %add3A_409 : i32 to index
        %swap3A_436 = arith.constant 32 : index
        %swap3A_437 = tpu.vector_load %arg9[%swap3A_435, %swap3A_436] {strides = array<i32>} : memref<128x128xf32, #tpu.memory_space<vmem>>, vector<1x16xf32>,
        %swap3A_438 = vector.shape_cast %swap3A_437 : vector<1x16xf32> to vector<16xf32>
        %swap3A_439 = vector.shape_cast %mul3A_434 : vector<16xf32> to vector<1x16xf32>
        tpu.vector_store %arg9[%swap3A_435, %swap3A_436], %swap3A_439 {strides = array<i32>} : memref<128x128xf32, #tpu.memory_space<vmem>>, vector<1x16xf32>,
        %get3A_440 = arith.index_cast %add3A_409 : i32 to index
        %get3A_441 = arith.constant 48 : index
        %get3A_442 = tpu.vector_load %arg9[%get3A_440, %get3A_441] {strides = array<i32>} : memref<128x128xf32, #tpu.memory_space<vmem>>, vector<1x16xf32>,
        %get3A_443 = vector.shape_cast %get3A_442 : vector<1x16xf32> to vector<16xf32>
        %mul3A_444 = arith.mulf %get3A_443, %broadcast_in_dim3A_405 : vector<16xf32>
        %swap3A_445 = arith.index_cast %add3A_409 : i32 to index
        %swap3A_446 = arith.constant 48 : index
        %swap3A_447 = tpu.vector_load %arg9[%swap3A_445, %swap3A_446] {strides = array<i32>} : memref<128x128xf32, #tpu.memory_space<vmem>>, vector<1x16xf32>,
        %swap3A_448 = vector.shape_cast %swap3A_447 : vector<1x16xf32> to vector<16xf32>
        %swap3A_449 = vector.shape_cast %mul3A_444 : vector<16xf32> to vector<1x16xf32>
        tpu.vector_store %arg9[%swap3A_445, %swap3A_446], %swap3A_449 {strides = array<i32>} : memref<128x128xf32, #tpu.memory_space<vmem>>, vector<1x16xf32>,
        %get3A_450 = arith.index_cast %add3A_409 : i32 to index
        %get3A_451 = arith.constant 64 : index
        %get3A_452 = tpu.vector_load %arg9[%get3A_450, %get3A_451] {strides = array<i32>} : memref<128x128xf32, #tpu.memory_space<vmem>>, vector<1x16xf32>,
        %get3A_453 = vector.shape_cast %get3A_452 : vector<1x16xf32> to vector<16xf32>
        %mul3A_454 = arith.mulf %get3A_453, %broadcast_in_dim3A_405 : vector<16xf32>
        %swap3A_455 = arith.index_cast %add3A_409 : i32 to index
        %swap3A_456 = arith.constant 64 : index
        %swap3A_457 = tpu.vector_load %arg9[%swap3A_455, %swap3A_456] {strides = array<i32>} : memref<128x128xf32, #tpu.memory_space<vmem>>, vector<1x16xf32>,
        %swap3A_458 = vector.shape_cast %swap3A_457 : vector<1x16xf32> to vector<16xf32>
        %swap3A_459 = vector.shape_cast %mul3A_454 : vector<16xf32> to vector<1x16xf32>
        tpu.vector_store %arg9[%swap3A_455, %swap3A_456], %swap3A_459 {strides = array<i32>} : memref<128x128xf32, #tpu.memory_space<vmem>>, vector<1x16xf32>,
        %get3A_460 = arith.index_cast %add3A_409 : i32 to index
        %get3A_461 = arith.constant 80 : index
        %get3A_462 = tpu.vector_load %arg9[%get3A_460, %get3A_461] {strides = array<i32>} : memref<128x128xf32, #tpu.memory_space<vmem>>, vector<1x16xf32>,
        %get3A_463 = vector.shape_cast %get3A_462 : vector<1x16xf32> to vector<16xf32>
        %mul3A_464 = arith.mulf %get3A_463, %broadcast_in_dim3A_405 : vector<16xf32>
        %swap3A_465 = arith.index_cast %add3A_409 : i32 to index
        %swap3A_466 = arith.constant 80 : index
        %swap3A_467 = tpu.vector_load %arg9[%swap3A_465, %swap3A_466] {strides = array<i32>} : memref<128x128xf32, #tpu.memory_space<vmem>>, vector<1x16xf32>,
        %swap3A_468 = vector.shape_cast %swap3A_467 : vector<1x16xf32> to vector<16xf32>
        %swap3A_469 = vector.shape_cast %mul3A_464 : vector<16xf32> to vector<1x16xf32>
        tpu.vector_store %arg9[%swap3A_465, %swap3A_466], %swap3A_469 {strides = array<i32>} : memref<128x128xf32, #tpu.memory_space<vmem>>, vector<1x16xf32>,
        %get3A_470 = arith.index_cast %add3A_409 : i32 to index
        %get3A_471 = arith.constant 96 : index
        %get3A_472 = tpu.vector_load %arg9[%get3A_470, %get3A_471] {strides = array<i32>} : memref<128x128xf32, #tpu.memory_space<vmem>>, vector<1x16xf32>,
        %get3A_473 = vector.shape_cast %get3A_472 : vector<1x16xf32> to vector<16xf32>
        %mul3A_474 = arith.mulf %get3A_473, %broadcast_in_dim3A_405 : vector<16xf32>
        %swap3A_475 = arith.index_cast %add3A_409 : i32 to index
        %swap3A_476 = arith.constant 96 : index
        %swap3A_477 = tpu.vector_load %arg9[%swap3A_475, %swap3A_476] {strides = array<i32>} : memref<128x128xf32, #tpu.memory_space<vmem>>, vector<1x16xf32>,
        %swap3A_478 = vector.shape_cast %swap3A_477 : vector<1x16xf32> to vector<16xf32>
        %swap3A_479 = vector.shape_cast %mul3A_474 : vector<16xf32> to vector<1x16xf32>
        tpu.vector_store %arg9[%swap3A_475, %swap3A_476], %swap3A_479 {strides = array<i32>} : memref<128x128xf32, #tpu.memory_space<vmem>>, vector<1x16xf32>,
        %get3A_480 = arith.index_cast %add3A_409 : i32 to index
        %get3A_481 = arith.constant 112 : index
        %get3A_482 = tpu.vector_load %arg9[%get3A_480, %get3A_481] {strides = array<i32>} : memref<128x128xf32, #tpu.memory_space<vmem>>, vector<1x16xf32>,
        %get3A_483 = vector.shape_cast %get3A_482 : vector<1x16xf32> to vector<16xf32>
        %mul3A_484 = arith.mulf %get3A_483, %broadcast_in_dim3A_405 : vector<16xf32>
        %swap3A_485 = arith.index_cast %add3A_409 : i32 to index
        %swap3A_486 = arith.constant 112 : index
        %swap3A_487 = tpu.vector_load %arg9[%swap3A_485, %swap3A_486] {strides = array<i32>} : memref<128x128xf32, #tpu.memory_space<vmem>>, vector<1x16xf32>,
        %swap3A_488 = vector.shape_cast %swap3A_487 : vector<1x16xf32> to vector<16xf32>
        %swap3A_489 = vector.shape_cast %mul3A_484 : vector<16xf32> to vector<1x16xf32>
        tpu.vector_store %arg9[%swap3A_485, %swap3A_486], %swap3A_489 {strides = array<i32>} : memref<128x128xf32, #tpu.memory_space<vmem>>, vector<1x16xf32>,
        %slice3A_490 = vector.extract_strided_slice %get3A_318 {offsets = [2], sizes = [1], strides = [1]} : vector<16xf32> to vector<1xf32>
        %squeeze3A_491 = vector.extract %slice3A_490[0] : f32 from vector<1xf32>
        %broadcast_in_dim3A_492 = vector.broadcast %squeeze3A_491 : f32 to vector<16xf32>
        %mul3A_493 = arith.constant 16 : i32
        %mul3A_494 = arith.muli %scan3A_314, %mul3A_493 : i32
        %add3A_495 = arith.constant 2 : i32
        %add3A_496 = arith.addi %mul3A_494, %add3A_495 : i32
        %get3A_497 = arith.index_cast %add3A_496 : i32 to index
        %get3A_498 = arith.constant 0 : index
        %get3A_499 = tpu.vector_load %arg9[%get3A_497, %get3A_498] {strides = array<i32>} : memref<128x128xf32, #tpu.memory_space<vmem>>, vector<1x16xf32>,
        %get3A_500 = vector.shape_cast %get3A_499 : vector<1x16xf32> to vector<16xf32>
        %mul3A_501 = arith.mulf %get3A_500, %broadcast_in_dim3A_492 : vector<16xf32>
        %swap3A_502 = arith.index_cast %add3A_496 : i32 to index
        %swap3A_503 = arith.constant 0 : index
        %swap3A_504 = tpu.vector_load %arg9[%swap3A_502, %swap3A_503] {strides = array<i32>} : memref<128x128xf32, #tpu.memory_space<vmem>>, vector<1x16xf32>,
        %swap3A_505 = vector.shape_cast %swap3A_504 : vector<1x16xf32> to vector<16xf32>
        %swap3A_506 = vector.shape_cast %mul3A_501 : vector<16xf32> to vector<1x16xf32>
        tpu.vector_store %arg9[%swap3A_502, %swap3A_503], %swap3A_506 {strides = array<i32>} : memref<128x128xf32, #tpu.memory_space<vmem>>, vector<1x16xf32>,
        %get3A_507 = arith.index_cast %add3A_496 : i32 to index
        %get3A_508 = arith.constant 16 : index
        %get3A_509 = tpu.vector_load %arg9[%get3A_507, %get3A_508] {strides = array<i32>} : memref<128x128xf32, #tpu.memory_space<vmem>>, vector<1x16xf32>,
        %get3A_510 = vector.shape_cast %get3A_509 : vector<1x16xf32> to vector<16xf32>
        %mul3A_511 = arith.mulf %get3A_510, %broadcast_in_dim3A_492 : vector<16xf32>
        %swap3A_512 = arith.index_cast %add3A_496 : i32 to index
        %swap3A_513 = arith.constant 16 : index
        %swap3A_514 = tpu.vector_load %arg9[%swap3A_512, %swap3A_513] {strides = array<i32>} : memref<128x128xf32, #tpu.memory_space<vmem>>, vector<1x16xf32>,
        %swap3A_515 = vector.shape_cast %swap3A_514 : vector<1x16xf32> to vector<16xf32>
        %swap3A_516 = vector.shape_cast %mul3A_511 : vector<16xf32> to vector<1x16xf32>
        tpu.vector_store %arg9[%swap3A_512, %swap3A_513], %swap3A_516 {strides = array<i32>} : memref<128x128xf32, #tpu.memory_space<vmem>>, vector<1x16xf32>,
        %get3A_517 = arith.index_cast %add3A_496 : i32 to index
        %get3A_518 = arith.constant 32 : index
        %get3A_519 = tpu.vector_load %arg9[%get3A_517, %get3A_518] {strides = array<i32>} : memref<128x128xf32, #tpu.memory_space<vmem>>, vector<1x16xf32>,
        %get3A_520 = vector.shape_cast %get3A_519 : vector<1x16xf32> to vector<16xf32>
        %mul3A_521 = arith.mulf %get3A_520, %broadcast_in_dim3A_492 : vector<16xf32>
        %swap3A_522 = arith.index_cast %add3A_496 : i32 to index
        %swap3A_523 = arith.constant 32 : index
        %swap3A_524 = tpu.vector_load %arg9[%swap3A_522, %swap3A_523] {strides = array<i32>} : memref<128x128xf32, #tpu.memory_space<vmem>>, vector<1x16xf32>,
        %swap3A_525 = vector.shape_cast %swap3A_524 : vector<1x16xf32> to vector<16xf32>
        %swap3A_526 = vector.shape_cast %mul3A_521 : vector<16xf32> to vector<1x16xf32>
        tpu.vector_store %arg9[%swap3A_522, %swap3A_523], %swap3A_526 {strides = array<i32>} : memref<128x128xf32, #tpu.memory_space<vmem>>, vector<1x16xf32>,
        %get3A_527 = arith.index_cast %add3A_496 : i32 to index
        %get3A_528 = arith.constant 48 : index
        %get3A_529 = tpu.vector_load %arg9[%get3A_527, %get3A_528] {strides = array<i32>} : memref<128x128xf32, #tpu.memory_space<vmem>>, vector<1x16xf32>,
        %get3A_530 = vector.shape_cast %get3A_529 : vector<1x16xf32> to vector<16xf32>
        %mul3A_531 = arith.mulf %get3A_530, %broadcast_in_dim3A_492 : vector<16xf32>
        %swap3A_532 = arith.index_cast %add3A_496 : i32 to index
        %swap3A_533 = arith.constant 48 : index
        %swap3A_534 = tpu.vector_load %arg9[%swap3A_532, %swap3A_533] {strides = array<i32>} : memref<128x128xf32, #tpu.memory_space<vmem>>, vector<1x16xf32>,
        %swap3A_535 = vector.shape_cast %swap3A_534 : vector<1x16xf32> to vector<16xf32>
        %swap3A_536 = vector.shape_cast %mul3A_531 : vector<16xf32> to vector<1x16xf32>
        tpu.vector_store %arg9[%swap3A_532, %swap3A_533], %swap3A_536 {strides = array<i32>} : memref<128x128xf32, #tpu.memory_space<vmem>>, vector<1x16xf32>,
        %get3A_537 = arith.index_cast %add3A_496 : i32 to index
        %get3A_538 = arith.constant 64 : index
        %get3A_539 = tpu.vector_load %arg9[%get3A_537, %get3A_538] {strides = array<i32>} : memref<128x128xf32, #tpu.memory_space<vmem>>, vector<1x16xf32>,
        %get3A_540 = vector.shape_cast %get3A_539 : vector<1x16xf32> to vector<16xf32>
        %mul3A_541 = arith.mulf %get3A_540, %broadcast_in_dim3A_492 : vector<16xf32>
        %swap3A_542 = arith.index_cast %add3A_496 : i32 to index
        %swap3A_543 = arith.constant 64 : index
        %swap3A_544 = tpu.vector_load %arg9[%swap3A_542, %swap3A_543] {strides = array<i32>} : memref<128x128xf32, #tpu.memory_space<vmem>>, vector<1x16xf32>,
        %swap3A_545 = vector.shape_cast %swap3A_544 : vector<1x16xf32> to vector<16xf32>
        %swap3A_546 = vector.shape_cast %mul3A_541 : vector<16xf32> to vector<1x16xf32>
        tpu.vector_store %arg9[%swap3A_542, %swap3A_543], %swap3A_546 {strides = array<i32>} : memref<128x128xf32, #tpu.memory_space<vmem>>, vector<1x16xf32>,
        %get3A_547 = arith.index_cast %add3A_496 : i32 to index
        %get3A_548 = arith.constant 80 : index
        %get3A_549 = tpu.vector_load %arg9[%get3A_547, %get3A_548] {strides = array<i32>} : memref<128x128xf32, #tpu.memory_space<vmem>>, vector<1x16xf32>,
        %get3A_550 = vector.shape_cast %get3A_549 : vector<1x16xf32> to vector<16xf32>
        %mul3A_551 = arith.mulf %get3A_550, %broadcast_in_dim3A_492 : vector<16xf32>
        %swap3A_552 = arith.index_cast %add3A_496 : i32 to index
        %swap3A_553 = arith.constant 80 : index
        %swap3A_554 = tpu.vector_load %arg9[%swap3A_552, %swap3A_553] {strides = array<i32>} : memref<128x128xf32, #tpu.memory_space<vmem>>, vector<1x16xf32>,
        %swap3A_555 = vector.shape_cast %swap3A_554 : vector<1x16xf32> to vector<16xf32>
        %swap3A_556 = vector.shape_cast %mul3A_551 : vector<16xf32> to vector<1x16xf32>
        tpu.vector_store %arg9[%swap3A_552, %swap3A_553], %swap3A_556 {strides = array<i32>} : memref<128x128xf32, #tpu.memory_space<vmem>>, vector<1x16xf32>,
        %get3A_557 = arith.index_cast %add3A_496 : i32 to index
        %get3A_558 = arith.constant 96 : index
        %get3A_559 = tpu.vector_load %arg9[%get3A_557, %get3A_558] {strides = array<i32>} : memref<128x128xf32, #tpu.memory_space<vmem>>, vector<1x16xf32>,
        %get3A_560 = vector.shape_cast %get3A_559 : vector<1x16xf32> to vector<16xf32>
        %mul3A_561 = arith.mulf %get3A_560, %broadcast_in_dim3A_492 : vector<16xf32>
        %swap3A_562 = arith.index_cast %add3A_496 : i32 to index
        %swap3A_563 = arith.constant 96 : index
        %swap3A_564 = tpu.vector_load %arg9[%swap3A_562, %swap3A_563] {strides = array<i32>} : memref<128x128xf32, #tpu.memory_space<vmem>>, vector<1x16xf32>,
        %swap3A_565 = vector.shape_cast %swap3A_564 : vector<1x16xf32> to vector<16xf32>
        %swap3A_566 = vector.shape_cast %mul3A_561 : vector<16xf32> to vector<1x16xf32>
        tpu.vector_store %arg9[%swap3A_562, %swap3A_563], %swap3A_566 {strides = array<i32>} : memref<128x128xf32, #tpu.memory_space<vmem>>, vector<1x16xf32>,
        %get3A_567 = arith.index_cast %add3A_496 : i32 to index
        %get3A_568 = arith.constant 112 : index
        %get3A_569 = tpu.vector_load %arg9[%get3A_567, %get3A_568] {strides = array<i32>} : memref<128x128xf32, #tpu.memory_space<vmem>>, vector<1x16xf32>,
        %get3A_570 = vector.shape_cast %get3A_569 : vector<1x16xf32> to vector<16xf32>
        %mul3A_571 = arith.mulf %get3A_570, %broadcast_in_dim3A_492 : vector<16xf32>
        %swap3A_572 = arith.index_cast %add3A_496 : i32 to index
        %swap3A_573 = arith.constant 112 : index
        %swap3A_574 = tpu.vector_load %arg9[%swap3A_572, %swap3A_573] {strides = array<i32>} : memref<128x128xf32, #tpu.memory_space<vmem>>, vector<1x16xf32>,
        %swap3A_575 = vector.shape_cast %swap3A_574 : vector<1x16xf32> to vector<16xf32>
        %swap3A_576 = vector.shape_cast %mul3A_571 : vector<16xf32> to vector<1x16xf32>
        tpu.vector_store %arg9[%swap3A_572, %swap3A_573], %swap3A_576 {strides = array<i32>} : memref<128x128xf32, #tpu.memory_space<vmem>>, vector<1x16xf32>,
        %slice3A_577 = vector.extract_strided_slice %get3A_318 {offsets = [3], sizes = [1], strides = [1]} : vector<16xf32> to vector<1xf32>
        %squeeze3A_578 = vector.extract %slice3A_577[0] : f32 from vector<1xf32>
        %broadcast_in_dim3A_579 = vector.broadcast %squeeze3A_578 : f32 to vector<16xf32>
        %mul3A_580 = arith.constant 16 : i32
        %mul3A_581 = arith.muli %scan3A_314, %mul3A_580 : i32
        %add3A_582 = arith.constant 3 : i32
        %add3A_583 = arith.addi %mul3A_581, %add3A_582 : i32
        %get3A_584 = arith.index_cast %add3A_583 : i32 to index
        %get3A_585 = arith.constant 0 : index
        %get3A_586 = tpu.vector_load %arg9[%get3A_584, %get3A_585] {strides = array<i32>} : memref<128x128xf32, #tpu.memory_space<vmem>>, vector<1x16xf32>,
        %get3A_587 = vector.shape_cast %get3A_586 : vector<1x16xf32> to vector<16xf32>
        %mul3A_588 = arith.mulf %get3A_587, %broadcast_in_dim3A_579 : vector<16xf32>
        %swap3A_589 = arith.index_cast %add3A_583 : i32 to index
        %swap3A_590 = arith.constant 0 : index
        %swap3A_591 = tpu.vector_load %arg9[%swap3A_589, %swap3A_590] {strides = array<i32>} : memref<128x128xf32, #tpu.memory_space<vmem>>, vector<1x16xf32>,
        %swap3A_592 = vector.shape_cast %swap3A_591 : vector<1x16xf32> to vector<16xf32>
        %swap3A_593 = vector.shape_cast %mul3A_588 : vector<16xf32> to vector<1x16xf32>
        tpu.vector_store %arg9[%swap3A_589, %swap3A_590], %swap3A_593 {strides = array<i32>} : memref<128x128xf32, #tpu.memory_space<vmem>>, vector<1x16xf32>,
        %get3A_594 = arith.index_cast %add3A_583 : i32 to index
        %get3A_595 = arith.constant 16 : index
        %get3A_596 = tpu.vector_load %arg9[%get3A_594, %get3A_595] {strides = array<i32>} : memref<128x128xf32, #tpu.memory_space<vmem>>, vector<1x16xf32>,
        %get3A_597 = vector.shape_cast %get3A_596 : vector<1x16xf32> to vector<16xf32>
        %mul3A_598 = arith.mulf %get3A_597, %broadcast_in_dim3A_579 : vector<16xf32>
        %swap3A_599 = arith.index_cast %add3A_583 : i32 to index
        %swap3A_600 = arith.constant 16 : index
        %swap3A_601 = tpu.vector_load %arg9[%swap3A_599, %swap3A_600] {strides = array<i32>} : memref<128x128xf32, #tpu.memory_space<vmem>>, vector<1x16xf32>,
        %swap3A_602 = vector.shape_cast %swap3A_601 : vector<1x16xf32> to vector<16xf32>
        %swap3A_603 = vector.shape_cast %mul3A_598 : vector<16xf32> to vector<1x16xf32>
        tpu.vector_store %arg9[%swap3A_599, %swap3A_600], %swap3A_603 {strides = array<i32>} : memref<128x128xf32, #tpu.memory_space<vmem>>, vector<1x16xf32>,
        %get3A_604 = arith.index_cast %add3A_583 : i32 to index
        %get3A_605 = arith.constant 32 : index
        %get3A_606 = tpu.vector_load %arg9[%get3A_604, %get3A_605] {strides = array<i32>} : memref<128x128xf32, #tpu.memory_space<vmem>>, vector<1x16xf32>,
        %get3A_607 = vector.shape_cast %get3A_606 : vector<1x16xf32> to vector<16xf32>
        %mul3A_608 = arith.mulf %get3A_607, %broadcast_in_dim3A_579 : vector<16xf32>
        %swap3A_609 = arith.index_cast %add3A_583 : i32 to index
        %swap3A_610 = arith.constant 32 : index
        %swap3A_611 = tpu.vector_load %arg9[%swap3A_609, %swap3A_610] {strides = array<i32>} : memref<128x128xf32, #tpu.memory_space<vmem>>, vector<1x16xf32>,
        %swap3A_612 = vector.shape_cast %swap3A_611 : vector<1x16xf32> to vector<16xf32>
        %swap3A_613 = vector.shape_cast %mul3A_608 : vector<16xf32> to vector<1x16xf32>
        tpu.vector_store %arg9[%swap3A_609, %swap3A_610], %swap3A_613 {strides = array<i32>} : memref<128x128xf32, #tpu.memory_space<vmem>>, vector<1x16xf32>,
        %get3A_614 = arith.index_cast %add3A_583 : i32 to index
        %get3A_615 = arith.constant 48 : index
        %get3A_616 = tpu.vector_load %arg9[%get3A_614, %get3A_615] {strides = array<i32>} : memref<128x128xf32, #tpu.memory_space<vmem>>, vector<1x16xf32>,
        %get3A_617 = vector.shape_cast %get3A_616 : vector<1x16xf32> to vector<16xf32>
        %mul3A_618 = arith.mulf %get3A_617, %broadcast_in_dim3A_579 : vector<16xf32>
        %swap3A_619 = arith.index_cast %add3A_583 : i32 to index
        %swap3A_620 = arith.constant 48 : index
        %swap3A_621 = tpu.vector_load %arg9[%swap3A_619, %swap3A_620] {strides = array<i32>} : memref<128x128xf32, #tpu.memory_space<vmem>>, vector<1x16xf32>,
        %swap3A_622 = vector.shape_cast %swap3A_621 : vector<1x16xf32> to vector<16xf32>
        %swap3A_623 = vector.shape_cast %mul3A_618 : vector<16xf32> to vector<1x16xf32>
        tpu.vector_store %arg9[%swap3A_619, %swap3A_620], %swap3A_623 {strides = array<i32>} : memref<128x128xf32, #tpu.memory_space<vmem>>, vector<1x16xf32>,
        %get3A_624 = arith.index_cast %add3A_583 : i32 to index
        %get3A_625 = arith.constant 64 : index
        %get3A_626 = tpu.vector_load %arg9[%get3A_624, %get3A_625] {strides = array<i32>} : memref<128x128xf32, #tpu.memory_space<vmem>>, vector<1x16xf32>,
        %get3A_627 = vector.shape_cast %get3A_626 : vector<1x16xf32> to vector<16xf32>
        %mul3A_628 = arith.mulf %get3A_627, %broadcast_in_dim3A_579 : vector<16xf32>
        %swap3A_629 = arith.index_cast %add3A_583 : i32 to index
        %swap3A_630 = arith.constant 64 : index
        %swap3A_631 = tpu.vector_load %arg9[%swap3A_629, %swap3A_630] {strides = array<i32>} : memref<128x128xf32, #tpu.memory_space<vmem>>, vector<1x16xf32>,
        %swap3A_632 = vector.shape_cast %swap3A_631 : vector<1x16xf32> to vector<16xf32>
        %swap3A_633 = vector.shape_cast %mul3A_628 : vector<16xf32> to vector<1x16xf32>
        tpu.vector_store %arg9[%swap3A_629, %swap3A_630], %swap3A_633 {strides = array<i32>} : memref<128x128xf32, #tpu.memory_space<vmem>>, vector<1x16xf32>,
        %get3A_634 = arith.index_cast %add3A_583 : i32 to index
        %get3A_635 = arith.constant 80 : index
        %get3A_636 = tpu.vector_load %arg9[%get3A_634, %get3A_635] {strides = array<i32>} : memref<128x128xf32, #tpu.memory_space<vmem>>, vector<1x16xf32>,
        %get3A_637 = vector.shape_cast %get3A_636 : vector<1x16xf32> to vector<16xf32>
        %mul3A_638 = arith.mulf %get3A_637, %broadcast_in_dim3A_579 : vector<16xf32>
        %swap3A_639 = arith.index_cast %add3A_583 : i32 to index
        %swap3A_640 = arith.constant 80 : index
        %swap3A_641 = tpu.vector_load %arg9[%swap3A_639, %swap3A_640] {strides = array<i32>} : memref<128x128xf32, #tpu.memory_space<vmem>>, vector<1x16xf32>,
        %swap3A_642 = vector.shape_cast %swap3A_641 : vector<1x16xf32> to vector<16xf32>
        %swap3A_643 = vector.shape_cast %mul3A_638 : vector<16xf32> to vector<1x16xf32>
        tpu.vector_store %arg9[%swap3A_639, %swap3A_640], %swap3A_643 {strides = array<i32>} : memref<128x128xf32, #tpu.memory_space<vmem>>, vector<1x16xf32>,
        %get3A_644 = arith.index_cast %add3A_583 : i32 to index
        %get3A_645 = arith.constant 96 : index
        %get3A_646 = tpu.vector_load %arg9[%get3A_644, %get3A_645] {strides = array<i32>} : memref<128x128xf32, #tpu.memory_space<vmem>>, vector<1x16xf32>,
        %get3A_647 = vector.shape_cast %get3A_646 : vector<1x16xf32> to vector<16xf32>
        %mul3A_648 = arith.mulf %get3A_647, %broadcast_in_dim3A_579 : vector<16xf32>
        %swap3A_649 = arith.index_cast %add3A_583 : i32 to index
        %swap3A_650 = arith.constant 96 : index
        %swap3A_651 = tpu.vector_load %arg9[%swap3A_649, %swap3A_650] {strides = array<i32>} : memref<128x128xf32, #tpu.memory_space<vmem>>, vector<1x16xf32>,
        %swap3A_652 = vector.shape_cast %swap3A_651 : vector<1x16xf32> to vector<16xf32>
        %swap3A_653 = vector.shape_cast %mul3A_648 : vector<16xf32> to vector<1x16xf32>
        tpu.vector_store %arg9[%swap3A_649, %swap3A_650], %swap3A_653 {strides = array<i32>} : memref<128x128xf32, #tpu.memory_space<vmem>>, vector<1x16xf32>,
        %get3A_654 = arith.index_cast %add3A_583 : i32 to index
        %get3A_655 = arith.constant 112 : index
        %get3A_656 = tpu.vector_load %arg9[%get3A_654, %get3A_655] {strides = array<i32>} : memref<128x128xf32, #tpu.memory_space<vmem>>, vector<1x16xf32>,
        %get3A_657 = vector.shape_cast %get3A_656 : vector<1x16xf32> to vector<16xf32>
        %mul3A_658 = arith.mulf %get3A_657, %broadcast_in_dim3A_579 : vector<16xf32>
        %swap3A_659 = arith.index_cast %add3A_583 : i32 to index
        %swap3A_660 = arith.constant 112 : index
        %swap3A_661 = tpu.vector_load %arg9[%swap3A_659, %swap3A_660] {strides = array<i32>} : memref<128x128xf32, #tpu.memory_space<vmem>>, vector<1x16xf32>,
        %swap3A_662 = vector.shape_cast %swap3A_661 : vector<1x16xf32> to vector<16xf32>
        %swap3A_663 = vector.shape_cast %mul3A_658 : vector<16xf32> to vector<1x16xf32>
        tpu.vector_store %arg9[%swap3A_659, %swap3A_660], %swap3A_663 {strides = array<i32>} : memref<128x128xf32, #tpu.memory_space<vmem>>, vector<1x16xf32>,
        %slice3A_664 = vector.extract_strided_slice %get3A_318 {offsets = [4], sizes = [1], strides = [1]} : vector<16xf32> to vector<1xf32>
        %squeeze3A_665 = vector.extract %slice3A_664[0] : f32 from vector<1xf32>
        %broadcast_in_dim3A_666 = vector.broadcast %squeeze3A_665 : f32 to vector<16xf32>
        %mul3A_667 = arith.constant 16 : i32
        %mul3A_668 = arith.muli %scan3A_314, %mul3A_667 : i32
        %add3A_669 = arith.constant 4 : i32
        %add3A_670 = arith.addi %mul3A_668, %add3A_669 : i32
        %get3A_671 = arith.index_cast %add3A_670 : i32 to index
        %get3A_672 = arith.constant 0 : index
        %get3A_673 = tpu.vector_load %arg9[%get3A_671, %get3A_672] {strides = array<i32>} : memref<128x128xf32, #tpu.memory_space<vmem>>, vector<1x16xf32>,
        %get3A_674 = vector.shape_cast %get3A_673 : vector<1x16xf32> to vector<16xf32>
        %mul3A_675 = arith.mulf %get3A_674, %broadcast_in_dim3A_666 : vector<16xf32>
        %swap3A_676 = arith.index_cast %add3A_670 : i32 to index
        %swap3A_677 = arith.constant 0 : index
        %swap3A_678 = tpu.vector_load %arg9[%swap3A_676, %swap3A_677] {strides = array<i32>} : memref<128x128xf32, #tpu.memory_space<vmem>>, vector<1x16xf32>,
        %swap3A_679 = vector.shape_cast %swap3A_678 : vector<1x16xf32> to vector<16xf32>
        %swap3A_680 = vector.shape_cast %mul3A_675 : vector<16xf32> to vector<1x16xf32>
        tpu.vector_store %arg9[%swap3A_676, %swap3A_677], %swap3A_680 {strides = array<i32>} : memref<128x128xf32, #tpu.memory_space<vmem>>, vector<1x16xf32>,
        %get3A_681 = arith.index_cast %add3A_670 : i32 to index
        %get3A_682 = arith.constant 16 : index
        %get3A_683 = tpu.vector_load %arg9[%get3A_681, %get3A_682] {strides = array<i32>} : memref<128x128xf32, #tpu.memory_space<vmem>>, vector<1x16xf32>,
        %get3A_684 = vector.shape_cast %get3A_683 : vector<1x16xf32> to vector<16xf32>
        %mul3A_685 = arith.mulf %get3A_684, %broadcast_in_dim3A_666 : vector<16xf32>
        %swap3A_686 = arith.index_cast %add3A_670 : i32 to index
        %swap3A_687 = arith.constant 16 : index
        %swap3A_688 = tpu.vector_load %arg9[%swap3A_686, %swap3A_687] {strides = array<i32>} : memref<128x128xf32, #tpu.memory_space<vmem>>, vector<1x16xf32>,
        %swap3A_689 = vector.shape_cast %swap3A_688 : vector<1x16xf32> to vector<16xf32>
        %swap3A_690 = vector.shape_cast %mul3A_685 : vector<16xf32> to vector<1x16xf32>
        tpu.vector_store %arg9[%swap3A_686, %swap3A_687], %swap3A_690 {strides = array<i32>} : memref<128x128xf32, #tpu.memory_space<vmem>>, vector<1x16xf32>,
        %get3A_691 = arith.index_cast %add3A_670 : i32 to index
        %get3A_692 = arith.constant 32 : index
        %get3A_693 = tpu.vector_load %arg9[%get3A_691, %get3A_692] {strides = array<i32>} : memref<128x128xf32, #tpu.memory_space<vmem>>, vector<1x16xf32>,
        %get3A_694 = vector.shape_cast %get3A_693 : vector<1x16xf32> to vector<16xf32>
        %mul3A_695 = arith.mulf %get3A_694, %broadcast_in_dim3A_666 : vector<16xf32>
        %swap3A_696 = arith.index_cast %add3A_670 : i32 to index
        %swap3A_697 = arith.constant 32 : index
        %swap3A_698 = tpu.vector_load %arg9[%swap3A_696, %swap3A_697] {strides = array<i32>} : memref<128x128xf32, #tpu.memory_space<vmem>>, vector<1x16xf32>,
        %swap3A_699 = vector.shape_cast %swap3A_698 : vector<1x16xf32> to vector<16xf32>
        %swap3A_700 = vector.shape_cast %mul3A_695 : vector<16xf32> to vector<1x16xf32>
        tpu.vector_store %arg9[%swap3A_696, %swap3A_697], %swap3A_700 {strides = array<i32>} : memref<128x128xf32, #tpu.memory_space<vmem>>, vector<1x16xf32>,
        %get3A_701 = arith.index_cast %add3A_670 : i32 to index
        %get3A_702 = arith.constant 48 : index
        %get3A_703 = tpu.vector_load %arg9[%get3A_701, %get3A_702] {strides = array<i32>} : memref<128x128xf32, #tpu.memory_space<vmem>>, vector<1x16xf32>,
        %get3A_704 = vector.shape_cast %get3A_703 : vector<1x16xf32> to vector<16xf32>
        %mul3A_705 = arith.mulf %get3A_704, %broadcast_in_dim3A_666 : vector<16xf32>
        %swap3A_706 = arith.index_cast %add3A_670 : i32 to index
        %swap3A_707 = arith.constant 48 : index
        %swap3A_708 = tpu.vector_load %arg9[%swap3A_706, %swap3A_707] {strides = array<i32>} : memref<128x128xf32, #tpu.memory_space<vmem>>, vector<1x16xf32>,
        %swap3A_709 = vector.shape_cast %swap3A_708 : vector<1x16xf32> to vector<16xf32>
        %swap3A_710 = vector.shape_cast %mul3A_705 : vector<16xf32> to vector<1x16xf32>
        tpu.vector_store %arg9[%swap3A_706, %swap3A_707], %swap3A_710 {strides = array<i32>} : memref<128x128xf32, #tpu.memory_space<vmem>>, vector<1x16xf32>,
        %get3A_711 = arith.index_cast %add3A_670 : i32 to index
        %get3A_712 = arith.constant 64 : index
        %get3A_713 = tpu.vector_load %arg9[%get3A_711, %get3A_712] {strides = array<i32>} : memref<128x128xf32, #tpu.memory_space<vmem>>, vector<1x16xf32>,
        %get3A_714 = vector.shape_cast %get3A_713 : vector<1x16xf32> to vector<16xf32>
        %mul3A_715 = arith.mulf %get3A_714, %broadcast_in_dim3A_666 : vector<16xf32>
        %swap3A_716 = arith.index_cast %add3A_670 : i32 to index
        %swap3A_717 = arith.constant 64 : index
        %swap3A_718 = tpu.vector_load %arg9[%swap3A_716, %swap3A_717] {strides = array<i32>} : memref<128x128xf32, #tpu.memory_space<vmem>>, vector<1x16xf32>,
        %swap3A_719 = vector.shape_cast %swap3A_718 : vector<1x16xf32> to vector<16xf32>
        %swap3A_720 = vector.shape_cast %mul3A_715 : vector<16xf32> to vector<1x16xf32>
        tpu.vector_store %arg9[%swap3A_716, %swap3A_717], %swap3A_720 {strides = array<i32>} : memref<128x128xf32, #tpu.memory_space<vmem>>, vector<1x16xf32>,
        %get3A_721 = arith.index_cast %add3A_670 : i32 to index
        %get3A_722 = arith.constant 80 : index
        %get3A_723 = tpu.vector_load %arg9[%get3A_721, %get3A_722] {strides = array<i32>} : memref<128x128xf32, #tpu.memory_space<vmem>>, vector<1x16xf32>,
        %get3A_724 = vector.shape_cast %get3A_723 : vector<1x16xf32> to vector<16xf32>
        %mul3A_725 = arith.mulf %get3A_724, %broadcast_in_dim3A_666 : vector<16xf32>
        %swap3A_726 = arith.index_cast %add3A_670 : i32 to index
        %swap3A_727 = arith.constant 80 : index
        %swap3A_728 = tpu.vector_load %arg9[%swap3A_726, %swap3A_727] {strides = array<i32>} : memref<128x128xf32, #tpu.memory_space<vmem>>, vector<1x16xf32>,
        %swap3A_729 = vector.shape_cast %swap3A_728 : vector<1x16xf32> to vector<16xf32>
        %swap3A_730 = vector.shape_cast %mul3A_725 : vector<16xf32> to vector<1x16xf32>
        tpu.vector_store %arg9[%swap3A_726, %swap3A_727], %swap3A_730 {strides = array<i32>} : memref<128x128xf32, #tpu.memory_space<vmem>>, vector<1x16xf32>,
        %get3A_731 = arith.index_cast %add3A_670 : i32 to index
        %get3A_732 = arith.constant 96 : index
        %get3A_733 = tpu.vector_load %arg9[%get3A_731, %get3A_732] {strides = array<i32>} : memref<128x128xf32, #tpu.memory_space<vmem>>, vector<1x16xf32>,
        %get3A_734 = vector.shape_cast %get3A_733 : vector<1x16xf32> to vector<16xf32>
        %mul3A_735 = arith.mulf %get3A_734, %broadcast_in_dim3A_666 : vector<16xf32>
        %swap3A_736 = arith.index_cast %add3A_670 : i32 to index
        %swap3A_737 = arith.constant 96 : index
        %swap3A_738 = tpu.vector_load %arg9[%swap3A_736, %swap3A_737] {strides = array<i32>} : memref<128x128xf32, #tpu.memory_space<vmem>>, vector<1x16xf32>,
        %swap3A_739 = vector.shape_cast %swap3A_738 : vector<1x16xf32> to vector<16xf32>
        %swap3A_740 = vector.shape_cast %mul3A_735 : vector<16xf32> to vector<1x16xf32>
        tpu.vector_store %arg9[%swap3A_736, %swap3A_737], %swap3A_740 {strides = array<i32>} : memref<128x128xf32, #tpu.memory_space<vmem>>, vector<1x16xf32>,
        %get3A_741 = arith.index_cast %add3A_670 : i32 to index
        %get3A_742 = arith.constant 112 : index
        %get3A_743 = tpu.vector_load %arg9[%get3A_741, %get3A_742] {strides = array<i32>} : memref<128x128xf32, #tpu.memory_space<vmem>>, vector<1x16xf32>,
        %get3A_744 = vector.shape_cast %get3A_743 : vector<1x16xf32> to vector<16xf32>
        %mul3A_745 = arith.mulf %get3A_744, %broadcast_in_dim3A_666 : vector<16xf32>
        %swap3A_746 = arith.index_cast %add3A_670 : i32 to index
        %swap3A_747 = arith.constant 112 : index
        %swap3A_748 = tpu.vector_load %arg9[%swap3A_746, %swap3A_747] {strides = array<i32>} : memref<128x128xf32, #tpu.memory_space<vmem>>, vector<1x16xf32>,
        %swap3A_749 = vector.shape_cast %swap3A_748 : vector<1x16xf32> to vector<16xf32>
        %swap3A_750 = vector.shape_cast %mul3A_745 : vector<16xf32> to vector<1x16xf32>
        tpu.vector_store %arg9[%swap3A_746, %swap3A_747], %swap3A_750 {strides = array<i32>} : memref<128x128xf32, #tpu.memory_space<vmem>>, vector<1x16xf32>,
        %slice3A_751 = vector.extract_strided_slice %get3A_318 {offsets = [5], sizes = [1], strides = [1]} : vector<16xf32> to vector<1xf32>
        %squeeze3A_752 = vector.extract %slice3A_751[0] : f32 from vector<1xf32>
        %broadcast_in_dim3A_753 = vector.broadcast %squeeze3A_752 : f32 to vector<16xf32>
        %mul3A_754 = arith.constant 16 : i32
        %mul3A_755 = arith.muli %scan3A_314, %mul3A_754 : i32
        %add3A_756 = arith.constant 5 : i32
        %add3A_757 = arith.addi %mul3A_755, %add3A_756 : i32
        %get3A_758 = arith.index_cast %add3A_757 : i32 to index
        %get3A_759 = arith.constant 0 : index
        %get3A_760 = tpu.vector_load %arg9[%get3A_758, %get3A_759] {strides = array<i32>} : memref<128x128xf32, #tpu.memory_space<vmem>>, vector<1x16xf32>,
        %get3A_761 = vector.shape_cast %get3A_760 : vector<1x16xf32> to vector<16xf32>
        %mul3A_762 = arith.mulf %get3A_761, %broadcast_in_dim3A_753 : vector<16xf32>
        %swap3A_763 = arith.index_cast %add3A_757 : i32 to index
        %swap3A_764 = arith.constant 0 : index
        %swap3A_765 = tpu.vector_load %arg9[%swap3A_763, %swap3A_764] {strides = array<i32>} : memref<128x128xf32, #tpu.memory_space<vmem>>, vector<1x16xf32>,
        %swap3A_766 = vector.shape_cast %swap3A_765 : vector<1x16xf32> to vector<16xf32>
        %swap3A_767 = vector.shape_cast %mul3A_762 : vector<16xf32> to vector<1x16xf32>
        tpu.vector_store %arg9[%swap3A_763, %swap3A_764], %swap3A_767 {strides = array<i32>} : memref<128x128xf32, #tpu.memory_space<vmem>>, vector<1x16xf32>,
        %get3A_768 = arith.index_cast %add3A_757 : i32 to index
        %get3A_769 = arith.constant 16 : index
        %get3A_770 = tpu.vector_load %arg9[%get3A_768, %get3A_769] {strides = array<i32>} : memref<128x128xf32, #tpu.memory_space<vmem>>, vector<1x16xf32>,
        %get3A_771 = vector.shape_cast %get3A_770 : vector<1x16xf32> to vector<16xf32>
        %mul3A_772 = arith.mulf %get3A_771, %broadcast_in_dim3A_753 : vector<16xf32>
        %swap3A_773 = arith.index_cast %add3A_757 : i32 to index
        %swap3A_774 = arith.constant 16 : index
        %swap3A_775 = tpu.vector_load %arg9[%swap3A_773, %swap3A_774] {strides = array<i32>} : memref<128x128xf32, #tpu.memory_space<vmem>>, vector<1x16xf32>,
        %swap3A_776 = vector.shape_cast %swap3A_775 : vector<1x16xf32> to vector<16xf32>
        %swap3A_777 = vector.shape_cast %mul3A_772 : vector<16xf32> to vector<1x16xf32>
        tpu.vector_store %arg9[%swap3A_773, %swap3A_774], %swap3A_777 {strides = array<i32>} : memref<128x128xf32, #tpu.memory_space<vmem>>, vector<1x16xf32>,
        %get3A_778 = arith.index_cast %add3A_757 : i32 to index
        %get3A_779 = arith.constant 32 : index
        %get3A_780 = tpu.vector_load %arg9[%get3A_778, %get3A_779] {strides = array<i32>} : memref<128x128xf32, #tpu.memory_space<vmem>>, vector<1x16xf32>,
        %get3A_781 = vector.shape_cast %get3A_780 : vector<1x16xf32> to vector<16xf32>
        %mul3A_782 = arith.mulf %get3A_781, %broadcast_in_dim3A_753 : vector<16xf32>
        %swap3A_783 = arith.index_cast %add3A_757 : i32 to index
        %swap3A_784 = arith.constant 32 : index
        %swap3A_785 = tpu.vector_load %arg9[%swap3A_783, %swap3A_784] {strides = array<i32>} : memref<128x128xf32, #tpu.memory_space<vmem>>, vector<1x16xf32>,
        %swap3A_786 = vector.shape_cast %swap3A_785 : vector<1x16xf32> to vector<16xf32>
        %swap3A_787 = vector.shape_cast %mul3A_782 : vector<16xf32> to vector<1x16xf32>
        tpu.vector_store %arg9[%swap3A_783, %swap3A_784], %swap3A_787 {strides = array<i32>} : memref<128x128xf32, #tpu.memory_space<vmem>>, vector<1x16xf32>,
        %get3A_788 = arith.index_cast %add3A_757 : i32 to index
        %get3A_789 = arith.constant 48 : index
        %get3A_790 = tpu.vector_load %arg9[%get3A_788, %get3A_789] {strides = array<i32>} : memref<128x128xf32, #tpu.memory_space<vmem>>, vector<1x16xf32>,
        %get3A_791 = vector.shape_cast %get3A_790 : vector<1x16xf32> to vector<16xf32>
        %mul3A_792 = arith.mulf %get3A_791, %broadcast_in_dim3A_753 : vector<16xf32>
        %swap3A_793 = arith.index_cast %add3A_757 : i32 to index
        %swap3A_794 = arith.constant 48 : index
        %swap3A_795 = tpu.vector_load %arg9[%swap3A_793, %swap3A_794] {strides = array<i32>} : memref<128x128xf32, #tpu.memory_space<vmem>>, vector<1x16xf32>,
        %swap3A_796 = vector.shape_cast %swap3A_795 : vector<1x16xf32> to vector<16xf32>
        %swap3A_797 = vector.shape_cast %mul3A_792 : vector<16xf32> to vector<1x16xf32>
        tpu.vector_store %arg9[%swap3A_793, %swap3A_794], %swap3A_797 {strides = array<i32>} : memref<128x128xf32, #tpu.memory_space<vmem>>, vector<1x16xf32>,
        %get3A_798 = arith.index_cast %add3A_757 : i32 to index
        %get3A_799 = arith.constant 64 : index
        %get3A_800 = tpu.vector_load %arg9[%get3A_798, %get3A_799] {strides = array<i32>} : memref<128x128xf32, #tpu.memory_space<vmem>>, vector<1x16xf32>,
        %get3A_801 = vector.shape_cast %get3A_800 : vector<1x16xf32> to vector<16xf32>
        %mul3A_802 = arith.mulf %get3A_801, %broadcast_in_dim3A_753 : vector<16xf32>
        %swap3A_803 = arith.index_cast %add3A_757 : i32 to index
        %swap3A_804 = arith.constant 64 : index
        %swap3A_805 = tpu.vector_load %arg9[%swap3A_803, %swap3A_804] {strides = array<i32>} : memref<128x128xf32, #tpu.memory_space<vmem>>, vector<1x16xf32>,
        %swap3A_806 = vector.shape_cast %swap3A_805 : vector<1x16xf32> to vector<16xf32>
        %swap3A_807 = vector.shape_cast %mul3A_802 : vector<16xf32> to vector<1x16xf32>
        tpu.vector_store %arg9[%swap3A_803, %swap3A_804], %swap3A_807 {strides = array<i32>} : memref<128x128xf32, #tpu.memory_space<vmem>>, vector<1x16xf32>,
        %get3A_808 = arith.index_cast %add3A_757 : i32 to index
        %get3A_809 = arith.constant 80 : index
        %get3A_810 = tpu.vector_load %arg9[%get3A_808, %get3A_809] {strides = array<i32>} : memref<128x128xf32, #tpu.memory_space<vmem>>, vector<1x16xf32>,
        %get3A_811 = vector.shape_cast %get3A_810 : vector<1x16xf32> to vector<16xf32>
        %mul3A_812 = arith.mulf %get3A_811, %broadcast_in_dim3A_753 : vector<16xf32>
        %swap3A_813 = arith.index_cast %add3A_757 : i32 to index
        %swap3A_814 = arith.constant 80 : index
        %swap3A_815 = tpu.vector_load %arg9[%swap3A_813, %swap3A_814] {strides = array<i32>} : memref<128x128xf32, #tpu.memory_space<vmem>>, vector<1x16xf32>,
        %swap3A_816 = vector.shape_cast %swap3A_815 : vector<1x16xf32> to vector<16xf32>
        %swap3A_817 = vector.shape_cast %mul3A_812 : vector<16xf32> to vector<1x16xf32>
        tpu.vector_store %arg9[%swap3A_813, %swap3A_814], %swap3A_817 {strides = array<i32>} : memref<128x128xf32, #tpu.memory_space<vmem>>, vector<1x16xf32>,
        %get3A_818 = arith.index_cast %add3A_757 : i32 to index
        %get3A_819 = arith.constant 96 : index
        %get3A_820 = tpu.vector_load %arg9[%get3A_818, %get3A_819] {strides = array<i32>} : memref<128x128xf32, #tpu.memory_space<vmem>>, vector<1x16xf32>,
        %get3A_821 = vector.shape_cast %get3A_820 : vector<1x16xf32> to vector<16xf32>
        %mul3A_822 = arith.mulf %get3A_821, %broadcast_in_dim3A_753 : vector<16xf32>
        %swap3A_823 = arith.index_cast %add3A_757 : i32 to index
        %swap3A_824 = arith.constant 96 : index
        %swap3A_825 = tpu.vector_load %arg9[%swap3A_823, %swap3A_824] {strides = array<i32>} : memref<128x128xf32, #tpu.memory_space<vmem>>, vector<1x16xf32>,
        %swap3A_826 = vector.shape_cast %swap3A_825 : vector<1x16xf32> to vector<16xf32>
        %swap3A_827 = vector.shape_cast %mul3A_822 : vector<16xf32> to vector<1x16xf32>
        tpu.vector_store %arg9[%swap3A_823, %swap3A_824], %swap3A_827 {strides = array<i32>} : memref<128x128xf32, #tpu.memory_space<vmem>>, vector<1x16xf32>,
        %get3A_828 = arith.index_cast %add3A_757 : i32 to index
        %get3A_829 = arith.constant 112 : index
        %get3A_830 = tpu.vector_load %arg9[%get3A_828, %get3A_829] {strides = array<i32>} : memref<128x128xf32, #tpu.memory_space<vmem>>, vector<1x16xf32>,
        %get3A_831 = vector.shape_cast %get3A_830 : vector<1x16xf32> to vector<16xf32>
        %mul3A_832 = arith.mulf %get3A_831, %broadcast_in_dim3A_753 : vector<16xf32>
        %swap3A_833 = arith.index_cast %add3A_757 : i32 to index
        %swap3A_834 = arith.constant 112 : index
        %swap3A_835 = tpu.vector_load %arg9[%swap3A_833, %swap3A_834] {strides = array<i32>} : memref<128x128xf32, #tpu.memory_space<vmem>>, vector<1x16xf32>,
        %swap3A_836 = vector.shape_cast %swap3A_835 : vector<1x16xf32> to vector<16xf32>
        %swap3A_837 = vector.shape_cast %mul3A_832 : vector<16xf32> to vector<1x16xf32>
        tpu.vector_store %arg9[%swap3A_833, %swap3A_834], %swap3A_837 {strides = array<i32>} : memref<128x128xf32, #tpu.memory_space<vmem>>, vector<1x16xf32>,
        %slice3A_838 = vector.extract_strided_slice %get3A_318 {offsets = [6], sizes = [1], strides = [1]} : vector<16xf32> to vector<1xf32>
        %squeeze3A_839 = vector.extract %slice3A_838[0] : f32 from vector<1xf32>
        %broadcast_in_dim3A_840 = vector.broadcast %squeeze3A_839 : f32 to vector<16xf32>
        %mul3A_841 = arith.constant 16 : i32
        %mul3A_842 = arith.muli %scan3A_314, %mul3A_841 : i32
        %add3A_843 = arith.constant 6 : i32
        %add3A_844 = arith.addi %mul3A_842, %add3A_843 : i32
        %get3A_845 = arith.index_cast %add3A_844 : i32 to index
        %get3A_846 = arith.constant 0 : index
        %get3A_847 = tpu.vector_load %arg9[%get3A_845, %get3A_846] {strides = array<i32>} : memref<128x128xf32, #tpu.memory_space<vmem>>, vector<1x16xf32>,
        %get3A_848 = vector.shape_cast %get3A_847 : vector<1x16xf32> to vector<16xf32>
        %mul3A_849 = arith.mulf %get3A_848, %broadcast_in_dim3A_840 : vector<16xf32>
        %swap3A_850 = arith.index_cast %add3A_844 : i32 to index
        %swap3A_851 = arith.constant 0 : index
        %swap3A_852 = tpu.vector_load %arg9[%swap3A_850, %swap3A_851] {strides = array<i32>} : memref<128x128xf32, #tpu.memory_space<vmem>>, vector<1x16xf32>,
        %swap3A_853 = vector.shape_cast %swap3A_852 : vector<1x16xf32> to vector<16xf32>
        %swap3A_854 = vector.shape_cast %mul3A_849 : vector<16xf32> to vector<1x16xf32>
        tpu.vector_store %arg9[%swap3A_850, %swap3A_851], %swap3A_854 {strides = array<i32>} : memref<128x128xf32, #tpu.memory_space<vmem>>, vector<1x16xf32>,
        %get3A_855 = arith.index_cast %add3A_844 : i32 to index
        %get3A_856 = arith.constant 16 : index
        %get3A_857 = tpu.vector_load %arg9[%get3A_855, %get3A_856] {strides = array<i32>} : memref<128x128xf32, #tpu.memory_space<vmem>>, vector<1x16xf32>,
        %get3A_858 = vector.shape_cast %get3A_857 : vector<1x16xf32> to vector<16xf32>
        %mul3A_859 = arith.mulf %get3A_858, %broadcast_in_dim3A_840 : vector<16xf32>
        %swap3A_860 = arith.index_cast %add3A_844 : i32 to index
        %swap3A_861 = arith.constant 16 : index
        %swap3A_862 = tpu.vector_load %arg9[%swap3A_860, %swap3A_861] {strides = array<i32>} : memref<128x128xf32, #tpu.memory_space<vmem>>, vector<1x16xf32>,
        %swap3A_863 = vector.shape_cast %swap3A_862 : vector<1x16xf32> to vector<16xf32>
        %swap3A_864 = vector.shape_cast %mul3A_859 : vector<16xf32> to vector<1x16xf32>
        tpu.vector_store %arg9[%swap3A_860, %swap3A_861], %swap3A_864 {strides = array<i32>} : memref<128x128xf32, #tpu.memory_space<vmem>>, vector<1x16xf32>,
        %get3A_865 = arith.index_cast %add3A_844 : i32 to index
        %get3A_866 = arith.constant 32 : index
        %get3A_867 = tpu.vector_load %arg9[%get3A_865, %get3A_866] {strides = array<i32>} : memref<128x128xf32, #tpu.memory_space<vmem>>, vector<1x16xf32>,
        %get3A_868 = vector.shape_cast %get3A_867 : vector<1x16xf32> to vector<16xf32>
        %mul3A_869 = arith.mulf %get3A_868, %broadcast_in_dim3A_840 : vector<16xf32>
        %swap3A_870 = arith.index_cast %add3A_844 : i32 to index
        %swap3A_871 = arith.constant 32 : index
        %swap3A_872 = tpu.vector_load %arg9[%swap3A_870, %swap3A_871] {strides = array<i32>} : memref<128x128xf32, #tpu.memory_space<vmem>>, vector<1x16xf32>,
        %swap3A_873 = vector.shape_cast %swap3A_872 : vector<1x16xf32> to vector<16xf32>
        %swap3A_874 = vector.shape_cast %mul3A_869 : vector<16xf32> to vector<1x16xf32>
        tpu.vector_store %arg9[%swap3A_870, %swap3A_871], %swap3A_874 {strides = array<i32>} : memref<128x128xf32, #tpu.memory_space<vmem>>, vector<1x16xf32>,
        %get3A_875 = arith.index_cast %add3A_844 : i32 to index
        %get3A_876 = arith.constant 48 : index
        %get3A_877 = tpu.vector_load %arg9[%get3A_875, %get3A_876] {strides = array<i32>} : memref<128x128xf32, #tpu.memory_space<vmem>>, vector<1x16xf32>,
        %get3A_878 = vector.shape_cast %get3A_877 : vector<1x16xf32> to vector<16xf32>
        %mul3A_879 = arith.mulf %get3A_878, %broadcast_in_dim3A_840 : vector<16xf32>
        %swap3A_880 = arith.index_cast %add3A_844 : i32 to index
        %swap3A_881 = arith.constant 48 : index
        %swap3A_882 = tpu.vector_load %arg9[%swap3A_880, %swap3A_881] {strides = array<i32>} : memref<128x128xf32, #tpu.memory_space<vmem>>, vector<1x16xf32>,
        %swap3A_883 = vector.shape_cast %swap3A_882 : vector<1x16xf32> to vector<16xf32>
        %swap3A_884 = vector.shape_cast %mul3A_879 : vector<16xf32> to vector<1x16xf32>
        tpu.vector_store %arg9[%swap3A_880, %swap3A_881], %swap3A_884 {strides = array<i32>} : memref<128x128xf32, #tpu.memory_space<vmem>>, vector<1x16xf32>,
        %get3A_885 = arith.index_cast %add3A_844 : i32 to index
        %get3A_886 = arith.constant 64 : index
        %get3A_887 = tpu.vector_load %arg9[%get3A_885, %get3A_886] {strides = array<i32>} : memref<128x128xf32, #tpu.memory_space<vmem>>, vector<1x16xf32>,
        %get3A_888 = vector.shape_cast %get3A_887 : vector<1x16xf32> to vector<16xf32>
        %mul3A_889 = arith.mulf %get3A_888, %broadcast_in_dim3A_840 : vector<16xf32>
        %swap3A_890 = arith.index_cast %add3A_844 : i32 to index
        %swap3A_891 = arith.constant 64 : index
        %swap3A_892 = tpu.vector_load %arg9[%swap3A_890, %swap3A_891] {strides = array<i32>} : memref<128x128xf32, #tpu.memory_space<vmem>>, vector<1x16xf32>,
        %swap3A_893 = vector.shape_cast %swap3A_892 : vector<1x16xf32> to vector<16xf32>
        %swap3A_894 = vector.shape_cast %mul3A_889 : vector<16xf32> to vector<1x16xf32>
        tpu.vector_store %arg9[%swap3A_890, %swap3A_891], %swap3A_894 {strides = array<i32>} : memref<128x128xf32, #tpu.memory_space<vmem>>, vector<1x16xf32>,
        %get3A_895 = arith.index_cast %add3A_844 : i32 to index
        %get3A_896 = arith.constant 80 : index
        %get3A_897 = tpu.vector_load %arg9[%get3A_895, %get3A_896] {strides = array<i32>} : memref<128x128xf32, #tpu.memory_space<vmem>>, vector<1x16xf32>,
        %get3A_898 = vector.shape_cast %get3A_897 : vector<1x16xf32> to vector<16xf32>
        %mul3A_899 = arith.mulf %get3A_898, %broadcast_in_dim3A_840 : vector<16xf32>
        %swap3A_900 = arith.index_cast %add3A_844 : i32 to index
        %swap3A_901 = arith.constant 80 : index
        %swap3A_902 = tpu.vector_load %arg9[%swap3A_900, %swap3A_901] {strides = array<i32>} : memref<128x128xf32, #tpu.memory_space<vmem>>, vector<1x16xf32>,
        %swap3A_903 = vector.shape_cast %swap3A_902 : vector<1x16xf32> to vector<16xf32>
        %swap3A_904 = vector.shape_cast %mul3A_899 : vector<16xf32> to vector<1x16xf32>
        tpu.vector_store %arg9[%swap3A_900, %swap3A_901], %swap3A_904 {strides = array<i32>} : memref<128x128xf32, #tpu.memory_space<vmem>>, vector<1x16xf32>,
        %get3A_905 = arith.index_cast %add3A_844 : i32 to index
        %get3A_906 = arith.constant 96 : index
        %get3A_907 = tpu.vector_load %arg9[%get3A_905, %get3A_906] {strides = array<i32>} : memref<128x128xf32, #tpu.memory_space<vmem>>, vector<1x16xf32>,
        %get3A_908 = vector.shape_cast %get3A_907 : vector<1x16xf32> to vector<16xf32>
        %mul3A_909 = arith.mulf %get3A_908, %broadcast_in_dim3A_840 : vector<16xf32>
        %swap3A_910 = arith.index_cast %add3A_844 : i32 to index
        %swap3A_911 = arith.constant 96 : index
        %swap3A_912 = tpu.vector_load %arg9[%swap3A_910, %swap3A_911] {strides = array<i32>} : memref<128x128xf32, #tpu.memory_space<vmem>>, vector<1x16xf32>,
        %swap3A_913 = vector.shape_cast %swap3A_912 : vector<1x16xf32> to vector<16xf32>
        %swap3A_914 = vector.shape_cast %mul3A_909 : vector<16xf32> to vector<1x16xf32>
        tpu.vector_store %arg9[%swap3A_910, %swap3A_911], %swap3A_914 {strides = array<i32>} : memref<128x128xf32, #tpu.memory_space<vmem>>, vector<1x16xf32>,
        %get3A_915 = arith.index_cast %add3A_844 : i32 to index
        %get3A_916 = arith.constant 112 : index
        %get3A_917 = tpu.vector_load %arg9[%get3A_915, %get3A_916] {strides = array<i32>} : memref<128x128xf32, #tpu.memory_space<vmem>>, vector<1x16xf32>,
        %get3A_918 = vector.shape_cast %get3A_917 : vector<1x16xf32> to vector<16xf32>
        %mul3A_919 = arith.mulf %get3A_918, %broadcast_in_dim3A_840 : vector<16xf32>
        %swap3A_920 = arith.index_cast %add3A_844 : i32 to index
        %swap3A_921 = arith.constant 112 : index
        %swap3A_922 = tpu.vector_load %arg9[%swap3A_920, %swap3A_921] {strides = array<i32>} : memref<128x128xf32, #tpu.memory_space<vmem>>, vector<1x16xf32>,
        %swap3A_923 = vector.shape_cast %swap3A_922 : vector<1x16xf32> to vector<16xf32>
        %swap3A_924 = vector.shape_cast %mul3A_919 : vector<16xf32> to vector<1x16xf32>
        tpu.vector_store %arg9[%swap3A_920, %swap3A_921], %swap3A_924 {strides = array<i32>} : memref<128x128xf32, #tpu.memory_space<vmem>>, vector<1x16xf32>,
        %slice3A_925 = vector.extract_strided_slice %get3A_318 {offsets = [7], sizes = [1], strides = [1]} : vector<16xf32> to vector<1xf32>
        %squeeze3A_926 = vector.extract %slice3A_925[0] : f32 from vector<1xf32>
        %broadcast_in_dim3A_927 = vector.broadcast %squeeze3A_926 : f32 to vector<16xf32>
        %mul3A_928 = arith.constant 16 : i32
        %mul3A_929 = arith.muli %scan3A_314, %mul3A_928 : i32
        %add3A_930 = arith.constant 7 : i32
        %add3A_931 = arith.addi %mul3A_929, %add3A_930 : i32
        %get3A_932 = arith.index_cast %add3A_931 : i32 to index
        %get3A_933 = arith.constant 0 : index
        %get3A_934 = tpu.vector_load %arg9[%get3A_932, %get3A_933] {strides = array<i32>} : memref<128x128xf32, #tpu.memory_space<vmem>>, vector<1x16xf32>,
        %get3A_935 = vector.shape_cast %get3A_934 : vector<1x16xf32> to vector<16xf32>
        %mul3A_936 = arith.mulf %get3A_935, %broadcast_in_dim3A_927 : vector<16xf32>
        %swap3A_937 = arith.index_cast %add3A_931 : i32 to index
        %swap3A_938 = arith.constant 0 : index
        %swap3A_939 = tpu.vector_load %arg9[%swap3A_937, %swap3A_938] {strides = array<i32>} : memref<128x128xf32, #tpu.memory_space<vmem>>, vector<1x16xf32>,
        %swap3A_940 = vector.shape_cast %swap3A_939 : vector<1x16xf32> to vector<16xf32>
        %swap3A_941 = vector.shape_cast %mul3A_936 : vector<16xf32> to vector<1x16xf32>
        tpu.vector_store %arg9[%swap3A_937, %swap3A_938], %swap3A_941 {strides = array<i32>} : memref<128x128xf32, #tpu.memory_space<vmem>>, vector<1x16xf32>,
        %get3A_942 = arith.index_cast %add3A_931 : i32 to index
        %get3A_943 = arith.constant 16 : index
        %get3A_944 = tpu.vector_load %arg9[%get3A_942, %get3A_943] {strides = array<i32>} : memref<128x128xf32, #tpu.memory_space<vmem>>, vector<1x16xf32>,
        %get3A_945 = vector.shape_cast %get3A_944 : vector<1x16xf32> to vector<16xf32>
        %mul3A_946 = arith.mulf %get3A_945, %broadcast_in_dim3A_927 : vector<16xf32>
        %swap3A_947 = arith.index_cast %add3A_931 : i32 to index
        %swap3A_948 = arith.constant 16 : index
        %swap3A_949 = tpu.vector_load %arg9[%swap3A_947, %swap3A_948] {strides = array<i32>} : memref<128x128xf32, #tpu.memory_space<vmem>>, vector<1x16xf32>,
        %swap3A_950 = vector.shape_cast %swap3A_949 : vector<1x16xf32> to vector<16xf32>
        %swap3A_951 = vector.shape_cast %mul3A_946 : vector<16xf32> to vector<1x16xf32>
        tpu.vector_store %arg9[%swap3A_947, %swap3A_948], %swap3A_951 {strides = array<i32>} : memref<128x128xf32, #tpu.memory_space<vmem>>, vector<1x16xf32>,
        %get3A_952 = arith.index_cast %add3A_931 : i32 to index
        %get3A_953 = arith.constant 32 : index
        %get3A_954 = tpu.vector_load %arg9[%get3A_952, %get3A_953] {strides = array<i32>} : memref<128x128xf32, #tpu.memory_space<vmem>>, vector<1x16xf32>,
        %get3A_955 = vector.shape_cast %get3A_954 : vector<1x16xf32> to vector<16xf32>
        %mul3A_956 = arith.mulf %get3A_955, %broadcast_in_dim3A_927 : vector<16xf32>
        %swap3A_957 = arith.index_cast %add3A_931 : i32 to index
        %swap3A_958 = arith.constant 32 : index
        %swap3A_959 = tpu.vector_load %arg9[%swap3A_957, %swap3A_958] {strides = array<i32>} : memref<128x128xf32, #tpu.memory_space<vmem>>, vector<1x16xf32>,
        %swap3A_960 = vector.shape_cast %swap3A_959 : vector<1x16xf32> to vector<16xf32>
        %swap3A_961 = vector.shape_cast %mul3A_956 : vector<16xf32> to vector<1x16xf32>
        tpu.vector_store %arg9[%swap3A_957, %swap3A_958], %swap3A_961 {strides = array<i32>} : memref<128x128xf32, #tpu.memory_space<vmem>>, vector<1x16xf32>,
        %get3A_962 = arith.index_cast %add3A_931 : i32 to index
        %get3A_963 = arith.constant 48 : index
        %get3A_964 = tpu.vector_load %arg9[%get3A_962, %get3A_963] {strides = array<i32>} : memref<128x128xf32, #tpu.memory_space<vmem>>, vector<1x16xf32>,
        %get3A_965 = vector.shape_cast %get3A_964 : vector<1x16xf32> to vector<16xf32>
        %mul3A_966 = arith.mulf %get3A_965, %broadcast_in_dim3A_927 : vector<16xf32>
        %swap3A_967 = arith.index_cast %add3A_931 : i32 to index
        %swap3A_968 = arith.constant 48 : index
        %swap3A_969 = tpu.vector_load %arg9[%swap3A_967, %swap3A_968] {strides = array<i32>} : memref<128x128xf32, #tpu.memory_space<vmem>>, vector<1x16xf32>,
        %swap3A_970 = vector.shape_cast %swap3A_969 : vector<1x16xf32> to vector<16xf32>
        %swap3A_971 = vector.shape_cast %mul3A_966 : vector<16xf32> to vector<1x16xf32>
        tpu.vector_store %arg9[%swap3A_967, %swap3A_968], %swap3A_971 {strides = array<i32>} : memref<128x128xf32, #tpu.memory_space<vmem>>, vector<1x16xf32>,
        %get3A_972 = arith.index_cast %add3A_931 : i32 to index
        %get3A_973 = arith.constant 64 : index
        %get3A_974 = tpu.vector_load %arg9[%get3A_972, %get3A_973] {strides = array<i32>} : memref<128x128xf32, #tpu.memory_space<vmem>>, vector<1x16xf32>,
        %get3A_975 = vector.shape_cast %get3A_974 : vector<1x16xf32> to vector<16xf32>
        %mul3A_976 = arith.mulf %get3A_975, %broadcast_in_dim3A_927 : vector<16xf32>
        %swap3A_977 = arith.index_cast %add3A_931 : i32 to index
        %swap3A_978 = arith.constant 64 : index
        %swap3A_979 = tpu.vector_load %arg9[%swap3A_977, %swap3A_978] {strides = array<i32>} : memref<128x128xf32, #tpu.memory_space<vmem>>, vector<1x16xf32>,
        %swap3A_980 = vector.shape_cast %swap3A_979 : vector<1x16xf32> to vector<16xf32>
        %swap3A_981 = vector.shape_cast %mul3A_976 : vector<16xf32> to vector<1x16xf32>
        tpu.vector_store %arg9[%swap3A_977, %swap3A_978], %swap3A_981 {strides = array<i32>} : memref<128x128xf32, #tpu.memory_space<vmem>>, vector<1x16xf32>,
        %get3A_982 = arith.index_cast %add3A_931 : i32 to index
        %get3A_983 = arith.constant 80 : index
        %get3A_984 = tpu.vector_load %arg9[%get3A_982, %get3A_983] {strides = array<i32>} : memref<128x128xf32, #tpu.memory_space<vmem>>, vector<1x16xf32>,
        %get3A_985 = vector.shape_cast %get3A_984 : vector<1x16xf32> to vector<16xf32>
        %mul3A_986 = arith.mulf %get3A_985, %broadcast_in_dim3A_927 : vector<16xf32>
        %swap3A_987 = arith.index_cast %add3A_931 : i32 to index
        %swap3A_988 = arith.constant 80 : index
        %swap3A_989 = tpu.vector_load %arg9[%swap3A_987, %swap3A_988] {strides = array<i32>} : memref<128x128xf32, #tpu.memory_space<vmem>>, vector<1x16xf32>,
        %swap3A_990 = vector.shape_cast %swap3A_989 : vector<1x16xf32> to vector<16xf32>
        %swap3A_991 = vector.shape_cast %mul3A_986 : vector<16xf32> to vector<1x16xf32>
        tpu.vector_store %arg9[%swap3A_987, %swap3A_988], %swap3A_991 {strides = array<i32>} : memref<128x128xf32, #tpu.memory_space<vmem>>, vector<1x16xf32>,
        %get3A_992 = arith.index_cast %add3A_931 : i32 to index
        %get3A_993 = arith.constant 96 : index
        %get3A_994 = tpu.vector_load %arg9[%get3A_992, %get3A_993] {strides = array<i32>} : memref<128x128xf32, #tpu.memory_space<vmem>>, vector<1x16xf32>,
        %get3A_995 = vector.shape_cast %get3A_994 : vector<1x16xf32> to vector<16xf32>
        %mul3A_996 = arith.mulf %get3A_995, %broadcast_in_dim3A_927 : vector<16xf32>
        %swap3A_997 = arith.index_cast %add3A_931 : i32 to index
        %swap3A_998 = arith.constant 96 : index
        %swap3A_999 = tpu.vector_load %arg9[%swap3A_997, %swap3A_998] {strides = array<i32>} : memref<128x128xf32, #tpu.memory_space<vmem>>, vector<1x16xf32>,
        %swap3A_1000 = vector.shape_cast %swap3A_999 : vector<1x16xf32> to vector<16xf32>
        %swap3A_1001 = vector.shape_cast %mul3A_996 : vector<16xf32> to vector<1x16xf32>
        tpu.vector_store %arg9[%swap3A_997, %swap3A_998], %swap3A_1001 {strides = array<i32>} : memref<128x128xf32, #tpu.memory_space<vmem>>, vector<1x16xf32>,
        %get3A_1002 = arith.index_cast %add3A_931 : i32 to index
        %get3A_1003 = arith.constant 112 : index
        %get3A_1004 = tpu.vector_load %arg9[%get3A_1002, %get3A_1003] {strides = array<i32>} : memref<128x128xf32, #tpu.memory_space<vmem>>, vector<1x16xf32>,
        %get3A_1005 = vector.shape_cast %get3A_1004 : vector<1x16xf32> to vector<16xf32>
        %mul3A_1006 = arith.mulf %get3A_1005, %broadcast_in_dim3A_927 : vector<16xf32>
        %swap3A_1007 = arith.index_cast %add3A_931 : i32 to index
        %swap3A_1008 = arith.constant 112 : index
        %swap3A_1009 = tpu.vector_load %arg9[%swap3A_1007, %swap3A_1008] {strides = array<i32>} : memref<128x128xf32, #tpu.memory_space<vmem>>, vector<1x16xf32>,
        %swap3A_1010 = vector.shape_cast %swap3A_1009 : vector<1x16xf32> to vector<16xf32>
        %swap3A_1011 = vector.shape_cast %mul3A_1006 : vector<16xf32> to vector<1x16xf32>
        tpu.vector_store %arg9[%swap3A_1007, %swap3A_1008], %swap3A_1011 {strides = array<i32>} : memref<128x128xf32, #tpu.memory_space<vmem>>, vector<1x16xf32>,
        %slice3A_1012 = vector.extract_strided_slice %get3A_318 {offsets = [8], sizes = [1], strides = [1]} : vector<16xf32> to vector<1xf32>
        %squeeze3A_1013 = vector.extract %slice3A_1012[0] : f32 from vector<1xf32>
        %broadcast_in_dim3A_1014 = vector.broadcast %squeeze3A_1013 : f32 to vector<16xf32>
        %mul3A_1015 = arith.constant 16 : i32
        %mul3A_1016 = arith.muli %scan3A_314, %mul3A_1015 : i32
        %add3A_1017 = arith.constant 8 : i32
        %add3A_1018 = arith.addi %mul3A_1016, %add3A_1017 : i32
        %get3A_1019 = arith.index_cast %add3A_1018 : i32 to index
        %get3A_1020 = arith.constant 0 : index
        %get3A_1021 = tpu.vector_load %arg9[%get3A_1019, %get3A_1020] {strides = array<i32>} : memref<128x128xf32, #tpu.memory_space<vmem>>, vector<1x16xf32>,
        %get3A_1022 = vector.shape_cast %get3A_1021 : vector<1x16xf32> to vector<16xf32>
        %mul3A_1023 = arith.mulf %get3A_1022, %broadcast_in_dim3A_1014 : vector<16xf32>
        %swap3A_1024 = arith.index_cast %add3A_1018 : i32 to index
        %swap3A_1025 = arith.constant 0 : index
        %swap3A_1026 = tpu.vector_load %arg9[%swap3A_1024, %swap3A_1025] {strides = array<i32>} : memref<128x128xf32, #tpu.memory_space<vmem>>, vector<1x16xf32>,
        %swap3A_1027 = vector.shape_cast %swap3A_1026 : vector<1x16xf32> to vector<16xf32>
        %swap3A_1028 = vector.shape_cast %mul3A_1023 : vector<16xf32> to vector<1x16xf32>
        tpu.vector_store %arg9[%swap3A_1024, %swap3A_1025], %swap3A_1028 {strides = array<i32>} : memref<128x128xf32, #tpu.memory_space<vmem>>, vector<1x16xf32>,
        %get3A_1029 = arith.index_cast %add3A_1018 : i32 to index
        %get3A_1030 = arith.constant 16 : index
        %get3A_1031 = tpu.vector_load %arg9[%get3A_1029, %get3A_1030] {strides = array<i32>} : memref<128x128xf32, #tpu.memory_space<vmem>>, vector<1x16xf32>,
        %get3A_1032 = vector.shape_cast %get3A_1031 : vector<1x16xf32> to vector<16xf32>
        %mul3A_1033 = arith.mulf %get3A_1032, %broadcast_in_dim3A_1014 : vector<16xf32>
        %swap3A_1034 = arith.index_cast %add3A_1018 : i32 to index
        %swap3A_1035 = arith.constant 16 : index
        %swap3A_1036 = tpu.vector_load %arg9[%swap3A_1034, %swap3A_1035] {strides = array<i32>} : memref<128x128xf32, #tpu.memory_space<vmem>>, vector<1x16xf32>,
        %swap3A_1037 = vector.shape_cast %swap3A_1036 : vector<1x16xf32> to vector<16xf32>
        %swap3A_1038 = vector.shape_cast %mul3A_1033 : vector<16xf32> to vector<1x16xf32>
        tpu.vector_store %arg9[%swap3A_1034, %swap3A_1035], %swap3A_1038 {strides = array<i32>} : memref<128x128xf32, #tpu.memory_space<vmem>>, vector<1x16xf32>,
        %get3A_1039 = arith.index_cast %add3A_1018 : i32 to index
        %get3A_1040 = arith.constant 32 : index
        %get3A_1041 = tpu.vector_load %arg9[%get3A_1039, %get3A_1040] {strides = array<i32>} : memref<128x128xf32, #tpu.memory_space<vmem>>, vector<1x16xf32>,
        %get3A_1042 = vector.shape_cast %get3A_1041 : vector<1x16xf32> to vector<16xf32>
        %mul3A_1043 = arith.mulf %get3A_1042, %broadcast_in_dim3A_1014 : vector<16xf32>
        %swap3A_1044 = arith.index_cast %add3A_1018 : i32 to index
        %swap3A_1045 = arith.constant 32 : index
        %swap3A_1046 = tpu.vector_load %arg9[%swap3A_1044, %swap3A_1045] {strides = array<i32>} : memref<128x128xf32, #tpu.memory_space<vmem>>, vector<1x16xf32>,
        %swap3A_1047 = vector.shape_cast %swap3A_1046 : vector<1x16xf32> to vector<16xf32>
        %swap3A_1048 = vector.shape_cast %mul3A_1043 : vector<16xf32> to vector<1x16xf32>
        tpu.vector_store %arg9[%swap3A_1044, %swap3A_1045], %swap3A_1048 {strides = array<i32>} : memref<128x128xf32, #tpu.memory_space<vmem>>, vector<1x16xf32>,
        %get3A_1049 = arith.index_cast %add3A_1018 : i32 to index
        %get3A_1050 = arith.constant 48 : index
        %get3A_1051 = tpu.vector_load %arg9[%get3A_1049, %get3A_1050] {strides = array<i32>} : memref<128x128xf32, #tpu.memory_space<vmem>>, vector<1x16xf32>,
        %get3A_1052 = vector.shape_cast %get3A_1051 : vector<1x16xf32> to vector<16xf32>
        %mul3A_1053 = arith.mulf %get3A_1052, %broadcast_in_dim3A_1014 : vector<16xf32>
        %swap3A_1054 = arith.index_cast %add3A_1018 : i32 to index
        %swap3A_1055 = arith.constant 48 : index
        %swap3A_1056 = tpu.vector_load %arg9[%swap3A_1054, %swap3A_1055] {strides = array<i32>} : memref<128x128xf32, #tpu.memory_space<vmem>>, vector<1x16xf32>,
        %swap3A_1057 = vector.shape_cast %swap3A_1056 : vector<1x16xf32> to vector<16xf32>
        %swap3A_1058 = vector.shape_cast %mul3A_1053 : vector<16xf32> to vector<1x16xf32>
        tpu.vector_store %arg9[%swap3A_1054, %swap3A_1055], %swap3A_1058 {strides = array<i32>} : memref<128x128xf32, #tpu.memory_space<vmem>>, vector<1x16xf32>,
        %get3A_1059 = arith.index_cast %add3A_1018 : i32 to index
        %get3A_1060 = arith.constant 64 : index
        %get3A_1061 = tpu.vector_load %arg9[%get3A_1059, %get3A_1060] {strides = array<i32>} : memref<128x128xf32, #tpu.memory_space<vmem>>, vector<1x16xf32>,
        %get3A_1062 = vector.shape_cast %get3A_1061 : vector<1x16xf32> to vector<16xf32>
        %mul3A_1063 = arith.mulf %get3A_1062, %broadcast_in_dim3A_1014 : vector<16xf32>
        %swap3A_1064 = arith.index_cast %add3A_1018 : i32 to index
        %swap3A_1065 = arith.constant 64 : index
        %swap3A_1066 = tpu.vector_load %arg9[%swap3A_1064, %swap3A_1065] {strides = array<i32>} : memref<128x128xf32, #tpu.memory_space<vmem>>, vector<1x16xf32>,
        %swap3A_1067 = vector.shape_cast %swap3A_1066 : vector<1x16xf32> to vector<16xf32>
        %swap3A_1068 = vector.shape_cast %mul3A_1063 : vector<16xf32> to vector<1x16xf32>
        tpu.vector_store %arg9[%swap3A_1064, %swap3A_1065], %swap3A_1068 {strides = array<i32>} : memref<128x128xf32, #tpu.memory_space<vmem>>, vector<1x16xf32>,
        %get3A_1069 = arith.index_cast %add3A_1018 : i32 to index
        %get3A_1070 = arith.constant 80 : index
        %get3A_1071 = tpu.vector_load %arg9[%get3A_1069, %get3A_1070] {strides = array<i32>} : memref<128x128xf32, #tpu.memory_space<vmem>>, vector<1x16xf32>,
        %get3A_1072 = vector.shape_cast %get3A_1071 : vector<1x16xf32> to vector<16xf32>
        %mul3A_1073 = arith.mulf %get3A_1072, %broadcast_in_dim3A_1014 : vector<16xf32>
        %swap3A_1074 = arith.index_cast %add3A_1018 : i32 to index
        %swap3A_1075 = arith.constant 80 : index
        %swap3A_1076 = tpu.vector_load %arg9[%swap3A_1074, %swap3A_1075] {strides = array<i32>} : memref<128x128xf32, #tpu.memory_space<vmem>>, vector<1x16xf32>,
        %swap3A_1077 = vector.shape_cast %swap3A_1076 : vector<1x16xf32> to vector<16xf32>
        %swap3A_1078 = vector.shape_cast %mul3A_1073 : vector<16xf32> to vector<1x16xf32>
        tpu.vector_store %arg9[%swap3A_1074, %swap3A_1075], %swap3A_1078 {strides = array<i32>} : memref<128x128xf32, #tpu.memory_space<vmem>>, vector<1x16xf32>,
        %get3A_1079 = arith.index_cast %add3A_1018 : i32 to index
        %get3A_1080 = arith.constant 96 : index
        %get3A_1081 = tpu.vector_load %arg9[%get3A_1079, %get3A_1080] {strides = array<i32>} : memref<128x128xf32, #tpu.memory_space<vmem>>, vector<1x16xf32>,
        %get3A_1082 = vector.shape_cast %get3A_1081 : vector<1x16xf32> to vector<16xf32>
        %mul3A_1083 = arith.mulf %get3A_1082, %broadcast_in_dim3A_1014 : vector<16xf32>
        %swap3A_1084 = arith.index_cast %add3A_1018 : i32 to index
        %swap3A_1085 = arith.constant 96 : index
        %swap3A_1086 = tpu.vector_load %arg9[%swap3A_1084, %swap3A_1085] {strides = array<i32>} : memref<128x128xf32, #tpu.memory_space<vmem>>, vector<1x16xf32>,
        %swap3A_1087 = vector.shape_cast %swap3A_1086 : vector<1x16xf32> to vector<16xf32>
        %swap3A_1088 = vector.shape_cast %mul3A_1083 : vector<16xf32> to vector<1x16xf32>
        tpu.vector_store %arg9[%swap3A_1084, %swap3A_1085], %swap3A_1088 {strides = array<i32>} : memref<128x128xf32, #tpu.memory_space<vmem>>, vector<1x16xf32>,
        %get3A_1089 = arith.index_cast %add3A_1018 : i32 to index
        %get3A_1090 = arith.constant 112 : index
        %get3A_1091 = tpu.vector_load %arg9[%get3A_1089, %get3A_1090] {strides = array<i32>} : memref<128x128xf32, #tpu.memory_space<vmem>>, vector<1x16xf32>,
        %get3A_1092 = vector.shape_cast %get3A_1091 : vector<1x16xf32> to vector<16xf32>
        %mul3A_1093 = arith.mulf %get3A_1092, %broadcast_in_dim3A_1014 : vector<16xf32>
        %swap3A_1094 = arith.index_cast %add3A_1018 : i32 to index
        %swap3A_1095 = arith.constant 112 : index
        %swap3A_1096 = tpu.vector_load %arg9[%swap3A_1094, %swap3A_1095] {strides = array<i32>} : memref<128x128xf32, #tpu.memory_space<vmem>>, vector<1x16xf32>,
        %swap3A_1097 = vector.shape_cast %swap3A_1096 : vector<1x16xf32> to vector<16xf32>
        %swap3A_1098 = vector.shape_cast %mul3A_1093 : vector<16xf32> to vector<1x16xf32>
        tpu.vector_store %arg9[%swap3A_1094, %swap3A_1095], %swap3A_1098 {strides = array<i32>} : memref<128x128xf32, #tpu.memory_space<vmem>>, vector<1x16xf32>,
        %slice3A_1099 = vector.extract_strided_slice %get3A_318 {offsets = [9], sizes = [1], strides = [1]} : vector<16xf32> to vector<1xf32>
        %squeeze3A_1100 = vector.extract %slice3A_1099[0] : f32 from vector<1xf32>
        %broadcast_in_dim3A_1101 = vector.broadcast %squeeze3A_1100 : f32 to vector<16xf32>
        %mul3A_1102 = arith.constant 16 : i32
        %mul3A_1103 = arith.muli %scan3A_314, %mul3A_1102 : i32
        %add3A_1104 = arith.constant 9 : i32
        %add3A_1105 = arith.addi %mul3A_1103, %add3A_1104 : i32
        %get3A_1106 = arith.index_cast %add3A_1105 : i32 to index
        %get3A_1107 = arith.constant 0 : index
        %get3A_1108 = tpu.vector_load %arg9[%get3A_1106, %get3A_1107] {strides = array<i32>} : memref<128x128xf32, #tpu.memory_space<vmem>>, vector<1x16xf32>,
        %get3A_1109 = vector.shape_cast %get3A_1108 : vector<1x16xf32> to vector<16xf32>
        %mul3A_1110 = arith.mulf %get3A_1109, %broadcast_in_dim3A_1101 : vector<16xf32>
        %swap3A_1111 = arith.index_cast %add3A_1105 : i32 to index
        %swap3A_1112 = arith.constant 0 : index
        %swap3A_1113 = tpu.vector_load %arg9[%swap3A_1111, %swap3A_1112] {strides = array<i32>} : memref<128x128xf32, #tpu.memory_space<vmem>>, vector<1x16xf32>,
        %swap3A_1114 = vector.shape_cast %swap3A_1113 : vector<1x16xf32> to vector<16xf32>
        %swap3A_1115 = vector.shape_cast %mul3A_1110 : vector<16xf32> to vector<1x16xf32>
        tpu.vector_store %arg9[%swap3A_1111, %swap3A_1112], %swap3A_1115 {strides = array<i32>} : memref<128x128xf32, #tpu.memory_space<vmem>>, vector<1x16xf32>,
        %get3A_1116 = arith.index_cast %add3A_1105 : i32 to index
        %get3A_1117 = arith.constant 16 : index
        %get3A_1118 = tpu.vector_load %arg9[%get3A_1116, %get3A_1117] {strides = array<i32>} : memref<128x128xf32, #tpu.memory_space<vmem>>, vector<1x16xf32>,
        %get3A_1119 = vector.shape_cast %get3A_1118 : vector<1x16xf32> to vector<16xf32>
        %mul3A_1120 = arith.mulf %get3A_1119, %broadcast_in_dim3A_1101 : vector<16xf32>
        %swap3A_1121 = arith.index_cast %add3A_1105 : i32 to index
        %swap3A_1122 = arith.constant 16 : index
        %swap3A_1123 = tpu.vector_load %arg9[%swap3A_1121, %swap3A_1122] {strides = array<i32>} : memref<128x128xf32, #tpu.memory_space<vmem>>, vector<1x16xf32>,
        %swap3A_1124 = vector.shape_cast %swap3A_1123 : vector<1x16xf32> to vector<16xf32>
        %swap3A_1125 = vector.shape_cast %mul3A_1120 : vector<16xf32> to vector<1x16xf32>
        tpu.vector_store %arg9[%swap3A_1121, %swap3A_1122], %swap3A_1125 {strides = array<i32>} : memref<128x128xf32, #tpu.memory_space<vmem>>, vector<1x16xf32>,
        %get3A_1126 = arith.index_cast %add3A_1105 : i32 to index
        %get3A_1127 = arith.constant 32 : index
        %get3A_1128 = tpu.vector_load %arg9[%get3A_1126, %get3A_1127] {strides = array<i32>} : memref<128x128xf32, #tpu.memory_space<vmem>>, vector<1x16xf32>,
        %get3A_1129 = vector.shape_cast %get3A_1128 : vector<1x16xf32> to vector<16xf32>
        %mul3A_1130 = arith.mulf %get3A_1129, %broadcast_in_dim3A_1101 : vector<16xf32>
        %swap3A_1131 = arith.index_cast %add3A_1105 : i32 to index
        %swap3A_1132 = arith.constant 32 : index
        %swap3A_1133 = tpu.vector_load %arg9[%swap3A_1131, %swap3A_1132] {strides = array<i32>} : memref<128x128xf32, #tpu.memory_space<vmem>>, vector<1x16xf32>,
        %swap3A_1134 = vector.shape_cast %swap3A_1133 : vector<1x16xf32> to vector<16xf32>
        %swap3A_1135 = vector.shape_cast %mul3A_1130 : vector<16xf32> to vector<1x16xf32>
        tpu.vector_store %arg9[%swap3A_1131, %swap3A_1132], %swap3A_1135 {strides = array<i32>} : memref<128x128xf32, #tpu.memory_space<vmem>>, vector<1x16xf32>,
        %get3A_1136 = arith.index_cast %add3A_1105 : i32 to index
        %get3A_1137 = arith.constant 48 : index
        %get3A_1138 = tpu.vector_load %arg9[%get3A_1136, %get3A_1137] {strides = array<i32>} : memref<128x128xf32, #tpu.memory_space<vmem>>, vector<1x16xf32>,
        %get3A_1139 = vector.shape_cast %get3A_1138 : vector<1x16xf32> to vector<16xf32>
        %mul3A_1140 = arith.mulf %get3A_1139, %broadcast_in_dim3A_1101 : vector<16xf32>
        %swap3A_1141 = arith.index_cast %add3A_1105 : i32 to index
        %swap3A_1142 = arith.constant 48 : index
        %swap3A_1143 = tpu.vector_load %arg9[%swap3A_1141, %swap3A_1142] {strides = array<i32>} : memref<128x128xf32, #tpu.memory_space<vmem>>, vector<1x16xf32>,
        %swap3A_1144 = vector.shape_cast %swap3A_1143 : vector<1x16xf32> to vector<16xf32>
        %swap3A_1145 = vector.shape_cast %mul3A_1140 : vector<16xf32> to vector<1x16xf32>
        tpu.vector_store %arg9[%swap3A_1141, %swap3A_1142], %swap3A_1145 {strides = array<i32>} : memref<128x128xf32, #tpu.memory_space<vmem>>, vector<1x16xf32>,
        %get3A_1146 = arith.index_cast %add3A_1105 : i32 to index
        %get3A_1147 = arith.constant 64 : index
        %get3A_1148 = tpu.vector_load %arg9[%get3A_1146, %get3A_1147] {strides = array<i32>} : memref<128x128xf32, #tpu.memory_space<vmem>>, vector<1x16xf32>,
        %get3A_1149 = vector.shape_cast %get3A_1148 : vector<1x16xf32> to vector<16xf32>
        %mul3A_1150 = arith.mulf %get3A_1149, %broadcast_in_dim3A_1101 : vector<16xf32>
        %swap3A_1151 = arith.index_cast %add3A_1105 : i32 to index
        %swap3A_1152 = arith.constant 64 : index
        %swap3A_1153 = tpu.vector_load %arg9[%swap3A_1151, %swap3A_1152] {strides = array<i32>} : memref<128x128xf32, #tpu.memory_space<vmem>>, vector<1x16xf32>,
        %swap3A_1154 = vector.shape_cast %swap3A_1153 : vector<1x16xf32> to vector<16xf32>
        %swap3A_1155 = vector.shape_cast %mul3A_1150 : vector<16xf32> to vector<1x16xf32>
        tpu.vector_store %arg9[%swap3A_1151, %swap3A_1152], %swap3A_1155 {strides = array<i32>} : memref<128x128xf32, #tpu.memory_space<vmem>>, vector<1x16xf32>,
        %get3A_1156 = arith.index_cast %add3A_1105 : i32 to index
        %get3A_1157 = arith.constant 80 : index
        %get3A_1158 = tpu.vector_load %arg9[%get3A_1156, %get3A_1157] {strides = array<i32>} : memref<128x128xf32, #tpu.memory_space<vmem>>, vector<1x16xf32>,
        %get3A_1159 = vector.shape_cast %get3A_1158 : vector<1x16xf32> to vector<16xf32>
        %mul3A_1160 = arith.mulf %get3A_1159, %broadcast_in_dim3A_1101 : vector<16xf32>
        %swap3A_1161 = arith.index_cast %add3A_1105 : i32 to index
        %swap3A_1162 = arith.constant 80 : index
        %swap3A_1163 = tpu.vector_load %arg9[%swap3A_1161, %swap3A_1162] {strides = array<i32>} : memref<128x128xf32, #tpu.memory_space<vmem>>, vector<1x16xf32>,
        %swap3A_1164 = vector.shape_cast %swap3A_1163 : vector<1x16xf32> to vector<16xf32>
        %swap3A_1165 = vector.shape_cast %mul3A_1160 : vector<16xf32> to vector<1x16xf32>
        tpu.vector_store %arg9[%swap3A_1161, %swap3A_1162], %swap3A_1165 {strides = array<i32>} : memref<128x128xf32, #tpu.memory_space<vmem>>, vector<1x16xf32>,
        %get3A_1166 = arith.index_cast %add3A_1105 : i32 to index
        %get3A_1167 = arith.constant 96 : index
        %get3A_1168 = tpu.vector_load %arg9[%get3A_1166, %get3A_1167] {strides = array<i32>} : memref<128x128xf32, #tpu.memory_space<vmem>>, vector<1x16xf32>,
        %get3A_1169 = vector.shape_cast %get3A_1168 : vector<1x16xf32> to vector<16xf32>
        %mul3A_1170 = arith.mulf %get3A_1169, %broadcast_in_dim3A_1101 : vector<16xf32>
        %swap3A_1171 = arith.index_cast %add3A_1105 : i32 to index
        %swap3A_1172 = arith.constant 96 : index
        %swap3A_1173 = tpu.vector_load %arg9[%swap3A_1171, %swap3A_1172] {strides = array<i32>} : memref<128x128xf32, #tpu.memory_space<vmem>>, vector<1x16xf32>,
        %swap3A_1174 = vector.shape_cast %swap3A_1173 : vector<1x16xf32> to vector<16xf32>
        %swap3A_1175 = vector.shape_cast %mul3A_1170 : vector<16xf32> to vector<1x16xf32>
        tpu.vector_store %arg9[%swap3A_1171, %swap3A_1172], %swap3A_1175 {strides = array<i32>} : memref<128x128xf32, #tpu.memory_space<vmem>>, vector<1x16xf32>,
        %get3A_1176 = arith.index_cast %add3A_1105 : i32 to index
        %get3A_1177 = arith.constant 112 : index
        %get3A_1178 = tpu.vector_load %arg9[%get3A_1176, %get3A_1177] {strides = array<i32>} : memref<128x128xf32, #tpu.memory_space<vmem>>, vector<1x16xf32>,
        %get3A_1179 = vector.shape_cast %get3A_1178 : vector<1x16xf32> to vector<16xf32>
        %mul3A_1180 = arith.mulf %get3A_1179, %broadcast_in_dim3A_1101 : vector<16xf32>
        %swap3A_1181 = arith.index_cast %add3A_1105 : i32 to index
        %swap3A_1182 = arith.constant 112 : index
        %swap3A_1183 = tpu.vector_load %arg9[%swap3A_1181, %swap3A_1182] {strides = array<i32>} : memref<128x128xf32, #tpu.memory_space<vmem>>, vector<1x16xf32>,
        %swap3A_1184 = vector.shape_cast %swap3A_1183 : vector<1x16xf32> to vector<16xf32>
        %swap3A_1185 = vector.shape_cast %mul3A_1180 : vector<16xf32> to vector<1x16xf32>
        tpu.vector_store %arg9[%swap3A_1181, %swap3A_1182], %swap3A_1185 {strides = array<i32>} : memref<128x128xf32, #tpu.memory_space<vmem>>, vector<1x16xf32>,
        %slice3A_1186 = vector.extract_strided_slice %get3A_318 {offsets = [10], sizes = [1], strides = [1]} : vector<16xf32> to vector<1xf32>
        %squeeze3A_1187 = vector.extract %slice3A_1186[0] : f32 from vector<1xf32>
        %broadcast_in_dim3A_1188 = vector.broadcast %squeeze3A_1187 : f32 to vector<16xf32>
        %mul3A_1189 = arith.constant 16 : i32
        %mul3A_1190 = arith.muli %scan3A_314, %mul3A_1189 : i32
        %add3A_1191 = arith.constant 10 : i32
        %add3A_1192 = arith.addi %mul3A_1190, %add3A_1191 : i32
        %get3A_1193 = arith.index_cast %add3A_1192 : i32 to index
        %get3A_1194 = arith.constant 0 : index
        %get3A_1195 = tpu.vector_load %arg9[%get3A_1193, %get3A_1194] {strides = array<i32>} : memref<128x128xf32, #tpu.memory_space<vmem>>, vector<1x16xf32>,
        %get3A_1196 = vector.shape_cast %get3A_1195 : vector<1x16xf32> to vector<16xf32>
        %mul3A_1197 = arith.mulf %get3A_1196, %broadcast_in_dim3A_1188 : vector<16xf32>
        %swap3A_1198 = arith.index_cast %add3A_1192 : i32 to index
        %swap3A_1199 = arith.constant 0 : index
        %swap3A_1200 = tpu.vector_load %arg9[%swap3A_1198, %swap3A_1199] {strides = array<i32>} : memref<128x128xf32, #tpu.memory_space<vmem>>, vector<1x16xf32>,
        %swap3A_1201 = vector.shape_cast %swap3A_1200 : vector<1x16xf32> to vector<16xf32>
        %swap3A_1202 = vector.shape_cast %mul3A_1197 : vector<16xf32> to vector<1x16xf32>
        tpu.vector_store %arg9[%swap3A_1198, %swap3A_1199], %swap3A_1202 {strides = array<i32>} : memref<128x128xf32, #tpu.memory_space<vmem>>, vector<1x16xf32>,
        %get3A_1203 = arith.index_cast %add3A_1192 : i32 to index
        %get3A_1204 = arith.constant 16 : index
        %get3A_1205 = tpu.vector_load %arg9[%get3A_1203, %get3A_1204] {strides = array<i32>} : memref<128x128xf32, #tpu.memory_space<vmem>>, vector<1x16xf32>,
        %get3A_1206 = vector.shape_cast %get3A_1205 : vector<1x16xf32> to vector<16xf32>
        %mul3A_1207 = arith.mulf %get3A_1206, %broadcast_in_dim3A_1188 : vector<16xf32>
        %swap3A_1208 = arith.index_cast %add3A_1192 : i32 to index
        %swap3A_1209 = arith.constant 16 : index
        %swap3A_1210 = tpu.vector_load %arg9[%swap3A_1208, %swap3A_1209] {strides = array<i32>} : memref<128x128xf32, #tpu.memory_space<vmem>>, vector<1x16xf32>,
        %swap3A_1211 = vector.shape_cast %swap3A_1210 : vector<1x16xf32> to vector<16xf32>
        %swap3A_1212 = vector.shape_cast %mul3A_1207 : vector<16xf32> to vector<1x16xf32>
        tpu.vector_store %arg9[%swap3A_1208, %swap3A_1209], %swap3A_1212 {strides = array<i32>} : memref<128x128xf32, #tpu.memory_space<vmem>>, vector<1x16xf32>,
        %get3A_1213 = arith.index_cast %add3A_1192 : i32 to index
        %get3A_1214 = arith.constant 32 : index
        %get3A_1215 = tpu.vector_load %arg9[%get3A_1213, %get3A_1214] {strides = array<i32>} : memref<128x128xf32, #tpu.memory_space<vmem>>, vector<1x16xf32>,
        %get3A_1216 = vector.shape_cast %get3A_1215 : vector<1x16xf32> to vector<16xf32>
        %mul3A_1217 = arith.mulf %get3A_1216, %broadcast_in_dim3A_1188 : vector<16xf32>
        %swap3A_1218 = arith.index_cast %add3A_1192 : i32 to index
        %swap3A_1219 = arith.constant 32 : index
        %swap3A_1220 = tpu.vector_load %arg9[%swap3A_1218, %swap3A_1219] {strides = array<i32>} : memref<128x128xf32, #tpu.memory_space<vmem>>, vector<1x16xf32>,
        %swap3A_1221 = vector.shape_cast %swap3A_1220 : vector<1x16xf32> to vector<16xf32>
        %swap3A_1222 = vector.shape_cast %mul3A_1217 : vector<16xf32> to vector<1x16xf32>
        tpu.vector_store %arg9[%swap3A_1218, %swap3A_1219], %swap3A_1222 {strides = array<i32>} : memref<128x128xf32, #tpu.memory_space<vmem>>, vector<1x16xf32>,
        %get3A_1223 = arith.index_cast %add3A_1192 : i32 to index
        %get3A_1224 = arith.constant 48 : index
        %get3A_1225 = tpu.vector_load %arg9[%get3A_1223, %get3A_1224] {strides = array<i32>} : memref<128x128xf32, #tpu.memory_space<vmem>>, vector<1x16xf32>,
        %get3A_1226 = vector.shape_cast %get3A_1225 : vector<1x16xf32> to vector<16xf32>
        %mul3A_1227 = arith.mulf %get3A_1226, %broadcast_in_dim3A_1188 : vector<16xf32>
        %swap3A_1228 = arith.index_cast %add3A_1192 : i32 to index
        %swap3A_1229 = arith.constant 48 : index
        %swap3A_1230 = tpu.vector_load %arg9[%swap3A_1228, %swap3A_1229] {strides = array<i32>} : memref<128x128xf32, #tpu.memory_space<vmem>>, vector<1x16xf32>,
        %swap3A_1231 = vector.shape_cast %swap3A_1230 : vector<1x16xf32> to vector<16xf32>
        %swap3A_1232 = vector.shape_cast %mul3A_1227 : vector<16xf32> to vector<1x16xf32>
        tpu.vector_store %arg9[%swap3A_1228, %swap3A_1229], %swap3A_1232 {strides = array<i32>} : memref<128x128xf32, #tpu.memory_space<vmem>>, vector<1x16xf32>,
        %get3A_1233 = arith.index_cast %add3A_1192 : i32 to index
        %get3A_1234 = arith.constant 64 : index
        %get3A_1235 = tpu.vector_load %arg9[%get3A_1233, %get3A_1234] {strides = array<i32>} : memref<128x128xf32, #tpu.memory_space<vmem>>, vector<1x16xf32>,
        %get3A_1236 = vector.shape_cast %get3A_1235 : vector<1x16xf32> to vector<16xf32>
        %mul3A_1237 = arith.mulf %get3A_1236, %broadcast_in_dim3A_1188 : vector<16xf32>
        %swap3A_1238 = arith.index_cast %add3A_1192 : i32 to index
        %swap3A_1239 = arith.constant 64 : index
        %swap3A_1240 = tpu.vector_load %arg9[%swap3A_1238, %swap3A_1239] {strides = array<i32>} : memref<128x128xf32, #tpu.memory_space<vmem>>, vector<1x16xf32>,
        %swap3A_1241 = vector.shape_cast %swap3A_1240 : vector<1x16xf32> to vector<16xf32>
        %swap3A_1242 = vector.shape_cast %mul3A_1237 : vector<16xf32> to vector<1x16xf32>
        tpu.vector_store %arg9[%swap3A_1238, %swap3A_1239], %swap3A_1242 {strides = array<i32>} : memref<128x128xf32, #tpu.memory_space<vmem>>, vector<1x16xf32>,
        %get3A_1243 = arith.index_cast %add3A_1192 : i32 to index
        %get3A_1244 = arith.constant 80 : index
        %get3A_1245 = tpu.vector_load %arg9[%get3A_1243, %get3A_1244] {strides = array<i32>} : memref<128x128xf32, #tpu.memory_space<vmem>>, vector<1x16xf32>,
        %get3A_1246 = vector.shape_cast %get3A_1245 : vector<1x16xf32> to vector<16xf32>
        %mul3A_1247 = arith.mulf %get3A_1246, %broadcast_in_dim3A_1188 : vector<16xf32>
        %swap3A_1248 = arith.index_cast %add3A_1192 : i32 to index
        %swap3A_1249 = arith.constant 80 : index
        %swap3A_1250 = tpu.vector_load %arg9[%swap3A_1248, %swap3A_1249] {strides = array<i32>} : memref<128x128xf32, #tpu.memory_space<vmem>>, vector<1x16xf32>,
        %swap3A_1251 = vector.shape_cast %swap3A_1250 : vector<1x16xf32> to vector<16xf32>
        %swap3A_1252 = vector.shape_cast %mul3A_1247 : vector<16xf32> to vector<1x16xf32>
        tpu.vector_store %arg9[%swap3A_1248, %swap3A_1249], %swap3A_1252 {strides = array<i32>} : memref<128x128xf32, #tpu.memory_space<vmem>>, vector<1x16xf32>,
        %get3A_1253 = arith.index_cast %add3A_1192 : i32 to index
        %get3A_1254 = arith.constant 96 : index
        %get3A_1255 = tpu.vector_load %arg9[%get3A_1253, %get3A_1254] {strides = array<i32>} : memref<128x128xf32, #tpu.memory_space<vmem>>, vector<1x16xf32>,
        %get3A_1256 = vector.shape_cast %get3A_1255 : vector<1x16xf32> to vector<16xf32>
        %mul3A_1257 = arith.mulf %get3A_1256, %broadcast_in_dim3A_1188 : vector<16xf32>
        %swap3A_1258 = arith.index_cast %add3A_1192 : i32 to index
        %swap3A_1259 = arith.constant 96 : index
        %swap3A_1260 = tpu.vector_load %arg9[%swap3A_1258, %swap3A_1259] {strides = array<i32>} : memref<128x128xf32, #tpu.memory_space<vmem>>, vector<1x16xf32>,
        %swap3A_1261 = vector.shape_cast %swap3A_1260 : vector<1x16xf32> to vector<16xf32>
        %swap3A_1262 = vector.shape_cast %mul3A_1257 : vector<16xf32> to vector<1x16xf32>
        tpu.vector_store %arg9[%swap3A_1258, %swap3A_1259], %swap3A_1262 {strides = array<i32>} : memref<128x128xf32, #tpu.memory_space<vmem>>, vector<1x16xf32>,
        %get3A_1263 = arith.index_cast %add3A_1192 : i32 to index
        %get3A_1264 = arith.constant 112 : index
        %get3A_1265 = tpu.vector_load %arg9[%get3A_1263, %get3A_1264] {strides = array<i32>} : memref<128x128xf32, #tpu.memory_space<vmem>>, vector<1x16xf32>,
        %get3A_1266 = vector.shape_cast %get3A_1265 : vector<1x16xf32> to vector<16xf32>
        %mul3A_1267 = arith.mulf %get3A_1266, %broadcast_in_dim3A_1188 : vector<16xf32>
        %swap3A_1268 = arith.index_cast %add3A_1192 : i32 to index
        %swap3A_1269 = arith.constant 112 : index
        %swap3A_1270 = tpu.vector_load %arg9[%swap3A_1268, %swap3A_1269] {strides = array<i32>} : memref<128x128xf32, #tpu.memory_space<vmem>>, vector<1x16xf32>,
        %swap3A_1271 = vector.shape_cast %swap3A_1270 : vector<1x16xf32> to vector<16xf32>
        %swap3A_1272 = vector.shape_cast %mul3A_1267 : vector<16xf32> to vector<1x16xf32>
        tpu.vector_store %arg9[%swap3A_1268, %swap3A_1269], %swap3A_1272 {strides = array<i32>} : memref<128x128xf32, #tpu.memory_space<vmem>>, vector<1x16xf32>,
        %slice3A_1273 = vector.extract_strided_slice %get3A_318 {offsets = [11], sizes = [1], strides = [1]} : vector<16xf32> to vector<1xf32>
        %squeeze3A_1274 = vector.extract %slice3A_1273[0] : f32 from vector<1xf32>
        %broadcast_in_dim3A_1275 = vector.broadcast %squeeze3A_1274 : f32 to vector<16xf32>
        %mul3A_1276 = arith.constant 16 : i32
        %mul3A_1277 = arith.muli %scan3A_314, %mul3A_1276 : i32
        %add3A_1278 = arith.constant 11 : i32
        %add3A_1279 = arith.addi %mul3A_1277, %add3A_1278 : i32
        %get3A_1280 = arith.index_cast %add3A_1279 : i32 to index
        %get3A_1281 = arith.constant 0 : index
        %get3A_1282 = tpu.vector_load %arg9[%get3A_1280, %get3A_1281] {strides = array<i32>} : memref<128x128xf32, #tpu.memory_space<vmem>>, vector<1x16xf32>,
        %get3A_1283 = vector.shape_cast %get3A_1282 : vector<1x16xf32> to vector<16xf32>
        %mul3A_1284 = arith.mulf %get3A_1283, %broadcast_in_dim3A_1275 : vector<16xf32>
        %swap3A_1285 = arith.index_cast %add3A_1279 : i32 to index
        %swap3A_1286 = arith.constant 0 : index
        %swap3A_1287 = tpu.vector_load %arg9[%swap3A_1285, %swap3A_1286] {strides = array<i32>} : memref<128x128xf32, #tpu.memory_space<vmem>>, vector<1x16xf32>,
        %swap3A_1288 = vector.shape_cast %swap3A_1287 : vector<1x16xf32> to vector<16xf32>
        %swap3A_1289 = vector.shape_cast %mul3A_1284 : vector<16xf32> to vector<1x16xf32>
        tpu.vector_store %arg9[%swap3A_1285, %swap3A_1286], %swap3A_1289 {strides = array<i32>} : memref<128x128xf32, #tpu.memory_space<vmem>>, vector<1x16xf32>,
        %get3A_1290 = arith.index_cast %add3A_1279 : i32 to index
        %get3A_1291 = arith.constant 16 : index
        %get3A_1292 = tpu.vector_load %arg9[%get3A_1290, %get3A_1291] {strides = array<i32>} : memref<128x128xf32, #tpu.memory_space<vmem>>, vector<1x16xf32>,
        %get3A_1293 = vector.shape_cast %get3A_1292 : vector<1x16xf32> to vector<16xf32>
        %mul3A_1294 = arith.mulf %get3A_1293, %broadcast_in_dim3A_1275 : vector<16xf32>
        %swap3A_1295 = arith.index_cast %add3A_1279 : i32 to index
        %swap3A_1296 = arith.constant 16 : index
        %swap3A_1297 = tpu.vector_load %arg9[%swap3A_1295, %swap3A_1296] {strides = array<i32>} : memref<128x128xf32, #tpu.memory_space<vmem>>, vector<1x16xf32>,
        %swap3A_1298 = vector.shape_cast %swap3A_1297 : vector<1x16xf32> to vector<16xf32>
        %swap3A_1299 = vector.shape_cast %mul3A_1294 : vector<16xf32> to vector<1x16xf32>
        tpu.vector_store %arg9[%swap3A_1295, %swap3A_1296], %swap3A_1299 {strides = array<i32>} : memref<128x128xf32, #tpu.memory_space<vmem>>, vector<1x16xf32>,
        %get3A_1300 = arith.index_cast %add3A_1279 : i32 to index
        %get3A_1301 = arith.constant 32 : index
        %get3A_1302 = tpu.vector_load %arg9[%get3A_1300, %get3A_1301] {strides = array<i32>} : memref<128x128xf32, #tpu.memory_space<vmem>>, vector<1x16xf32>,
        %get3A_1303 = vector.shape_cast %get3A_1302 : vector<1x16xf32> to vector<16xf32>
        %mul3A_1304 = arith.mulf %get3A_1303, %broadcast_in_dim3A_1275 : vector<16xf32>
        %swap3A_1305 = arith.index_cast %add3A_1279 : i32 to index
        %swap3A_1306 = arith.constant 32 : index
        %swap3A_1307 = tpu.vector_load %arg9[%swap3A_1305, %swap3A_1306] {strides = array<i32>} : memref<128x128xf32, #tpu.memory_space<vmem>>, vector<1x16xf32>,
        %swap3A_1308 = vector.shape_cast %swap3A_1307 : vector<1x16xf32> to vector<16xf32>
        %swap3A_1309 = vector.shape_cast %mul3A_1304 : vector<16xf32> to vector<1x16xf32>
        tpu.vector_store %arg9[%swap3A_1305, %swap3A_1306], %swap3A_1309 {strides = array<i32>} : memref<128x128xf32, #tpu.memory_space<vmem>>, vector<1x16xf32>,
        %get3A_1310 = arith.index_cast %add3A_1279 : i32 to index
        %get3A_1311 = arith.constant 48 : index
        %get3A_1312 = tpu.vector_load %arg9[%get3A_1310, %get3A_1311] {strides = array<i32>} : memref<128x128xf32, #tpu.memory_space<vmem>>, vector<1x16xf32>,
        %get3A_1313 = vector.shape_cast %get3A_1312 : vector<1x16xf32> to vector<16xf32>
        %mul3A_1314 = arith.mulf %get3A_1313, %broadcast_in_dim3A_1275 : vector<16xf32>
        %swap3A_1315 = arith.index_cast %add3A_1279 : i32 to index
        %swap3A_1316 = arith.constant 48 : index
        %swap3A_1317 = tpu.vector_load %arg9[%swap3A_1315, %swap3A_1316] {strides = array<i32>} : memref<128x128xf32, #tpu.memory_space<vmem>>, vector<1x16xf32>,
        %swap3A_1318 = vector.shape_cast %swap3A_1317 : vector<1x16xf32> to vector<16xf32>
        %swap3A_1319 = vector.shape_cast %mul3A_1314 : vector<16xf32> to vector<1x16xf32>
        tpu.vector_store %arg9[%swap3A_1315, %swap3A_1316], %swap3A_1319 {strides = array<i32>} : memref<128x128xf32, #tpu.memory_space<vmem>>, vector<1x16xf32>,
        %get3A_1320 = arith.index_cast %add3A_1279 : i32 to index
        %get3A_1321 = arith.constant 64 : index
        %get3A_1322 = tpu.vector_load %arg9[%get3A_1320, %get3A_1321] {strides = array<i32>} : memref<128x128xf32, #tpu.memory_space<vmem>>, vector<1x16xf32>,
        %get3A_1323 = vector.shape_cast %get3A_1322 : vector<1x16xf32> to vector<16xf32>
        %mul3A_1324 = arith.mulf %get3A_1323, %broadcast_in_dim3A_1275 : vector<16xf32>
        %swap3A_1325 = arith.index_cast %add3A_1279 : i32 to index
        %swap3A_1326 = arith.constant 64 : index
        %swap3A_1327 = tpu.vector_load %arg9[%swap3A_1325, %swap3A_1326] {strides = array<i32>} : memref<128x128xf32, #tpu.memory_space<vmem>>, vector<1x16xf32>,
        %swap3A_1328 = vector.shape_cast %swap3A_1327 : vector<1x16xf32> to vector<16xf32>
        %swap3A_1329 = vector.shape_cast %mul3A_1324 : vector<16xf32> to vector<1x16xf32>
        tpu.vector_store %arg9[%swap3A_1325, %swap3A_1326], %swap3A_1329 {strides = array<i32>} : memref<128x128xf32, #tpu.memory_space<vmem>>, vector<1x16xf32>,
        %get3A_1330 = arith.index_cast %add3A_1279 : i32 to index
        %get3A_1331 = arith.constant 80 : index
        %get3A_1332 = tpu.vector_load %arg9[%get3A_1330, %get3A_1331] {strides = array<i32>} : memref<128x128xf32, #tpu.memory_space<vmem>>, vector<1x16xf32>,
        %get3A_1333 = vector.shape_cast %get3A_1332 : vector<1x16xf32> to vector<16xf32>
        %mul3A_1334 = arith.mulf %get3A_1333, %broadcast_in_dim3A_1275 : vector<16xf32>
        %swap3A_1335 = arith.index_cast %add3A_1279 : i32 to index
        %swap3A_1336 = arith.constant 80 : index
        %swap3A_1337 = tpu.vector_load %arg9[%swap3A_1335, %swap3A_1336] {strides = array<i32>} : memref<128x128xf32, #tpu.memory_space<vmem>>, vector<1x16xf32>,
        %swap3A_1338 = vector.shape_cast %swap3A_1337 : vector<1x16xf32> to vector<16xf32>
        %swap3A_1339 = vector.shape_cast %mul3A_1334 : vector<16xf32> to vector<1x16xf32>
        tpu.vector_store %arg9[%swap3A_1335, %swap3A_1336], %swap3A_1339 {strides = array<i32>} : memref<128x128xf32, #tpu.memory_space<vmem>>, vector<1x16xf32>,
        %get3A_1340 = arith.index_cast %add3A_1279 : i32 to index
        %get3A_1341 = arith.constant 96 : index
        %get3A_1342 = tpu.vector_load %arg9[%get3A_1340, %get3A_1341] {strides = array<i32>} : memref<128x128xf32, #tpu.memory_space<vmem>>, vector<1x16xf32>,
        %get3A_1343 = vector.shape_cast %get3A_1342 : vector<1x16xf32> to vector<16xf32>
        %mul3A_1344 = arith.mulf %get3A_1343, %broadcast_in_dim3A_1275 : vector<16xf32>
        %swap3A_1345 = arith.index_cast %add3A_1279 : i32 to index
        %swap3A_1346 = arith.constant 96 : index
        %swap3A_1347 = tpu.vector_load %arg9[%swap3A_1345, %swap3A_1346] {strides = array<i32>} : memref<128x128xf32, #tpu.memory_space<vmem>>, vector<1x16xf32>,
        %swap3A_1348 = vector.shape_cast %swap3A_1347 : vector<1x16xf32> to vector<16xf32>
        %swap3A_1349 = vector.shape_cast %mul3A_1344 : vector<16xf32> to vector<1x16xf32>
        tpu.vector_store %arg9[%swap3A_1345, %swap3A_1346], %swap3A_1349 {strides = array<i32>} : memref<128x128xf32, #tpu.memory_space<vmem>>, vector<1x16xf32>,
        %get3A_1350 = arith.index_cast %add3A_1279 : i32 to index
        %get3A_1351 = arith.constant 112 : index
        %get3A_1352 = tpu.vector_load %arg9[%get3A_1350, %get3A_1351] {strides = array<i32>} : memref<128x128xf32, #tpu.memory_space<vmem>>, vector<1x16xf32>,
        %get3A_1353 = vector.shape_cast %get3A_1352 : vector<1x16xf32> to vector<16xf32>
        %mul3A_1354 = arith.mulf %get3A_1353, %broadcast_in_dim3A_1275 : vector<16xf32>
        %swap3A_1355 = arith.index_cast %add3A_1279 : i32 to index
        %swap3A_1356 = arith.constant 112 : index
        %swap3A_1357 = tpu.vector_load %arg9[%swap3A_1355, %swap3A_1356] {strides = array<i32>} : memref<128x128xf32, #tpu.memory_space<vmem>>, vector<1x16xf32>,
        %swap3A_1358 = vector.shape_cast %swap3A_1357 : vector<1x16xf32> to vector<16xf32>
        %swap3A_1359 = vector.shape_cast %mul3A_1354 : vector<16xf32> to vector<1x16xf32>
        tpu.vector_store %arg9[%swap3A_1355, %swap3A_1356], %swap3A_1359 {strides = array<i32>} : memref<128x128xf32, #tpu.memory_space<vmem>>, vector<1x16xf32>,
        %slice3A_1360 = vector.extract_strided_slice %get3A_318 {offsets = [12], sizes = [1], strides = [1]} : vector<16xf32> to vector<1xf32>
        %squeeze3A_1361 = vector.extract %slice3A_1360[0] : f32 from vector<1xf32>
        %broadcast_in_dim3A_1362 = vector.broadcast %squeeze3A_1361 : f32 to vector<16xf32>
        %mul3A_1363 = arith.constant 16 : i32
        %mul3A_1364 = arith.muli %scan3A_314, %mul3A_1363 : i32
        %add3A_1365 = arith.constant 12 : i32
        %add3A_1366 = arith.addi %mul3A_1364, %add3A_1365 : i32
        %get3A_1367 = arith.index_cast %add3A_1366 : i32 to index
        %get3A_1368 = arith.constant 0 : index
        %get3A_1369 = tpu.vector_load %arg9[%get3A_1367, %get3A_1368] {strides = array<i32>} : memref<128x128xf32, #tpu.memory_space<vmem>>, vector<1x16xf32>,
        %get3A_1370 = vector.shape_cast %get3A_1369 : vector<1x16xf32> to vector<16xf32>
        %mul3A_1371 = arith.mulf %get3A_1370, %broadcast_in_dim3A_1362 : vector<16xf32>
        %swap3A_1372 = arith.index_cast %add3A_1366 : i32 to index
        %swap3A_1373 = arith.constant 0 : index
        %swap3A_1374 = tpu.vector_load %arg9[%swap3A_1372, %swap3A_1373] {strides = array<i32>} : memref<128x128xf32, #tpu.memory_space<vmem>>, vector<1x16xf32>,
        %swap3A_1375 = vector.shape_cast %swap3A_1374 : vector<1x16xf32> to vector<16xf32>
        %swap3A_1376 = vector.shape_cast %mul3A_1371 : vector<16xf32> to vector<1x16xf32>
        tpu.vector_store %arg9[%swap3A_1372, %swap3A_1373], %swap3A_1376 {strides = array<i32>} : memref<128x128xf32, #tpu.memory_space<vmem>>, vector<1x16xf32>,
        %get3A_1377 = arith.index_cast %add3A_1366 : i32 to index
        %get3A_1378 = arith.constant 16 : index
        %get3A_1379 = tpu.vector_load %arg9[%get3A_1377, %get3A_1378] {strides = array<i32>} : memref<128x128xf32, #tpu.memory_space<vmem>>, vector<1x16xf32>,
        %get3A_1380 = vector.shape_cast %get3A_1379 : vector<1x16xf32> to vector<16xf32>
        %mul3A_1381 = arith.mulf %get3A_1380, %broadcast_in_dim3A_1362 : vector<16xf32>
        %swap3A_1382 = arith.index_cast %add3A_1366 : i32 to index
        %swap3A_1383 = arith.constant 16 : index
        %swap3A_1384 = tpu.vector_load %arg9[%swap3A_1382, %swap3A_1383] {strides = array<i32>} : memref<128x128xf32, #tpu.memory_space<vmem>>, vector<1x16xf32>,
        %swap3A_1385 = vector.shape_cast %swap3A_1384 : vector<1x16xf32> to vector<16xf32>
        %swap3A_1386 = vector.shape_cast %mul3A_1381 : vector<16xf32> to vector<1x16xf32>
        tpu.vector_store %arg9[%swap3A_1382, %swap3A_1383], %swap3A_1386 {strides = array<i32>} : memref<128x128xf32, #tpu.memory_space<vmem>>, vector<1x16xf32>,
        %get3A_1387 = arith.index_cast %add3A_1366 : i32 to index
        %get3A_1388 = arith.constant 32 : index
        %get3A_1389 = tpu.vector_load %arg9[%get3A_1387, %get3A_1388] {strides = array<i32>} : memref<128x128xf32, #tpu.memory_space<vmem>>, vector<1x16xf32>,
        %get3A_1390 = vector.shape_cast %get3A_1389 : vector<1x16xf32> to vector<16xf32>
        %mul3A_1391 = arith.mulf %get3A_1390, %broadcast_in_dim3A_1362 : vector<16xf32>
        %swap3A_1392 = arith.index_cast %add3A_1366 : i32 to index
        %swap3A_1393 = arith.constant 32 : index
        %swap3A_1394 = tpu.vector_load %arg9[%swap3A_1392, %swap3A_1393] {strides = array<i32>} : memref<128x128xf32, #tpu.memory_space<vmem>>, vector<1x16xf32>,
        %swap3A_1395 = vector.shape_cast %swap3A_1394 : vector<1x16xf32> to vector<16xf32>
        %swap3A_1396 = vector.shape_cast %mul3A_1391 : vector<16xf32> to vector<1x16xf32>
        tpu.vector_store %arg9[%swap3A_1392, %swap3A_1393], %swap3A_1396 {strides = array<i32>} : memref<128x128xf32, #tpu.memory_space<vmem>>, vector<1x16xf32>,
        %get3A_1397 = arith.index_cast %add3A_1366 : i32 to index
        %get3A_1398 = arith.constant 48 : index
        %get3A_1399 = tpu.vector_load %arg9[%get3A_1397, %get3A_1398] {strides = array<i32>} : memref<128x128xf32, #tpu.memory_space<vmem>>, vector<1x16xf32>,
        %get3A_1400 = vector.shape_cast %get3A_1399 : vector<1x16xf32> to vector<16xf32>
        %mul3A_1401 = arith.mulf %get3A_1400, %broadcast_in_dim3A_1362 : vector<16xf32>
        %swap3A_1402 = arith.index_cast %add3A_1366 : i32 to index
        %swap3A_1403 = arith.constant 48 : index
        %swap3A_1404 = tpu.vector_load %arg9[%swap3A_1402, %swap3A_1403] {strides = array<i32>} : memref<128x128xf32, #tpu.memory_space<vmem>>, vector<1x16xf32>,
        %swap3A_1405 = vector.shape_cast %swap3A_1404 : vector<1x16xf32> to vector<16xf32>
        %swap3A_1406 = vector.shape_cast %mul3A_1401 : vector<16xf32> to vector<1x16xf32>
        tpu.vector_store %arg9[%swap3A_1402, %swap3A_1403], %swap3A_1406 {strides = array<i32>} : memref<128x128xf32, #tpu.memory_space<vmem>>, vector<1x16xf32>,
        %get3A_1407 = arith.index_cast %add3A_1366 : i32 to index
        %get3A_1408 = arith.constant 64 : index
        %get3A_1409 = tpu.vector_load %arg9[%get3A_1407, %get3A_1408] {strides = array<i32>} : memref<128x128xf32, #tpu.memory_space<vmem>>, vector<1x16xf32>,
        %get3A_1410 = vector.shape_cast %get3A_1409 : vector<1x16xf32> to vector<16xf32>
        %mul3A_1411 = arith.mulf %get3A_1410, %broadcast_in_dim3A_1362 : vector<16xf32>
        %swap3A_1412 = arith.index_cast %add3A_1366 : i32 to index
        %swap3A_1413 = arith.constant 64 : index
        %swap3A_1414 = tpu.vector_load %arg9[%swap3A_1412, %swap3A_1413] {strides = array<i32>} : memref<128x128xf32, #tpu.memory_space<vmem>>, vector<1x16xf32>,
        %swap3A_1415 = vector.shape_cast %swap3A_1414 : vector<1x16xf32> to vector<16xf32>
        %swap3A_1416 = vector.shape_cast %mul3A_1411 : vector<16xf32> to vector<1x16xf32>
        tpu.vector_store %arg9[%swap3A_1412, %swap3A_1413], %swap3A_1416 {strides = array<i32>} : memref<128x128xf32, #tpu.memory_space<vmem>>, vector<1x16xf32>,
        %get3A_1417 = arith.index_cast %add3A_1366 : i32 to index
        %get3A_1418 = arith.constant 80 : index
        %get3A_1419 = tpu.vector_load %arg9[%get3A_1417, %get3A_1418] {strides = array<i32>} : memref<128x128xf32, #tpu.memory_space<vmem>>, vector<1x16xf32>,
        %get3A_1420 = vector.shape_cast %get3A_1419 : vector<1x16xf32> to vector<16xf32>
        %mul3A_1421 = arith.mulf %get3A_1420, %broadcast_in_dim3A_1362 : vector<16xf32>
        %swap3A_1422 = arith.index_cast %add3A_1366 : i32 to index
        %swap3A_1423 = arith.constant 80 : index
        %swap3A_1424 = tpu.vector_load %arg9[%swap3A_1422, %swap3A_1423] {strides = array<i32>} : memref<128x128xf32, #tpu.memory_space<vmem>>, vector<1x16xf32>,
        %swap3A_1425 = vector.shape_cast %swap3A_1424 : vector<1x16xf32> to vector<16xf32>
        %swap3A_1426 = vector.shape_cast %mul3A_1421 : vector<16xf32> to vector<1x16xf32>
        tpu.vector_store %arg9[%swap3A_1422, %swap3A_1423], %swap3A_1426 {strides = array<i32>} : memref<128x128xf32, #tpu.memory_space<vmem>>, vector<1x16xf32>,
        %get3A_1427 = arith.index_cast %add3A_1366 : i32 to index
        %get3A_1428 = arith.constant 96 : index
        %get3A_1429 = tpu.vector_load %arg9[%get3A_1427, %get3A_1428] {strides = array<i32>} : memref<128x128xf32, #tpu.memory_space<vmem>>, vector<1x16xf32>,
        %get3A_1430 = vector.shape_cast %get3A_1429 : vector<1x16xf32> to vector<16xf32>
        %mul3A_1431 = arith.mulf %get3A_1430, %broadcast_in_dim3A_1362 : vector<16xf32>
        %swap3A_1432 = arith.index_cast %add3A_1366 : i32 to index
        %swap3A_1433 = arith.constant 96 : index
        %swap3A_1434 = tpu.vector_load %arg9[%swap3A_1432, %swap3A_1433] {strides = array<i32>} : memref<128x128xf32, #tpu.memory_space<vmem>>, vector<1x16xf32>,
        %swap3A_1435 = vector.shape_cast %swap3A_1434 : vector<1x16xf32> to vector<16xf32>
        %swap3A_1436 = vector.shape_cast %mul3A_1431 : vector<16xf32> to vector<1x16xf32>
        tpu.vector_store %arg9[%swap3A_1432, %swap3A_1433], %swap3A_1436 {strides = array<i32>} : memref<128x128xf32, #tpu.memory_space<vmem>>, vector<1x16xf32>,
        %get3A_1437 = arith.index_cast %add3A_1366 : i32 to index
        %get3A_1438 = arith.constant 112 : index
        %get3A_1439 = tpu.vector_load %arg9[%get3A_1437, %get3A_1438] {strides = array<i32>} : memref<128x128xf32, #tpu.memory_space<vmem>>, vector<1x16xf32>,
        %get3A_1440 = vector.shape_cast %get3A_1439 : vector<1x16xf32> to vector<16xf32>
        %mul3A_1441 = arith.mulf %get3A_1440, %broadcast_in_dim3A_1362 : vector<16xf32>
        %swap3A_1442 = arith.index_cast %add3A_1366 : i32 to index
        %swap3A_1443 = arith.constant 112 : index
        %swap3A_1444 = tpu.vector_load %arg9[%swap3A_1442, %swap3A_1443] {strides = array<i32>} : memref<128x128xf32, #tpu.memory_space<vmem>>, vector<1x16xf32>,
        %swap3A_1445 = vector.shape_cast %swap3A_1444 : vector<1x16xf32> to vector<16xf32>
        %swap3A_1446 = vector.shape_cast %mul3A_1441 : vector<16xf32> to vector<1x16xf32>
        tpu.vector_store %arg9[%swap3A_1442, %swap3A_1443], %swap3A_1446 {strides = array<i32>} : memref<128x128xf32, #tpu.memory_space<vmem>>, vector<1x16xf32>,
        %slice3A_1447 = vector.extract_strided_slice %get3A_318 {offsets = [13], sizes = [1], strides = [1]} : vector<16xf32> to vector<1xf32>
        %squeeze3A_1448 = vector.extract %slice3A_1447[0] : f32 from vector<1xf32>
        %broadcast_in_dim3A_1449 = vector.broadcast %squeeze3A_1448 : f32 to vector<16xf32>
        %mul3A_1450 = arith.constant 16 : i32
        %mul3A_1451 = arith.muli %scan3A_314, %mul3A_1450 : i32
        %add3A_1452 = arith.constant 13 : i32
        %add3A_1453 = arith.addi %mul3A_1451, %add3A_1452 : i32
        %get3A_1454 = arith.index_cast %add3A_1453 : i32 to index
        %get3A_1455 = arith.constant 0 : index
        %get3A_1456 = tpu.vector_load %arg9[%get3A_1454, %get3A_1455] {strides = array<i32>} : memref<128x128xf32, #tpu.memory_space<vmem>>, vector<1x16xf32>,
        %get3A_1457 = vector.shape_cast %get3A_1456 : vector<1x16xf32> to vector<16xf32>
        %mul3A_1458 = arith.mulf %get3A_1457, %broadcast_in_dim3A_1449 : vector<16xf32>
        %swap3A_1459 = arith.index_cast %add3A_1453 : i32 to index
        %swap3A_1460 = arith.constant 0 : index
        %swap3A_1461 = tpu.vector_load %arg9[%swap3A_1459, %swap3A_1460] {strides = array<i32>} : memref<128x128xf32, #tpu.memory_space<vmem>>, vector<1x16xf32>,
        %swap3A_1462 = vector.shape_cast %swap3A_1461 : vector<1x16xf32> to vector<16xf32>
        %swap3A_1463 = vector.shape_cast %mul3A_1458 : vector<16xf32> to vector<1x16xf32>
        tpu.vector_store %arg9[%swap3A_1459, %swap3A_1460], %swap3A_1463 {strides = array<i32>} : memref<128x128xf32, #tpu.memory_space<vmem>>, vector<1x16xf32>,
        %get3A_1464 = arith.index_cast %add3A_1453 : i32 to index
        %get3A_1465 = arith.constant 16 : index
        %get3A_1466 = tpu.vector_load %arg9[%get3A_1464, %get3A_1465] {strides = array<i32>} : memref<128x128xf32, #tpu.memory_space<vmem>>, vector<1x16xf32>,
        %get3A_1467 = vector.shape_cast %get3A_1466 : vector<1x16xf32> to vector<16xf32>
        %mul3A_1468 = arith.mulf %get3A_1467, %broadcast_in_dim3A_1449 : vector<16xf32>
        %swap3A_1469 = arith.index_cast %add3A_1453 : i32 to index
        %swap3A_1470 = arith.constant 16 : index
        %swap3A_1471 = tpu.vector_load %arg9[%swap3A_1469, %swap3A_1470] {strides = array<i32>} : memref<128x128xf32, #tpu.memory_space<vmem>>, vector<1x16xf32>,
        %swap3A_1472 = vector.shape_cast %swap3A_1471 : vector<1x16xf32> to vector<16xf32>
        %swap3A_1473 = vector.shape_cast %mul3A_1468 : vector<16xf32> to vector<1x16xf32>
        tpu.vector_store %arg9[%swap3A_1469, %swap3A_1470], %swap3A_1473 {strides = array<i32>} : memref<128x128xf32, #tpu.memory_space<vmem>>, vector<1x16xf32>,
        %get3A_1474 = arith.index_cast %add3A_1453 : i32 to index
        %get3A_1475 = arith.constant 32 : index
        %get3A_1476 = tpu.vector_load %arg9[%get3A_1474, %get3A_1475] {strides = array<i32>} : memref<128x128xf32, #tpu.memory_space<vmem>>, vector<1x16xf32>,
        %get3A_1477 = vector.shape_cast %get3A_1476 : vector<1x16xf32> to vector<16xf32>
        %mul3A_1478 = arith.mulf %get3A_1477, %broadcast_in_dim3A_1449 : vector<16xf32>
        %swap3A_1479 = arith.index_cast %add3A_1453 : i32 to index
        %swap3A_1480 = arith.constant 32 : index
        %swap3A_1481 = tpu.vector_load %arg9[%swap3A_1479, %swap3A_1480] {strides = array<i32>} : memref<128x128xf32, #tpu.memory_space<vmem>>, vector<1x16xf32>,
        %swap3A_1482 = vector.shape_cast %swap3A_1481 : vector<1x16xf32> to vector<16xf32>
        %swap3A_1483 = vector.shape_cast %mul3A_1478 : vector<16xf32> to vector<1x16xf32>
        tpu.vector_store %arg9[%swap3A_1479, %swap3A_1480], %swap3A_1483 {strides = array<i32>} : memref<128x128xf32, #tpu.memory_space<vmem>>, vector<1x16xf32>,
        %get3A_1484 = arith.index_cast %add3A_1453 : i32 to index
        %get3A_1485 = arith.constant 48 : index
        %get3A_1486 = tpu.vector_load %arg9[%get3A_1484, %get3A_1485] {strides = array<i32>} : memref<128x128xf32, #tpu.memory_space<vmem>>, vector<1x16xf32>,
        %get3A_1487 = vector.shape_cast %get3A_1486 : vector<1x16xf32> to vector<16xf32>
        %mul3A_1488 = arith.mulf %get3A_1487, %broadcast_in_dim3A_1449 : vector<16xf32>
        %swap3A_1489 = arith.index_cast %add3A_1453 : i32 to index
        %swap3A_1490 = arith.constant 48 : index
        %swap3A_1491 = tpu.vector_load %arg9[%swap3A_1489, %swap3A_1490] {strides = array<i32>} : memref<128x128xf32, #tpu.memory_space<vmem>>, vector<1x16xf32>,
        %swap3A_1492 = vector.shape_cast %swap3A_1491 : vector<1x16xf32> to vector<16xf32>
        %swap3A_1493 = vector.shape_cast %mul3A_1488 : vector<16xf32> to vector<1x16xf32>
        tpu.vector_store %arg9[%swap3A_1489, %swap3A_1490], %swap3A_1493 {strides = array<i32>} : memref<128x128xf32, #tpu.memory_space<vmem>>, vector<1x16xf32>,
        %get3A_1494 = arith.index_cast %add3A_1453 : i32 to index
        %get3A_1495 = arith.constant 64 : index
        %get3A_1496 = tpu.vector_load %arg9[%get3A_1494, %get3A_1495] {strides = array<i32>} : memref<128x128xf32, #tpu.memory_space<vmem>>, vector<1x16xf32>,
        %get3A_1497 = vector.shape_cast %get3A_1496 : vector<1x16xf32> to vector<16xf32>
        %mul3A_1498 = arith.mulf %get3A_1497, %broadcast_in_dim3A_1449 : vector<16xf32>
        %swap3A_1499 = arith.index_cast %add3A_1453 : i32 to index
        %swap3A_1500 = arith.constant 64 : index
        %swap3A_1501 = tpu.vector_load %arg9[%swap3A_1499, %swap3A_1500] {strides = array<i32>} : memref<128x128xf32, #tpu.memory_space<vmem>>, vector<1x16xf32>,
        %swap3A_1502 = vector.shape_cast %swap3A_1501 : vector<1x16xf32> to vector<16xf32>
        %swap3A_1503 = vector.shape_cast %mul3A_1498 : vector<16xf32> to vector<1x16xf32>
        tpu.vector_store %arg9[%swap3A_1499, %swap3A_1500], %swap3A_1503 {strides = array<i32>} : memref<128x128xf32, #tpu.memory_space<vmem>>, vector<1x16xf32>,
        %get3A_1504 = arith.index_cast %add3A_1453 : i32 to index
        %get3A_1505 = arith.constant 80 : index
        %get3A_1506 = tpu.vector_load %arg9[%get3A_1504, %get3A_1505] {strides = array<i32>} : memref<128x128xf32, #tpu.memory_space<vmem>>, vector<1x16xf32>,
        %get3A_1507 = vector.shape_cast %get3A_1506 : vector<1x16xf32> to vector<16xf32>
        %mul3A_1508 = arith.mulf %get3A_1507, %broadcast_in_dim3A_1449 : vector<16xf32>
        %swap3A_1509 = arith.index_cast %add3A_1453 : i32 to index
        %swap3A_1510 = arith.constant 80 : index
        %swap3A_1511 = tpu.vector_load %arg9[%swap3A_1509, %swap3A_1510] {strides = array<i32>} : memref<128x128xf32, #tpu.memory_space<vmem>>, vector<1x16xf32>,
        %swap3A_1512 = vector.shape_cast %swap3A_1511 : vector<1x16xf32> to vector<16xf32>
        %swap3A_1513 = vector.shape_cast %mul3A_1508 : vector<16xf32> to vector<1x16xf32>
        tpu.vector_store %arg9[%swap3A_1509, %swap3A_1510], %swap3A_1513 {strides = array<i32>} : memref<128x128xf32, #tpu.memory_space<vmem>>, vector<1x16xf32>,
        %get3A_1514 = arith.index_cast %add3A_1453 : i32 to index
        %get3A_1515 = arith.constant 96 : index
        %get3A_1516 = tpu.vector_load %arg9[%get3A_1514, %get3A_1515] {strides = array<i32>} : memref<128x128xf32, #tpu.memory_space<vmem>>, vector<1x16xf32>,
        %get3A_1517 = vector.shape_cast %get3A_1516 : vector<1x16xf32> to vector<16xf32>
        %mul3A_1518 = arith.mulf %get3A_1517, %broadcast_in_dim3A_1449 : vector<16xf32>
        %swap3A_1519 = arith.index_cast %add3A_1453 : i32 to index
        %swap3A_1520 = arith.constant 96 : index
        %swap3A_1521 = tpu.vector_load %arg9[%swap3A_1519, %swap3A_1520] {strides = array<i32>} : memref<128x128xf32, #tpu.memory_space<vmem>>, vector<1x16xf32>,
        %swap3A_1522 = vector.shape_cast %swap3A_1521 : vector<1x16xf32> to vector<16xf32>
        %swap3A_1523 = vector.shape_cast %mul3A_1518 : vector<16xf32> to vector<1x16xf32>
        tpu.vector_store %arg9[%swap3A_1519, %swap3A_1520], %swap3A_1523 {strides = array<i32>} : memref<128x128xf32, #tpu.memory_space<vmem>>, vector<1x16xf32>,
        %get3A_1524 = arith.index_cast %add3A_1453 : i32 to index
        %get3A_1525 = arith.constant 112 : index
        %get3A_1526 = tpu.vector_load %arg9[%get3A_1524, %get3A_1525] {strides = array<i32>} : memref<128x128xf32, #tpu.memory_space<vmem>>, vector<1x16xf32>,
        %get3A_1527 = vector.shape_cast %get3A_1526 : vector<1x16xf32> to vector<16xf32>
        %mul3A_1528 = arith.mulf %get3A_1527, %broadcast_in_dim3A_1449 : vector<16xf32>
        %swap3A_1529 = arith.index_cast %add3A_1453 : i32 to index
        %swap3A_1530 = arith.constant 112 : index
        %swap3A_1531 = tpu.vector_load %arg9[%swap3A_1529, %swap3A_1530] {strides = array<i32>} : memref<128x128xf32, #tpu.memory_space<vmem>>, vector<1x16xf32>,
        %swap3A_1532 = vector.shape_cast %swap3A_1531 : vector<1x16xf32> to vector<16xf32>
        %swap3A_1533 = vector.shape_cast %mul3A_1528 : vector<16xf32> to vector<1x16xf32>
        tpu.vector_store %arg9[%swap3A_1529, %swap3A_1530], %swap3A_1533 {strides = array<i32>} : memref<128x128xf32, #tpu.memory_space<vmem>>, vector<1x16xf32>,
        %slice3A_1534 = vector.extract_strided_slice %get3A_318 {offsets = [14], sizes = [1], strides = [1]} : vector<16xf32> to vector<1xf32>
        %squeeze3A_1535 = vector.extract %slice3A_1534[0] : f32 from vector<1xf32>
        %broadcast_in_dim3A_1536 = vector.broadcast %squeeze3A_1535 : f32 to vector<16xf32>
        %mul3A_1537 = arith.constant 16 : i32
        %mul3A_1538 = arith.muli %scan3A_314, %mul3A_1537 : i32
        %add3A_1539 = arith.constant 14 : i32
        %add3A_1540 = arith.addi %mul3A_1538, %add3A_1539 : i32
        %get3A_1541 = arith.index_cast %add3A_1540 : i32 to index
        %get3A_1542 = arith.constant 0 : index
        %get3A_1543 = tpu.vector_load %arg9[%get3A_1541, %get3A_1542] {strides = array<i32>} : memref<128x128xf32, #tpu.memory_space<vmem>>, vector<1x16xf32>,
        %get3A_1544 = vector.shape_cast %get3A_1543 : vector<1x16xf32> to vector<16xf32>
        %mul3A_1545 = arith.mulf %get3A_1544, %broadcast_in_dim3A_1536 : vector<16xf32>
        %swap3A_1546 = arith.index_cast %add3A_1540 : i32 to index
        %swap3A_1547 = arith.constant 0 : index
        %swap3A_1548 = tpu.vector_load %arg9[%swap3A_1546, %swap3A_1547] {strides = array<i32>} : memref<128x128xf32, #tpu.memory_space<vmem>>, vector<1x16xf32>,
        %swap3A_1549 = vector.shape_cast %swap3A_1548 : vector<1x16xf32> to vector<16xf32>
        %swap3A_1550 = vector.shape_cast %mul3A_1545 : vector<16xf32> to vector<1x16xf32>
        tpu.vector_store %arg9[%swap3A_1546, %swap3A_1547], %swap3A_1550 {strides = array<i32>} : memref<128x128xf32, #tpu.memory_space<vmem>>, vector<1x16xf32>,
        %get3A_1551 = arith.index_cast %add3A_1540 : i32 to index
        %get3A_1552 = arith.constant 16 : index
        %get3A_1553 = tpu.vector_load %arg9[%get3A_1551, %get3A_1552] {strides = array<i32>} : memref<128x128xf32, #tpu.memory_space<vmem>>, vector<1x16xf32>,
        %get3A_1554 = vector.shape_cast %get3A_1553 : vector<1x16xf32> to vector<16xf32>
        %mul3A_1555 = arith.mulf %get3A_1554, %broadcast_in_dim3A_1536 : vector<16xf32>
        %swap3A_1556 = arith.index_cast %add3A_1540 : i32 to index
        %swap3A_1557 = arith.constant 16 : index
        %swap3A_1558 = tpu.vector_load %arg9[%swap3A_1556, %swap3A_1557] {strides = array<i32>} : memref<128x128xf32, #tpu.memory_space<vmem>>, vector<1x16xf32>,
        %swap3A_1559 = vector.shape_cast %swap3A_1558 : vector<1x16xf32> to vector<16xf32>
        %swap3A_1560 = vector.shape_cast %mul3A_1555 : vector<16xf32> to vector<1x16xf32>
        tpu.vector_store %arg9[%swap3A_1556, %swap3A_1557], %swap3A_1560 {strides = array<i32>} : memref<128x128xf32, #tpu.memory_space<vmem>>, vector<1x16xf32>,
        %get3A_1561 = arith.index_cast %add3A_1540 : i32 to index
        %get3A_1562 = arith.constant 32 : index
        %get3A_1563 = tpu.vector_load %arg9[%get3A_1561, %get3A_1562] {strides = array<i32>} : memref<128x128xf32, #tpu.memory_space<vmem>>, vector<1x16xf32>,
        %get3A_1564 = vector.shape_cast %get3A_1563 : vector<1x16xf32> to vector<16xf32>
        %mul3A_1565 = arith.mulf %get3A_1564, %broadcast_in_dim3A_1536 : vector<16xf32>
        %swap3A_1566 = arith.index_cast %add3A_1540 : i32 to index
        %swap3A_1567 = arith.constant 32 : index
        %swap3A_1568 = tpu.vector_load %arg9[%swap3A_1566, %swap3A_1567] {strides = array<i32>} : memref<128x128xf32, #tpu.memory_space<vmem>>, vector<1x16xf32>,
        %swap3A_1569 = vector.shape_cast %swap3A_1568 : vector<1x16xf32> to vector<16xf32>
        %swap3A_1570 = vector.shape_cast %mul3A_1565 : vector<16xf32> to vector<1x16xf32>
        tpu.vector_store %arg9[%swap3A_1566, %swap3A_1567], %swap3A_1570 {strides = array<i32>} : memref<128x128xf32, #tpu.memory_space<vmem>>, vector<1x16xf32>,
        %get3A_1571 = arith.index_cast %add3A_1540 : i32 to index
        %get3A_1572 = arith.constant 48 : index
        %get3A_1573 = tpu.vector_load %arg9[%get3A_1571, %get3A_1572] {strides = array<i32>} : memref<128x128xf32, #tpu.memory_space<vmem>>, vector<1x16xf32>,
        %get3A_1574 = vector.shape_cast %get3A_1573 : vector<1x16xf32> to vector<16xf32>
        %mul3A_1575 = arith.mulf %get3A_1574, %broadcast_in_dim3A_1536 : vector<16xf32>
        %swap3A_1576 = arith.index_cast %add3A_1540 : i32 to index
        %swap3A_1577 = arith.constant 48 : index
        %swap3A_1578 = tpu.vector_load %arg9[%swap3A_1576, %swap3A_1577] {strides = array<i32>} : memref<128x128xf32, #tpu.memory_space<vmem>>, vector<1x16xf32>,
        %swap3A_1579 = vector.shape_cast %swap3A_1578 : vector<1x16xf32> to vector<16xf32>
        %swap3A_1580 = vector.shape_cast %mul3A_1575 : vector<16xf32> to vector<1x16xf32>
        tpu.vector_store %arg9[%swap3A_1576, %swap3A_1577], %swap3A_1580 {strides = array<i32>} : memref<128x128xf32, #tpu.memory_space<vmem>>, vector<1x16xf32>,
        %get3A_1581 = arith.index_cast %add3A_1540 : i32 to index
        %get3A_1582 = arith.constant 64 : index
        %get3A_1583 = tpu.vector_load %arg9[%get3A_1581, %get3A_1582] {strides = array<i32>} : memref<128x128xf32, #tpu.memory_space<vmem>>, vector<1x16xf32>,
        %get3A_1584 = vector.shape_cast %get3A_1583 : vector<1x16xf32> to vector<16xf32>
        %mul3A_1585 = arith.mulf %get3A_1584, %broadcast_in_dim3A_1536 : vector<16xf32>
        %swap3A_1586 = arith.index_cast %add3A_1540 : i32 to index
        %swap3A_1587 = arith.constant 64 : index
        %swap3A_1588 = tpu.vector_load %arg9[%swap3A_1586, %swap3A_1587] {strides = array<i32>} : memref<128x128xf32, #tpu.memory_space<vmem>>, vector<1x16xf32>,
        %swap3A_1589 = vector.shape_cast %swap3A_1588 : vector<1x16xf32> to vector<16xf32>
        %swap3A_1590 = vector.shape_cast %mul3A_1585 : vector<16xf32> to vector<1x16xf32>
        tpu.vector_store %arg9[%swap3A_1586, %swap3A_1587], %swap3A_1590 {strides = array<i32>} : memref<128x128xf32, #tpu.memory_space<vmem>>, vector<1x16xf32>,
        %get3A_1591 = arith.index_cast %add3A_1540 : i32 to index
        %get3A_1592 = arith.constant 80 : index
        %get3A_1593 = tpu.vector_load %arg9[%get3A_1591, %get3A_1592] {strides = array<i32>} : memref<128x128xf32, #tpu.memory_space<vmem>>, vector<1x16xf32>,
        %get3A_1594 = vector.shape_cast %get3A_1593 : vector<1x16xf32> to vector<16xf32>
        %mul3A_1595 = arith.mulf %get3A_1594, %broadcast_in_dim3A_1536 : vector<16xf32>
        %swap3A_1596 = arith.index_cast %add3A_1540 : i32 to index
        %swap3A_1597 = arith.constant 80 : index
        %swap3A_1598 = tpu.vector_load %arg9[%swap3A_1596, %swap3A_1597] {strides = array<i32>} : memref<128x128xf32, #tpu.memory_space<vmem>>, vector<1x16xf32>,
        %swap3A_1599 = vector.shape_cast %swap3A_1598 : vector<1x16xf32> to vector<16xf32>
        %swap3A_1600 = vector.shape_cast %mul3A_1595 : vector<16xf32> to vector<1x16xf32>
        tpu.vector_store %arg9[%swap3A_1596, %swap3A_1597], %swap3A_1600 {strides = array<i32>} : memref<128x128xf32, #tpu.memory_space<vmem>>, vector<1x16xf32>,
        %get3A_1601 = arith.index_cast %add3A_1540 : i32 to index
        %get3A_1602 = arith.constant 96 : index
        %get3A_1603 = tpu.vector_load %arg9[%get3A_1601, %get3A_1602] {strides = array<i32>} : memref<128x128xf32, #tpu.memory_space<vmem>>, vector<1x16xf32>,
        %get3A_1604 = vector.shape_cast %get3A_1603 : vector<1x16xf32> to vector<16xf32>
        %mul3A_1605 = arith.mulf %get3A_1604, %broadcast_in_dim3A_1536 : vector<16xf32>
        %swap3A_1606 = arith.index_cast %add3A_1540 : i32 to index
        %swap3A_1607 = arith.constant 96 : index
        %swap3A_1608 = tpu.vector_load %arg9[%swap3A_1606, %swap3A_1607] {strides = array<i32>} : memref<128x128xf32, #tpu.memory_space<vmem>>, vector<1x16xf32>,
        %swap3A_1609 = vector.shape_cast %swap3A_1608 : vector<1x16xf32> to vector<16xf32>
        %swap3A_1610 = vector.shape_cast %mul3A_1605 : vector<16xf32> to vector<1x16xf32>
        tpu.vector_store %arg9[%swap3A_1606, %swap3A_1607], %swap3A_1610 {strides = array<i32>} : memref<128x128xf32, #tpu.memory_space<vmem>>, vector<1x16xf32>,
        %get3A_1611 = arith.index_cast %add3A_1540 : i32 to index
        %get3A_1612 = arith.constant 112 : index
        %get3A_1613 = tpu.vector_load %arg9[%get3A_1611, %get3A_1612] {strides = array<i32>} : memref<128x128xf32, #tpu.memory_space<vmem>>, vector<1x16xf32>,
        %get3A_1614 = vector.shape_cast %get3A_1613 : vector<1x16xf32> to vector<16xf32>
        %mul3A_1615 = arith.mulf %get3A_1614, %broadcast_in_dim3A_1536 : vector<16xf32>
        %swap3A_1616 = arith.index_cast %add3A_1540 : i32 to index
        %swap3A_1617 = arith.constant 112 : index
        %swap3A_1618 = tpu.vector_load %arg9[%swap3A_1616, %swap3A_1617] {strides = array<i32>} : memref<128x128xf32, #tpu.memory_space<vmem>>, vector<1x16xf32>,
        %swap3A_1619 = vector.shape_cast %swap3A_1618 : vector<1x16xf32> to vector<16xf32>
        %swap3A_1620 = vector.shape_cast %mul3A_1615 : vector<16xf32> to vector<1x16xf32>
        tpu.vector_store %arg9[%swap3A_1616, %swap3A_1617], %swap3A_1620 {strides = array<i32>} : memref<128x128xf32, #tpu.memory_space<vmem>>, vector<1x16xf32>,
        %slice3A_1621 = vector.extract_strided_slice %get3A_318 {offsets = [15], sizes = [1], strides = [1]} : vector<16xf32> to vector<1xf32>
        %squeeze3A_1622 = vector.extract %slice3A_1621[0] : f32 from vector<1xf32>
        %broadcast_in_dim3A_1623 = vector.broadcast %squeeze3A_1622 : f32 to vector<16xf32>
        %mul3A_1624 = arith.constant 16 : i32
        %mul3A_1625 = arith.muli %scan3A_314, %mul3A_1624 : i32
        %add3A_1626 = arith.constant 15 : i32
        %add3A_1627 = arith.addi %mul3A_1625, %add3A_1626 : i32
        %get3A_1628 = arith.index_cast %add3A_1627 : i32 to index
        %get3A_1629 = arith.constant 0 : index
        %get3A_1630 = tpu.vector_load %arg9[%get3A_1628, %get3A_1629] {strides = array<i32>} : memref<128x128xf32, #tpu.memory_space<vmem>>, vector<1x16xf32>,
        %get3A_1631 = vector.shape_cast %get3A_1630 : vector<1x16xf32> to vector<16xf32>
        %mul3A_1632 = arith.mulf %get3A_1631, %broadcast_in_dim3A_1623 : vector<16xf32>
        %swap3A_1633 = arith.index_cast %add3A_1627 : i32 to index
        %swap3A_1634 = arith.constant 0 : index
        %swap3A_1635 = tpu.vector_load %arg9[%swap3A_1633, %swap3A_1634] {strides = array<i32>} : memref<128x128xf32, #tpu.memory_space<vmem>>, vector<1x16xf32>,
        %swap3A_1636 = vector.shape_cast %swap3A_1635 : vector<1x16xf32> to vector<16xf32>
        %swap3A_1637 = vector.shape_cast %mul3A_1632 : vector<16xf32> to vector<1x16xf32>
        tpu.vector_store %arg9[%swap3A_1633, %swap3A_1634], %swap3A_1637 {strides = array<i32>} : memref<128x128xf32, #tpu.memory_space<vmem>>, vector<1x16xf32>,
        %get3A_1638 = arith.index_cast %add3A_1627 : i32 to index
        %get3A_1639 = arith.constant 16 : index
        %get3A_1640 = tpu.vector_load %arg9[%get3A_1638, %get3A_1639] {strides = array<i32>} : memref<128x128xf32, #tpu.memory_space<vmem>>, vector<1x16xf32>,
        %get3A_1641 = vector.shape_cast %get3A_1640 : vector<1x16xf32> to vector<16xf32>
        %mul3A_1642 = arith.mulf %get3A_1641, %broadcast_in_dim3A_1623 : vector<16xf32>
        %swap3A_1643 = arith.index_cast %add3A_1627 : i32 to index
        %swap3A_1644 = arith.constant 16 : index
        %swap3A_1645 = tpu.vector_load %arg9[%swap3A_1643, %swap3A_1644] {strides = array<i32>} : memref<128x128xf32, #tpu.memory_space<vmem>>, vector<1x16xf32>,
        %swap3A_1646 = vector.shape_cast %swap3A_1645 : vector<1x16xf32> to vector<16xf32>
        %swap3A_1647 = vector.shape_cast %mul3A_1642 : vector<16xf32> to vector<1x16xf32>
        tpu.vector_store %arg9[%swap3A_1643, %swap3A_1644], %swap3A_1647 {strides = array<i32>} : memref<128x128xf32, #tpu.memory_space<vmem>>, vector<1x16xf32>,
        %get3A_1648 = arith.index_cast %add3A_1627 : i32 to index
        %get3A_1649 = arith.constant 32 : index
        %get3A_1650 = tpu.vector_load %arg9[%get3A_1648, %get3A_1649] {strides = array<i32>} : memref<128x128xf32, #tpu.memory_space<vmem>>, vector<1x16xf32>,
        %get3A_1651 = vector.shape_cast %get3A_1650 : vector<1x16xf32> to vector<16xf32>
        %mul3A_1652 = arith.mulf %get3A_1651, %broadcast_in_dim3A_1623 : vector<16xf32>
        %swap3A_1653 = arith.index_cast %add3A_1627 : i32 to index
        %swap3A_1654 = arith.constant 32 : index
        %swap3A_1655 = tpu.vector_load %arg9[%swap3A_1653, %swap3A_1654] {strides = array<i32>} : memref<128x128xf32, #tpu.memory_space<vmem>>, vector<1x16xf32>,
        %swap3A_1656 = vector.shape_cast %swap3A_1655 : vector<1x16xf32> to vector<16xf32>
        %swap3A_1657 = vector.shape_cast %mul3A_1652 : vector<16xf32> to vector<1x16xf32>
        tpu.vector_store %arg9[%swap3A_1653, %swap3A_1654], %swap3A_1657 {strides = array<i32>} : memref<128x128xf32, #tpu.memory_space<vmem>>, vector<1x16xf32>,
        %get3A_1658 = arith.index_cast %add3A_1627 : i32 to index
        %get3A_1659 = arith.constant 48 : index
        %get3A_1660 = tpu.vector_load %arg9[%get3A_1658, %get3A_1659] {strides = array<i32>} : memref<128x128xf32, #tpu.memory_space<vmem>>, vector<1x16xf32>,
        %get3A_1661 = vector.shape_cast %get3A_1660 : vector<1x16xf32> to vector<16xf32>
        %mul3A_1662 = arith.mulf %get3A_1661, %broadcast_in_dim3A_1623 : vector<16xf32>
        %swap3A_1663 = arith.index_cast %add3A_1627 : i32 to index
        %swap3A_1664 = arith.constant 48 : index
        %swap3A_1665 = tpu.vector_load %arg9[%swap3A_1663, %swap3A_1664] {strides = array<i32>} : memref<128x128xf32, #tpu.memory_space<vmem>>, vector<1x16xf32>,
        %swap3A_1666 = vector.shape_cast %swap3A_1665 : vector<1x16xf32> to vector<16xf32>
        %swap3A_1667 = vector.shape_cast %mul3A_1662 : vector<16xf32> to vector<1x16xf32>
        tpu.vector_store %arg9[%swap3A_1663, %swap3A_1664], %swap3A_1667 {strides = array<i32>} : memref<128x128xf32, #tpu.memory_space<vmem>>, vector<1x16xf32>,
        %get3A_1668 = arith.index_cast %add3A_1627 : i32 to index
        %get3A_1669 = arith.constant 64 : index
        %get3A_1670 = tpu.vector_load %arg9[%get3A_1668, %get3A_1669] {strides = array<i32>} : memref<128x128xf32, #tpu.memory_space<vmem>>, vector<1x16xf32>,
        %get3A_1671 = vector.shape_cast %get3A_1670 : vector<1x16xf32> to vector<16xf32>
        %mul3A_1672 = arith.mulf %get3A_1671, %broadcast_in_dim3A_1623 : vector<16xf32>
        %swap3A_1673 = arith.index_cast %add3A_1627 : i32 to index
        %swap3A_1674 = arith.constant 64 : index
        %swap3A_1675 = tpu.vector_load %arg9[%swap3A_1673, %swap3A_1674] {strides = array<i32>} : memref<128x128xf32, #tpu.memory_space<vmem>>, vector<1x16xf32>,
        %swap3A_1676 = vector.shape_cast %swap3A_1675 : vector<1x16xf32> to vector<16xf32>
        %swap3A_1677 = vector.shape_cast %mul3A_1672 : vector<16xf32> to vector<1x16xf32>
        tpu.vector_store %arg9[%swap3A_1673, %swap3A_1674], %swap3A_1677 {strides = array<i32>} : memref<128x128xf32, #tpu.memory_space<vmem>>, vector<1x16xf32>,
        %get3A_1678 = arith.index_cast %add3A_1627 : i32 to index
        %get3A_1679 = arith.constant 80 : index
        %get3A_1680 = tpu.vector_load %arg9[%get3A_1678, %get3A_1679] {strides = array<i32>} : memref<128x128xf32, #tpu.memory_space<vmem>>, vector<1x16xf32>,
        %get3A_1681 = vector.shape_cast %get3A_1680 : vector<1x16xf32> to vector<16xf32>
        %mul3A_1682 = arith.mulf %get3A_1681, %broadcast_in_dim3A_1623 : vector<16xf32>
        %swap3A_1683 = arith.index_cast %add3A_1627 : i32 to index
        %swap3A_1684 = arith.constant 80 : index
        %swap3A_1685 = tpu.vector_load %arg9[%swap3A_1683, %swap3A_1684] {strides = array<i32>} : memref<128x128xf32, #tpu.memory_space<vmem>>, vector<1x16xf32>,
        %swap3A_1686 = vector.shape_cast %swap3A_1685 : vector<1x16xf32> to vector<16xf32>
        %swap3A_1687 = vector.shape_cast %mul3A_1682 : vector<16xf32> to vector<1x16xf32>
        tpu.vector_store %arg9[%swap3A_1683, %swap3A_1684], %swap3A_1687 {strides = array<i32>} : memref<128x128xf32, #tpu.memory_space<vmem>>, vector<1x16xf32>,
        %get3A_1688 = arith.index_cast %add3A_1627 : i32 to index
        %get3A_1689 = arith.constant 96 : index
        %get3A_1690 = tpu.vector_load %arg9[%get3A_1688, %get3A_1689] {strides = array<i32>} : memref<128x128xf32, #tpu.memory_space<vmem>>, vector<1x16xf32>,
        %get3A_1691 = vector.shape_cast %get3A_1690 : vector<1x16xf32> to vector<16xf32>
        %mul3A_1692 = arith.mulf %get3A_1691, %broadcast_in_dim3A_1623 : vector<16xf32>
        %swap3A_1693 = arith.index_cast %add3A_1627 : i32 to index
        %swap3A_1694 = arith.constant 96 : index
        %swap3A_1695 = tpu.vector_load %arg9[%swap3A_1693, %swap3A_1694] {strides = array<i32>} : memref<128x128xf32, #tpu.memory_space<vmem>>, vector<1x16xf32>,
        %swap3A_1696 = vector.shape_cast %swap3A_1695 : vector<1x16xf32> to vector<16xf32>
        %swap3A_1697 = vector.shape_cast %mul3A_1692 : vector<16xf32> to vector<1x16xf32>
        tpu.vector_store %arg9[%swap3A_1693, %swap3A_1694], %swap3A_1697 {strides = array<i32>} : memref<128x128xf32, #tpu.memory_space<vmem>>, vector<1x16xf32>,
        %get3A_1698 = arith.index_cast %add3A_1627 : i32 to index
        %get3A_1699 = arith.constant 112 : index
        %get3A_1700 = tpu.vector_load %arg9[%get3A_1698, %get3A_1699] {strides = array<i32>} : memref<128x128xf32, #tpu.memory_space<vmem>>, vector<1x16xf32>,
        %get3A_1701 = vector.shape_cast %get3A_1700 : vector<1x16xf32> to vector<16xf32>
        %mul3A_1702 = arith.mulf %get3A_1701, %broadcast_in_dim3A_1623 : vector<16xf32>
        %swap3A_1703 = arith.index_cast %add3A_1627 : i32 to index
        %swap3A_1704 = arith.constant 112 : index
        %swap3A_1705 = tpu.vector_load %arg9[%swap3A_1703, %swap3A_1704] {strides = array<i32>} : memref<128x128xf32, #tpu.memory_space<vmem>>, vector<1x16xf32>,
        %swap3A_1706 = vector.shape_cast %swap3A_1705 : vector<1x16xf32> to vector<16xf32>
        %swap3A_1707 = vector.shape_cast %mul3A_1702 : vector<16xf32> to vector<1x16xf32>
        tpu.vector_store %arg9[%swap3A_1703, %swap3A_1704], %swap3A_1707 {strides = array<i32>} : memref<128x128xf32, #tpu.memory_space<vmem>>, vector<1x16xf32>,
      }
      %scan3A_313 = arith.constant 8 : i32
      "tpu.region"() ({
        %run_scoped3A_314 = tpu.sem_alloc : memref<!tpu.dma_semaphore, #tpu.memory_space<semaphore_mem>>
        %dma_start3A_315 = arith.constant 0 : i32
        %dma_start3A_316 = arith.constant 0 : i32
        %dma_start3A_317 = tpu.memref_slice %arg12[%dma_start3A_315, %dma_start3A_316] : memref<10112x128xf32, #tpu.memory_space<vmem_shared>> -> memref<10112x128xf32, #tpu.memory_space<vmem_shared>>
        tpu.enqueue_indirect_dma source(%arg9 : memref<128x128xf32, #tpu.memory_space<vmem>>) target(%dma_start3A_317 : memref<10112x128xf32, #tpu.memory_space<vmem_shared>>) offsets(%arg7 : memref<128xi32, #tpu.memory_space<vmem>>) semaphore(%run_scoped3A_314 : memref<!tpu.dma_semaphore, #tpu.memory_space<semaphore_mem>>) {add = true}
        %dma_wait3A_318 = arith.constant 0 : i32
        %dma_wait3A_319 = arith.constant 0 : i32
        %dma_wait3A_320 = tpu.memref_slice %arg12[%dma_wait3A_318, %dma_wait3A_319] : memref<10112x128xf32, #tpu.memory_space<vmem_shared>> -> memref<10112x128xf32, #tpu.memory_space<vmem_shared>>
        tpu.wait_indirect_dma semaphore(%run_scoped3A_314 : memref<!tpu.dma_semaphore, #tpu.memory_space<semaphore_mem>>) src(%arg9 : memref<128x128xf32, #tpu.memory_space<vmem>>) dst(%dma_wait3A_320 : memref<10112x128xf32, #tpu.memory_space<vmem_shared>>)
        tpu.yield
      }) : () -> ()
    }
    %barrier3A_294 = arith.constant 0 : index
    tpu.barrier barrier_id(%barrier3A_294)
    %mul3A_295 = arith.constant 632 : i32
    %mul3A_296 = arith.muli %arg1, %mul3A_295 : i32
    %mul3A_297 = arith.constant 632 : i32
    %mul3A_298 = arith.muli %arg1, %mul3A_297 : i32
    "tpu.region"() ({
      %run_scoped3A = tpu.sem_alloc : memref<!tpu.dma_semaphore, #tpu.memory_space<semaphore_mem>>
      %dma_start3A = arith.constant 0 : i32
      %dma_start3A_299 = tpu.memref_slice %arg5[%arg0, %mul3A_298, %dma_start3A] : memref<2x10112x128xf32, #tpu.memory_space<hbm>> -> memref<1x632x128xf32, #tpu.memory_space<hbm>>
      %dma_start3A_300 = tpu.memref_squeeze %dma_start3A_299 : memref<1x632x128xf32, #tpu.memory_space<hbm>> -> memref<632x128xf32, #tpu.memory_space<hbm>>
      %dma_start3A_301 = arith.constant 0 : i32
      %dma_start3A_302 = tpu.memref_slice %arg12[%mul3A_296, %dma_start3A_301] : memref<10112x128xf32, #tpu.memory_space<vmem_shared>> -> memref<632x128xf32, #tpu.memory_space<vmem_shared>>
      tpu.enqueue_dma source(%dma_start3A_302 : memref<632x128xf32, #tpu.memory_space<vmem_shared>>) target(%dma_start3A_300 : memref<632x128xf32, #tpu.memory_space<hbm>>) target_semaphore(%run_scoped3A : memref<!tpu.dma_semaphore, #tpu.memory_space<semaphore_mem>>)
      %dma_wait3A = arith.constant 0 : i32
      %dma_wait3A_303 = tpu.memref_slice %arg5[%arg0, %mul3A_298, %dma_wait3A] : memref<2x10112x128xf32, #tpu.memory_space<hbm>> -> memref<1x632x128xf32, #tpu.memory_space<hbm>>
      %dma_wait3A_304 = tpu.memref_squeeze %dma_wait3A_303 : memref<1x632x128xf32, #tpu.memory_space<hbm>> -> memref<632x128xf32, #tpu.memory_space<hbm>>
      %dma_wait3A_305 = arith.constant 0 : i32
      %dma_wait3A_306 = tpu.memref_slice %arg12[%mul3A_296, %dma_wait3A_305] : memref<10112x128xf32, #tpu.memory_space<vmem_shared>> -> memref<632x128xf32, #tpu.memory_space<vmem_shared>>
      tpu.wait_dma2 semaphore(%run_scoped3A : memref<!tpu.dma_semaphore, #tpu.memory_space<semaphore_mem>>) src(%dma_wait3A_306 : memref<632x128xf32, #tpu.memory_space<vmem_shared>>) dst(%dma_wait3A_304 : memref<632x128xf32, #tpu.memory_space<hbm>>)
      tpu.yield
    }) : () -> ()
    return
  }
}

module attributes {stable_mosaic.version = 14 : i64} {
  func.func @body(%arg0: i32, %arg1: memref<1000x128xf32, #tpu.memory_space<vmem>>, %arg2: memref<1000x128xf32, #tpu.memory_space<vmem>>, %arg3: memref<1x1xf32, #tpu.memory_space<vmem>>, %arg4: memref<128x128xf32, #tpu.memory_space<vmem>>, %arg5: memref<1x128xf32, #tpu.memory_space<vmem>>, %arg6: memref<128x64xf32, #tpu.memory_space<vmem>>, %arg7: memref<1x64xf32, #tpu.memory_space<vmem>>, %arg8: memref<128x64xf32, #tpu.memory_space<vmem>>, %arg9: memref<1x64xf32, #tpu.memory_space<vmem>>, %arg10: memref<1000x64xf32, #tpu.memory_space<vmem>>, %arg11: memref<1000x64xf32, #tpu.memory_space<vmem>>) attributes {dimension_semantics = [#tpu.dimension_semantics<arbitrary>], iteration_bounds = array<i64: 10>, scalar_prefetch = 0 : i64, scratch_operands = 0 : i64, tpu.core_type = #tpu.core_type<tc>, window_params = [{transform_indices = @transform_0, window_bounds = array<i64: 1000, 128>}, {transform_indices = @transform_1, window_bounds = array<i64: 1000, 128>}, {pipeline_mode = #tpu.pipeline_mode<synchronous>, transform_indices = @transform_2, window_bounds = array<i64: 1, 1>}, {pipeline_mode = #tpu.pipeline_mode<synchronous>, transform_indices = @transform_3, window_bounds = array<i64: 128, 128>}, {pipeline_mode = #tpu.pipeline_mode<synchronous>, transform_indices = @transform_4, window_bounds = array<i64: 1, 128>}, {pipeline_mode = #tpu.pipeline_mode<synchronous>, transform_indices = @transform_5, window_bounds = array<i64: 128, 64>}, {pipeline_mode = #tpu.pipeline_mode<synchronous>, transform_indices = @transform_6, window_bounds = array<i64: 1, 64>}, {pipeline_mode = #tpu.pipeline_mode<synchronous>, transform_indices = @transform_7, window_bounds = array<i64: 128, 64>}, {pipeline_mode = #tpu.pipeline_mode<synchronous>, transform_indices = @transform_8, window_bounds = array<i64: 1, 64>}, {transform_indices = @transform_9, window_bounds = array<i64: 1000, 64>}, {transform_indices = @transform_10, window_bounds = array<i64: 1000, 64>}]} {
    %get3A = arith.constant 0 : index
    %get3A_0 = arith.constant 0 : index
    %get3A_1 = vector.load %arg1[%get3A, %get3A_0] : memref<1000x128xf32, #tpu.memory_space<vmem>>, vector<1000x128xf32>
    %get3A_2 = arith.constant 0 : index
    %get3A_3 = arith.constant 0 : index
    %get3A_4 = vector.load %arg2[%get3A_2, %get3A_3] : memref<1000x128xf32, #tpu.memory_space<vmem>>, vector<1000x128xf32>
    %add3A = arith.addf %get3A_1, %get3A_4 : vector<1000x128xf32>
    %get3A_5 = arith.constant 0 : index
    %get3A_6 = arith.constant 0 : index
    %get3A_7 = vector.load %arg3[%get3A_5, %get3A_6] : memref<1x1xf32, #tpu.memory_space<vmem>>, vector<1x1xf32>
    %mul3A = arith.constant 0.000000e+00 : f32
    %mul3A_8 = vector.broadcast %mul3A : f32 to vector<1x1xf32>
    %mul3A_9 = arith.mulf %get3A_7, %mul3A_8 : vector<1x1xf32>
    %add3A_10 = vector.broadcast %mul3A_9 : vector<1x1xf32> to vector<1000x128xf32>
    %add3A_11 = arith.addf %add3A, %add3A_10 : vector<1000x128xf32>
    %get3A_12 = arith.constant 0 : index
    %get3A_13 = arith.constant 0 : index
    %get3A_14 = vector.load %arg4[%get3A_12, %get3A_13] : memref<128x128xf32, #tpu.memory_space<vmem>>, vector<128x128xf32>
    %dot_general3A = arith.constant dense<0.000000e+00> : vector<1000x128xf32>
    %dot_general3A_15 = tpu.matmul %add3A_11, %get3A_14, %dot_general3A {dimension_numbers = #tpu.dot_dimension_numbers<[1], [0], [0], [1], [0, 0, 1, 1], [], []>, precision = #tpu.contract_precision<fp32>, transpose_lhs_hint = false} : vector<1000x128xf32>, vector<128x128xf32>, vector<1000x128xf32> -> vector<1000x128xf32>
    %get3A_16 = arith.constant 0 : index
    %get3A_17 = arith.constant 0 : index
    %get3A_18 = vector.load %arg5[%get3A_16, %get3A_17] : memref<1x128xf32, #tpu.memory_space<vmem>>, vector<1x128xf32>
    %add3A_19 = vector.broadcast %get3A_18 : vector<1x128xf32> to vector<1000x128xf32>
    %add3A_20 = arith.addf %dot_general3A_15, %add3A_19 : vector<1000x128xf32>
    %max3A = arith.constant 0.000000e+00 : f32
    %max3A_21 = vector.broadcast %max3A : f32 to vector<1000x128xf32>
    %max3A_22 = arith.maximumf %add3A_20, %max3A_21 : vector<1000x128xf32>
    %get3A_23 = arith.constant 0 : index
    %get3A_24 = arith.constant 0 : index
    %get3A_25 = vector.load %arg6[%get3A_23, %get3A_24] : memref<128x64xf32, #tpu.memory_space<vmem>>, vector<128x64xf32>
    %dot_general3A_26 = arith.constant dense<0.000000e+00> : vector<1000x64xf32>
    %dot_general3A_27 = tpu.matmul %max3A_22, %get3A_25, %dot_general3A_26 {dimension_numbers = #tpu.dot_dimension_numbers<[1], [0], [0], [1], [0, 0, 1, 1], [], []>, precision = #tpu.contract_precision<fp32>, transpose_lhs_hint = false} : vector<1000x128xf32>, vector<128x64xf32>, vector<1000x64xf32> -> vector<1000x64xf32>
    %get3A_28 = arith.constant 0 : index
    %get3A_29 = arith.constant 0 : index
    %get3A_30 = vector.load %arg7[%get3A_28, %get3A_29] : memref<1x64xf32, #tpu.memory_space<vmem>>, vector<1x64xf32>
    %add3A_31 = vector.broadcast %get3A_30 : vector<1x64xf32> to vector<1000x64xf32>
    %add3A_32 = arith.addf %dot_general3A_27, %add3A_31 : vector<1000x64xf32>
    %swap3A = arith.constant 0 : index
    %swap3A_33 = arith.constant 0 : index
    %swap3A_34 = vector.load %arg10[%swap3A, %swap3A_33] : memref<1000x64xf32, #tpu.memory_space<vmem>>, vector<1000x64xf32>
    tpu.vector_store %arg10[%swap3A, %swap3A_33], %add3A_32 {strides = array<i32>} : memref<1000x64xf32, #tpu.memory_space<vmem>>, vector<1000x64xf32>,
    %get3A_35 = arith.constant 0 : index
    %get3A_36 = arith.constant 0 : index
    %get3A_37 = vector.load %arg8[%get3A_35, %get3A_36] : memref<128x64xf32, #tpu.memory_space<vmem>>, vector<128x64xf32>
    %dot_general3A_38 = arith.constant dense<0.000000e+00> : vector<1000x64xf32>
    %dot_general3A_39 = tpu.matmul %max3A_22, %get3A_37, %dot_general3A_38 {dimension_numbers = #tpu.dot_dimension_numbers<[1], [0], [0], [1], [0, 0, 1, 1], [], []>, precision = #tpu.contract_precision<fp32>, transpose_lhs_hint = false} : vector<1000x128xf32>, vector<128x64xf32>, vector<1000x64xf32> -> vector<1000x64xf32>
    %get3A_40 = arith.constant 0 : index
    %get3A_41 = arith.constant 0 : index
    %get3A_42 = vector.load %arg9[%get3A_40, %get3A_41] : memref<1x64xf32, #tpu.memory_space<vmem>>, vector<1x64xf32>
    %add3A_43 = vector.broadcast %get3A_42 : vector<1x64xf32> to vector<1000x64xf32>
    %add3A_44 = arith.addf %dot_general3A_39, %add3A_43 : vector<1000x64xf32>
    %swap3A_45 = arith.constant 0 : index
    %swap3A_46 = arith.constant 0 : index
    %swap3A_47 = vector.load %arg11[%swap3A_45, %swap3A_46] : memref<1000x64xf32, #tpu.memory_space<vmem>>, vector<1000x64xf32>
    tpu.vector_store %arg11[%swap3A_45, %swap3A_46], %add3A_44 {strides = array<i32>} : memref<1000x64xf32, #tpu.memory_space<vmem>>, vector<1000x64xf32>,
    return
  }
  func.func @transform_0(%arg0: i32) -> (i32, i32) {
    %c0_i32 = arith.constant 0 : i32
    %c0_i32_0 = arith.constant 0 : i32
    return %arg0, %c0_i32 : i32, i32
  }
  func.func @transform_1(%arg0: i32) -> (i32, i32) {
    %c0_i32 = arith.constant 0 : i32
    %c0_i32_0 = arith.constant 0 : i32
    return %arg0, %c0_i32 : i32, i32
  }
  func.func @transform_2(%arg0: i32) -> (i32, i32) {
    %c0_i32 = arith.constant 0 : i32
    %c0_i32_0 = arith.constant 0 : i32
    %c0_i32_1 = arith.constant 0 : i32
    return %c0_i32, %c0_i32_0 : i32, i32
  }
  func.func @transform_3(%arg0: i32) -> (i32, i32) {
    %c0_i32 = arith.constant 0 : i32
    %c0_i32_0 = arith.constant 0 : i32
    %c0_i32_1 = arith.constant 0 : i32
    return %c0_i32, %c0_i32_0 : i32, i32
  }
  func.func @transform_4(%arg0: i32) -> (i32, i32) {
    %c0_i32 = arith.constant 0 : i32
    %c0_i32_0 = arith.constant 0 : i32
    %c0_i32_1 = arith.constant 0 : i32
    return %c0_i32, %c0_i32_0 : i32, i32
  }
  func.func @transform_5(%arg0: i32) -> (i32, i32) {
    %c0_i32 = arith.constant 0 : i32
    %c0_i32_0 = arith.constant 0 : i32
    %c0_i32_1 = arith.constant 0 : i32
    return %c0_i32, %c0_i32_0 : i32, i32
  }
  func.func @transform_6(%arg0: i32) -> (i32, i32) {
    %c0_i32 = arith.constant 0 : i32
    %c0_i32_0 = arith.constant 0 : i32
    %c0_i32_1 = arith.constant 0 : i32
    return %c0_i32, %c0_i32_0 : i32, i32
  }
  func.func @transform_7(%arg0: i32) -> (i32, i32) {
    %c0_i32 = arith.constant 0 : i32
    %c0_i32_0 = arith.constant 0 : i32
    %c0_i32_1 = arith.constant 0 : i32
    return %c0_i32, %c0_i32_0 : i32, i32
  }
  func.func @transform_8(%arg0: i32) -> (i32, i32) {
    %c0_i32 = arith.constant 0 : i32
    %c0_i32_0 = arith.constant 0 : i32
    %c0_i32_1 = arith.constant 0 : i32
    return %c0_i32, %c0_i32_0 : i32, i32
  }
  func.func @transform_9(%arg0: i32) -> (i32, i32) {
    %c0_i32 = arith.constant 0 : i32
    %c0_i32_0 = arith.constant 0 : i32
    return %arg0, %c0_i32 : i32, i32
  }
  func.func @transform_10(%arg0: i32) -> (i32, i32) {
    %c0_i32 = arith.constant 0 : i32
    %c0_i32_0 = arith.constant 0 : i32
    return %arg0, %c0_i32 : i32, i32
  }
}

</mosaic_0001>

<sc_bundles>
// kernel: kernel.4.cloned.1.call-start
scs
__scs_entry_jumppad:
0x0: {  	(pc) =	sbr.rel $0x88, $3  }
0x1: {  	(tag) =	ssettag $0x0;
	lr =	simm.s32 $0x1  }
0x2: {  	[smem:$0x3F98] =	sst lr;
	_ =	strace $0xD0000000  }
0x3: {  	_ = 	snop  }
0x4: {  	_ = 	snop  }
0x5: {  	_ = 	snop  }
0x6: {  	_ = 	snop  }
0x7: {  	_ = 	snop  }
__scs_overlays_trampoline_lowered:
0x8: {  	[smem:$0x3FA7] =	sst s0  }
0x9: {  	[smem:$0x3FA8] =	sst s1  }
0xa: {  	[smem:$0x3FA9] =	sst s2  }
0xb: {  	[smem:$0x3FAA] =	sst s3  }
0xc: {  	[smem:$0x3FAB] =	sst s4  }
0xd: {  	[smem:$0x3FAC] =	sst s5  }
0xe: {  	[smem:$0x3FAD] =	sst s6  }
0xf: {  	[smem:$0x3FAE] =	sst s7  }
0x10: {  	[smem:$0x3FAF] =	sst s8  }
0x11: {  	[smem:$0x3FB0] =	sst s9;
	s0 =	simm.s32 @!p0 $0x0  }
0x12: {  	s1 =	sld [smem:$0x3F96];
	s0 =	simm.s32 @p0 $0x1  }
0x13: {  	[smem:$0x3FB1] =	sst s0;
	s0 =	simm.s32 @!p1 $0x0  }
0x14: {  	s2 =	sld [smem:$0x3F95];
	s0 =	simm.s32 @p1 $0x1  }
0x15: {  	[smem:$0x3FB2] =	sst s0;
	s0 =	simm.s32 @!p2 $0x0  }
0x16: {  	s3 =	sld [smem:$0x3FDB];
	s0 =	simm.s32 @p2 $0x1  }
0x17: {  	s4 =	simm.s32 $0x1BF5;
	[smem:$0x3FB4] =	sst s0  }
0x18: {  	s0 =	sld [smem:$0x3F97];
	_ =	swait.ge [sflag:s4], $0x0  }
0x19: {  	s7 =	sld [smem:$0x3F98]  }
0x1a: {  	s8 =	sadd.s32 $0xFFFFE003, lr  }
0x1b: {  	s9 =	sadd.s32 $0xFFFFFEF7, lr;
	s5 =	simm.s32 $0xFFFFFFFF;
	p2 =	slt.u32 s8, $0xFFFFF086  }
0x1c: {  	p1 =	slt.u32 s9, $0xF7A;
	s5 =	simm.s32 @!p2 $0x0  }
0x1d: {  	s5 =	simm.s32 @p1 $0x1;
	p0 =	seq.s32 s7, s2  }
0x1e: {  	s7 =	smul.u32 @!p0 $0xF7A, s2;
	p2 =	seq.s32 @!p0 s5, $0x0  }
0x1f: {  	s9 =	smul.u32 $0xF7A, s1;
	s8 =	simm.s32 @!p0 $0x1BF5;
	p2 =	por !p2, p0  }
0x20: {  	[sflag:s8] =	ssyncset.s32 @!p0 $0xFFFFF086;
	s6 =	sadd.s32 @!p0 s3, s7;
	s7 =	simm.s32 @!p0 $0x108  }
0x21: {  	s3 =	sadd.s32 s3, s9;
	s6 =	sadd.s32 @!p0 $0x88, s6;
	s7 =	simm.s32 @p2 $0x1082  }
0x22: {  	[simem:s7], [sflag:s8] =	dma.local @!p0 [hbm:s6], $0xF7A  }
0x23: {  	s9 =	sor.u32 $0xD0000000, s2;
	s6 =	simm.s32 $0x108;
	_ =	swait.ge @!p0 [sflag:s8], $0x0  }
0x24: {  	s3 =	sadd.s32 $0x88, s3;
	s6 =	simm.s32 @!p1 $0x1082;
	[sflag:s4] =	ssyncset.s32 $0xFFFFF086  }
0x25: {  	[simem:s6], [sflag:s4] =	dma.local [hbm:s3], $0xF7A  }
0x26: {  	[smem:$0x3F98] =	sst s1;
	(tag) =	ssettag s2;
	_ =	strace s9  }
0x27: {  	s1 =	sld [smem:$0x3FA8]  }
0x28: {  	s2 =	sld [smem:$0x3FA9]  }
0x29: {  	s4 =	sld [smem:$0x3FAB]  }
0x2a: {  	p0 =	seq.s32 s5, $0x0;
	s5 =	sld [smem:$0x3FAC]  }
0x2b: {  	s6 =	sld [smem:$0x3FAD]  }
0x2c: {  	s7 =	sld [smem:$0x3FAE]  }
0x2d: {  	s3 =	simm.s32 $0x108;
	s8 =	sld [smem:$0x3FAF]  }
0x2e: {  	s3 =	simm.s32 @!p0 $0x1082;
	s9 =	sld [smem:$0x3FB0]  }
0x2f: {  	lr =	sadd.s32 s0, s3;
	s0 =	sld [smem:$0x3FA7]  }
0x30: {  	s3 =	sld [smem:$0x3FAA]  }
0x31: {  	[smem:$0x3FB3] =	sst s10  }
0x32: {  	s10 =	sld [smem:$0x3FB1];
	_ =	sdelay $0x3  }
0x33: {  	p0 =	seq.s32 s10, $0x1;
	s10 =	sld [smem:$0x3FB3];
	_ =	sdelay $0x3  }
0x34: {  	[smem:$0x3FB3] =	sst s10  }
0x35: {  	s10 =	sld [smem:$0x3FB2];
	_ =	sdelay $0x3  }
0x36: {  	p1 =	seq.s32 s10, $0x1;
	s10 =	sld [smem:$0x3FB3];
	_ =	sdelay $0x3  }
0x37: {  	[smem:$0x3FB3] =	sst s10  }
0x38: {  	s10 =	sld [smem:$0x3FB4]  }
0x39: {  	_ = 	snop;
	(pc) =	sbr.ind lr, $3  }
0x3a: {  	_ = 	snop  }
0x3b: {  	_ = 	snop  }
0x3c: {  	p2 =	seq.s32 s10, $0x1;
	s10 =	sld [smem:$0x3FB3]  }
0x3d: {  	_ =	shalt  }
0x3e: {  	_ =	shalt  }
0x3f: {  	_ =	shalt  }
0x40: {  	_ =	shalt  }
0x41: {  	_ =	shalt  }
0x42: {  	_ =	shalt  }
0x43: {  	_ =	shalt  }
0x44: {  	_ =	shalt  }
0x45: {  	_ =	shalt  }
0x46: {  	_ =	shalt  }
0x47: {  	_ =	shalt  }
0x48: {  	_ =	shalt  }
0x49: {  	_ =	shalt  }
0x4a: {  	_ =	shalt  }
0x4b: {  	_ =	shalt  }
0x4c: {  	_ =	shalt  }
0x4d: {  	_ =	shalt  }
0x4e: {  	_ =	shalt  }
0x4f: {  	_ =	shalt  }
0x50: {  	_ =	shalt  }
0x51: {  	_ =	shalt  }
0x52: {  	_ =	shalt  }
0x53: {  	_ =	shalt  }
0x54: {  	_ =	shalt  }
0x55: {  	_ =	shalt  }
0x56: {  	_ =	shalt  }
0x57: {  	_ =	shalt  }
0x58: {  	_ =	shalt  }
0x59: {  	_ =	shalt  }
0x5a: {  	_ =	shalt  }
0x5b: {  	_ =	shalt  }
0x5c: {  	_ =	shalt  }
0x5d: {  	_ =	shalt  }
0x5e: {  	_ =	shalt  }
0x5f: {  	_ =	shalt  }
0x60: {  	_ =	shalt  }
0x61: {  	_ =	shalt  }
0x62: {  	_ =	shalt  }
0x63: {  	_ =	shalt  }
0x64: {  	_ =	shalt  }
0x65: {  	_ =	shalt  }
0x66: {  	_ =	shalt  }
0x67: {  	_ =	shalt  }
0x68: {  	_ =	shalt  }
0x69: {  	_ =	shalt  }
0x6a: {  	_ =	shalt  }
0x6b: {  	_ =	shalt  }
0x6c: {  	_ =	shalt  }
0x6d: {  	_ =	shalt  }
0x6e: {  	_ =	shalt  }
0x6f: {  	_ =	shalt  }
0x70: {  	_ =	shalt  }
0x71: {  	_ =	shalt  }
0x72: {  	_ =	shalt  }
0x73: {  	_ =	shalt  }
0x74: {  	_ =	shalt  }
0x75: {  	_ =	shalt  }
0x76: {  	_ =	shalt  }
0x77: {  	_ =	shalt  }
0x78: {  	_ =	shalt  }
0x79: {  	_ =	shalt  }
0x7a: {  	_ =	shalt  }
0x7b: {  	_ =	shalt  }
0x7c: {  	_ =	shalt  }
0x7d: {  	_ =	shalt  }
0x7e: {  	_ =	shalt  }
0x7f: {  	_ =	shalt  }
0x80: {  	_ =	shalt  }
0x81: {  	_ =	shalt  }
0x82: {  	_ =	shalt  }
0x83: {  	_ =	shalt  }
0x84: {  	_ =	shalt  }
0x85: {  	_ =	shalt  }
0x86: {  	_ =	shalt  }
0x87: {  	_ =	shalt  }
.Lfunc_end0:
.L_simem_size_0:
called_computation_lowered:
.L_overlay_start_0:
0x88: {  	s2 =	sld [smem:$0x3FD9]  }
0x89: {  	s3 =	sld [smem:$0x3FFE];
	_ =	sdelay $0x1  }
0x8a: {  	s1 =	srdreg.scid  }
0x8b: {  	s0 =	sand.u32 $0x1, s1  }
0x8c: {  	s17 =	sshll.u32 s0, $0xA;
	s2 =	sadd.s32 s3, s2  }
0x8d: {  	s2 =	sadd.s32 s2, s17  }
0x8e: {  	[smem:$0x3FBF] =	sst s2  }
0x8f: {  	_ = 	snop  }
0x90: {  	s2 =	sld [smem:$0x3FC9]  }
0x91: {  	s18 =	sld [smem:$0x3FC8]  }
0x92: {  	s4 =	sld [smem:$0x3FC7];
	(tm) =	ssettm $0x1  }
0x93: {  	s5 =	sld [smem:$0x3FFB];
	_ =	sdelay $0x3  }
0x94: {  	_ =	strace s5  }
0x95: {  	s5 =	sld [smem:$0x3FFC];
	_ =	sdelay $0x3  }
0x96: {  	_ =	strace s5  }
0x97: {  	s5 =	sld [smem:$0x3FFD];
	_ =	sdelay $0x3  }
0x98: {  	_ =	strace s5  }
0x99: {  	_ =	strace $0x8FFFFFFF  }
0x9a: {  	s19 =	sld [smem:$0x3FDB];
	_ =	sdelay $0x1  }
0x9b: {  	s6 =	simm.s32 $_scs_section_size  }
0x9c: {  	s7 =	simm.s32 $_size__tile_overlayer_lowered;
	s8 =	simm.s32 $_tile_overlayer_lowered  }
0x9d: {  	s22 =	simm.s32 $0x1BFF;
	s21 =	sshll.u32 s8, $0x1;
	s5 =	sadd.s32 s6, s19  }
0x9e: {  	s9 =	simm.s32 $0x0;
	s20 =	sshll.u32 s7, $0x1;
	s7 =	sadd.s32 s21, s5  }
0x9f: {  	[timem:s9], [sflag:s22] =	dma.local [hbm:s7], s20  }
0xa0: {  	_ =	swait.ge [sflag:s22], s20  }
0xa1: {  	s6 =	ssub.s32 $0x0, s20;
	[sflag:s22] =	ssyncset.done $0x0  }
0xa2: {  	[sflag:s22] =	ssyncadd.s32 s6;
	_ =	sdelay $0x1  }
0xa3: {  	s23 =	simm.s32 $0x1B8B  }
0xa4: {  	_ =	swait.ge [sflag:s23], $0x1  }
0xa5: {  	[sflag:s23] =	ssyncset.done $0x0  }
0xa6: {  	s25 =	simm.s32 $0x1B8E;
	s24 =	sld [smem:$0x3FFE];
	[sflag:s23] =	ssyncadd.s32 $0xFFFFFFFF  }
0xa7: {  	s26 =	simm.s32 $execute0_lowered;
	[smem:$0x3FD2] =	sst s25  }
0xa8: {  	s7 =	sshll.u32 s26, $0x1;
	_ =	strace $0x80000046;
	[dreg:$0x1] =	wrdreg $0xFFFFFFFF  }
0xa9: {  	s28 =	simm.s32 $_size_execute0_lowered;
	s5 =	sadd.s32 s5, s7;
	[dreg:$0x0] =	wrdreg $0x0  }
0xaa: {  	s7 =	sshll.u32 s28, $0x1;
	[dreg:$0x2] =	wrdreg s5  }
0xab: {  	[dreg:$0x3] =	wrdreg s7  }
0xac: {  	[dreg:$0x4] =	wrdreg $0xC0  }
0xad: {  	_ =	task [dreg:s9], $0x5FFFF  }
0xae: {  	[dreg:$0x1] =	wrdreg $0xFFFFFFFF  }
0xaf: {  	[dreg:$0x0] =	wrdreg $0x60  }
0xb0: {  	[dreg:$0x2] =	wrdreg s2  }
0xb1: {  	[dreg:$0x3] =	wrdreg s18  }
0xb2: {  	[dreg:$0x4] =	wrdreg s4  }
0xb3: {  	[dreg:$0x5] =	wrdreg s24  }
0xb4: {  	[dreg:$0x6] =	wrdreg $0x82000  }
0xb5: {  	[dreg:$0x7] =	wrdreg $0x9  }
0xb6: {  	_ =	task.clear_ibuf [dreg:s9], $0x8FFFF;
	_ =	strace $0x90000046  }
0xb7: {  	s29 =	simm.s32 $0x9;
	_ =	strace $0x80000048  }
0xb8: {  	_ =	swait.ge [sflag:s29], $0x1  }
0xb9: {  	[sflag:s29] =	ssyncadd.s32 $0xFFFFFFFF  }
0xba: {  	_ =	strace $0x90000048  }
0xbb: {  	_ =	sfence  }
0xbc: {  	s30 =	sld [smem:$0x0];
	_ =	sdelay $0x2  }
0xbd: {  	s31 =	sshll.u32 s1, $0xD;
	s1 =	sshrl.u32 s1, $0x2  }
0xbe: {  	s3 =	sand.u32 $0x4000, s31;
	s1 =	sadd.s32 s1, s30  }
0xbf: {  	s0 =	sor.u32 s3, s0;
	s1 =	sshll.u32 s1, $0x11  }
0xc0: {  	s0 =	sor.u32 s1, s0  }
0xc1: {  	s0 =	sadd.s32 $0x8F2B, s0  }
0xc2: {  	[sflag:s0] =	ssyncadd.remote.s32 $0x1  }
0xc3: {  	_ =	sfence.sel $0xFFFF  }
0xc4: {  	[dreg:$0x0] =	wrdreg $0xFFFFFFFF;
	(pc) =	sbr.abs _section_cstart, $3  }
0xc5: {  	[dreg:$0x1] =	wrdreg $0xFFFFFFFF  }
0xc6: {  	_ =	task.clear_ibuf [dreg:s9], $0x2FFFF;
	_ =	strace $0x9FFFFFFF  }
0xc7: {  	(tm) =	ssettm $0x7FFFFFFF  }
tec
execute0_lowered:
.L_overlay_start_1:
0x0: {  	(tag) =	ssettag $0x1  }
0x1: {  	s0 =	rddreg [dreg:$0x0]  }
0x2: {  	s1 =	rddreg [dreg:$0x1]  }
0x3: {  	s2 =	rddreg [dreg:$0x2]  }
0x4: {  	s7 =	rddreg [dreg:$0x3];
	s3 =	srdreg.scid  }
0x5: {  	s5 =	rddreg [dreg:$0x4];
	s4 =	stileid.u32  }
0x6: {  	s6 =	simm.s32 $0x0;
	s8 =	sand.u32 $0x1, s3;
	s3 =	rddreg [dreg:$0x5]  }
0x7: {  	s10 =	smul.u32 $0x13C00, s4;
	[smem:$0x7FF] =	sst s6  }
0x8: {  	s12 =	smul.u32 $0x278, s4;
	s31 =	sshll.u32 s4, $0x1;
	p0 =	slt.u32 s4, $0x2  }
0x9: {  	s9 =	smul.u32 $0x13C000, s8;
	_ =	strace $0x80000047;
	s11 =	ssub.s32 $0x2, s8  }
0xa: {  	s30 =	sshrl.u32 s11, $0x1;
	s13 =	sadd.s32 $0x30, s12;
	s14 =	sadd.s32 $0x40, s12  }
0xb: {  	s15 =	sadd.s32 $0x50, s12;
	s16 =	sadd.s32 $0x60, s12;
	s17 =	sadd.s32 $0x70, s12  }
0xc: {  	s18 =	sadd.s32 $0x80, s12;
	s19 =	sadd.s32 $0x90, s12;
	s20 =	sadd.s32 $0xA0, s12  }
0xd: {  	s21 =	sadd.s32 $0xB0, s12;
	s22 =	sadd.s32 $0xC0, s12;
	s23 =	sadd.s32 $0xD0, s12  }
0xe: {  	s24 =	sadd.s32 $0xE0, s12;
	s25 =	sadd.s32 $0xF0, s12;
	s26 =	sadd.s32 $0x100, s12  }
0xf: {  	v31 =	vlaneseq.u32;
	s28 =	sadd.s32 $0x110, s12;
	s29 =	sadd.s32 $0x120, s12;
	s9 =	sadd.s32 s10, s9  }
0x10: {  	s11 =	ssub.s32 s11, s30;
	s30 =	sadd.s32 $0x130, s12;
	v2 =	vadd.s32 s13, v31;
	s13 =	sadd.s32 $0x150, s12  }
0x11: {  	v3 =	vadd.s32 s14, v31;
	v4 =	vadd.s32 s15, v31;
	v5 =	vadd.s32 s16, v31;
	s14 =	sadd.s32 $0x170, s12;
	s15 =	sadd.s32 $0x180, s12;
	s16 =	sadd.s32 $0x190, s12  }
0x12: {  	v6 =	vadd.s32 s17, v31;
	v7 =	vadd.s32 s18, v31;
	v8 =	vadd.s32 s19, v31;
	s17 =	sadd.s32 $0x1A0, s12;
	s18 =	sadd.s32 $0x1B0, s12;
	s19 =	sadd.s32 $0x1C0, s12  }
0x13: {  	v9 =	vadd.s32 s20, v31;
	v10 =	vadd.s32 s21, v31;
	s20 =	sadd.s32 $0x1D0, s12;
	s21 =	sadd.s32 $0x1E0, s12;
	v12 =	vadd.s32 s23, v31;
	s23 =	sadd.s32 $0x1F0, s12  }
0x14: {  	v13 =	vadd.s32 s24, v31;
	s24 =	smul.u32 $0x4F000, s4;
	s9 =	sshrl.u32 s9, $0x3;
	s11 =	smax.u32 s11, $0x1  }
0x15: {  	v21 =	vadd.s32 s13, v31;
	v23 =	vadd.s32 s14, v31;
	v24 =	vadd.s32 s15, v31;
	s13 =	simm.s32 $0x8180;
	s14 =	simm.s32 $0x4180;
	s15 =	simm.s32 $0x2  }
0x16: {  	v25 =	vadd.s32 s16, v31;
	v26 =	vadd.s32 s17, v31;
	v27 =	vadd.s32 s18, v31;
	s16 =	simm.s32 $0x100;
	s17 =	simm.s32 $0x180;
	s18 =	simm.s32 $0x1  }
0x17: {  	v29 =	vadd.s32 s20, v31;
	s20 =	simm.s32 $0x0;
	s10 =	sadd.s32 s9, s7;
	s7 =	sor.u32 s8, s31  }
0x18: {  	v32 =	vimm.f32 $0.0e+00;
	v14 =	vadd.s32 s12, v31;
	v11 =	vadd.s32 s22, v31;
	s9 =	sadd.s32 $0x10, s12;
	s31 =	sadd.s32 $0x20, s12;
	s8 =	simm.s32 $0x4F  }
0x19: {  	v15 =	vadd.s32 s25, v31;
	v0 =	vadd.s32 s9, v31;
	v1 =	vadd.s32 s31, v31;
	s9 =	sadd.s32 $0x140, s12;
	s31 =	sadd.s32 $0x160, s12;
	s22 =	smul.u32 $0x4E, s7  }
0x1a: {  	v16 =	vadd.s32 s26, v31;
	v17 =	vadd.s32 s28, v31;
	v18 =	vadd.s32 s29, v31;
	s7 =	smin.u32 s7, $0x4;
	s8 =	simm.s32 @!p0 $0x4E;
	s12 =	sshrl.u32 s24, $0x2  }
0x1b: {  	v19 =	vadd.s32 s30, v31;
	s10 =	sadd.s32 $0x1200, s10;
	v20 =	vadd.s32 s9, v31;
	s9 =	sadd.s32 $0x10, s1;
	v22 =	vadd.s32 s31, v31;
	s31 =	sadd.s32 s12, s5  }
0x1c: {  	v28 =	vadd.s32 s19, v31;
	v30 =	vadd.s32 s21, v31;
	s12 =	simm.s32 $0x80;
	v31 =	vadd.s32 s23, v31;
	s7 =	sadd.s32 s7, s22;
	s19 =	sshrl.u32 s31, $0x3  }
.LBB2_1:
0x1d: {  	s21 =	sand.u32 $0xFE00, s6  }
0x1e: {  	s22 =	sand.u32 $0x70, s6;
	s23 =	sshrl.u32 s21, $0x2  }
0x1f: {  	s21 =	simm.s32 $0x40;
	s23 =	sor.u32 s22, s23;
	s22 =	simm.s32 $0x0  }
.LBB2_2:
0x20: {  	p0 =	sne.s32 s21, $0xFFC0  }
0x21: {  	[tilespmem:s23+$0x4180] =	vst v32;
	s22 =	sadd.s32 $0x10, s22;
	s23 =	smov.u32 s21;
	s21 =	sadd.s32 $0x40, s21  }
.Ltmp0:
0x22: {  	(pc) =	sbr.rel @p0 .LBB2_2-.Ltmp0, $4  }
0x23: {  	_ = 	snop  }
0x24: {  	s23 =	sand.u32 $0xFE00, s23  }
0x25: {  	s24 =	sand.u32 $0x70, s22;
	s23 =	sshrl.u32 s23, $0x2  }
0x26: {  	s23 =	sor.u32 s24, s23  }
0x27: {  	[tilespmem:s23+$0x4180] =	vst v32  }
0x28: {  	[tilespmem:$0x8180] =	vst v14  }
0x29: {  	[tilespmem:$0x8190] =	vst v0  }
0x2a: {  	[tilespmem:$0x81A0] =	vst v1  }
0x2b: {  	[tilespmem:$0x81B0] =	vst v2  }
0x2c: {  	[tilespmem:$0x81C0] =	vst v3  }
0x2d: {  	[tilespmem:$0x81D0] =	vst v4  }
0x2e: {  	[tilespmem:$0x81E0] =	vst v5  }
0x2f: {  	[tilespmem:$0x81F0] =	vst v6  }
0x30: {  	[spmem:s5] =	stream.indirect.scatter [tilespmem:s14], [sflag:$0x2], $0x80, s13, s12, $0xb8;
	[tilespmem:$0x1BE00] =	vst v63  }
0x31: {  	_ =	swait.ge [sflag:s15], $0x4000  }
0x32: {  	[sflag:s15] =	ssyncset.done $0x0  }
0x33: {  	[sflag:s15] =	ssyncadd.s32 $0xFFFFC000  }
0x34: {  	[tilespmem:$0x8180] =	vst v7  }
0x35: {  	[tilespmem:$0x8190] =	vst v8  }
0x36: {  	[tilespmem:$0x81A0] =	vst v9  }
0x37: {  	[tilespmem:$0x81B0] =	vst v10  }
0x38: {  	[tilespmem:$0x81C0] =	vst v11  }
0x39: {  	[tilespmem:$0x81D0] =	vst v12  }
0x3a: {  	[tilespmem:$0x81E0] =	vst v13  }
0x3b: {  	[tilespmem:$0x81F0] =	vst v15  }
0x3c: {  	[spmem:s5] =	stream.indirect.scatter [tilespmem:s14], [sflag:$0x2], $0x80, s13, s12, $0xb8;
	[tilespmem:$0x1BE00] =	vst v63  }
0x3d: {  	_ =	swait.ge [sflag:s15], $0x4000  }
0x3e: {  	[sflag:s15] =	ssyncset.done $0x0  }
0x3f: {  	[sflag:s15] =	ssyncadd.s32 $0xFFFFC000  }
0x40: {  	[tilespmem:$0x8180] =	vst v16  }
0x41: {  	[tilespmem:$0x8190] =	vst v17  }
0x42: {  	[tilespmem:$0x81A0] =	vst v18  }
0x43: {  	[tilespmem:$0x81B0] =	vst v19  }
0x44: {  	[tilespmem:$0x81C0] =	vst v20  }
0x45: {  	[tilespmem:$0x81D0] =	vst v21  }
0x46: {  	[tilespmem:$0x81E0] =	vst v22  }
0x47: {  	[tilespmem:$0x81F0] =	vst v23  }
0x48: {  	[spmem:s5] =	stream.indirect.scatter [tilespmem:s14], [sflag:$0x2], $0x80, s13, s12, $0xb8;
	[tilespmem:$0x1BE00] =	vst v63  }
0x49: {  	_ =	swait.ge [sflag:s15], $0x4000  }
0x4a: {  	[sflag:s15] =	ssyncset.done $0x0  }
0x4b: {  	[sflag:s15] =	ssyncadd.s32 $0xFFFFC000  }
0x4c: {  	[tilespmem:$0x8180] =	vst v24  }
0x4d: {  	[tilespmem:$0x8190] =	vst v25  }
0x4e: {  	[tilespmem:$0x81A0] =	vst v26  }
0x4f: {  	[tilespmem:$0x81B0] =	vst v27  }
0x50: {  	[tilespmem:$0x81C0] =	vst v28  }
0x51: {  	[tilespmem:$0x81D0] =	vst v29  }
0x52: {  	[tilespmem:$0x81E0] =	vst v30  }
0x53: {  	[tilespmem:$0x81F0] =	vst v31  }
0x54: {  	[spmem:s5] =	stream.indirect.scatter [tilespmem:s14], [sflag:$0x2], $0x80, s13, s12, $0xb8;
	[tilespmem:$0x1BE00] =	vst v63  }
0x55: {  	_ =	swait.ge [sflag:s15], $0x4000  }
0x56: {  	[sflag:s15] =	ssyncset.done $0x0  }
0x57: {  	[sflag:s15] =	ssyncadd.s32 $0xFFFFC000  }
0x58: {  	s21 =	simm.s32 $0x0;
	s22 =	simm.s32 $0x0;
	[bflag:$0x0] =	sbarrier.arrive $0xFFFF  }
.LBB2_4:
0x59: {  	s23 =	sadd.s32 s22, s7  }
0x5a: {  	s24 =	sshll.u32 s23, $0x5  }
0x5b: {  	s24 =	sand.u32 $0x1FFFFFE0, s24  }
0x5c: {  	s25 =	sadd.s32 s1, s24  }
0x5d: {  	[tilespmem:s21], [sflag:$0x2] =	stream.linear.gather [hbm4b:s25+s21], $0x80, $0x38;
	[tilespmem:$0x1BE00] =	vst v63  }
0x5e: {  	_ =	swait.ge [sflag:s15], $0x80  }
0x5f: {  	[sflag:s15] =	ssyncset.done $0x0  }
0x60: {  	s24 =	sadd.s32 s24, s9;
	[sflag:s15] =	ssyncadd.s32 $0xFFFFFF80  }
0x61: {  	[tilespmem:s12], [sflag:$0x2] =	stream.linear.gather [hbm4b:s24+s21], $0x80, $0x38;
	[tilespmem:$0x1BE00] =	vst v63  }
0x62: {  	s23 =	sshll.u32 s23, $0x4;
	_ =	swait.ge [sflag:s15], $0x80  }
0x63: {  	s23 =	sand.u32 $0x1FFFFFF0, s23;
	[sflag:s15] =	ssyncset.done $0x0  }
0x64: {  	s23 =	sadd.s32 s2, s23;
	[sflag:s15] =	ssyncadd.s32 $0xFFFFFF80  }
0x65: {  	[tilespmem:s16], [sflag:$0x2] =	stream.linear.gather [hbm4b:s23+s21], $0x80, $0x38;
	[tilespmem:$0x1BE00] =	vst v63  }
0x66: {  	_ =	swait.ge [sflag:s15], $0x80  }
0x67: {  	[sflag:s15] =	ssyncset.done $0x0  }
0x68: {  	[sflag:s15] =	ssyncadd.s32 $0xFFFFFF80  }
0x69: {  	[tilespmem:s17], [sflag:$0x1] =	stream.indirect.gather [hbm4b:s0+s12], $0x80, s21, s12, $0xb8;
	[tilespmem:$0x1BE00] =	vst v63  }
0x6a: {  	_ =	swait.ge [sflag:s18], $0x4000  }
0x6b: {  	[sflag:s18] =	ssyncset.done $0x0  }
0x6c: {  	s23 =	simm.s32 $0x0;
	[sflag:s18] =	ssyncadd.s32 $0xFFFFC000  }
.LBB2_5:
0x6d: {  	s24 =	sshll.u32 s23, $0x4  }
0x6e: {  	s31 =	sshll.u32 s23, $0xB;
	s24 =	sand.u32 $0x3FFFFFF0, s24  }
0x6f: {  	v33 =	vld [tilespmem:s24+$0x100];
	s24 =	sand.u32 $0x3FFFF800, s31  }
0x70: {  	v34 =	vld [tilespmem:s24+$0x180]  }
0x71: {  	v35 =	vld [tilespmem:s24+$0x190]  }
0x72: {  	v36 =	vld [tilespmem:s24+$0x1A0]  }
0x73: {  	v38 =	vld [tilespmem:s24+$0x1B0]  }
0x74: {  	v39 =	vld [tilespmem:s24+$0x1C0];
	v37 =	vbroadcast v33, $0x0  }
0x75: {  	v40 =	vld [tilespmem:s24+$0x1D0]  }
0x76: {  	v41 =	vld [tilespmem:s24+$0x1E0];
	v34 =	vmul.f32 v37, v34  }
0x77: {  	v59 =	vld [tilespmem:s24+$0x1F0];
	v35 =	vmul.f32 v35, v37  }
0x78: {  	v61 =	vld [tilespmem:s24+$0x200];
	v58 =	vmul.f32 v36, v37;
	[tilespmem:s24+$0x180] =	vst v34  }
0x79: {  	v63 =	vld [tilespmem:s24+$0x210];
	v60 =	vmul.f32 v38, v37;
	[tilespmem:s24+$0x190] =	vst v35  }
0x7a: {  	v46 =	vld [tilespmem:s24+$0x220];
	v62 =	vmul.f32 v39, v37;
	[tilespmem:s24+$0x1A0] =	vst v58  }
0x7b: {  	v42 =	vld [tilespmem:s24+$0x230];
	v45 =	vmul.f32 v40, v37;
	[tilespmem:s24+$0x1B0] =	vst v60  }
0x7c: {  	v50 =	vld [tilespmem:s24+$0x240];
	v48 =	vbroadcast v33, $0x1;
	v47 =	vmul.f32 v41, v37;
	[tilespmem:s24+$0x1C0] =	vst v62  }
0x7d: {  	v52 =	vld [tilespmem:s24+$0x250];
	v49 =	vmul.f32 v59, v37;
	[tilespmem:s24+$0x1D0] =	vst v45  }
0x7e: {  	v54 =	vld [tilespmem:s24+$0x260];
	v51 =	vmul.f32 v61, v48;
	[tilespmem:s24+$0x1E0] =	vst v47  }
0x7f: {  	v56 =	vld [tilespmem:s24+$0x270];
	v53 =	vmul.f32 v63, v48;
	[tilespmem:s24+$0x1F0] =	vst v49  }
0x80: {  	v55 =	vmul.f32 v46, v48;
	v46 =	vld [tilespmem:s24+$0x2B0];
	[tilespmem:s24+$0x200] =	vst v51  }
0x81: {  	v57 =	vmul.f32 v42, v48;
	v59 =	vmul.f32 v50, v48;
	v50 =	vld [tilespmem:s24+$0x2D0];
	[tilespmem:s24+$0x210] =	vst v53  }
0x82: {  	v61 =	vmul.f32 v52, v48;
	v52 =	vld [tilespmem:s24+$0x2E0];
	[tilespmem:s24+$0x220] =	vst v55  }
0x83: {  	v63 =	vmul.f32 v54, v48;
	v54 =	vld [tilespmem:s24+$0x2F0];
	[tilespmem:s24+$0x230] =	vst v57  }
0x84: {  	v58 =	vld [tilespmem:s24+$0x280];
	[tilespmem:s24+$0x240] =	vst v59;
	v45 =	vbroadcast v33, $0x2  }
0x85: {  	v60 =	vld [tilespmem:s24+$0x290];
	[tilespmem:s24+$0x250] =	vst v61;
	v47 =	vmul.f32 v56, v48  }
0x86: {  	v62 =	vld [tilespmem:s24+$0x2A0];
	[tilespmem:s24+$0x260] =	vst v63;
	v55 =	vmul.f32 v46, v45  }
0x87: {  	v48 =	vld [tilespmem:s24+$0x2C0];
	[tilespmem:s24+$0x270] =	vst v47;
	v59 =	vmul.f32 v50, v45  }
0x88: {  	v56 =	vld [tilespmem:s24+$0x300];
	v61 =	vmul.f32 v52, v45;
	[tilespmem:s24+$0x2B0] =	vst v55  }
0x89: {  	v63 =	vld [tilespmem:s24+$0x330];
	v49 =	vmul.f32 v58, v45;
	[tilespmem:s24+$0x2D0] =	vst v59  }
0x8a: {  	v46 =	vld [tilespmem:s24+$0x340];
	v51 =	vmul.f32 v60, v45;
	[tilespmem:s24+$0x2E0] =	vst v61  }
0x8b: {  	v50 =	vld [tilespmem:s24+$0x360];
	v53 =	vmul.f32 v62, v45;
	[tilespmem:s24+$0x280] =	vst v49  }
0x8c: {  	v52 =	vld [tilespmem:s24+$0x370];
	v57 =	vmul.f32 v48, v45;
	v62 =	vbroadcast v33, $0x3;
	[tilespmem:s24+$0x290] =	vst v51  }
0x8d: {  	v58 =	vld [tilespmem:s24+$0x310];
	v45 =	vmul.f32 v54, v45;
	[tilespmem:s24+$0x2A0] =	vst v53  }
0x8e: {  	v60 =	vld [tilespmem:s24+$0x320];
	[tilespmem:s24+$0x2C0] =	vst v57;
	v47 =	vmul.f32 v56, v62  }
0x8f: {  	v48 =	vld [tilespmem:s24+$0x350];
	[tilespmem:s24+$0x2F0] =	vst v45;
	v53 =	vmul.f32 v63, v62  }
0x90: {  	v54 =	vld [tilespmem:s24+$0x380];
	v55 =	vmul.f32 v46, v62;
	[tilespmem:s24+$0x300] =	vst v47  }
0x91: {  	v61 =	vld [tilespmem:s24+$0x3B0];
	v59 =	vmul.f32 v50, v62;
	[tilespmem:s24+$0x330] =	vst v53  }
0x92: {  	v56 =	vld [tilespmem:s24+$0x390];
	v49 =	vmul.f32 v58, v62;
	[tilespmem:s24+$0x340] =	vst v55  }
0x93: {  	v63 =	vld [tilespmem:s24+$0x3C0];
	v51 =	vmul.f32 v60, v62;
	[tilespmem:s24+$0x360] =	vst v59  }
0x94: {  	v45 =	vld [tilespmem:s24+$0x3D0];
	v57 =	vmul.f32 v48, v62;
	v60 =	vbroadcast v33, $0x4;
	[tilespmem:s24+$0x310] =	vst v49  }
0x95: {  	v47 =	vld [tilespmem:s24+$0x3E0];
	v62 =	vmul.f32 v52, v62;
	[tilespmem:s24+$0x320] =	vst v51  }
0x96: {  	v53 =	vld [tilespmem:s24+$0x410];
	[tilespmem:s24+$0x350] =	vst v57;
	v44 =	vmul.f32 v54, v60  }
0x97: {  	v58 =	vld [tilespmem:s24+$0x3A0];
	[tilespmem:s24+$0x370] =	vst v62;
	v46 =	vmul.f32 v56, v60  }
0x98: {  	v55 =	vld [tilespmem:s24+$0x420];
	v50 =	vmul.f32 v61, v60;
	[tilespmem:s24+$0x380] =	vst v44  }
0x99: {  	v49 =	vld [tilespmem:s24+$0x3F0];
	v52 =	vmul.f32 v63, v60;
	[tilespmem:s24+$0x390] =	vst v46  }
0x9a: {  	v51 =	vld [tilespmem:s24+$0x400];
	v54 =	vmul.f32 v45, v60;
	v57 =	vbroadcast v33, $0x5;
	[tilespmem:s24+$0x3B0] =	vst v50  }
0x9b: {  	v62 =	vld [tilespmem:s24+$0x450];
	[tilespmem:s24+$0x3C0] =	vst v52;
	v56 =	vmul.f32 v47, v60  }
0x9c: {  	[tilespmem:s24+$0x3D0] =	vst v54;
	v63 =	vmul.f32 v53, v57;
	v44 =	vld [tilespmem:s24+$0x460]  }
0x9d: {  	v46 =	vld [tilespmem:s24+$0x470];
	v48 =	vmul.f32 v58, v60;
	[tilespmem:s24+$0x3E0] =	vst v56  }
0x9e: {  	v50 =	vld [tilespmem:s24+$0x490];
	v45 =	vmul.f32 v55, v57;
	[tilespmem:s24+$0x410] =	vst v63  }
0x9f: {  	v52 =	vld [tilespmem:s24+$0x4A0];
	[tilespmem:s24+$0x3A0] =	vst v48;
	v59 =	vmul.f32 v49, v60  }
0xa0: {  	v58 =	vld [tilespmem:s24+$0x430];
	v61 =	vmul.f32 v51, v57;
	[tilespmem:s24+$0x420] =	vst v45  }
0xa1: {  	v55 =	vld [tilespmem:s24+$0x4B0];
	v51 =	vmul.f32 v62, v57;
	[tilespmem:s24+$0x3F0] =	vst v59  }
0xa2: {  	v54 =	vbroadcast v33, $0x6;
	v60 =	vld [tilespmem:s24+$0x440];
	[tilespmem:s24+$0x400] =	vst v61;
	v53 =	vmul.f32 v44, v57  }
0xa3: {  	v48 =	vld [tilespmem:s24+$0x480];
	[tilespmem:s24+$0x450] =	vst v51;
	v56 =	vmul.f32 v46, v57  }
0xa4: {  	v63 =	vld [tilespmem:s24+$0x4F0];
	v62 =	vmul.f32 v52, v54;
	[tilespmem:s24+$0x460] =	vst v53  }
0xa5: {  	v59 =	vld [tilespmem:s24+$0x4D0];
	v47 =	vmul.f32 v58, v57;
	[tilespmem:s24+$0x470] =	vst v56  }
0xa6: {  	v61 =	vld [tilespmem:s24+$0x4E0];
	v45 =	vmul.f32 v55, v54;
	[tilespmem:s24+$0x4A0] =	vst v62  }
0xa7: {  	v46 =	vld [tilespmem:s24+$0x500];
	v49 =	vmul.f32 v60, v57;
	[tilespmem:s24+$0x430] =	vst v47  }
0xa8: {  	v55 =	vld [tilespmem:s24+$0x540];
	v58 =	vmul.f32 v48, v54;
	[tilespmem:s24+$0x4B0] =	vst v45  }
0xa9: {  	v53 =	vld [tilespmem:s24+$0x530];
	v60 =	vmul.f32 v50, v54;
	[tilespmem:s24+$0x440] =	vst v49  }
0xaa: {  	v52 =	vbroadcast v33, $0x7;
	v57 =	vld [tilespmem:s24+$0x4C0];
	[tilespmem:s24+$0x480] =	vst v58;
	v49 =	vmul.f32 v59, v54  }
0xab: {  	v48 =	vld [tilespmem:s24+$0x510];
	[tilespmem:s24+$0x490] =	vst v60;
	v51 =	vmul.f32 v61, v54  }
0xac: {  	v50 =	vld [tilespmem:s24+$0x520];
	v56 =	vmul.f32 v46, v52;
	[tilespmem:s24+$0x4D0] =	vst v49  }
0xad: {  	v45 =	vld [tilespmem:s24+$0x590];
	v44 =	vmul.f32 v55, v52;
	[tilespmem:s24+$0x4E0] =	vst v51  }
0xae: {  	v59 =	vld [tilespmem:s24+$0x560];
	[tilespmem:s24+$0x500] =	vst v56;
	v62 =	vmul.f32 v53, v52  }
0xaf: {  	v61 =	vld [tilespmem:s24+$0x570];
	v47 =	vmul.f32 v57, v54;
	[tilespmem:s24+$0x540] =	vst v44  }
0xb0: {  	v56 =	vld [tilespmem:s24+$0x5E0];
	v54 =	vmul.f32 v63, v54;
	[tilespmem:s24+$0x530] =	vst v62  }
0xb1: {  	v49 =	vbroadcast v33, $0x8;
	v57 =	vld [tilespmem:s24+$0x550];
	v58 =	vmul.f32 v48, v52;
	[tilespmem:s24+$0x4C0] =	vst v47  }
0xb2: {  	v60 =	vmul.f32 v50, v52;
	v63 =	vld [tilespmem:s24+$0x580];
	[tilespmem:s24+$0x4F0] =	vst v54  }
0xb3: {  	v50 =	vld [tilespmem:s24+$0x5B0];
	v55 =	vmul.f32 v45, v49;
	[tilespmem:s24+$0x510] =	vst v58  }
0xb4: {  	[tilespmem:s24+$0x520] =	vst v60;
	v47 =	vld [tilespmem:s24+$0x5A0];
	v48 =	vmul.f32 v59, v52  }
0xb5: {  	v51 =	vmul.f32 v61, v52;
	v54 =	vld [tilespmem:s24+$0x5D0];
	[tilespmem:s24+$0x590] =	vst v55  }
0xb6: {  	v62 =	vld [tilespmem:s24+$0x610];
	[tilespmem:s24+$0x560] =	vst v48;
	v46 =	vmul.f32 v57, v52  }
0xb7: {  	v60 =	vld [tilespmem:s24+$0x600];
	[tilespmem:s24+$0x570] =	vst v51;
	v53 =	vmul.f32 v63, v49  }
0xb8: {  	v45 =	vld [tilespmem:s24+$0x620];
	v59 =	vmul.f32 v50, v49;
	[tilespmem:s24+$0x550] =	vst v46  }
0xb9: {  	v58 =	vld [tilespmem:s24+$0x5F0];
	[tilespmem:s24+$0x580] =	vst v53;
	v57 =	vmul.f32 v47, v49  }
0xba: {  	v48 =	vld [tilespmem:s24+$0x630];
	[tilespmem:s24+$0x5B0] =	vst v59;
	v63 =	vmul.f32 v54, v49;
	v47 =	vbroadcast v33, $0x9  }
0xbb: {  	v52 =	vld [tilespmem:s24+$0x5C0];
	v46 =	vmul.f32 v56, v49;
	[tilespmem:s24+$0x5A0] =	vst v57  }
0xbc: {  	v50 =	vld [tilespmem:s24+$0x640];
	[tilespmem:s24+$0x5D0] =	vst v63;
	v51 =	vmul.f32 v60, v47  }
0xbd: {  	v54 =	vld [tilespmem:s24+$0x660];
	[tilespmem:s24+$0x5E0] =	vst v46;
	v53 =	vmul.f32 v62, v47  }
0xbe: {  	v56 =	vld [tilespmem:s24+$0x670];
	v55 =	vmul.f32 v45, v47;
	[tilespmem:s24+$0x600] =	vst v51  }
0xbf: {  	v57 =	vmul.f32 v48, v47;
	v60 =	vld [tilespmem:s24+$0x690];
	[tilespmem:s24+$0x610] =	vst v53  }
0xc0: {  	v62 =	vld [tilespmem:s24+$0x6A0];
	v61 =	vmul.f32 v52, v49;
	[tilespmem:s24+$0x620] =	vst v55  }
0xc1: {  	v46 =	vld [tilespmem:s24+$0x6B0];
	v49 =	vmul.f32 v58, v49;
	[tilespmem:s24+$0x630] =	vst v57  }
0xc2: {  	v45 =	vbroadcast v33, $0xA;
	v48 =	vld [tilespmem:s24+$0x6C0];
	v59 =	vmul.f32 v50, v47;
	[tilespmem:s24+$0x5C0] =	vst v61  }
0xc3: {  	v52 =	vld [tilespmem:s24+$0x650];
	[tilespmem:s24+$0x5F0] =	vst v49;
	v63 =	vmul.f32 v54, v47  }
0xc4: {  	v58 =	vld [tilespmem:s24+$0x680];
	[tilespmem:s24+$0x640] =	vst v59;
	v51 =	vmul.f32 v60, v45  }
0xc5: {  	v50 =	vld [tilespmem:s24+$0x6D0];
	[tilespmem:s24+$0x660] =	vst v63;
	v53 =	vmul.f32 v62, v45  }
0xc6: {  	v54 =	vld [tilespmem:s24+$0x6F0];
	v55 =	vmul.f32 v46, v45;
	[tilespmem:s24+$0x690] =	vst v51  }
0xc7: {  	v57 =	vmul.f32 v48, v45;
	v60 =	vld [tilespmem:s24+$0x720];
	[tilespmem:s24+$0x6A0] =	vst v53  }
0xc8: {  	v63 =	vld [tilespmem:s24+$0x730];
	v61 =	vmul.f32 v52, v47;
	[tilespmem:s24+$0x6B0] =	vst v55  }
0xc9: {  	v46 =	vld [tilespmem:s24+$0x740];
	v47 =	vmul.f32 v56, v47;
	[tilespmem:s24+$0x6C0] =	vst v57  }
0xca: {  	v62 =	vbroadcast v33, $0xB;
	v48 =	vld [tilespmem:s24+$0x750];
	v49 =	vmul.f32 v58, v45;
	[tilespmem:s24+$0x650] =	vst v61  }
0xcb: {  	v52 =	vld [tilespmem:s24+$0x6E0];
	v59 =	vmul.f32 v50, v45;
	[tilespmem:s24+$0x670] =	vst v47  }
0xcc: {  	v56 =	vld [tilespmem:s24+$0x700];
	[tilespmem:s24+$0x680] =	vst v49;
	v51 =	vmul.f32 v60, v62  }
0xcd: {  	v58 =	vld [tilespmem:s24+$0x710];
	[tilespmem:s24+$0x6D0] =	vst v59;
	v53 =	vmul.f32 v63, v62  }
0xce: {  	v50 =	vld [tilespmem:s24+$0x760];
	v55 =	vmul.f32 v46, v62;
	[tilespmem:s24+$0x720] =	vst v51  }
0xcf: {  	v57 =	vmul.f32 v48, v62;
	v63 =	vld [tilespmem:s24+$0x7C0];
	[tilespmem:s24+$0x730] =	vst v53  }
0xd0: {  	v61 =	vmul.f32 v52, v45;
	v52 =	vld [tilespmem:s24+$0x770];
	[tilespmem:s24+$0x740] =	vst v55  }
0xd1: {  	v45 =	vmul.f32 v54, v45;
	v54 =	vld [tilespmem:s24+$0x780];
	[tilespmem:s24+$0x750] =	vst v57  }
0xd2: {  	v47 =	vmul.f32 v56, v62;
	v56 =	vld [tilespmem:s24+$0x790];
	[tilespmem:s24+$0x6E0] =	vst v61  }
0xd3: {  	v49 =	vmul.f32 v58, v62;
	v58 =	vld [tilespmem:s24+$0x7A0];
	[tilespmem:s24+$0x6F0] =	vst v45  }
0xd4: {  	v60 =	vbroadcast v33, $0xC;
	v59 =	vmul.f32 v50, v62;
	v53 =	vld [tilespmem:s24+$0x810];
	[tilespmem:s24+$0x700] =	vst v47  }
0xd5: {  	[tilespmem:s24+$0x710] =	vst v49;
	v61 =	vld [tilespmem:s24+$0x7B0];
	v62 =	vmul.f32 v52, v62  }
0xd6: {  	[tilespmem:s24+$0x760] =	vst v59;
	v45 =	vld [tilespmem:s24+$0x7D0];
	v44 =	vmul.f32 v54, v60  }
0xd7: {  	v47 =	vld [tilespmem:s24+$0x7E0];
	v46 =	vmul.f32 v56, v60;
	[tilespmem:s24+$0x770] =	vst v62  }
0xd8: {  	v57 =	vbroadcast v33, $0xD;
	v49 =	vld [tilespmem:s24+$0x7F0];
	v48 =	vmul.f32 v58, v60;
	[tilespmem:s24+$0x780] =	vst v44  }
0xd9: {  	v52 =	vmul.f32 v63, v60;
	[tilespmem:s24+$0x790] =	vst v46  }
0xda: {  	v51 =	vld [tilespmem:s24+$0x800];
	v63 =	vmul.f32 v53, v57;
	[tilespmem:s24+$0x7A0] =	vst v48  }
0xdb: {  	v55 =	vld [tilespmem:s24+$0x820];
	v50 =	vmul.f32 v61, v60;
	[tilespmem:s24+$0x7C0] =	vst v52  }
0xdc: {  	v58 =	vld [tilespmem:s24+$0x830];
	v54 =	vmul.f32 v45, v60;
	[tilespmem:s24+$0x810] =	vst v63  }
0xdd: {  	v56 =	vmul.f32 v47, v60;
	v59 =	vmul.f32 v49, v60;
	v60 =	vld [tilespmem:s24+$0x840];
	[tilespmem:s24+$0x7B0] =	vst v50  }
0xde: {  	v62 =	vld [tilespmem:s24+$0x850];
	[tilespmem:s24+$0x7D0] =	vst v54  }
0xdf: {  	v61 =	vmul.f32 v51, v57;
	v44 =	vld [tilespmem:s24+$0x860];
	[tilespmem:s24+$0x7E0] =	vst v56  }
0xe0: {  	v45 =	vmul.f32 v55, v57;
	v46 =	vld [tilespmem:s24+$0x870];
	[tilespmem:s24+$0x7F0] =	vst v59  }
0xe1: {  	v48 =	vld [tilespmem:s24+$0x880];
	[tilespmem:s24+$0x800] =	vst v61;
	v47 =	vmul.f32 v58, v57  }
0xe2: {  	v52 =	vld [tilespmem:s24+$0x8A0];
	[tilespmem:s24+$0x820] =	vst v45;
	v49 =	vmul.f32 v60, v57  }
0xe3: {  	v55 =	vld [tilespmem:s24+$0x8B0];
	[tilespmem:s24+$0x830] =	vst v47;
	v51 =	vmul.f32 v62, v57  }
0xe4: {  	v63 =	vld [tilespmem:s24+$0x8F0];
	v54 =	vbroadcast v33, $0xE;
	v53 =	vmul.f32 v44, v57;
	[tilespmem:s24+$0x840] =	vst v49  }
0xe5: {  	v50 =	vld [tilespmem:s24+$0x890];
	v56 =	vmul.f32 v46, v57;
	[tilespmem:s24+$0x850] =	vst v51  }
0xe6: {  	v59 =	vld [tilespmem:s24+$0x8D0];
	v58 =	vmul.f32 v48, v54;
	[tilespmem:s24+$0x860] =	vst v53  }
0xe7: {  	v61 =	vld [tilespmem:s24+$0x8E0];
	v62 =	vmul.f32 v52, v54;
	[tilespmem:s24+$0x870] =	vst v56  }
0xe8: {  	v57 =	vld [tilespmem:s24+$0x8C0];
	v44 =	vmul.f32 v55, v54;
	[tilespmem:s24+$0x880] =	vst v58  }
0xe9: {  	v45 =	vld [tilespmem:s24+$0x900];
	v52 =	vmul.f32 v63, v54;
	[tilespmem:s24+$0x8A0] =	vst v62  }
0xea: {  	v47 =	vld [tilespmem:s24+$0x910];
	v60 =	vmul.f32 v50, v54;
	[tilespmem:s24+$0x8B0] =	vst v44  }
0xeb: {  	v55 =	vld [tilespmem:s24+$0x950];
	v48 =	vmul.f32 v59, v54;
	[tilespmem:s24+$0x8F0] =	vst v52  }
0xec: {  	v33 =	vbroadcast v33, $0xF;
	v49 =	vld [tilespmem:s24+$0x920];
	v50 =	vmul.f32 v61, v54;
	[tilespmem:s24+$0x890] =	vst v60  }
0xed: {  	v51 =	vld [tilespmem:s24+$0x930];
	[tilespmem:s24+$0x8D0] =	vst v48;
	v46 =	vmul.f32 v57, v54  }
0xee: {  	v53 =	vld [tilespmem:s24+$0x940];
	[tilespmem:s24+$0x8E0] =	vst v50;
	v54 =	vmul.f32 v45, v33  }
0xef: {  	v56 =	vmul.f32 v47, v33;
	v57 =	vld [tilespmem:s24+$0x960];
	[tilespmem:s24+$0x8C0] =	vst v46  }
0xf0: {  	v59 =	vld [tilespmem:s24+$0x970];
	v62 =	vmul.f32 v55, v33;
	[tilespmem:s24+$0x900] =	vst v54  }
0xf1: {  	v58 =	vmul.f32 v49, v33;
	[tilespmem:s24+$0x910] =	vst v56  }
0xf2: {  	p0 =	sne.s32 s23, $0x7;
	v60 =	vmul.f32 v51, v33;
	[tilespmem:s24+$0x950] =	vst v62  }
.Ltmp1:
0xf3: {  	v61 =	vmul.f32 v53, v33;
	[tilespmem:s24+$0x920] =	vst v58;
	(pc) =	sbr.rel @p0 .LBB2_5-.Ltmp1, $4  }
0xf4: {  	[tilespmem:s24+$0x930] =	vst v60;
	v63 =	vmul.f32 v57, v33  }
0xf5: {  	[tilespmem:s24+$0x940] =	vst v61;
	v33 =	vmul.f32 v59, v33  }
0xf6: {  	[tilespmem:s24+$0x960] =	vst v63  }
0xf7: {  	s23 =	sadd.s32 $0x1, s23;
	[tilespmem:s24+$0x970] =	vst v33  }
0xf8: {  	s22 =	sadd.s32 $0x1, s22  }
0xf9: {  	p0 =	sne.s32 s22, s8  }
.Ltmp2:
0xfa: {  	_ = 	snop;
	(pc) =	sbr.rel @p0 .LBB2_4-.Ltmp2, $4  }
0xfb: {  	[spmem:s5] =	stream.indirect.scatter.add.f32 [tilespmem:s17], [sflag:$0x2], $0x80, s12, s12, $0xb8;
	[tilespmem:$0x1BE00] =	vst v63  }
0xfc: {  	_ =	swait.ge [sflag:s15], $0x4000  }
0xfd: {  	[sflag:s15] =	ssyncset.done $0x0  }
0xfe: {  	[sflag:s15] =	ssyncadd.s32 $0xFFFFC000  }
0xff: {  	s20 =	sadd.s32 $0x1, s20  }
0x100: {  	s21 =	sshll.u32 s4, $0x6;
	p0 =	sne.s32 s20, s11  }
.Ltmp3:
0x101: {  	[bflag:$0x0] =	sbarrier.arrive $0xFFFF;
	s21 =	sor.u32 $0x1C02, s21;
	(pc) =	sbr.rel @p0 .LBB2_1-.Ltmp3, $4  }
0x102: {  	[hbm:s10], [sflag:s21] =	dma.local [spmem:s19], $0x2780  }
0x103: {  	_ =	swait.ge [sflag:s15], $0x2780  }
0x104: {  	[sflag:s15] =	ssyncset.done $0x0  }
0x105: {  	[sflag:s15] =	ssyncadd.s32 $0xFFFFD880  }
0x106: {  	_ =	sfence.sel $0x180000  }
0x107: {  	[bflag:$0x0] =	sbarrier.arrive $0xFFFF  }
0x108: {  	p0 =	sne.s32 s4, $0x0;
	_ =	strace $0x90000047  }
0x109: {  	s0 =	sadd.s32 @!p0 $0x100000, s3;
	[bflag:$0x2] =	sbarrier.arrive $0xFFFF  }
0x10a: {  	[sflag:s0] =	ssyncadd.tile.s32 @!p0 $0x1;
	_ =	shalt  }
.Lfunc_end2:
_tile_overlayer_lowered:
.L_overlay_start_2:
0x10b: {  	(tag) =	ssettag $0x2  }
0x10c: {  	s0 =	rddreg [dreg:$0x0];
	s2 =	stileid.u32  }
0x10d: {  	s1 =	rddreg [dreg:$0x1];
	p0 =	sne.s32 s2, $0x0  }
0x10e: {  	s3 =	rddreg [dreg:$0x2];
	[bflag:$0x3] =	sbarrier.arrive $0xFFFF;
	s2 =	simm.s32 @!p0 $0x1C02  }
0x10f: {  	[timem:s3], [sflag:s2] =	dma.local @!p0 [hbm:s0], s1  }
0x110: {  	s0 =	simm.s32 @!p0 $0x2  }
0x111: {  	_ =	swait.ge @!p0 [sflag:s0], s1  }
0x112: {  	s1 =	ssub.s32 @!p0 $0x0, s1;
	[sflag:s0] =	ssyncset.done @!p0 $0x0  }
0x113: {  	[sflag:s0] =	ssyncadd.s32 @!p0 s1  }
0x114: {  	[bflag:$0x3] =	sbarrier.arrive $0xFFFF  }
0x115: {  	_ =	shalt  }

</sc_bundles>
